<compile_context>
chip_gen: v7x
topology: tpu7x:2x2x1
jax: 0.10.2.dev20260603
libtpu: 0.0.44.dev20260713+nightly
codegen_flags: <defaults>
</compile_context>

<pallas_src>
import functools

import jax
import jax.numpy as jnp
from jax import lax
from jax.experimental import pallas as pl
from jax.experimental.pallas import tpu as pltpu
from jax.experimental.pallas import tpu_sc as plsc

N = 10000
D_IN = 128
D_HID = 16
N_CLASSES = 40
E = 320000

NS = 16
L = 16
NPAD = 10240
RPW = NPAD // NS
CH = 256
EPW = 20480
K = EPW // CH
NSLOT = 8
EPAD = EPW * NS


def _mm1_body(x_ref, w_ref, o_ref):
    o_ref[...] = jnp.dot(x_ref[...], w_ref[...],
                         preferred_element_type=jnp.float32)


def _head_body(z_ref, w_ref, b_ref, o_ref):
    o = jnp.dot(z_ref[...], w_ref[...],
                preferred_element_type=jnp.float32) + b_ref[...]
    m = jnp.max(o, axis=1, keepdims=True)
    s = jnp.sum(jnp.exp(o - m), axis=1, keepdims=True)
    o_ref[...] = o - m - jnp.log(s)


def _rsqrt16(d):
    i = lax.bitcast_convert_type(d, jnp.int32)
    i = jnp.int32(0x5F3759DF) - lax.shift_right_logical(i, 1)
    y = lax.bitcast_convert_type(i, jnp.float32)
    for _ in range(4):
        y = y * (1.5 - 0.5 * d * y * y)
    return y


def _sc_body(h0, srcp, dstp, b1, z_out,
             deg_s, acc1_s, acc2_s, hs1_s, hs2_s,
             sidx, didx, rows, rbuf, dinv_t, degb, ones_t, b1_t,
             gsem, ssem, dsem, hsem):
    wid = lax.axis_index("s")
    rbase = wid * RPW
    rsl = pl.ds(rbase, RPW)

    pltpu.sync_copy(srcp.at[wid], sidx)
    pltpu.sync_copy(dstp.at[wid], didx)
    pltpu.sync_copy(b1, b1_t)
    pltpu.async_copy(h0.at[rsl], rbuf, hsem)

    def _fill_ones(j, _):
        ones_t[pl.ds(j * L, L)] = jnp.full((L,), 1.0, jnp.float32)
        return 0
    lax.fori_loop(0, CH // L, _fill_ones, 0)

    def _fill_deg(j, _):
        degb[pl.ds(j * L, L)] = jnp.full((L,), 1.0, jnp.float32)
        return 0
    lax.fori_loop(0, RPW // L, _fill_deg, 0)
    pltpu.sync_copy(degb, deg_s.at[rsl])
    plsc.subcore_barrier()

    def _deg_wait():
        pltpu.make_async_copy(ones_t, deg_s.at[didx.at[0]], dsem).wait()

    def _deg_step(k, _):
        pltpu.async_copy(ones_t, deg_s.at[didx.at[k]], dsem, add=True)

        @pl.when(k >= 8)
        def _():
            _deg_wait()
        return 0
    lax.fori_loop(0, K, _deg_step, 0)
    for _ in range(8):
        _deg_wait()
    plsc.subcore_barrier()

    pltpu.sync_copy(deg_s.at[rsl], degb)

    def _rsq_step(j, _):
        sl = pl.ds(j * L, L)
        dinv_t[sl] = _rsqrt16(degb[sl])
        return 0
    lax.fori_loop(0, RPW // L, _rsq_step, 0)

    def _rowloop(fn):
        def _body(j, _):
            dv = dinv_t[pl.ds(j * L, L)]
            for t in range(L):
                fn(j * L + t, dv[t])
            return 0
        lax.fori_loop(0, RPW // L, _body, 0)

    pltpu.make_async_copy(h0.at[rsl], rbuf, hsem).wait()

    def _scale1(r, s):
        rbuf[r, :] = rbuf[r, :] * s
    _rowloop(_scale1)
    pltpu.sync_copy(rbuf, hs1_s.at[rsl])
    pltpu.sync_copy(rbuf, acc1_s.at[rsl])
    plsc.subcore_barrier()

    def _aggregate(table_s, acc):
        def _start_g(k, b):
            pltpu.async_copy(table_s.at[sidx.at[k]], rows.at[b], gsem.at[b])

        def _wait_g(b):
            pltpu.make_async_copy(table_s.at[sidx.at[0]], rows.at[b],
                                  gsem.at[b]).wait()

        def _start_s(k, b):
            pltpu.async_copy(rows.at[b], acc.at[didx.at[k]], ssem.at[b],
                             add=True)

        def _wait_s(b):
            pltpu.make_async_copy(rows.at[b], acc.at[didx.at[0]],
                                  ssem.at[b]).wait()

        half = NSLOT // 2
        for b in range(half):
            _start_g(b, b)

        def _grp(g, _):
            for t in range(NSLOT):
                k = g * NSLOT + t
                _wait_g(t)
                _start_s(k, t)
                bn = (t + half) % NSLOT

                @pl.when(k + half < K)
                def _():
                    @pl.when(k >= half)
                    def _():
                        _wait_s(bn)
                    _start_g(k + half, bn)
            return 0
        lax.fori_loop(0, K // NSLOT, _grp, 0)
        for b in range(NSLOT):
            _wait_s(b)

    _aggregate(hs1_s, acc1_s)
    plsc.subcore_barrier()

    pltpu.sync_copy(acc1_s.at[rsl], rbuf)
    b1v = b1_t[...]

    def _mid(r, s):
        v = jnp.maximum(rbuf[r, :] * s + b1v, 0.0)
        rbuf[r, :] = v * s
    _rowloop(_mid)
    pltpu.sync_copy(rbuf, hs2_s.at[rsl])
    pltpu.sync_copy(rbuf, acc2_s.at[rsl])
    plsc.subcore_barrier()

    _aggregate(hs2_s, acc2_s)
    plsc.subcore_barrier()

    pltpu.sync_copy(acc2_s.at[rsl], rbuf)

    def _scale2(r, s):
        rbuf[r, :] = rbuf[r, :] * s
    _rowloop(_scale2)
    pltpu.sync_copy(rbuf, z_out.at[rsl])


_sc_agg = pl.kernel(
    _sc_body,
    out_type=jax.ShapeDtypeStruct((NPAD, D_HID), jnp.float32),
    mesh=plsc.VectorSubcoreMesh(core_axis_name="c", subcore_axis_name="s",
                                num_cores=1),
    compiler_params=pltpu.CompilerParams(use_tc_tiling_on_sc=False),
    scratch_types=(
        pltpu.VMEM_SHARED((NPAD,), jnp.float32),
        pltpu.VMEM_SHARED((NPAD, D_HID), jnp.float32),
        pltpu.VMEM_SHARED((NPAD, D_HID), jnp.float32),
        pltpu.VMEM_SHARED((NPAD, D_HID), jnp.float32),
        pltpu.VMEM_SHARED((NPAD, D_HID), jnp.float32),
        pltpu.VMEM((K, CH), jnp.int32),
        pltpu.VMEM((K, CH), jnp.int32),
        pltpu.VMEM((NSLOT, CH, D_HID), jnp.float32),
        pltpu.VMEM((RPW, D_HID), jnp.float32),
        pltpu.VMEM((RPW,), jnp.float32),
        pltpu.VMEM((RPW,), jnp.float32),
        pltpu.VMEM((CH,), jnp.float32),
        pltpu.VMEM((D_HID,), jnp.float32),
        pltpu.SemaphoreType.DMA((NSLOT,)),
        pltpu.SemaphoreType.DMA((NSLOT,)),
        pltpu.SemaphoreType.DMA,
        pltpu.SemaphoreType.DMA,
    ),
)



def kernel(x, edge_index, W1, b1, W2, b2):
    ei = edge_index.astype(jnp.int32)
    pad = jnp.full((EPAD - E,), N, jnp.int32)
    srcp = jnp.concatenate([ei[0], pad]).reshape(NS, K, CH)
    dstp = jnp.concatenate([ei[1], pad]).reshape(NS, K, CH)

    h0 = pl.pallas_call(
        _mm1_body,
        grid=(5,),
        in_specs=[
            pl.BlockSpec((2000, D_IN), lambda i: (i, 0)),
            pl.BlockSpec((D_IN, D_HID), lambda i: (0, 0)),
        ],
        out_specs=pl.BlockSpec((2000, D_HID), lambda i: (i, 0)),
        out_shape=jax.ShapeDtypeStruct((NPAD, D_HID), jnp.float32),
    )(x, W1)

    z = _sc_agg(h0, srcp, dstp, b1)

    out = pl.pallas_call(
        _head_body,
        grid=(5,),
        in_specs=[
            pl.BlockSpec((2000, D_HID), lambda i: (i, 0)),
            pl.BlockSpec((D_HID, N_CLASSES), lambda i: (0, 0)),
            pl.BlockSpec((1, N_CLASSES), lambda i: (0, 0)),
        ],
        out_specs=pl.BlockSpec((2000, N_CLASSES), lambda i: (i, 0)),
        out_shape=jax.ShapeDtypeStruct((N, N_CLASSES), jnp.float32),
    )(z, W2, b2.reshape(1, N_CLASSES))
    return out

# --- scband reference (transcript-rebuilt; emitter-appended) ---
"""Pipeline reference for scband-net-1683627180173 (READ-ONLY COPY).

The authoritative reference and input builder live on the scoring server;
editing this copy changes nothing except your own understanding.
"""

import jax, jax.numpy as jnp
import numpy as np

N_NODES = 10000
N_EDGES = 320000
D_IN = 128
D_HID = 16
N_CLASSES = 40


def gcn_conv(x, edge_index, W, b):
    num_nodes = x.shape[0]
    src = edge_index[0]
    dst = edge_index[1]
    # add self-loops (PyG GCNConv default add_self_loops=True)
    loop = jnp.arange(num_nodes, dtype=edge_index.dtype)
    src = jnp.concatenate([src, loop])
    dst = jnp.concatenate([dst, loop])
    # symmetric normalization D^{-1/2} (A+I) D^{-1/2}
    deg = jnp.zeros((num_nodes,), dtype=x.dtype).at[dst].add(1.0)
    deg_inv_sqrt = jnp.where(deg > 0, jax.lax.rsqrt(jnp.maximum(deg, 1e-12)), 0.0)
    norm = deg_inv_sqrt[src] * deg_inv_sqrt[dst]
    h = x @ W
    msg = h[src] * norm[:, None]
    out = jnp.zeros((num_nodes, h.shape[1]), dtype=h.dtype).at[dst].add(msg)
    return out + b


def setup_inputs(seed: int = 0) -> dict:
    key = jax.random.key(seed)
    k1, k2, k3, k4, k5 = jax.random.split(key, 5)
    x = jax.random.normal(k1, (N_NODES, D_IN), dtype=jnp.float32)
    edge_index = jax.random.randint(k2, (2, N_EDGES), 0, N_NODES, dtype=jnp.int64)
    # GCNConv weights (glorot-like init)
    W1 = jax.random.normal(k3, (D_IN, D_HID), dtype=jnp.float32) * (1.0 / np.sqrt(D_IN))
    b1 = jnp.zeros((D_HID,), dtype=jnp.float32)
    W2 = jax.random.normal(k4, (D_HID, N_CLASSES), dtype=jnp.float32) * (1.0 / np.sqrt(D_HID))
    b2 = jnp.zeros((N_CLASSES,), dtype=jnp.float32)
    return {"x": x, "edge_index": edge_index, "W1": W1, "b1": b1, "W2": W2, "b2": b2}


def reference(x, edge_index, W1, b1, W2, b2):
    h = gcn_conv(x, edge_index, W1, b1)
    h = jax.nn.relu(h)
    # dropout is identity in eval mode (deterministic reference)
    h = gcn_conv(h, edge_index, W2, b2)
    return jax.nn.log_softmax(h, axis=1)

if __name__ == "__main__":
    import jax
    _d = setup_inputs()
    print(jax.jit(kernel)(*tuple(_d.values())))

</pallas_src>

<mosaic_0001>
#map = affine_map<(d0, d1) -> (0, 0)>
#map1 = affine_map<(d0, d1) -> (0, 0, 0)>
#map2 = affine_map<(d0, d1) -> (0)>
module attributes {stable_mosaic.version = 14 : i64} {
  func.func @_sc_body(%arg0: i32, %arg1: i32, %arg2: memref<10240x16xf32, #tpu.memory_space<hbm>>, %arg3: memref<16x80x256xi32, #tpu.memory_space<hbm>>, %arg4: memref<16x80x256xi32, #tpu.memory_space<hbm>>, %arg5: memref<16xf32, #tpu.memory_space<hbm>>, %arg6: memref<10240x16xf32, #tpu.memory_space<hbm>>, %arg7: memref<10240xf32, #tpu.memory_space<vmem_shared>>, %arg8: memref<10240x16xf32, #tpu.memory_space<vmem_shared>>, %arg9: memref<10240x16xf32, #tpu.memory_space<vmem_shared>>, %arg10: memref<10240x16xf32, #tpu.memory_space<vmem_shared>>, %arg11: memref<10240x16xf32, #tpu.memory_space<vmem_shared>>, %arg12: memref<80x256xi32, #tpu.memory_space<vmem>>, %arg13: memref<80x256xi32, #tpu.memory_space<vmem>>, %arg14: memref<8x256x16xf32, #tpu.memory_space<vmem>>, %arg15: memref<640x16xf32, #tpu.memory_space<vmem>>, %arg16: memref<640xf32, #tpu.memory_space<vmem>>, %arg17: memref<640xf32, #tpu.memory_space<vmem>>, %arg18: memref<256xf32, #tpu.memory_space<vmem>>, %arg19: memref<16xf32, #tpu.memory_space<vmem>>, %arg20: memref<8x!tpu.dma_semaphore, #tpu.memory_space<semaphore_mem>>, %arg21: memref<8x!tpu.dma_semaphore, #tpu.memory_space<semaphore_mem>>, %arg22: memref<!tpu.dma_semaphore, #tpu.memory_space<semaphore_mem>>, %arg23: memref<!tpu.dma_semaphore, #tpu.memory_space<semaphore_mem>>) attributes {dimension_semantics = [#tpu.dimension_semantics<core_parallel>, #tpu.dimension_semantics<subcore_parallel>], iteration_bounds = array<i64: 1, 16>, scalar_prefetch = 0 : i64, scratch_operands = 17 : i64, tpu.core_type = #tpu.core_type<sc_vector_subcore>, window_params = [{transform_indices = #map}, {transform_indices = #map1}, {transform_indices = #map1}, {transform_indices = #map2}, {transform_indices = #map}]} {
    %mul3A = arith.constant 640 : i32
    %mul3A_0 = arith.muli %arg1, %mul3A : i32
    "tpu.region"() ({
      %run_scoped3A = tpu.sem_alloc : memref<!tpu.dma_semaphore, #tpu.memory_space<semaphore_mem>>
      %dma_start3A_484 = arith.constant 0 : i32
      %dma_start3A_485 = arith.constant 0 : i32
      %dma_start3A_486 = tpu.memref_slice %arg3[%arg1, %dma_start3A_484, %dma_start3A_485] : memref<16x80x256xi32, #tpu.memory_space<hbm>> -> memref<1x80x256xi32, #tpu.memory_space<hbm>>
      %dma_start3A_487 = tpu.memref_squeeze %dma_start3A_486 : memref<1x80x256xi32, #tpu.memory_space<hbm>> -> memref<80x256xi32, #tpu.memory_space<hbm>>
      %dma_start3A_488 = arith.constant 0 : i32
      %dma_start3A_489 = arith.constant 0 : i32
      %dma_start3A_490 = tpu.memref_slice %arg3[%arg1, %dma_start3A_488, %dma_start3A_489] : memref<16x80x256xi32, #tpu.memory_space<hbm>> -> memref<1x80x256xi32, #tpu.memory_space<hbm>>
      %dma_start3A_491 = tpu.memref_squeeze %dma_start3A_490 : memref<1x80x256xi32, #tpu.memory_space<hbm>> -> memref<80x256xi32, #tpu.memory_space<hbm>>
      tpu.enqueue_dma source(%dma_start3A_491 : memref<80x256xi32, #tpu.memory_space<hbm>>) target(%arg12 : memref<80x256xi32, #tpu.memory_space<vmem>>) target_semaphore(%run_scoped3A : memref<!tpu.dma_semaphore, #tpu.memory_space<semaphore_mem>>)
      %dma_wait3A_492 = arith.constant 0 : i32
      %dma_wait3A_493 = arith.constant 0 : i32
      %dma_wait3A_494 = tpu.memref_slice %arg3[%arg1, %dma_wait3A_492, %dma_wait3A_493] : memref<16x80x256xi32, #tpu.memory_space<hbm>> -> memref<1x80x256xi32, #tpu.memory_space<hbm>>
      %dma_wait3A_495 = tpu.memref_squeeze %dma_wait3A_494 : memref<1x80x256xi32, #tpu.memory_space<hbm>> -> memref<80x256xi32, #tpu.memory_space<hbm>>
      %dma_wait3A_496 = arith.constant 0 : i32
      %dma_wait3A_497 = arith.constant 0 : i32
      %dma_wait3A_498 = tpu.memref_slice %arg3[%arg1, %dma_wait3A_496, %dma_wait3A_497] : memref<16x80x256xi32, #tpu.memory_space<hbm>> -> memref<1x80x256xi32, #tpu.memory_space<hbm>>
      %dma_wait3A_499 = tpu.memref_squeeze %dma_wait3A_498 : memref<1x80x256xi32, #tpu.memory_space<hbm>> -> memref<80x256xi32, #tpu.memory_space<hbm>>
      tpu.wait_dma2 semaphore(%run_scoped3A : memref<!tpu.dma_semaphore, #tpu.memory_space<semaphore_mem>>) src(%dma_wait3A_499 : memref<80x256xi32, #tpu.memory_space<hbm>>) dst(%arg12 : memref<80x256xi32, #tpu.memory_space<vmem>>)
      tpu.yield
    }) : () -> ()
    "tpu.region"() ({
      %run_scoped3A = tpu.sem_alloc : memref<!tpu.dma_semaphore, #tpu.memory_space<semaphore_mem>>
      %dma_start3A_484 = arith.constant 0 : i32
      %dma_start3A_485 = arith.constant 0 : i32
      %dma_start3A_486 = tpu.memref_slice %arg4[%arg1, %dma_start3A_484, %dma_start3A_485] : memref<16x80x256xi32, #tpu.memory_space<hbm>> -> memref<1x80x256xi32, #tpu.memory_space<hbm>>
      %dma_start3A_487 = tpu.memref_squeeze %dma_start3A_486 : memref<1x80x256xi32, #tpu.memory_space<hbm>> -> memref<80x256xi32, #tpu.memory_space<hbm>>
      %dma_start3A_488 = arith.constant 0 : i32
      %dma_start3A_489 = arith.constant 0 : i32
      %dma_start3A_490 = tpu.memref_slice %arg4[%arg1, %dma_start3A_488, %dma_start3A_489] : memref<16x80x256xi32, #tpu.memory_space<hbm>> -> memref<1x80x256xi32, #tpu.memory_space<hbm>>
      %dma_start3A_491 = tpu.memref_squeeze %dma_start3A_490 : memref<1x80x256xi32, #tpu.memory_space<hbm>> -> memref<80x256xi32, #tpu.memory_space<hbm>>
      tpu.enqueue_dma source(%dma_start3A_491 : memref<80x256xi32, #tpu.memory_space<hbm>>) target(%arg13 : memref<80x256xi32, #tpu.memory_space<vmem>>) target_semaphore(%run_scoped3A : memref<!tpu.dma_semaphore, #tpu.memory_space<semaphore_mem>>)
      %dma_wait3A_492 = arith.constant 0 : i32
      %dma_wait3A_493 = arith.constant 0 : i32
      %dma_wait3A_494 = tpu.memref_slice %arg4[%arg1, %dma_wait3A_492, %dma_wait3A_493] : memref<16x80x256xi32, #tpu.memory_space<hbm>> -> memref<1x80x256xi32, #tpu.memory_space<hbm>>
      %dma_wait3A_495 = tpu.memref_squeeze %dma_wait3A_494 : memref<1x80x256xi32, #tpu.memory_space<hbm>> -> memref<80x256xi32, #tpu.memory_space<hbm>>
      %dma_wait3A_496 = arith.constant 0 : i32
      %dma_wait3A_497 = arith.constant 0 : i32
      %dma_wait3A_498 = tpu.memref_slice %arg4[%arg1, %dma_wait3A_496, %dma_wait3A_497] : memref<16x80x256xi32, #tpu.memory_space<hbm>> -> memref<1x80x256xi32, #tpu.memory_space<hbm>>
      %dma_wait3A_499 = tpu.memref_squeeze %dma_wait3A_498 : memref<1x80x256xi32, #tpu.memory_space<hbm>> -> memref<80x256xi32, #tpu.memory_space<hbm>>
      tpu.wait_dma2 semaphore(%run_scoped3A : memref<!tpu.dma_semaphore, #tpu.memory_space<semaphore_mem>>) src(%dma_wait3A_499 : memref<80x256xi32, #tpu.memory_space<hbm>>) dst(%arg13 : memref<80x256xi32, #tpu.memory_space<vmem>>)
      tpu.yield
    }) : () -> ()
    "tpu.region"() ({
      %run_scoped3A = tpu.sem_alloc : memref<!tpu.dma_semaphore, #tpu.memory_space<semaphore_mem>>
      tpu.enqueue_dma source(%arg5 : memref<16xf32, #tpu.memory_space<hbm>>) target(%arg19 : memref<16xf32, #tpu.memory_space<vmem>>) target_semaphore(%run_scoped3A : memref<!tpu.dma_semaphore, #tpu.memory_space<semaphore_mem>>)
      tpu.wait_dma2 semaphore(%run_scoped3A : memref<!tpu.dma_semaphore, #tpu.memory_space<semaphore_mem>>) src(%arg5 : memref<16xf32, #tpu.memory_space<hbm>>) dst(%arg19 : memref<16xf32, #tpu.memory_space<vmem>>)
      tpu.yield
    }) : () -> ()
    %dma_start3A = arith.constant 0 : i32
    %dma_start3A_1 = tpu.memref_slice %arg2[%mul3A_0, %dma_start3A] : memref<10240x16xf32, #tpu.memory_space<hbm>> -> memref<640x16xf32, #tpu.memory_space<hbm>>
    %dma_start3A_2 = arith.constant 0 : i32
    %dma_start3A_3 = tpu.memref_slice %arg2[%mul3A_0, %dma_start3A_2] : memref<10240x16xf32, #tpu.memory_space<hbm>> -> memref<640x16xf32, #tpu.memory_space<hbm>>
    tpu.enqueue_dma source(%dma_start3A_3 : memref<640x16xf32, #tpu.memory_space<hbm>>) target(%arg15 : memref<640x16xf32, #tpu.memory_space<vmem>>) target_semaphore(%arg23 : memref<!tpu.dma_semaphore, #tpu.memory_space<semaphore_mem>>)
    %scan3A = arith.constant 0 : i32
    %scan3A_4 = arith.constant 0 : i32
    %scan3A_5 = arith.constant 16 : i32
    %scan3A_6 = arith.addi %scan3A_4, %scan3A_5 : i32
    %scan3A_7 = arith.constant 1 : i32
    %scan3A_8 = scf.for %scan3A_484 = %scan3A_4 to %scan3A_6 step %scan3A_7 iter_args(%scan3A_485 = %scan3A) -> (i32)  : i32 {
      %broadcast_in_dim3A = arith.constant 1.000000e+00 : f32
      %broadcast_in_dim3A_486 = vector.broadcast %broadcast_in_dim3A : f32 to vector<16xf32>
      %mul3A_487 = arith.constant 16 : i32
      %mul3A_488 = arith.muli %scan3A_484, %mul3A_487 : i32
      %swap3A = arith.index_cast %mul3A_488 : i32 to index
      %swap3A_489 = tpu.vector_load %arg18[%swap3A] {strides = array<i32>} : memref<256xf32, #tpu.memory_space<vmem>>, vector<16xf32>,
      %swap3A_490 = vector.shape_cast %swap3A_489 : vector<16xf32> to vector<16xf32>
      %swap3A_491 = vector.shape_cast %broadcast_in_dim3A_486 : vector<16xf32> to vector<16xf32>
      tpu.vector_store %arg18[%swap3A], %swap3A_491 {strides = array<i32>} : memref<256xf32, #tpu.memory_space<vmem>>, vector<16xf32>,
      %scan3A_492 = arith.constant 0 : i32
      scf.yield %scan3A_492 : i32
    }
    %scan3A_9 = arith.constant 16 : i32
    %scan3A_10 = arith.constant 0 : i32
    %scan3A_11 = arith.constant 0 : i32
    %scan3A_12 = arith.constant 40 : i32
    %scan3A_13 = arith.addi %scan3A_11, %scan3A_12 : i32
    %scan3A_14 = arith.constant 1 : i32
    %scan3A_15 = scf.for %scan3A_484 = %scan3A_11 to %scan3A_13 step %scan3A_14 iter_args(%scan3A_485 = %scan3A_10) -> (i32)  : i32 {
      %broadcast_in_dim3A = arith.constant 1.000000e+00 : f32
      %broadcast_in_dim3A_486 = vector.broadcast %broadcast_in_dim3A : f32 to vector<16xf32>
      %mul3A_487 = arith.constant 16 : i32
      %mul3A_488 = arith.muli %scan3A_484, %mul3A_487 : i32
      %swap3A = arith.index_cast %mul3A_488 : i32 to index
      %swap3A_489 = tpu.vector_load %arg17[%swap3A] {strides = array<i32>} : memref<640xf32, #tpu.memory_space<vmem>>, vector<16xf32>,
      %swap3A_490 = vector.shape_cast %swap3A_489 : vector<16xf32> to vector<16xf32>
      %swap3A_491 = vector.shape_cast %broadcast_in_dim3A_486 : vector<16xf32> to vector<16xf32>
      tpu.vector_store %arg17[%swap3A], %swap3A_491 {strides = array<i32>} : memref<640xf32, #tpu.memory_space<vmem>>, vector<16xf32>,
      %scan3A_492 = arith.constant 0 : i32
      scf.yield %scan3A_492 : i32
    }
    %scan3A_16 = arith.constant 40 : i32
    "tpu.region"() ({
      %run_scoped3A = tpu.sem_alloc : memref<!tpu.dma_semaphore, #tpu.memory_space<semaphore_mem>>
      %dma_start3A_484 = tpu.memref_slice %arg7[%mul3A_0] : memref<10240xf32, #tpu.memory_space<vmem_shared>> -> memref<640xf32, #tpu.memory_space<vmem_shared>>
      %dma_start3A_485 = tpu.memref_slice %arg7[%mul3A_0] : memref<10240xf32, #tpu.memory_space<vmem_shared>> -> memref<640xf32, #tpu.memory_space<vmem_shared>>
      tpu.enqueue_dma source(%arg17 : memref<640xf32, #tpu.memory_space<vmem>>) target(%dma_start3A_485 : memref<640xf32, #tpu.memory_space<vmem_shared>>) target_semaphore(%run_scoped3A : memref<!tpu.dma_semaphore, #tpu.memory_space<semaphore_mem>>)
      %dma_wait3A_486 = tpu.memref_slice %arg7[%mul3A_0] : memref<10240xf32, #tpu.memory_space<vmem_shared>> -> memref<640xf32, #tpu.memory_space<vmem_shared>>
      %dma_wait3A_487 = tpu.memref_slice %arg7[%mul3A_0] : memref<10240xf32, #tpu.memory_space<vmem_shared>> -> memref<640xf32, #tpu.memory_space<vmem_shared>>
      tpu.wait_dma2 semaphore(%run_scoped3A : memref<!tpu.dma_semaphore, #tpu.memory_space<semaphore_mem>>) src(%arg17 : memref<640xf32, #tpu.memory_space<vmem>>) dst(%dma_wait3A_487 : memref<640xf32, #tpu.memory_space<vmem_shared>>)
      tpu.yield
    }) : () -> ()
    %barrier3A = arith.constant 0 : index
    tpu.barrier barrier_id(%barrier3A)
    %scan3A_17 = arith.constant 0 : i32
    %scan3A_18 = arith.constant 0 : i32
    %scan3A_19 = arith.constant 80 : i32
    %scan3A_20 = arith.addi %scan3A_18, %scan3A_19 : i32
    %scan3A_21 = arith.constant 1 : i32
    %scan3A_22 = scf.for %scan3A_484 = %scan3A_18 to %scan3A_20 step %scan3A_21 iter_args(%scan3A_485 = %scan3A_17) -> (i32)  : i32 {
      %dma_start3A_486 = arith.constant 0 : i32
      %dma_start3A_487 = tpu.memref_slice %arg13[%scan3A_484, %dma_start3A_486] : memref<80x256xi32, #tpu.memory_space<vmem>> -> memref<1x256xi32, #tpu.memory_space<vmem>>
      %dma_start3A_488 = tpu.memref_squeeze %dma_start3A_487 : memref<1x256xi32, #tpu.memory_space<vmem>> -> memref<256xi32, #tpu.memory_space<vmem>>
      %dma_start3A_489 = arith.constant 0 : i32
      %dma_start3A_490 = tpu.memref_slice %arg7[%dma_start3A_489] : memref<10240xf32, #tpu.memory_space<vmem_shared>> -> memref<10240xf32, #tpu.memory_space<vmem_shared>>
      tpu.enqueue_indirect_dma source(%arg18 : memref<256xf32, #tpu.memory_space<vmem>>) target(%dma_start3A_490 : memref<10240xf32, #tpu.memory_space<vmem_shared>>) offsets(%dma_start3A_488 : memref<256xi32, #tpu.memory_space<vmem>>) semaphore(%arg22 : memref<!tpu.dma_semaphore, #tpu.memory_space<semaphore_mem>>) {add = true}
      %ge3A = arith.constant 8 : i32
      %ge3A_491 = arith.cmpi sge, %scan3A_484, %ge3A : i32
      %convert_element_type3A = arith.extui %ge3A_491 : i1 to i32
      %cond3A = arith.constant 0 : i32
      %cond3A_492 = arith.cmpi ne, %convert_element_type3A, %cond3A : i32
      scf.if %cond3A_492 {
        %dma_wait3A_494 = arith.constant 0 : i32
        %dma_wait3A_495 = arith.constant 0 : i32
        %dma_wait3A_496 = tpu.memref_slice %arg13[%dma_wait3A_494, %dma_wait3A_495] : memref<80x256xi32, #tpu.memory_space<vmem>> -> memref<1x256xi32, #tpu.memory_space<vmem>>
        %dma_wait3A_497 = tpu.memref_squeeze %dma_wait3A_496 : memref<1x256xi32, #tpu.memory_space<vmem>> -> memref<256xi32, #tpu.memory_space<vmem>>
        %dma_wait3A_498 = arith.constant 0 : i32
        %dma_wait3A_499 = tpu.memref_slice %arg7[%dma_wait3A_498] : memref<10240xf32, #tpu.memory_space<vmem_shared>> -> memref<10240xf32, #tpu.memory_space<vmem_shared>>
        tpu.wait_indirect_dma semaphore(%arg22 : memref<!tpu.dma_semaphore, #tpu.memory_space<semaphore_mem>>) src(%arg18 : memref<256xf32, #tpu.memory_space<vmem>>) dst(%dma_wait3A_499 : memref<10240xf32, #tpu.memory_space<vmem_shared>>)
      } else {
      }
      %scan3A_493 = arith.constant 0 : i32
      scf.yield %scan3A_493 : i32
    }
    %scan3A_23 = arith.constant 80 : i32
    %dma_wait3A = arith.constant 0 : i32
    %dma_wait3A_24 = arith.constant 0 : i32
    %dma_wait3A_25 = tpu.memref_slice %arg13[%dma_wait3A, %dma_wait3A_24] : memref<80x256xi32, #tpu.memory_space<vmem>> -> memref<1x256xi32, #tpu.memory_space<vmem>>
    %dma_wait3A_26 = tpu.memref_squeeze %dma_wait3A_25 : memref<1x256xi32, #tpu.memory_space<vmem>> -> memref<256xi32, #tpu.memory_space<vmem>>
    %dma_wait3A_27 = arith.constant 0 : i32
    %dma_wait3A_28 = tpu.memref_slice %arg7[%dma_wait3A_27] : memref<10240xf32, #tpu.memory_space<vmem_shared>> -> memref<10240xf32, #tpu.memory_space<vmem_shared>>
    tpu.wait_indirect_dma semaphore(%arg22 : memref<!tpu.dma_semaphore, #tpu.memory_space<semaphore_mem>>) src(%arg18 : memref<256xf32, #tpu.memory_space<vmem>>) dst(%dma_wait3A_28 : memref<10240xf32, #tpu.memory_space<vmem_shared>>)
    %dma_wait3A_29 = arith.constant 0 : i32
    %dma_wait3A_30 = arith.constant 0 : i32
    %dma_wait3A_31 = tpu.memref_slice %arg13[%dma_wait3A_29, %dma_wait3A_30] : memref<80x256xi32, #tpu.memory_space<vmem>> -> memref<1x256xi32, #tpu.memory_space<vmem>>
    %dma_wait3A_32 = tpu.memref_squeeze %dma_wait3A_31 : memref<1x256xi32, #tpu.memory_space<vmem>> -> memref<256xi32, #tpu.memory_space<vmem>>
    %dma_wait3A_33 = arith.constant 0 : i32
    %dma_wait3A_34 = tpu.memref_slice %arg7[%dma_wait3A_33] : memref<10240xf32, #tpu.memory_space<vmem_shared>> -> memref<10240xf32, #tpu.memory_space<vmem_shared>>
    tpu.wait_indirect_dma semaphore(%arg22 : memref<!tpu.dma_semaphore, #tpu.memory_space<semaphore_mem>>) src(%arg18 : memref<256xf32, #tpu.memory_space<vmem>>) dst(%dma_wait3A_34 : memref<10240xf32, #tpu.memory_space<vmem_shared>>)
    %dma_wait3A_35 = arith.constant 0 : i32
    %dma_wait3A_36 = arith.constant 0 : i32
    %dma_wait3A_37 = tpu.memref_slice %arg13[%dma_wait3A_35, %dma_wait3A_36] : memref<80x256xi32, #tpu.memory_space<vmem>> -> memref<1x256xi32, #tpu.memory_space<vmem>>
    %dma_wait3A_38 = tpu.memref_squeeze %dma_wait3A_37 : memref<1x256xi32, #tpu.memory_space<vmem>> -> memref<256xi32, #tpu.memory_space<vmem>>
    %dma_wait3A_39 = arith.constant 0 : i32
    %dma_wait3A_40 = tpu.memref_slice %arg7[%dma_wait3A_39] : memref<10240xf32, #tpu.memory_space<vmem_shared>> -> memref<10240xf32, #tpu.memory_space<vmem_shared>>
    tpu.wait_indirect_dma semaphore(%arg22 : memref<!tpu.dma_semaphore, #tpu.memory_space<semaphore_mem>>) src(%arg18 : memref<256xf32, #tpu.memory_space<vmem>>) dst(%dma_wait3A_40 : memref<10240xf32, #tpu.memory_space<vmem_shared>>)
    %dma_wait3A_41 = arith.constant 0 : i32
    %dma_wait3A_42 = arith.constant 0 : i32
    %dma_wait3A_43 = tpu.memref_slice %arg13[%dma_wait3A_41, %dma_wait3A_42] : memref<80x256xi32, #tpu.memory_space<vmem>> -> memref<1x256xi32, #tpu.memory_space<vmem>>
    %dma_wait3A_44 = tpu.memref_squeeze %dma_wait3A_43 : memref<1x256xi32, #tpu.memory_space<vmem>> -> memref<256xi32, #tpu.memory_space<vmem>>
    %dma_wait3A_45 = arith.constant 0 : i32
    %dma_wait3A_46 = tpu.memref_slice %arg7[%dma_wait3A_45] : memref<10240xf32, #tpu.memory_space<vmem_shared>> -> memref<10240xf32, #tpu.memory_space<vmem_shared>>
    tpu.wait_indirect_dma semaphore(%arg22 : memref<!tpu.dma_semaphore, #tpu.memory_space<semaphore_mem>>) src(%arg18 : memref<256xf32, #tpu.memory_space<vmem>>) dst(%dma_wait3A_46 : memref<10240xf32, #tpu.memory_space<vmem_shared>>)
    %dma_wait3A_47 = arith.constant 0 : i32
    %dma_wait3A_48 = arith.constant 0 : i32
    %dma_wait3A_49 = tpu.memref_slice %arg13[%dma_wait3A_47, %dma_wait3A_48] : memref<80x256xi32, #tpu.memory_space<vmem>> -> memref<1x256xi32, #tpu.memory_space<vmem>>
    %dma_wait3A_50 = tpu.memref_squeeze %dma_wait3A_49 : memref<1x256xi32, #tpu.memory_space<vmem>> -> memref<256xi32, #tpu.memory_space<vmem>>
    %dma_wait3A_51 = arith.constant 0 : i32
    %dma_wait3A_52 = tpu.memref_slice %arg7[%dma_wait3A_51] : memref<10240xf32, #tpu.memory_space<vmem_shared>> -> memref<10240xf32, #tpu.memory_space<vmem_shared>>
    tpu.wait_indirect_dma semaphore(%arg22 : memref<!tpu.dma_semaphore, #tpu.memory_space<semaphore_mem>>) src(%arg18 : memref<256xf32, #tpu.memory_space<vmem>>) dst(%dma_wait3A_52 : memref<10240xf32, #tpu.memory_space<vmem_shared>>)
    %dma_wait3A_53 = arith.constant 0 : i32
    %dma_wait3A_54 = arith.constant 0 : i32
    %dma_wait3A_55 = tpu.memref_slice %arg13[%dma_wait3A_53, %dma_wait3A_54] : memref<80x256xi32, #tpu.memory_space<vmem>> -> memref<1x256xi32, #tpu.memory_space<vmem>>
    %dma_wait3A_56 = tpu.memref_squeeze %dma_wait3A_55 : memref<1x256xi32, #tpu.memory_space<vmem>> -> memref<256xi32, #tpu.memory_space<vmem>>
    %dma_wait3A_57 = arith.constant 0 : i32
    %dma_wait3A_58 = tpu.memref_slice %arg7[%dma_wait3A_57] : memref<10240xf32, #tpu.memory_space<vmem_shared>> -> memref<10240xf32, #tpu.memory_space<vmem_shared>>
    tpu.wait_indirect_dma semaphore(%arg22 : memref<!tpu.dma_semaphore, #tpu.memory_space<semaphore_mem>>) src(%arg18 : memref<256xf32, #tpu.memory_space<vmem>>) dst(%dma_wait3A_58 : memref<10240xf32, #tpu.memory_space<vmem_shared>>)
    %dma_wait3A_59 = arith.constant 0 : i32
    %dma_wait3A_60 = arith.constant 0 : i32
    %dma_wait3A_61 = tpu.memref_slice %arg13[%dma_wait3A_59, %dma_wait3A_60] : memref<80x256xi32, #tpu.memory_space<vmem>> -> memref<1x256xi32, #tpu.memory_space<vmem>>
    %dma_wait3A_62 = tpu.memref_squeeze %dma_wait3A_61 : memref<1x256xi32, #tpu.memory_space<vmem>> -> memref<256xi32, #tpu.memory_space<vmem>>
    %dma_wait3A_63 = arith.constant 0 : i32
    %dma_wait3A_64 = tpu.memref_slice %arg7[%dma_wait3A_63] : memref<10240xf32, #tpu.memory_space<vmem_shared>> -> memref<10240xf32, #tpu.memory_space<vmem_shared>>
    tpu.wait_indirect_dma semaphore(%arg22 : memref<!tpu.dma_semaphore, #tpu.memory_space<semaphore_mem>>) src(%arg18 : memref<256xf32, #tpu.memory_space<vmem>>) dst(%dma_wait3A_64 : memref<10240xf32, #tpu.memory_space<vmem_shared>>)
    %dma_wait3A_65 = arith.constant 0 : i32
    %dma_wait3A_66 = arith.constant 0 : i32
    %dma_wait3A_67 = tpu.memref_slice %arg13[%dma_wait3A_65, %dma_wait3A_66] : memref<80x256xi32, #tpu.memory_space<vmem>> -> memref<1x256xi32, #tpu.memory_space<vmem>>
    %dma_wait3A_68 = tpu.memref_squeeze %dma_wait3A_67 : memref<1x256xi32, #tpu.memory_space<vmem>> -> memref<256xi32, #tpu.memory_space<vmem>>
    %dma_wait3A_69 = arith.constant 0 : i32
    %dma_wait3A_70 = tpu.memref_slice %arg7[%dma_wait3A_69] : memref<10240xf32, #tpu.memory_space<vmem_shared>> -> memref<10240xf32, #tpu.memory_space<vmem_shared>>
    tpu.wait_indirect_dma semaphore(%arg22 : memref<!tpu.dma_semaphore, #tpu.memory_space<semaphore_mem>>) src(%arg18 : memref<256xf32, #tpu.memory_space<vmem>>) dst(%dma_wait3A_70 : memref<10240xf32, #tpu.memory_space<vmem_shared>>)
    %barrier3A_71 = arith.constant 0 : index
    tpu.barrier barrier_id(%barrier3A_71)
    "tpu.region"() ({
      %run_scoped3A = tpu.sem_alloc : memref<!tpu.dma_semaphore, #tpu.memory_space<semaphore_mem>>
      %dma_start3A_484 = tpu.memref_slice %arg7[%mul3A_0] : memref<10240xf32, #tpu.memory_space<vmem_shared>> -> memref<640xf32, #tpu.memory_space<vmem_shared>>
      %dma_start3A_485 = tpu.memref_slice %arg7[%mul3A_0] : memref<10240xf32, #tpu.memory_space<vmem_shared>> -> memref<640xf32, #tpu.memory_space<vmem_shared>>
      tpu.enqueue_dma source(%dma_start3A_485 : memref<640xf32, #tpu.memory_space<vmem_shared>>) target(%arg17 : memref<640xf32, #tpu.memory_space<vmem>>) target_semaphore(%run_scoped3A : memref<!tpu.dma_semaphore, #tpu.memory_space<semaphore_mem>>)
      %dma_wait3A_486 = tpu.memref_slice %arg7[%mul3A_0] : memref<10240xf32, #tpu.memory_space<vmem_shared>> -> memref<640xf32, #tpu.memory_space<vmem_shared>>
      %dma_wait3A_487 = tpu.memref_slice %arg7[%mul3A_0] : memref<10240xf32, #tpu.memory_space<vmem_shared>> -> memref<640xf32, #tpu.memory_space<vmem_shared>>
      tpu.wait_dma2 semaphore(%run_scoped3A : memref<!tpu.dma_semaphore, #tpu.memory_space<semaphore_mem>>) src(%dma_wait3A_487 : memref<640xf32, #tpu.memory_space<vmem_shared>>) dst(%arg17 : memref<640xf32, #tpu.memory_space<vmem>>)
      tpu.yield
    }) : () -> ()
    %scan3A_72 = arith.constant 0 : i32
    %scan3A_73 = arith.constant 0 : i32
    %scan3A_74 = arith.constant 40 : i32
    %scan3A_75 = arith.addi %scan3A_73, %scan3A_74 : i32
    %scan3A_76 = arith.constant 1 : i32
    %scan3A_77 = scf.for %scan3A_484 = %scan3A_73 to %scan3A_75 step %scan3A_76 iter_args(%scan3A_485 = %scan3A_72) -> (i32)  : i32 {
      %mul3A_486 = arith.constant 16 : i32
      %mul3A_487 = arith.muli %scan3A_484, %mul3A_486 : i32
      %get3A_488 = arith.index_cast %mul3A_487 : i32 to index
      %get3A_489 = tpu.vector_load %arg17[%get3A_488] {strides = array<i32>} : memref<640xf32, #tpu.memory_space<vmem>>, vector<16xf32>,
      %get3A_490 = vector.shape_cast %get3A_489 : vector<16xf32> to vector<16xf32>
      %bitcast_convert_type3A = tpu.bitcast %get3A_490 : vector<16xf32> -> vector<16xi32>
      %shift_right_logical3A = arith.constant 1 : i32
      %shift_right_logical3A_491 = vector.broadcast %shift_right_logical3A : i32 to vector<16xi32>
      %shift_right_logical3A_492 = arith.shrui %bitcast_convert_type3A, %shift_right_logical3A_491 : vector<16xi32>
      %sub3A = arith.constant 1597463007 : i32
      %sub3A_493 = vector.broadcast %sub3A : i32 to vector<16xi32>
      %sub3A_494 = arith.subi %sub3A_493, %shift_right_logical3A_492 : vector<16xi32>
      %bitcast_convert_type3A_495 = tpu.bitcast %sub3A_494 : vector<16xi32> -> vector<16xf32>
      %mul3A_496 = arith.constant 5.000000e-01 : f32
      %mul3A_497 = vector.broadcast %mul3A_496 : f32 to vector<16xf32>
      %mul3A_498 = arith.mulf %mul3A_497, %get3A_490 : vector<16xf32>
      %mul3A_499 = arith.mulf %mul3A_498, %bitcast_convert_type3A_495 : vector<16xf32>
      %mul3A_500 = arith.mulf %mul3A_499, %bitcast_convert_type3A_495 : vector<16xf32>
      %sub3A_501 = arith.constant 1.500000e+00 : f32
      %sub3A_502 = vector.broadcast %sub3A_501 : f32 to vector<16xf32>
      %sub3A_503 = arith.subf %sub3A_502, %mul3A_500 : vector<16xf32>
      %mul3A_504 = arith.mulf %bitcast_convert_type3A_495, %sub3A_503 : vector<16xf32>
      %mul3A_505 = arith.constant 5.000000e-01 : f32
      %mul3A_506 = vector.broadcast %mul3A_505 : f32 to vector<16xf32>
      %mul3A_507 = arith.mulf %mul3A_506, %get3A_490 : vector<16xf32>
      %mul3A_508 = arith.mulf %mul3A_507, %mul3A_504 : vector<16xf32>
      %mul3A_509 = arith.mulf %mul3A_508, %mul3A_504 : vector<16xf32>
      %sub3A_510 = arith.constant 1.500000e+00 : f32
      %sub3A_511 = vector.broadcast %sub3A_510 : f32 to vector<16xf32>
      %sub3A_512 = arith.subf %sub3A_511, %mul3A_509 : vector<16xf32>
      %mul3A_513 = arith.mulf %mul3A_504, %sub3A_512 : vector<16xf32>
      %mul3A_514 = arith.constant 5.000000e-01 : f32
      %mul3A_515 = vector.broadcast %mul3A_514 : f32 to vector<16xf32>
      %mul3A_516 = arith.mulf %mul3A_515, %get3A_490 : vector<16xf32>
      %mul3A_517 = arith.mulf %mul3A_516, %mul3A_513 : vector<16xf32>
      %mul3A_518 = arith.mulf %mul3A_517, %mul3A_513 : vector<16xf32>
      %sub3A_519 = arith.constant 1.500000e+00 : f32
      %sub3A_520 = vector.broadcast %sub3A_519 : f32 to vector<16xf32>
      %sub3A_521 = arith.subf %sub3A_520, %mul3A_518 : vector<16xf32>
      %mul3A_522 = arith.mulf %mul3A_513, %sub3A_521 : vector<16xf32>
      %mul3A_523 = arith.constant 5.000000e-01 : f32
      %mul3A_524 = vector.broadcast %mul3A_523 : f32 to vector<16xf32>
      %mul3A_525 = arith.mulf %mul3A_524, %get3A_490 : vector<16xf32>
      %mul3A_526 = arith.mulf %mul3A_525, %mul3A_522 : vector<16xf32>
      %mul3A_527 = arith.mulf %mul3A_526, %mul3A_522 : vector<16xf32>
      %sub3A_528 = arith.constant 1.500000e+00 : f32
      %sub3A_529 = vector.broadcast %sub3A_528 : f32 to vector<16xf32>
      %sub3A_530 = arith.subf %sub3A_529, %mul3A_527 : vector<16xf32>
      %mul3A_531 = arith.mulf %mul3A_522, %sub3A_530 : vector<16xf32>
      %swap3A = arith.index_cast %mul3A_487 : i32 to index
      %swap3A_532 = tpu.vector_load %arg16[%swap3A] {strides = array<i32>} : memref<640xf32, #tpu.memory_space<vmem>>, vector<16xf32>,
      %swap3A_533 = vector.shape_cast %swap3A_532 : vector<16xf32> to vector<16xf32>
      %swap3A_534 = vector.shape_cast %mul3A_531 : vector<16xf32> to vector<16xf32>
      tpu.vector_store %arg16[%swap3A], %swap3A_534 {strides = array<i32>} : memref<640xf32, #tpu.memory_space<vmem>>, vector<16xf32>,
      %scan3A_535 = arith.constant 0 : i32
      scf.yield %scan3A_535 : i32
    }
    %scan3A_78 = arith.constant 40 : i32
    %dma_wait3A_79 = arith.constant 0 : i32
    %dma_wait3A_80 = tpu.memref_slice %arg2[%mul3A_0, %dma_wait3A_79] : memref<10240x16xf32, #tpu.memory_space<hbm>> -> memref<640x16xf32, #tpu.memory_space<hbm>>
    %dma_wait3A_81 = arith.constant 0 : i32
    %dma_wait3A_82 = tpu.memref_slice %arg2[%mul3A_0, %dma_wait3A_81] : memref<10240x16xf32, #tpu.memory_space<hbm>> -> memref<640x16xf32, #tpu.memory_space<hbm>>
    tpu.wait_dma2 semaphore(%arg23 : memref<!tpu.dma_semaphore, #tpu.memory_space<semaphore_mem>>) src(%dma_wait3A_82 : memref<640x16xf32, #tpu.memory_space<hbm>>) dst(%arg15 : memref<640x16xf32, #tpu.memory_space<vmem>>)
    %scan3A_83 = arith.constant 0 : i32
    %scan3A_84 = arith.constant 0 : i32
    %scan3A_85 = arith.constant 40 : i32
    %scan3A_86 = arith.addi %scan3A_84, %scan3A_85 : i32
    %scan3A_87 = arith.constant 1 : i32
    %scan3A_88 = scf.for %scan3A_484 = %scan3A_84 to %scan3A_86 step %scan3A_87 iter_args(%scan3A_485 = %scan3A_83) -> (i32)  : i32 {
      %mul3A_486 = arith.constant 16 : i32
      %mul3A_487 = arith.muli %scan3A_484, %mul3A_486 : i32
      %get3A_488 = arith.index_cast %mul3A_487 : i32 to index
      %get3A_489 = tpu.vector_load %arg16[%get3A_488] {strides = array<i32>} : memref<640xf32, #tpu.memory_space<vmem>>, vector<16xf32>,
      %get3A_490 = vector.shape_cast %get3A_489 : vector<16xf32> to vector<16xf32>
      %mul3A_491 = arith.constant 16 : i32
      %mul3A_492 = arith.muli %scan3A_484, %mul3A_491 : i32
      %add3A = arith.constant 0 : i32
      %add3A_493 = arith.addi %mul3A_492, %add3A : i32
      %slice3A = vector.extract_strided_slice %get3A_490 {offsets = [0], sizes = [1], strides = [1]} : vector<16xf32> to vector<1xf32>
      %squeeze3A = vector.extract %slice3A[0] : f32 from vector<1xf32>
      %get3A_494 = arith.index_cast %add3A_493 : i32 to index
      %get3A_495 = arith.constant 0 : index
      %get3A_496 = tpu.vector_load %arg15[%get3A_494, %get3A_495] {strides = array<i32>} : memref<640x16xf32, #tpu.memory_space<vmem>>, vector<1x16xf32>,
      %get3A_497 = vector.shape_cast %get3A_496 : vector<1x16xf32> to vector<16xf32>
      %mul3A_498 = vector.broadcast %squeeze3A : f32 to vector<16xf32>
      %mul3A_499 = arith.mulf %get3A_497, %mul3A_498 : vector<16xf32>
      %swap3A = arith.index_cast %add3A_493 : i32 to index
      %swap3A_500 = arith.constant 0 : index
      %swap3A_501 = tpu.vector_load %arg15[%swap3A, %swap3A_500] {strides = array<i32>} : memref<640x16xf32, #tpu.memory_space<vmem>>, vector<1x16xf32>,
      %swap3A_502 = vector.shape_cast %swap3A_501 : vector<1x16xf32> to vector<16xf32>
      %swap3A_503 = vector.shape_cast %mul3A_499 : vector<16xf32> to vector<1x16xf32>
      tpu.vector_store %arg15[%swap3A, %swap3A_500], %swap3A_503 {strides = array<i32>} : memref<640x16xf32, #tpu.memory_space<vmem>>, vector<1x16xf32>,
      %mul3A_504 = arith.constant 16 : i32
      %mul3A_505 = arith.muli %scan3A_484, %mul3A_504 : i32
      %add3A_506 = arith.constant 1 : i32
      %add3A_507 = arith.addi %mul3A_505, %add3A_506 : i32
      %slice3A_508 = vector.extract_strided_slice %get3A_490 {offsets = [1], sizes = [1], strides = [1]} : vector<16xf32> to vector<1xf32>
      %squeeze3A_509 = vector.extract %slice3A_508[0] : f32 from vector<1xf32>
      %get3A_510 = arith.index_cast %add3A_507 : i32 to index
      %get3A_511 = arith.constant 0 : index
      %get3A_512 = tpu.vector_load %arg15[%get3A_510, %get3A_511] {strides = array<i32>} : memref<640x16xf32, #tpu.memory_space<vmem>>, vector<1x16xf32>,
      %get3A_513 = vector.shape_cast %get3A_512 : vector<1x16xf32> to vector<16xf32>
      %mul3A_514 = vector.broadcast %squeeze3A_509 : f32 to vector<16xf32>
      %mul3A_515 = arith.mulf %get3A_513, %mul3A_514 : vector<16xf32>
      %swap3A_516 = arith.index_cast %add3A_507 : i32 to index
      %swap3A_517 = arith.constant 0 : index
      %swap3A_518 = tpu.vector_load %arg15[%swap3A_516, %swap3A_517] {strides = array<i32>} : memref<640x16xf32, #tpu.memory_space<vmem>>, vector<1x16xf32>,
      %swap3A_519 = vector.shape_cast %swap3A_518 : vector<1x16xf32> to vector<16xf32>
      %swap3A_520 = vector.shape_cast %mul3A_515 : vector<16xf32> to vector<1x16xf32>
      tpu.vector_store %arg15[%swap3A_516, %swap3A_517], %swap3A_520 {strides = array<i32>} : memref<640x16xf32, #tpu.memory_space<vmem>>, vector<1x16xf32>,
      %mul3A_521 = arith.constant 16 : i32
      %mul3A_522 = arith.muli %scan3A_484, %mul3A_521 : i32
      %add3A_523 = arith.constant 2 : i32
      %add3A_524 = arith.addi %mul3A_522, %add3A_523 : i32
      %slice3A_525 = vector.extract_strided_slice %get3A_490 {offsets = [2], sizes = [1], strides = [1]} : vector<16xf32> to vector<1xf32>
      %squeeze3A_526 = vector.extract %slice3A_525[0] : f32 from vector<1xf32>
      %get3A_527 = arith.index_cast %add3A_524 : i32 to index
      %get3A_528 = arith.constant 0 : index
      %get3A_529 = tpu.vector_load %arg15[%get3A_527, %get3A_528] {strides = array<i32>} : memref<640x16xf32, #tpu.memory_space<vmem>>, vector<1x16xf32>,
      %get3A_530 = vector.shape_cast %get3A_529 : vector<1x16xf32> to vector<16xf32>
      %mul3A_531 = vector.broadcast %squeeze3A_526 : f32 to vector<16xf32>
      %mul3A_532 = arith.mulf %get3A_530, %mul3A_531 : vector<16xf32>
      %swap3A_533 = arith.index_cast %add3A_524 : i32 to index
      %swap3A_534 = arith.constant 0 : index
      %swap3A_535 = tpu.vector_load %arg15[%swap3A_533, %swap3A_534] {strides = array<i32>} : memref<640x16xf32, #tpu.memory_space<vmem>>, vector<1x16xf32>,
      %swap3A_536 = vector.shape_cast %swap3A_535 : vector<1x16xf32> to vector<16xf32>
      %swap3A_537 = vector.shape_cast %mul3A_532 : vector<16xf32> to vector<1x16xf32>
      tpu.vector_store %arg15[%swap3A_533, %swap3A_534], %swap3A_537 {strides = array<i32>} : memref<640x16xf32, #tpu.memory_space<vmem>>, vector<1x16xf32>,
      %mul3A_538 = arith.constant 16 : i32
      %mul3A_539 = arith.muli %scan3A_484, %mul3A_538 : i32
      %add3A_540 = arith.constant 3 : i32
      %add3A_541 = arith.addi %mul3A_539, %add3A_540 : i32
      %slice3A_542 = vector.extract_strided_slice %get3A_490 {offsets = [3], sizes = [1], strides = [1]} : vector<16xf32> to vector<1xf32>
      %squeeze3A_543 = vector.extract %slice3A_542[0] : f32 from vector<1xf32>
      %get3A_544 = arith.index_cast %add3A_541 : i32 to index
      %get3A_545 = arith.constant 0 : index
      %get3A_546 = tpu.vector_load %arg15[%get3A_544, %get3A_545] {strides = array<i32>} : memref<640x16xf32, #tpu.memory_space<vmem>>, vector<1x16xf32>,
      %get3A_547 = vector.shape_cast %get3A_546 : vector<1x16xf32> to vector<16xf32>
      %mul3A_548 = vector.broadcast %squeeze3A_543 : f32 to vector<16xf32>
      %mul3A_549 = arith.mulf %get3A_547, %mul3A_548 : vector<16xf32>
      %swap3A_550 = arith.index_cast %add3A_541 : i32 to index
      %swap3A_551 = arith.constant 0 : index
      %swap3A_552 = tpu.vector_load %arg15[%swap3A_550, %swap3A_551] {strides = array<i32>} : memref<640x16xf32, #tpu.memory_space<vmem>>, vector<1x16xf32>,
      %swap3A_553 = vector.shape_cast %swap3A_552 : vector<1x16xf32> to vector<16xf32>
      %swap3A_554 = vector.shape_cast %mul3A_549 : vector<16xf32> to vector<1x16xf32>
      tpu.vector_store %arg15[%swap3A_550, %swap3A_551], %swap3A_554 {strides = array<i32>} : memref<640x16xf32, #tpu.memory_space<vmem>>, vector<1x16xf32>,
      %mul3A_555 = arith.constant 16 : i32
      %mul3A_556 = arith.muli %scan3A_484, %mul3A_555 : i32
      %add3A_557 = arith.constant 4 : i32
      %add3A_558 = arith.addi %mul3A_556, %add3A_557 : i32
      %slice3A_559 = vector.extract_strided_slice %get3A_490 {offsets = [4], sizes = [1], strides = [1]} : vector<16xf32> to vector<1xf32>
      %squeeze3A_560 = vector.extract %slice3A_559[0] : f32 from vector<1xf32>
      %get3A_561 = arith.index_cast %add3A_558 : i32 to index
      %get3A_562 = arith.constant 0 : index
      %get3A_563 = tpu.vector_load %arg15[%get3A_561, %get3A_562] {strides = array<i32>} : memref<640x16xf32, #tpu.memory_space<vmem>>, vector<1x16xf32>,
      %get3A_564 = vector.shape_cast %get3A_563 : vector<1x16xf32> to vector<16xf32>
      %mul3A_565 = vector.broadcast %squeeze3A_560 : f32 to vector<16xf32>
      %mul3A_566 = arith.mulf %get3A_564, %mul3A_565 : vector<16xf32>
      %swap3A_567 = arith.index_cast %add3A_558 : i32 to index
      %swap3A_568 = arith.constant 0 : index
      %swap3A_569 = tpu.vector_load %arg15[%swap3A_567, %swap3A_568] {strides = array<i32>} : memref<640x16xf32, #tpu.memory_space<vmem>>, vector<1x16xf32>,
      %swap3A_570 = vector.shape_cast %swap3A_569 : vector<1x16xf32> to vector<16xf32>
      %swap3A_571 = vector.shape_cast %mul3A_566 : vector<16xf32> to vector<1x16xf32>
      tpu.vector_store %arg15[%swap3A_567, %swap3A_568], %swap3A_571 {strides = array<i32>} : memref<640x16xf32, #tpu.memory_space<vmem>>, vector<1x16xf32>,
      %mul3A_572 = arith.constant 16 : i32
      %mul3A_573 = arith.muli %scan3A_484, %mul3A_572 : i32
      %add3A_574 = arith.constant 5 : i32
      %add3A_575 = arith.addi %mul3A_573, %add3A_574 : i32
      %slice3A_576 = vector.extract_strided_slice %get3A_490 {offsets = [5], sizes = [1], strides = [1]} : vector<16xf32> to vector<1xf32>
      %squeeze3A_577 = vector.extract %slice3A_576[0] : f32 from vector<1xf32>
      %get3A_578 = arith.index_cast %add3A_575 : i32 to index
      %get3A_579 = arith.constant 0 : index
      %get3A_580 = tpu.vector_load %arg15[%get3A_578, %get3A_579] {strides = array<i32>} : memref<640x16xf32, #tpu.memory_space<vmem>>, vector<1x16xf32>,
      %get3A_581 = vector.shape_cast %get3A_580 : vector<1x16xf32> to vector<16xf32>
      %mul3A_582 = vector.broadcast %squeeze3A_577 : f32 to vector<16xf32>
      %mul3A_583 = arith.mulf %get3A_581, %mul3A_582 : vector<16xf32>
      %swap3A_584 = arith.index_cast %add3A_575 : i32 to index
      %swap3A_585 = arith.constant 0 : index
      %swap3A_586 = tpu.vector_load %arg15[%swap3A_584, %swap3A_585] {strides = array<i32>} : memref<640x16xf32, #tpu.memory_space<vmem>>, vector<1x16xf32>,
      %swap3A_587 = vector.shape_cast %swap3A_586 : vector<1x16xf32> to vector<16xf32>
      %swap3A_588 = vector.shape_cast %mul3A_583 : vector<16xf32> to vector<1x16xf32>
      tpu.vector_store %arg15[%swap3A_584, %swap3A_585], %swap3A_588 {strides = array<i32>} : memref<640x16xf32, #tpu.memory_space<vmem>>, vector<1x16xf32>,
      %mul3A_589 = arith.constant 16 : i32
      %mul3A_590 = arith.muli %scan3A_484, %mul3A_589 : i32
      %add3A_591 = arith.constant 6 : i32
      %add3A_592 = arith.addi %mul3A_590, %add3A_591 : i32
      %slice3A_593 = vector.extract_strided_slice %get3A_490 {offsets = [6], sizes = [1], strides = [1]} : vector<16xf32> to vector<1xf32>
      %squeeze3A_594 = vector.extract %slice3A_593[0] : f32 from vector<1xf32>
      %get3A_595 = arith.index_cast %add3A_592 : i32 to index
      %get3A_596 = arith.constant 0 : index
      %get3A_597 = tpu.vector_load %arg15[%get3A_595, %get3A_596] {strides = array<i32>} : memref<640x16xf32, #tpu.memory_space<vmem>>, vector<1x16xf32>,
      %get3A_598 = vector.shape_cast %get3A_597 : vector<1x16xf32> to vector<16xf32>
      %mul3A_599 = vector.broadcast %squeeze3A_594 : f32 to vector<16xf32>
      %mul3A_600 = arith.mulf %get3A_598, %mul3A_599 : vector<16xf32>
      %swap3A_601 = arith.index_cast %add3A_592 : i32 to index
      %swap3A_602 = arith.constant 0 : index
      %swap3A_603 = tpu.vector_load %arg15[%swap3A_601, %swap3A_602] {strides = array<i32>} : memref<640x16xf32, #tpu.memory_space<vmem>>, vector<1x16xf32>,
      %swap3A_604 = vector.shape_cast %swap3A_603 : vector<1x16xf32> to vector<16xf32>
      %swap3A_605 = vector.shape_cast %mul3A_600 : vector<16xf32> to vector<1x16xf32>
      tpu.vector_store %arg15[%swap3A_601, %swap3A_602], %swap3A_605 {strides = array<i32>} : memref<640x16xf32, #tpu.memory_space<vmem>>, vector<1x16xf32>,
      %mul3A_606 = arith.constant 16 : i32
      %mul3A_607 = arith.muli %scan3A_484, %mul3A_606 : i32
      %add3A_608 = arith.constant 7 : i32
      %add3A_609 = arith.addi %mul3A_607, %add3A_608 : i32
      %slice3A_610 = vector.extract_strided_slice %get3A_490 {offsets = [7], sizes = [1], strides = [1]} : vector<16xf32> to vector<1xf32>
      %squeeze3A_611 = vector.extract %slice3A_610[0] : f32 from vector<1xf32>
      %get3A_612 = arith.index_cast %add3A_609 : i32 to index
      %get3A_613 = arith.constant 0 : index
      %get3A_614 = tpu.vector_load %arg15[%get3A_612, %get3A_613] {strides = array<i32>} : memref<640x16xf32, #tpu.memory_space<vmem>>, vector<1x16xf32>,
      %get3A_615 = vector.shape_cast %get3A_614 : vector<1x16xf32> to vector<16xf32>
      %mul3A_616 = vector.broadcast %squeeze3A_611 : f32 to vector<16xf32>
      %mul3A_617 = arith.mulf %get3A_615, %mul3A_616 : vector<16xf32>
      %swap3A_618 = arith.index_cast %add3A_609 : i32 to index
      %swap3A_619 = arith.constant 0 : index
      %swap3A_620 = tpu.vector_load %arg15[%swap3A_618, %swap3A_619] {strides = array<i32>} : memref<640x16xf32, #tpu.memory_space<vmem>>, vector<1x16xf32>,
      %swap3A_621 = vector.shape_cast %swap3A_620 : vector<1x16xf32> to vector<16xf32>
      %swap3A_622 = vector.shape_cast %mul3A_617 : vector<16xf32> to vector<1x16xf32>
      tpu.vector_store %arg15[%swap3A_618, %swap3A_619], %swap3A_622 {strides = array<i32>} : memref<640x16xf32, #tpu.memory_space<vmem>>, vector<1x16xf32>,
      %mul3A_623 = arith.constant 16 : i32
      %mul3A_624 = arith.muli %scan3A_484, %mul3A_623 : i32
      %add3A_625 = arith.constant 8 : i32
      %add3A_626 = arith.addi %mul3A_624, %add3A_625 : i32
      %slice3A_627 = vector.extract_strided_slice %get3A_490 {offsets = [8], sizes = [1], strides = [1]} : vector<16xf32> to vector<1xf32>
      %squeeze3A_628 = vector.extract %slice3A_627[0] : f32 from vector<1xf32>
      %get3A_629 = arith.index_cast %add3A_626 : i32 to index
      %get3A_630 = arith.constant 0 : index
      %get3A_631 = tpu.vector_load %arg15[%get3A_629, %get3A_630] {strides = array<i32>} : memref<640x16xf32, #tpu.memory_space<vmem>>, vector<1x16xf32>,
      %get3A_632 = vector.shape_cast %get3A_631 : vector<1x16xf32> to vector<16xf32>
      %mul3A_633 = vector.broadcast %squeeze3A_628 : f32 to vector<16xf32>
      %mul3A_634 = arith.mulf %get3A_632, %mul3A_633 : vector<16xf32>
      %swap3A_635 = arith.index_cast %add3A_626 : i32 to index
      %swap3A_636 = arith.constant 0 : index
      %swap3A_637 = tpu.vector_load %arg15[%swap3A_635, %swap3A_636] {strides = array<i32>} : memref<640x16xf32, #tpu.memory_space<vmem>>, vector<1x16xf32>,
      %swap3A_638 = vector.shape_cast %swap3A_637 : vector<1x16xf32> to vector<16xf32>
      %swap3A_639 = vector.shape_cast %mul3A_634 : vector<16xf32> to vector<1x16xf32>
      tpu.vector_store %arg15[%swap3A_635, %swap3A_636], %swap3A_639 {strides = array<i32>} : memref<640x16xf32, #tpu.memory_space<vmem>>, vector<1x16xf32>,
      %mul3A_640 = arith.constant 16 : i32
      %mul3A_641 = arith.muli %scan3A_484, %mul3A_640 : i32
      %add3A_642 = arith.constant 9 : i32
      %add3A_643 = arith.addi %mul3A_641, %add3A_642 : i32
      %slice3A_644 = vector.extract_strided_slice %get3A_490 {offsets = [9], sizes = [1], strides = [1]} : vector<16xf32> to vector<1xf32>
      %squeeze3A_645 = vector.extract %slice3A_644[0] : f32 from vector<1xf32>
      %get3A_646 = arith.index_cast %add3A_643 : i32 to index
      %get3A_647 = arith.constant 0 : index
      %get3A_648 = tpu.vector_load %arg15[%get3A_646, %get3A_647] {strides = array<i32>} : memref<640x16xf32, #tpu.memory_space<vmem>>, vector<1x16xf32>,
      %get3A_649 = vector.shape_cast %get3A_648 : vector<1x16xf32> to vector<16xf32>
      %mul3A_650 = vector.broadcast %squeeze3A_645 : f32 to vector<16xf32>
      %mul3A_651 = arith.mulf %get3A_649, %mul3A_650 : vector<16xf32>
      %swap3A_652 = arith.index_cast %add3A_643 : i32 to index
      %swap3A_653 = arith.constant 0 : index
      %swap3A_654 = tpu.vector_load %arg15[%swap3A_652, %swap3A_653] {strides = array<i32>} : memref<640x16xf32, #tpu.memory_space<vmem>>, vector<1x16xf32>,
      %swap3A_655 = vector.shape_cast %swap3A_654 : vector<1x16xf32> to vector<16xf32>
      %swap3A_656 = vector.shape_cast %mul3A_651 : vector<16xf32> to vector<1x16xf32>
      tpu.vector_store %arg15[%swap3A_652, %swap3A_653], %swap3A_656 {strides = array<i32>} : memref<640x16xf32, #tpu.memory_space<vmem>>, vector<1x16xf32>,
      %mul3A_657 = arith.constant 16 : i32
      %mul3A_658 = arith.muli %scan3A_484, %mul3A_657 : i32
      %add3A_659 = arith.constant 10 : i32
      %add3A_660 = arith.addi %mul3A_658, %add3A_659 : i32
      %slice3A_661 = vector.extract_strided_slice %get3A_490 {offsets = [10], sizes = [1], strides = [1]} : vector<16xf32> to vector<1xf32>
      %squeeze3A_662 = vector.extract %slice3A_661[0] : f32 from vector<1xf32>
      %get3A_663 = arith.index_cast %add3A_660 : i32 to index
      %get3A_664 = arith.constant 0 : index
      %get3A_665 = tpu.vector_load %arg15[%get3A_663, %get3A_664] {strides = array<i32>} : memref<640x16xf32, #tpu.memory_space<vmem>>, vector<1x16xf32>,
      %get3A_666 = vector.shape_cast %get3A_665 : vector<1x16xf32> to vector<16xf32>
      %mul3A_667 = vector.broadcast %squeeze3A_662 : f32 to vector<16xf32>
      %mul3A_668 = arith.mulf %get3A_666, %mul3A_667 : vector<16xf32>
      %swap3A_669 = arith.index_cast %add3A_660 : i32 to index
      %swap3A_670 = arith.constant 0 : index
      %swap3A_671 = tpu.vector_load %arg15[%swap3A_669, %swap3A_670] {strides = array<i32>} : memref<640x16xf32, #tpu.memory_space<vmem>>, vector<1x16xf32>,
      %swap3A_672 = vector.shape_cast %swap3A_671 : vector<1x16xf32> to vector<16xf32>
      %swap3A_673 = vector.shape_cast %mul3A_668 : vector<16xf32> to vector<1x16xf32>
      tpu.vector_store %arg15[%swap3A_669, %swap3A_670], %swap3A_673 {strides = array<i32>} : memref<640x16xf32, #tpu.memory_space<vmem>>, vector<1x16xf32>,
      %mul3A_674 = arith.constant 16 : i32
      %mul3A_675 = arith.muli %scan3A_484, %mul3A_674 : i32
      %add3A_676 = arith.constant 11 : i32
      %add3A_677 = arith.addi %mul3A_675, %add3A_676 : i32
      %slice3A_678 = vector.extract_strided_slice %get3A_490 {offsets = [11], sizes = [1], strides = [1]} : vector<16xf32> to vector<1xf32>
      %squeeze3A_679 = vector.extract %slice3A_678[0] : f32 from vector<1xf32>
      %get3A_680 = arith.index_cast %add3A_677 : i32 to index
      %get3A_681 = arith.constant 0 : index
      %get3A_682 = tpu.vector_load %arg15[%get3A_680, %get3A_681] {strides = array<i32>} : memref<640x16xf32, #tpu.memory_space<vmem>>, vector<1x16xf32>,
      %get3A_683 = vector.shape_cast %get3A_682 : vector<1x16xf32> to vector<16xf32>
      %mul3A_684 = vector.broadcast %squeeze3A_679 : f32 to vector<16xf32>
      %mul3A_685 = arith.mulf %get3A_683, %mul3A_684 : vector<16xf32>
      %swap3A_686 = arith.index_cast %add3A_677 : i32 to index
      %swap3A_687 = arith.constant 0 : index
      %swap3A_688 = tpu.vector_load %arg15[%swap3A_686, %swap3A_687] {strides = array<i32>} : memref<640x16xf32, #tpu.memory_space<vmem>>, vector<1x16xf32>,
      %swap3A_689 = vector.shape_cast %swap3A_688 : vector<1x16xf32> to vector<16xf32>
      %swap3A_690 = vector.shape_cast %mul3A_685 : vector<16xf32> to vector<1x16xf32>
      tpu.vector_store %arg15[%swap3A_686, %swap3A_687], %swap3A_690 {strides = array<i32>} : memref<640x16xf32, #tpu.memory_space<vmem>>, vector<1x16xf32>,
      %mul3A_691 = arith.constant 16 : i32
      %mul3A_692 = arith.muli %scan3A_484, %mul3A_691 : i32
      %add3A_693 = arith.constant 12 : i32
      %add3A_694 = arith.addi %mul3A_692, %add3A_693 : i32
      %slice3A_695 = vector.extract_strided_slice %get3A_490 {offsets = [12], sizes = [1], strides = [1]} : vector<16xf32> to vector<1xf32>
      %squeeze3A_696 = vector.extract %slice3A_695[0] : f32 from vector<1xf32>
      %get3A_697 = arith.index_cast %add3A_694 : i32 to index
      %get3A_698 = arith.constant 0 : index
      %get3A_699 = tpu.vector_load %arg15[%get3A_697, %get3A_698] {strides = array<i32>} : memref<640x16xf32, #tpu.memory_space<vmem>>, vector<1x16xf32>,
      %get3A_700 = vector.shape_cast %get3A_699 : vector<1x16xf32> to vector<16xf32>
      %mul3A_701 = vector.broadcast %squeeze3A_696 : f32 to vector<16xf32>
      %mul3A_702 = arith.mulf %get3A_700, %mul3A_701 : vector<16xf32>
      %swap3A_703 = arith.index_cast %add3A_694 : i32 to index
      %swap3A_704 = arith.constant 0 : index
      %swap3A_705 = tpu.vector_load %arg15[%swap3A_703, %swap3A_704] {strides = array<i32>} : memref<640x16xf32, #tpu.memory_space<vmem>>, vector<1x16xf32>,
      %swap3A_706 = vector.shape_cast %swap3A_705 : vector<1x16xf32> to vector<16xf32>
      %swap3A_707 = vector.shape_cast %mul3A_702 : vector<16xf32> to vector<1x16xf32>
      tpu.vector_store %arg15[%swap3A_703, %swap3A_704], %swap3A_707 {strides = array<i32>} : memref<640x16xf32, #tpu.memory_space<vmem>>, vector<1x16xf32>,
      %mul3A_708 = arith.constant 16 : i32
      %mul3A_709 = arith.muli %scan3A_484, %mul3A_708 : i32
      %add3A_710 = arith.constant 13 : i32
      %add3A_711 = arith.addi %mul3A_709, %add3A_710 : i32
      %slice3A_712 = vector.extract_strided_slice %get3A_490 {offsets = [13], sizes = [1], strides = [1]} : vector<16xf32> to vector<1xf32>
      %squeeze3A_713 = vector.extract %slice3A_712[0] : f32 from vector<1xf32>
      %get3A_714 = arith.index_cast %add3A_711 : i32 to index
      %get3A_715 = arith.constant 0 : index
      %get3A_716 = tpu.vector_load %arg15[%get3A_714, %get3A_715] {strides = array<i32>} : memref<640x16xf32, #tpu.memory_space<vmem>>, vector<1x16xf32>,
      %get3A_717 = vector.shape_cast %get3A_716 : vector<1x16xf32> to vector<16xf32>
      %mul3A_718 = vector.broadcast %squeeze3A_713 : f32 to vector<16xf32>
      %mul3A_719 = arith.mulf %get3A_717, %mul3A_718 : vector<16xf32>
      %swap3A_720 = arith.index_cast %add3A_711 : i32 to index
      %swap3A_721 = arith.constant 0 : index
      %swap3A_722 = tpu.vector_load %arg15[%swap3A_720, %swap3A_721] {strides = array<i32>} : memref<640x16xf32, #tpu.memory_space<vmem>>, vector<1x16xf32>,
      %swap3A_723 = vector.shape_cast %swap3A_722 : vector<1x16xf32> to vector<16xf32>
      %swap3A_724 = vector.shape_cast %mul3A_719 : vector<16xf32> to vector<1x16xf32>
      tpu.vector_store %arg15[%swap3A_720, %swap3A_721], %swap3A_724 {strides = array<i32>} : memref<640x16xf32, #tpu.memory_space<vmem>>, vector<1x16xf32>,
      %mul3A_725 = arith.constant 16 : i32
      %mul3A_726 = arith.muli %scan3A_484, %mul3A_725 : i32
      %add3A_727 = arith.constant 14 : i32
      %add3A_728 = arith.addi %mul3A_726, %add3A_727 : i32
      %slice3A_729 = vector.extract_strided_slice %get3A_490 {offsets = [14], sizes = [1], strides = [1]} : vector<16xf32> to vector<1xf32>
      %squeeze3A_730 = vector.extract %slice3A_729[0] : f32 from vector<1xf32>
      %get3A_731 = arith.index_cast %add3A_728 : i32 to index
      %get3A_732 = arith.constant 0 : index
      %get3A_733 = tpu.vector_load %arg15[%get3A_731, %get3A_732] {strides = array<i32>} : memref<640x16xf32, #tpu.memory_space<vmem>>, vector<1x16xf32>,
      %get3A_734 = vector.shape_cast %get3A_733 : vector<1x16xf32> to vector<16xf32>
      %mul3A_735 = vector.broadcast %squeeze3A_730 : f32 to vector<16xf32>
      %mul3A_736 = arith.mulf %get3A_734, %mul3A_735 : vector<16xf32>
      %swap3A_737 = arith.index_cast %add3A_728 : i32 to index
      %swap3A_738 = arith.constant 0 : index
      %swap3A_739 = tpu.vector_load %arg15[%swap3A_737, %swap3A_738] {strides = array<i32>} : memref<640x16xf32, #tpu.memory_space<vmem>>, vector<1x16xf32>,
      %swap3A_740 = vector.shape_cast %swap3A_739 : vector<1x16xf32> to vector<16xf32>
      %swap3A_741 = vector.shape_cast %mul3A_736 : vector<16xf32> to vector<1x16xf32>
      tpu.vector_store %arg15[%swap3A_737, %swap3A_738], %swap3A_741 {strides = array<i32>} : memref<640x16xf32, #tpu.memory_space<vmem>>, vector<1x16xf32>,
      %mul3A_742 = arith.constant 16 : i32
      %mul3A_743 = arith.muli %scan3A_484, %mul3A_742 : i32
      %add3A_744 = arith.constant 15 : i32
      %add3A_745 = arith.addi %mul3A_743, %add3A_744 : i32
      %slice3A_746 = vector.extract_strided_slice %get3A_490 {offsets = [15], sizes = [1], strides = [1]} : vector<16xf32> to vector<1xf32>
      %squeeze3A_747 = vector.extract %slice3A_746[0] : f32 from vector<1xf32>
      %get3A_748 = arith.index_cast %add3A_745 : i32 to index
      %get3A_749 = arith.constant 0 : index
      %get3A_750 = tpu.vector_load %arg15[%get3A_748, %get3A_749] {strides = array<i32>} : memref<640x16xf32, #tpu.memory_space<vmem>>, vector<1x16xf32>,
      %get3A_751 = vector.shape_cast %get3A_750 : vector<1x16xf32> to vector<16xf32>
      %mul3A_752 = vector.broadcast %squeeze3A_747 : f32 to vector<16xf32>
      %mul3A_753 = arith.mulf %get3A_751, %mul3A_752 : vector<16xf32>
      %swap3A_754 = arith.index_cast %add3A_745 : i32 to index
      %swap3A_755 = arith.constant 0 : index
      %swap3A_756 = tpu.vector_load %arg15[%swap3A_754, %swap3A_755] {strides = array<i32>} : memref<640x16xf32, #tpu.memory_space<vmem>>, vector<1x16xf32>,
      %swap3A_757 = vector.shape_cast %swap3A_756 : vector<1x16xf32> to vector<16xf32>
      %swap3A_758 = vector.shape_cast %mul3A_753 : vector<16xf32> to vector<1x16xf32>
      tpu.vector_store %arg15[%swap3A_754, %swap3A_755], %swap3A_758 {strides = array<i32>} : memref<640x16xf32, #tpu.memory_space<vmem>>, vector<1x16xf32>,
      %scan3A_759 = arith.constant 0 : i32
      scf.yield %scan3A_759 : i32
    }
    %scan3A_89 = arith.constant 40 : i32
    "tpu.region"() ({
      %run_scoped3A = tpu.sem_alloc : memref<!tpu.dma_semaphore, #tpu.memory_space<semaphore_mem>>
      %dma_start3A_484 = arith.constant 0 : i32
      %dma_start3A_485 = tpu.memref_slice %arg10[%mul3A_0, %dma_start3A_484] : memref<10240x16xf32, #tpu.memory_space<vmem_shared>> -> memref<640x16xf32, #tpu.memory_space<vmem_shared>>
      %dma_start3A_486 = arith.constant 0 : i32
      %dma_start3A_487 = tpu.memref_slice %arg10[%mul3A_0, %dma_start3A_486] : memref<10240x16xf32, #tpu.memory_space<vmem_shared>> -> memref<640x16xf32, #tpu.memory_space<vmem_shared>>
      tpu.enqueue_dma source(%arg15 : memref<640x16xf32, #tpu.memory_space<vmem>>) target(%dma_start3A_487 : memref<640x16xf32, #tpu.memory_space<vmem_shared>>) target_semaphore(%run_scoped3A : memref<!tpu.dma_semaphore, #tpu.memory_space<semaphore_mem>>)
      %dma_wait3A_488 = arith.constant 0 : i32
      %dma_wait3A_489 = tpu.memref_slice %arg10[%mul3A_0, %dma_wait3A_488] : memref<10240x16xf32, #tpu.memory_space<vmem_shared>> -> memref<640x16xf32, #tpu.memory_space<vmem_shared>>
      %dma_wait3A_490 = arith.constant 0 : i32
      %dma_wait3A_491 = tpu.memref_slice %arg10[%mul3A_0, %dma_wait3A_490] : memref<10240x16xf32, #tpu.memory_space<vmem_shared>> -> memref<640x16xf32, #tpu.memory_space<vmem_shared>>
      tpu.wait_dma2 semaphore(%run_scoped3A : memref<!tpu.dma_semaphore, #tpu.memory_space<semaphore_mem>>) src(%arg15 : memref<640x16xf32, #tpu.memory_space<vmem>>) dst(%dma_wait3A_491 : memref<640x16xf32, #tpu.memory_space<vmem_shared>>)
      tpu.yield
    }) : () -> ()
    "tpu.region"() ({
      %run_scoped3A = tpu.sem_alloc : memref<!tpu.dma_semaphore, #tpu.memory_space<semaphore_mem>>
      %dma_start3A_484 = arith.constant 0 : i32
      %dma_start3A_485 = tpu.memref_slice %arg8[%mul3A_0, %dma_start3A_484] : memref<10240x16xf32, #tpu.memory_space<vmem_shared>> -> memref<640x16xf32, #tpu.memory_space<vmem_shared>>
      %dma_start3A_486 = arith.constant 0 : i32
      %dma_start3A_487 = tpu.memref_slice %arg8[%mul3A_0, %dma_start3A_486] : memref<10240x16xf32, #tpu.memory_space<vmem_shared>> -> memref<640x16xf32, #tpu.memory_space<vmem_shared>>
      tpu.enqueue_dma source(%arg15 : memref<640x16xf32, #tpu.memory_space<vmem>>) target(%dma_start3A_487 : memref<640x16xf32, #tpu.memory_space<vmem_shared>>) target_semaphore(%run_scoped3A : memref<!tpu.dma_semaphore, #tpu.memory_space<semaphore_mem>>)
      %dma_wait3A_488 = arith.constant 0 : i32
      %dma_wait3A_489 = tpu.memref_slice %arg8[%mul3A_0, %dma_wait3A_488] : memref<10240x16xf32, #tpu.memory_space<vmem_shared>> -> memref<640x16xf32, #tpu.memory_space<vmem_shared>>
      %dma_wait3A_490 = arith.constant 0 : i32
      %dma_wait3A_491 = tpu.memref_slice %arg8[%mul3A_0, %dma_wait3A_490] : memref<10240x16xf32, #tpu.memory_space<vmem_shared>> -> memref<640x16xf32, #tpu.memory_space<vmem_shared>>
      tpu.wait_dma2 semaphore(%run_scoped3A : memref<!tpu.dma_semaphore, #tpu.memory_space<semaphore_mem>>) src(%arg15 : memref<640x16xf32, #tpu.memory_space<vmem>>) dst(%dma_wait3A_491 : memref<640x16xf32, #tpu.memory_space<vmem_shared>>)
      tpu.yield
    }) : () -> ()
    %barrier3A_90 = arith.constant 0 : index
    tpu.barrier barrier_id(%barrier3A_90)
    %dma_start3A_91 = arith.constant 0 : i32
    %dma_start3A_92 = arith.constant 0 : i32
    %dma_start3A_93 = arith.constant 0 : i32
    %dma_start3A_94 = arith.constant 0 : i32
    %dma_start3A_95 = arith.constant 0 : i32
    %dma_start3A_96 = tpu.memref_slice %arg14[%dma_start3A_92, %dma_start3A_94, %dma_start3A_95] : memref<8x256x16xf32, #tpu.memory_space<vmem>> -> memref<1x256x16xf32, #tpu.memory_space<vmem>>
    %dma_start3A_97 = tpu.memref_squeeze %dma_start3A_96 : memref<1x256x16xf32, #tpu.memory_space<vmem>> -> memref<256x16xf32, #tpu.memory_space<vmem>>
    %dma_start3A_98 = arith.constant 0 : i32
    %dma_start3A_99 = tpu.memref_slice %arg12[%dma_start3A_91, %dma_start3A_98] : memref<80x256xi32, #tpu.memory_space<vmem>> -> memref<1x256xi32, #tpu.memory_space<vmem>>
    %dma_start3A_100 = tpu.memref_squeeze %dma_start3A_99 : memref<1x256xi32, #tpu.memory_space<vmem>> -> memref<256xi32, #tpu.memory_space<vmem>>
    %dma_start3A_101 = arith.constant 0 : i32
    %dma_start3A_102 = arith.constant 0 : i32
    %dma_start3A_103 = tpu.memref_slice %arg10[%dma_start3A_101, %dma_start3A_102] : memref<10240x16xf32, #tpu.memory_space<vmem_shared>> -> memref<10240x16xf32, #tpu.memory_space<vmem_shared>>
    %dma_start3A_104 = tpu.memref_slice %arg20[%dma_start3A_93] : memref<8x!tpu.dma_semaphore, #tpu.memory_space<semaphore_mem>> -> memref<1x!tpu.dma_semaphore, #tpu.memory_space<semaphore_mem>>
    %dma_start3A_105 = tpu.memref_squeeze %dma_start3A_104 : memref<1x!tpu.dma_semaphore, #tpu.memory_space<semaphore_mem>> -> memref<!tpu.dma_semaphore, #tpu.memory_space<semaphore_mem>>
    tpu.enqueue_indirect_dma source(%dma_start3A_103 : memref<10240x16xf32, #tpu.memory_space<vmem_shared>>) target(%dma_start3A_97 : memref<256x16xf32, #tpu.memory_space<vmem>>) offsets(%dma_start3A_100 : memref<256xi32, #tpu.memory_space<vmem>>) semaphore(%dma_start3A_105 : memref<!tpu.dma_semaphore, #tpu.memory_space<semaphore_mem>>)
    %dma_start3A_106 = arith.constant 1 : i32
    %dma_start3A_107 = arith.constant 1 : i32
    %dma_start3A_108 = arith.constant 1 : i32
    %dma_start3A_109 = arith.constant 0 : i32
    %dma_start3A_110 = arith.constant 0 : i32
    %dma_start3A_111 = tpu.memref_slice %arg14[%dma_start3A_107, %dma_start3A_109, %dma_start3A_110] : memref<8x256x16xf32, #tpu.memory_space<vmem>> -> memref<1x256x16xf32, #tpu.memory_space<vmem>>
    %dma_start3A_112 = tpu.memref_squeeze %dma_start3A_111 : memref<1x256x16xf32, #tpu.memory_space<vmem>> -> memref<256x16xf32, #tpu.memory_space<vmem>>
    %dma_start3A_113 = arith.constant 0 : i32
    %dma_start3A_114 = tpu.memref_slice %arg12[%dma_start3A_106, %dma_start3A_113] : memref<80x256xi32, #tpu.memory_space<vmem>> -> memref<1x256xi32, #tpu.memory_space<vmem>>
    %dma_start3A_115 = tpu.memref_squeeze %dma_start3A_114 : memref<1x256xi32, #tpu.memory_space<vmem>> -> memref<256xi32, #tpu.memory_space<vmem>>
    %dma_start3A_116 = arith.constant 0 : i32
    %dma_start3A_117 = arith.constant 0 : i32
    %dma_start3A_118 = tpu.memref_slice %arg10[%dma_start3A_116, %dma_start3A_117] : memref<10240x16xf32, #tpu.memory_space<vmem_shared>> -> memref<10240x16xf32, #tpu.memory_space<vmem_shared>>
    %dma_start3A_119 = tpu.memref_slice %arg20[%dma_start3A_108] : memref<8x!tpu.dma_semaphore, #tpu.memory_space<semaphore_mem>> -> memref<1x!tpu.dma_semaphore, #tpu.memory_space<semaphore_mem>>
    %dma_start3A_120 = tpu.memref_squeeze %dma_start3A_119 : memref<1x!tpu.dma_semaphore, #tpu.memory_space<semaphore_mem>> -> memref<!tpu.dma_semaphore, #tpu.memory_space<semaphore_mem>>
    tpu.enqueue_indirect_dma source(%dma_start3A_118 : memref<10240x16xf32, #tpu.memory_space<vmem_shared>>) target(%dma_start3A_112 : memref<256x16xf32, #tpu.memory_space<vmem>>) offsets(%dma_start3A_115 : memref<256xi32, #tpu.memory_space<vmem>>) semaphore(%dma_start3A_120 : memref<!tpu.dma_semaphore, #tpu.memory_space<semaphore_mem>>)
    %dma_start3A_121 = arith.constant 2 : i32
    %dma_start3A_122 = arith.constant 2 : i32
    %dma_start3A_123 = arith.constant 2 : i32
    %dma_start3A_124 = arith.constant 0 : i32
    %dma_start3A_125 = arith.constant 0 : i32
    %dma_start3A_126 = tpu.memref_slice %arg14[%dma_start3A_122, %dma_start3A_124, %dma_start3A_125] : memref<8x256x16xf32, #tpu.memory_space<vmem>> -> memref<1x256x16xf32, #tpu.memory_space<vmem>>
    %dma_start3A_127 = tpu.memref_squeeze %dma_start3A_126 : memref<1x256x16xf32, #tpu.memory_space<vmem>> -> memref<256x16xf32, #tpu.memory_space<vmem>>
    %dma_start3A_128 = arith.constant 0 : i32
    %dma_start3A_129 = tpu.memref_slice %arg12[%dma_start3A_121, %dma_start3A_128] : memref<80x256xi32, #tpu.memory_space<vmem>> -> memref<1x256xi32, #tpu.memory_space<vmem>>
    %dma_start3A_130 = tpu.memref_squeeze %dma_start3A_129 : memref<1x256xi32, #tpu.memory_space<vmem>> -> memref<256xi32, #tpu.memory_space<vmem>>
    %dma_start3A_131 = arith.constant 0 : i32
    %dma_start3A_132 = arith.constant 0 : i32
    %dma_start3A_133 = tpu.memref_slice %arg10[%dma_start3A_131, %dma_start3A_132] : memref<10240x16xf32, #tpu.memory_space<vmem_shared>> -> memref<10240x16xf32, #tpu.memory_space<vmem_shared>>
    %dma_start3A_134 = tpu.memref_slice %arg20[%dma_start3A_123] : memref<8x!tpu.dma_semaphore, #tpu.memory_space<semaphore_mem>> -> memref<1x!tpu.dma_semaphore, #tpu.memory_space<semaphore_mem>>
    %dma_start3A_135 = tpu.memref_squeeze %dma_start3A_134 : memref<1x!tpu.dma_semaphore, #tpu.memory_space<semaphore_mem>> -> memref<!tpu.dma_semaphore, #tpu.memory_space<semaphore_mem>>
    tpu.enqueue_indirect_dma source(%dma_start3A_133 : memref<10240x16xf32, #tpu.memory_space<vmem_shared>>) target(%dma_start3A_127 : memref<256x16xf32, #tpu.memory_space<vmem>>) offsets(%dma_start3A_130 : memref<256xi32, #tpu.memory_space<vmem>>) semaphore(%dma_start3A_135 : memref<!tpu.dma_semaphore, #tpu.memory_space<semaphore_mem>>)
    %dma_start3A_136 = arith.constant 3 : i32
    %dma_start3A_137 = arith.constant 3 : i32
    %dma_start3A_138 = arith.constant 3 : i32
    %dma_start3A_139 = arith.constant 0 : i32
    %dma_start3A_140 = arith.constant 0 : i32
    %dma_start3A_141 = tpu.memref_slice %arg14[%dma_start3A_137, %dma_start3A_139, %dma_start3A_140] : memref<8x256x16xf32, #tpu.memory_space<vmem>> -> memref<1x256x16xf32, #tpu.memory_space<vmem>>
    %dma_start3A_142 = tpu.memref_squeeze %dma_start3A_141 : memref<1x256x16xf32, #tpu.memory_space<vmem>> -> memref<256x16xf32, #tpu.memory_space<vmem>>
    %dma_start3A_143 = arith.constant 0 : i32
    %dma_start3A_144 = tpu.memref_slice %arg12[%dma_start3A_136, %dma_start3A_143] : memref<80x256xi32, #tpu.memory_space<vmem>> -> memref<1x256xi32, #tpu.memory_space<vmem>>
    %dma_start3A_145 = tpu.memref_squeeze %dma_start3A_144 : memref<1x256xi32, #tpu.memory_space<vmem>> -> memref<256xi32, #tpu.memory_space<vmem>>
    %dma_start3A_146 = arith.constant 0 : i32
    %dma_start3A_147 = arith.constant 0 : i32
    %dma_start3A_148 = tpu.memref_slice %arg10[%dma_start3A_146, %dma_start3A_147] : memref<10240x16xf32, #tpu.memory_space<vmem_shared>> -> memref<10240x16xf32, #tpu.memory_space<vmem_shared>>
    %dma_start3A_149 = tpu.memref_slice %arg20[%dma_start3A_138] : memref<8x!tpu.dma_semaphore, #tpu.memory_space<semaphore_mem>> -> memref<1x!tpu.dma_semaphore, #tpu.memory_space<semaphore_mem>>
    %dma_start3A_150 = tpu.memref_squeeze %dma_start3A_149 : memref<1x!tpu.dma_semaphore, #tpu.memory_space<semaphore_mem>> -> memref<!tpu.dma_semaphore, #tpu.memory_space<semaphore_mem>>
    tpu.enqueue_indirect_dma source(%dma_start3A_148 : memref<10240x16xf32, #tpu.memory_space<vmem_shared>>) target(%dma_start3A_142 : memref<256x16xf32, #tpu.memory_space<vmem>>) offsets(%dma_start3A_145 : memref<256xi32, #tpu.memory_space<vmem>>) semaphore(%dma_start3A_150 : memref<!tpu.dma_semaphore, #tpu.memory_space<semaphore_mem>>)
    %scan3A_151 = arith.constant 0 : i32
    %scan3A_152 = arith.constant 0 : i32
    %scan3A_153 = arith.constant 10 : i32
    %scan3A_154 = arith.addi %scan3A_152, %scan3A_153 : i32
    %scan3A_155 = arith.constant 1 : i32
    %scan3A_156 = scf.for %scan3A_484 = %scan3A_152 to %scan3A_154 step %scan3A_155 iter_args(%scan3A_485 = %scan3A_151) -> (i32)  : i32 {
      %mul3A_486 = arith.constant 8 : i32
      %mul3A_487 = arith.muli %scan3A_484, %mul3A_486 : i32
      %add3A = arith.constant 0 : i32
      %add3A_488 = arith.addi %mul3A_487, %add3A : i32
      %dma_wait3A_489 = arith.constant 0 : i32
      %dma_wait3A_490 = arith.constant 0 : i32
      %dma_wait3A_491 = arith.constant 0 : i32
      %dma_wait3A_492 = arith.constant 0 : i32
      %dma_wait3A_493 = arith.constant 0 : i32
      %dma_wait3A_494 = tpu.memref_slice %arg14[%dma_wait3A_490, %dma_wait3A_492, %dma_wait3A_493] : memref<8x256x16xf32, #tpu.memory_space<vmem>> -> memref<1x256x16xf32, #tpu.memory_space<vmem>>
      %dma_wait3A_495 = tpu.memref_squeeze %dma_wait3A_494 : memref<1x256x16xf32, #tpu.memory_space<vmem>> -> memref<256x16xf32, #tpu.memory_space<vmem>>
      %dma_wait3A_496 = arith.constant 0 : i32
      %dma_wait3A_497 = tpu.memref_slice %arg12[%dma_wait3A_489, %dma_wait3A_496] : memref<80x256xi32, #tpu.memory_space<vmem>> -> memref<1x256xi32, #tpu.memory_space<vmem>>
      %dma_wait3A_498 = tpu.memref_squeeze %dma_wait3A_497 : memref<1x256xi32, #tpu.memory_space<vmem>> -> memref<256xi32, #tpu.memory_space<vmem>>
      %dma_wait3A_499 = arith.constant 0 : i32
      %dma_wait3A_500 = arith.constant 0 : i32
      %dma_wait3A_501 = tpu.memref_slice %arg10[%dma_wait3A_499, %dma_wait3A_500] : memref<10240x16xf32, #tpu.memory_space<vmem_shared>> -> memref<10240x16xf32, #tpu.memory_space<vmem_shared>>
      %dma_wait3A_502 = tpu.memref_slice %arg20[%dma_wait3A_491] : memref<8x!tpu.dma_semaphore, #tpu.memory_space<semaphore_mem>> -> memref<1x!tpu.dma_semaphore, #tpu.memory_space<semaphore_mem>>
      %dma_wait3A_503 = tpu.memref_squeeze %dma_wait3A_502 : memref<1x!tpu.dma_semaphore, #tpu.memory_space<semaphore_mem>> -> memref<!tpu.dma_semaphore, #tpu.memory_space<semaphore_mem>>
      tpu.wait_indirect_dma semaphore(%dma_wait3A_503 : memref<!tpu.dma_semaphore, #tpu.memory_space<semaphore_mem>>) src(%dma_wait3A_501 : memref<10240x16xf32, #tpu.memory_space<vmem_shared>>) dst(%dma_wait3A_495 : memref<256x16xf32, #tpu.memory_space<vmem>>)
      %dma_start3A_504 = arith.constant 0 : i32
      %dma_start3A_505 = arith.constant 0 : i32
      %dma_start3A_506 = arith.constant 0 : i32
      %dma_start3A_507 = arith.constant 0 : i32
      %dma_start3A_508 = tpu.memref_slice %arg14[%dma_start3A_504, %dma_start3A_506, %dma_start3A_507] : memref<8x256x16xf32, #tpu.memory_space<vmem>> -> memref<1x256x16xf32, #tpu.memory_space<vmem>>
      %dma_start3A_509 = tpu.memref_squeeze %dma_start3A_508 : memref<1x256x16xf32, #tpu.memory_space<vmem>> -> memref<256x16xf32, #tpu.memory_space<vmem>>
      %dma_start3A_510 = arith.constant 0 : i32
      %dma_start3A_511 = tpu.memref_slice %arg13[%add3A_488, %dma_start3A_510] : memref<80x256xi32, #tpu.memory_space<vmem>> -> memref<1x256xi32, #tpu.memory_space<vmem>>
      %dma_start3A_512 = tpu.memref_squeeze %dma_start3A_511 : memref<1x256xi32, #tpu.memory_space<vmem>> -> memref<256xi32, #tpu.memory_space<vmem>>
      %dma_start3A_513 = arith.constant 0 : i32
      %dma_start3A_514 = arith.constant 0 : i32
      %dma_start3A_515 = tpu.memref_slice %arg8[%dma_start3A_513, %dma_start3A_514] : memref<10240x16xf32, #tpu.memory_space<vmem_shared>> -> memref<10240x16xf32, #tpu.memory_space<vmem_shared>>
      %dma_start3A_516 = tpu.memref_slice %arg21[%dma_start3A_505] : memref<8x!tpu.dma_semaphore, #tpu.memory_space<semaphore_mem>> -> memref<1x!tpu.dma_semaphore, #tpu.memory_space<semaphore_mem>>
      %dma_start3A_517 = tpu.memref_squeeze %dma_start3A_516 : memref<1x!tpu.dma_semaphore, #tpu.memory_space<semaphore_mem>> -> memref<!tpu.dma_semaphore, #tpu.memory_space<semaphore_mem>>
      tpu.enqueue_indirect_dma source(%dma_start3A_509 : memref<256x16xf32, #tpu.memory_space<vmem>>) target(%dma_start3A_515 : memref<10240x16xf32, #tpu.memory_space<vmem_shared>>) offsets(%dma_start3A_512 : memref<256xi32, #tpu.memory_space<vmem>>) semaphore(%dma_start3A_517 : memref<!tpu.dma_semaphore, #tpu.memory_space<semaphore_mem>>) {add = true}
      %add3A_518 = arith.constant 4 : i32
      %add3A_519 = arith.addi %add3A_488, %add3A_518 : i32
      %lt3A = arith.constant 80 : i32
      %lt3A_520 = arith.cmpi slt, %add3A_519, %lt3A : i32
      %convert_element_type3A = arith.extui %lt3A_520 : i1 to i32
      %cond3A = arith.constant 0 : i32
      %cond3A_521 = arith.cmpi ne, %convert_element_type3A, %cond3A : i32
      scf.if %cond3A_521 {
        %ge3A = arith.constant 4 : i32
        %ge3A_803 = arith.cmpi sge, %add3A_488, %ge3A : i32
        %convert_element_type3A_804 = arith.extui %ge3A_803 : i1 to i32
        %cond3A_805 = arith.constant 0 : i32
        %cond3A_806 = arith.cmpi ne, %convert_element_type3A_804, %cond3A_805 : i32
        scf.if %cond3A_806 {
          %dma_wait3A_823 = arith.constant 4 : i32
          %dma_wait3A_824 = arith.constant 0 : i32
          %dma_wait3A_825 = arith.constant 4 : i32
          %dma_wait3A_826 = arith.constant 0 : i32
          %dma_wait3A_827 = arith.constant 0 : i32
          %dma_wait3A_828 = tpu.memref_slice %arg14[%dma_wait3A_823, %dma_wait3A_826, %dma_wait3A_827] : memref<8x256x16xf32, #tpu.memory_space<vmem>> -> memref<1x256x16xf32, #tpu.memory_space<vmem>>
          %dma_wait3A_829 = tpu.memref_squeeze %dma_wait3A_828 : memref<1x256x16xf32, #tpu.memory_space<vmem>> -> memref<256x16xf32, #tpu.memory_space<vmem>>
          %dma_wait3A_830 = arith.constant 0 : i32
          %dma_wait3A_831 = tpu.memref_slice %arg13[%dma_wait3A_824, %dma_wait3A_830] : memref<80x256xi32, #tpu.memory_space<vmem>> -> memref<1x256xi32, #tpu.memory_space<vmem>>
          %dma_wait3A_832 = tpu.memref_squeeze %dma_wait3A_831 : memref<1x256xi32, #tpu.memory_space<vmem>> -> memref<256xi32, #tpu.memory_space<vmem>>
          %dma_wait3A_833 = arith.constant 0 : i32
          %dma_wait3A_834 = arith.constant 0 : i32
          %dma_wait3A_835 = tpu.memref_slice %arg8[%dma_wait3A_833, %dma_wait3A_834] : memref<10240x16xf32, #tpu.memory_space<vmem_shared>> -> memref<10240x16xf32, #tpu.memory_space<vmem_shared>>
          %dma_wait3A_836 = tpu.memref_slice %arg21[%dma_wait3A_825] : memref<8x!tpu.dma_semaphore, #tpu.memory_space<semaphore_mem>> -> memref<1x!tpu.dma_semaphore, #tpu.memory_space<semaphore_mem>>
          %dma_wait3A_837 = tpu.memref_squeeze %dma_wait3A_836 : memref<1x!tpu.dma_semaphore, #tpu.memory_space<semaphore_mem>> -> memref<!tpu.dma_semaphore, #tpu.memory_space<semaphore_mem>>
          tpu.wait_indirect_dma semaphore(%dma_wait3A_837 : memref<!tpu.dma_semaphore, #tpu.memory_space<semaphore_mem>>) src(%dma_wait3A_829 : memref<256x16xf32, #tpu.memory_space<vmem>>) dst(%dma_wait3A_835 : memref<10240x16xf32, #tpu.memory_space<vmem_shared>>)
        } else {
        }
        %add3A_807 = arith.constant 4 : i32
        %add3A_808 = arith.addi %add3A_488, %add3A_807 : i32
        %dma_start3A_809 = arith.constant 4 : i32
        %dma_start3A_810 = arith.constant 4 : i32
        %dma_start3A_811 = arith.constant 0 : i32
        %dma_start3A_812 = arith.constant 0 : i32
        %dma_start3A_813 = tpu.memref_slice %arg14[%dma_start3A_809, %dma_start3A_811, %dma_start3A_812] : memref<8x256x16xf32, #tpu.memory_space<vmem>> -> memref<1x256x16xf32, #tpu.memory_space<vmem>>
        %dma_start3A_814 = tpu.memref_squeeze %dma_start3A_813 : memref<1x256x16xf32, #tpu.memory_space<vmem>> -> memref<256x16xf32, #tpu.memory_space<vmem>>
        %dma_start3A_815 = arith.constant 0 : i32
        %dma_start3A_816 = tpu.memref_slice %arg12[%add3A_808, %dma_start3A_815] : memref<80x256xi32, #tpu.memory_space<vmem>> -> memref<1x256xi32, #tpu.memory_space<vmem>>
        %dma_start3A_817 = tpu.memref_squeeze %dma_start3A_816 : memref<1x256xi32, #tpu.memory_space<vmem>> -> memref<256xi32, #tpu.memory_space<vmem>>
        %dma_start3A_818 = arith.constant 0 : i32
        %dma_start3A_819 = arith.constant 0 : i32
        %dma_start3A_820 = tpu.memref_slice %arg10[%dma_start3A_818, %dma_start3A_819] : memref<10240x16xf32, #tpu.memory_space<vmem_shared>> -> memref<10240x16xf32, #tpu.memory_space<vmem_shared>>
        %dma_start3A_821 = tpu.memref_slice %arg20[%dma_start3A_810] : memref<8x!tpu.dma_semaphore, #tpu.memory_space<semaphore_mem>> -> memref<1x!tpu.dma_semaphore, #tpu.memory_space<semaphore_mem>>
        %dma_start3A_822 = tpu.memref_squeeze %dma_start3A_821 : memref<1x!tpu.dma_semaphore, #tpu.memory_space<semaphore_mem>> -> memref<!tpu.dma_semaphore, #tpu.memory_space<semaphore_mem>>
        tpu.enqueue_indirect_dma source(%dma_start3A_820 : memref<10240x16xf32, #tpu.memory_space<vmem_shared>>) target(%dma_start3A_814 : memref<256x16xf32, #tpu.memory_space<vmem>>) offsets(%dma_start3A_817 : memref<256xi32, #tpu.memory_space<vmem>>) semaphore(%dma_start3A_822 : memref<!tpu.dma_semaphore, #tpu.memory_space<semaphore_mem>>)
      } else {
      }
      %mul3A_522 = arith.constant 8 : i32
      %mul3A_523 = arith.muli %scan3A_484, %mul3A_522 : i32
      %add3A_524 = arith.constant 1 : i32
      %add3A_525 = arith.addi %mul3A_523, %add3A_524 : i32
      %dma_wait3A_526 = arith.constant 0 : i32
      %dma_wait3A_527 = arith.constant 1 : i32
      %dma_wait3A_528 = arith.constant 1 : i32
      %dma_wait3A_529 = arith.constant 0 : i32
      %dma_wait3A_530 = arith.constant 0 : i32
      %dma_wait3A_531 = tpu.memref_slice %arg14[%dma_wait3A_527, %dma_wait3A_529, %dma_wait3A_530] : memref<8x256x16xf32, #tpu.memory_space<vmem>> -> memref<1x256x16xf32, #tpu.memory_space<vmem>>
      %dma_wait3A_532 = tpu.memref_squeeze %dma_wait3A_531 : memref<1x256x16xf32, #tpu.memory_space<vmem>> -> memref<256x16xf32, #tpu.memory_space<vmem>>
      %dma_wait3A_533 = arith.constant 0 : i32
      %dma_wait3A_534 = tpu.memref_slice %arg12[%dma_wait3A_526, %dma_wait3A_533] : memref<80x256xi32, #tpu.memory_space<vmem>> -> memref<1x256xi32, #tpu.memory_space<vmem>>
      %dma_wait3A_535 = tpu.memref_squeeze %dma_wait3A_534 : memref<1x256xi32, #tpu.memory_space<vmem>> -> memref<256xi32, #tpu.memory_space<vmem>>
      %dma_wait3A_536 = arith.constant 0 : i32
      %dma_wait3A_537 = arith.constant 0 : i32
      %dma_wait3A_538 = tpu.memref_slice %arg10[%dma_wait3A_536, %dma_wait3A_537] : memref<10240x16xf32, #tpu.memory_space<vmem_shared>> -> memref<10240x16xf32, #tpu.memory_space<vmem_shared>>
      %dma_wait3A_539 = tpu.memref_slice %arg20[%dma_wait3A_528] : memref<8x!tpu.dma_semaphore, #tpu.memory_space<semaphore_mem>> -> memref<1x!tpu.dma_semaphore, #tpu.memory_space<semaphore_mem>>
      %dma_wait3A_540 = tpu.memref_squeeze %dma_wait3A_539 : memref<1x!tpu.dma_semaphore, #tpu.memory_space<semaphore_mem>> -> memref<!tpu.dma_semaphore, #tpu.memory_space<semaphore_mem>>
      tpu.wait_indirect_dma semaphore(%dma_wait3A_540 : memref<!tpu.dma_semaphore, #tpu.memory_space<semaphore_mem>>) src(%dma_wait3A_538 : memref<10240x16xf32, #tpu.memory_space<vmem_shared>>) dst(%dma_wait3A_532 : memref<256x16xf32, #tpu.memory_space<vmem>>)
      %dma_start3A_541 = arith.constant 1 : i32
      %dma_start3A_542 = arith.constant 1 : i32
      %dma_start3A_543 = arith.constant 0 : i32
      %dma_start3A_544 = arith.constant 0 : i32
      %dma_start3A_545 = tpu.memref_slice %arg14[%dma_start3A_541, %dma_start3A_543, %dma_start3A_544] : memref<8x256x16xf32, #tpu.memory_space<vmem>> -> memref<1x256x16xf32, #tpu.memory_space<vmem>>
      %dma_start3A_546 = tpu.memref_squeeze %dma_start3A_545 : memref<1x256x16xf32, #tpu.memory_space<vmem>> -> memref<256x16xf32, #tpu.memory_space<vmem>>
      %dma_start3A_547 = arith.constant 0 : i32
      %dma_start3A_548 = tpu.memref_slice %arg13[%add3A_525, %dma_start3A_547] : memref<80x256xi32, #tpu.memory_space<vmem>> -> memref<1x256xi32, #tpu.memory_space<vmem>>
      %dma_start3A_549 = tpu.memref_squeeze %dma_start3A_548 : memref<1x256xi32, #tpu.memory_space<vmem>> -> memref<256xi32, #tpu.memory_space<vmem>>
      %dma_start3A_550 = arith.constant 0 : i32
      %dma_start3A_551 = arith.constant 0 : i32
      %dma_start3A_552 = tpu.memref_slice %arg8[%dma_start3A_550, %dma_start3A_551] : memref<10240x16xf32, #tpu.memory_space<vmem_shared>> -> memref<10240x16xf32, #tpu.memory_space<vmem_shared>>
      %dma_start3A_553 = tpu.memref_slice %arg21[%dma_start3A_542] : memref<8x!tpu.dma_semaphore, #tpu.memory_space<semaphore_mem>> -> memref<1x!tpu.dma_semaphore, #tpu.memory_space<semaphore_mem>>
      %dma_start3A_554 = tpu.memref_squeeze %dma_start3A_553 : memref<1x!tpu.dma_semaphore, #tpu.memory_space<semaphore_mem>> -> memref<!tpu.dma_semaphore, #tpu.memory_space<semaphore_mem>>
      tpu.enqueue_indirect_dma source(%dma_start3A_546 : memref<256x16xf32, #tpu.memory_space<vmem>>) target(%dma_start3A_552 : memref<10240x16xf32, #tpu.memory_space<vmem_shared>>) offsets(%dma_start3A_549 : memref<256xi32, #tpu.memory_space<vmem>>) semaphore(%dma_start3A_554 : memref<!tpu.dma_semaphore, #tpu.memory_space<semaphore_mem>>) {add = true}
      %add3A_555 = arith.constant 4 : i32
      %add3A_556 = arith.addi %add3A_525, %add3A_555 : i32
      %lt3A_557 = arith.constant 80 : i32
      %lt3A_558 = arith.cmpi slt, %add3A_556, %lt3A_557 : i32
      %convert_element_type3A_559 = arith.extui %lt3A_558 : i1 to i32
      %cond3A_560 = arith.constant 0 : i32
      %cond3A_561 = arith.cmpi ne, %convert_element_type3A_559, %cond3A_560 : i32
      scf.if %cond3A_561 {
        %ge3A = arith.constant 4 : i32
        %ge3A_803 = arith.cmpi sge, %add3A_525, %ge3A : i32
        %convert_element_type3A_804 = arith.extui %ge3A_803 : i1 to i32
        %cond3A_805 = arith.constant 0 : i32
        %cond3A_806 = arith.cmpi ne, %convert_element_type3A_804, %cond3A_805 : i32
        scf.if %cond3A_806 {
          %dma_wait3A_823 = arith.constant 5 : i32
          %dma_wait3A_824 = arith.constant 0 : i32
          %dma_wait3A_825 = arith.constant 5 : i32
          %dma_wait3A_826 = arith.constant 0 : i32
          %dma_wait3A_827 = arith.constant 0 : i32
          %dma_wait3A_828 = tpu.memref_slice %arg14[%dma_wait3A_823, %dma_wait3A_826, %dma_wait3A_827] : memref<8x256x16xf32, #tpu.memory_space<vmem>> -> memref<1x256x16xf32, #tpu.memory_space<vmem>>
          %dma_wait3A_829 = tpu.memref_squeeze %dma_wait3A_828 : memref<1x256x16xf32, #tpu.memory_space<vmem>> -> memref<256x16xf32, #tpu.memory_space<vmem>>
          %dma_wait3A_830 = arith.constant 0 : i32
          %dma_wait3A_831 = tpu.memref_slice %arg13[%dma_wait3A_824, %dma_wait3A_830] : memref<80x256xi32, #tpu.memory_space<vmem>> -> memref<1x256xi32, #tpu.memory_space<vmem>>
          %dma_wait3A_832 = tpu.memref_squeeze %dma_wait3A_831 : memref<1x256xi32, #tpu.memory_space<vmem>> -> memref<256xi32, #tpu.memory_space<vmem>>
          %dma_wait3A_833 = arith.constant 0 : i32
          %dma_wait3A_834 = arith.constant 0 : i32
          %dma_wait3A_835 = tpu.memref_slice %arg8[%dma_wait3A_833, %dma_wait3A_834] : memref<10240x16xf32, #tpu.memory_space<vmem_shared>> -> memref<10240x16xf32, #tpu.memory_space<vmem_shared>>
          %dma_wait3A_836 = tpu.memref_slice %arg21[%dma_wait3A_825] : memref<8x!tpu.dma_semaphore, #tpu.memory_space<semaphore_mem>> -> memref<1x!tpu.dma_semaphore, #tpu.memory_space<semaphore_mem>>
          %dma_wait3A_837 = tpu.memref_squeeze %dma_wait3A_836 : memref<1x!tpu.dma_semaphore, #tpu.memory_space<semaphore_mem>> -> memref<!tpu.dma_semaphore, #tpu.memory_space<semaphore_mem>>
          tpu.wait_indirect_dma semaphore(%dma_wait3A_837 : memref<!tpu.dma_semaphore, #tpu.memory_space<semaphore_mem>>) src(%dma_wait3A_829 : memref<256x16xf32, #tpu.memory_space<vmem>>) dst(%dma_wait3A_835 : memref<10240x16xf32, #tpu.memory_space<vmem_shared>>)
        } else {
        }
        %add3A_807 = arith.constant 4 : i32
        %add3A_808 = arith.addi %add3A_525, %add3A_807 : i32
        %dma_start3A_809 = arith.constant 5 : i32
        %dma_start3A_810 = arith.constant 5 : i32
        %dma_start3A_811 = arith.constant 0 : i32
        %dma_start3A_812 = arith.constant 0 : i32
        %dma_start3A_813 = tpu.memref_slice %arg14[%dma_start3A_809, %dma_start3A_811, %dma_start3A_812] : memref<8x256x16xf32, #tpu.memory_space<vmem>> -> memref<1x256x16xf32, #tpu.memory_space<vmem>>
        %dma_start3A_814 = tpu.memref_squeeze %dma_start3A_813 : memref<1x256x16xf32, #tpu.memory_space<vmem>> -> memref<256x16xf32, #tpu.memory_space<vmem>>
        %dma_start3A_815 = arith.constant 0 : i32
        %dma_start3A_816 = tpu.memref_slice %arg12[%add3A_808, %dma_start3A_815] : memref<80x256xi32, #tpu.memory_space<vmem>> -> memref<1x256xi32, #tpu.memory_space<vmem>>
        %dma_start3A_817 = tpu.memref_squeeze %dma_start3A_816 : memref<1x256xi32, #tpu.memory_space<vmem>> -> memref<256xi32, #tpu.memory_space<vmem>>
        %dma_start3A_818 = arith.constant 0 : i32
        %dma_start3A_819 = arith.constant 0 : i32
        %dma_start3A_820 = tpu.memref_slice %arg10[%dma_start3A_818, %dma_start3A_819] : memref<10240x16xf32, #tpu.memory_space<vmem_shared>> -> memref<10240x16xf32, #tpu.memory_space<vmem_shared>>
        %dma_start3A_821 = tpu.memref_slice %arg20[%dma_start3A_810] : memref<8x!tpu.dma_semaphore, #tpu.memory_space<semaphore_mem>> -> memref<1x!tpu.dma_semaphore, #tpu.memory_space<semaphore_mem>>
        %dma_start3A_822 = tpu.memref_squeeze %dma_start3A_821 : memref<1x!tpu.dma_semaphore, #tpu.memory_space<semaphore_mem>> -> memref<!tpu.dma_semaphore, #tpu.memory_space<semaphore_mem>>
        tpu.enqueue_indirect_dma source(%dma_start3A_820 : memref<10240x16xf32, #tpu.memory_space<vmem_shared>>) target(%dma_start3A_814 : memref<256x16xf32, #tpu.memory_space<vmem>>) offsets(%dma_start3A_817 : memref<256xi32, #tpu.memory_space<vmem>>) semaphore(%dma_start3A_822 : memref<!tpu.dma_semaphore, #tpu.memory_space<semaphore_mem>>)
      } else {
      }
      %mul3A_562 = arith.constant 8 : i32
      %mul3A_563 = arith.muli %scan3A_484, %mul3A_562 : i32
      %add3A_564 = arith.constant 2 : i32
      %add3A_565 = arith.addi %mul3A_563, %add3A_564 : i32
      %dma_wait3A_566 = arith.constant 0 : i32
      %dma_wait3A_567 = arith.constant 2 : i32
      %dma_wait3A_568 = arith.constant 2 : i32
      %dma_wait3A_569 = arith.constant 0 : i32
      %dma_wait3A_570 = arith.constant 0 : i32
      %dma_wait3A_571 = tpu.memref_slice %arg14[%dma_wait3A_567, %dma_wait3A_569, %dma_wait3A_570] : memref<8x256x16xf32, #tpu.memory_space<vmem>> -> memref<1x256x16xf32, #tpu.memory_space<vmem>>
      %dma_wait3A_572 = tpu.memref_squeeze %dma_wait3A_571 : memref<1x256x16xf32, #tpu.memory_space<vmem>> -> memref<256x16xf32, #tpu.memory_space<vmem>>
      %dma_wait3A_573 = arith.constant 0 : i32
      %dma_wait3A_574 = tpu.memref_slice %arg12[%dma_wait3A_566, %dma_wait3A_573] : memref<80x256xi32, #tpu.memory_space<vmem>> -> memref<1x256xi32, #tpu.memory_space<vmem>>
      %dma_wait3A_575 = tpu.memref_squeeze %dma_wait3A_574 : memref<1x256xi32, #tpu.memory_space<vmem>> -> memref<256xi32, #tpu.memory_space<vmem>>
      %dma_wait3A_576 = arith.constant 0 : i32
      %dma_wait3A_577 = arith.constant 0 : i32
      %dma_wait3A_578 = tpu.memref_slice %arg10[%dma_wait3A_576, %dma_wait3A_577] : memref<10240x16xf32, #tpu.memory_space<vmem_shared>> -> memref<10240x16xf32, #tpu.memory_space<vmem_shared>>
      %dma_wait3A_579 = tpu.memref_slice %arg20[%dma_wait3A_568] : memref<8x!tpu.dma_semaphore, #tpu.memory_space<semaphore_mem>> -> memref<1x!tpu.dma_semaphore, #tpu.memory_space<semaphore_mem>>
      %dma_wait3A_580 = tpu.memref_squeeze %dma_wait3A_579 : memref<1x!tpu.dma_semaphore, #tpu.memory_space<semaphore_mem>> -> memref<!tpu.dma_semaphore, #tpu.memory_space<semaphore_mem>>
      tpu.wait_indirect_dma semaphore(%dma_wait3A_580 : memref<!tpu.dma_semaphore, #tpu.memory_space<semaphore_mem>>) src(%dma_wait3A_578 : memref<10240x16xf32, #tpu.memory_space<vmem_shared>>) dst(%dma_wait3A_572 : memref<256x16xf32, #tpu.memory_space<vmem>>)
      %dma_start3A_581 = arith.constant 2 : i32
      %dma_start3A_582 = arith.constant 2 : i32
      %dma_start3A_583 = arith.constant 0 : i32
      %dma_start3A_584 = arith.constant 0 : i32
      %dma_start3A_585 = tpu.memref_slice %arg14[%dma_start3A_581, %dma_start3A_583, %dma_start3A_584] : memref<8x256x16xf32, #tpu.memory_space<vmem>> -> memref<1x256x16xf32, #tpu.memory_space<vmem>>
      %dma_start3A_586 = tpu.memref_squeeze %dma_start3A_585 : memref<1x256x16xf32, #tpu.memory_space<vmem>> -> memref<256x16xf32, #tpu.memory_space<vmem>>
      %dma_start3A_587 = arith.constant 0 : i32
      %dma_start3A_588 = tpu.memref_slice %arg13[%add3A_565, %dma_start3A_587] : memref<80x256xi32, #tpu.memory_space<vmem>> -> memref<1x256xi32, #tpu.memory_space<vmem>>
      %dma_start3A_589 = tpu.memref_squeeze %dma_start3A_588 : memref<1x256xi32, #tpu.memory_space<vmem>> -> memref<256xi32, #tpu.memory_space<vmem>>
      %dma_start3A_590 = arith.constant 0 : i32
      %dma_start3A_591 = arith.constant 0 : i32
      %dma_start3A_592 = tpu.memref_slice %arg8[%dma_start3A_590, %dma_start3A_591] : memref<10240x16xf32, #tpu.memory_space<vmem_shared>> -> memref<10240x16xf32, #tpu.memory_space<vmem_shared>>
      %dma_start3A_593 = tpu.memref_slice %arg21[%dma_start3A_582] : memref<8x!tpu.dma_semaphore, #tpu.memory_space<semaphore_mem>> -> memref<1x!tpu.dma_semaphore, #tpu.memory_space<semaphore_mem>>
      %dma_start3A_594 = tpu.memref_squeeze %dma_start3A_593 : memref<1x!tpu.dma_semaphore, #tpu.memory_space<semaphore_mem>> -> memref<!tpu.dma_semaphore, #tpu.memory_space<semaphore_mem>>
      tpu.enqueue_indirect_dma source(%dma_start3A_586 : memref<256x16xf32, #tpu.memory_space<vmem>>) target(%dma_start3A_592 : memref<10240x16xf32, #tpu.memory_space<vmem_shared>>) offsets(%dma_start3A_589 : memref<256xi32, #tpu.memory_space<vmem>>) semaphore(%dma_start3A_594 : memref<!tpu.dma_semaphore, #tpu.memory_space<semaphore_mem>>) {add = true}
      %add3A_595 = arith.constant 4 : i32
      %add3A_596 = arith.addi %add3A_565, %add3A_595 : i32
      %lt3A_597 = arith.constant 80 : i32
      %lt3A_598 = arith.cmpi slt, %add3A_596, %lt3A_597 : i32
      %convert_element_type3A_599 = arith.extui %lt3A_598 : i1 to i32
      %cond3A_600 = arith.constant 0 : i32
      %cond3A_601 = arith.cmpi ne, %convert_element_type3A_599, %cond3A_600 : i32
      scf.if %cond3A_601 {
        %ge3A = arith.constant 4 : i32
        %ge3A_803 = arith.cmpi sge, %add3A_565, %ge3A : i32
        %convert_element_type3A_804 = arith.extui %ge3A_803 : i1 to i32
        %cond3A_805 = arith.constant 0 : i32
        %cond3A_806 = arith.cmpi ne, %convert_element_type3A_804, %cond3A_805 : i32
        scf.if %cond3A_806 {
          %dma_wait3A_823 = arith.constant 6 : i32
          %dma_wait3A_824 = arith.constant 0 : i32
          %dma_wait3A_825 = arith.constant 6 : i32
          %dma_wait3A_826 = arith.constant 0 : i32
          %dma_wait3A_827 = arith.constant 0 : i32
          %dma_wait3A_828 = tpu.memref_slice %arg14[%dma_wait3A_823, %dma_wait3A_826, %dma_wait3A_827] : memref<8x256x16xf32, #tpu.memory_space<vmem>> -> memref<1x256x16xf32, #tpu.memory_space<vmem>>
          %dma_wait3A_829 = tpu.memref_squeeze %dma_wait3A_828 : memref<1x256x16xf32, #tpu.memory_space<vmem>> -> memref<256x16xf32, #tpu.memory_space<vmem>>
          %dma_wait3A_830 = arith.constant 0 : i32
          %dma_wait3A_831 = tpu.memref_slice %arg13[%dma_wait3A_824, %dma_wait3A_830] : memref<80x256xi32, #tpu.memory_space<vmem>> -> memref<1x256xi32, #tpu.memory_space<vmem>>
          %dma_wait3A_832 = tpu.memref_squeeze %dma_wait3A_831 : memref<1x256xi32, #tpu.memory_space<vmem>> -> memref<256xi32, #tpu.memory_space<vmem>>
          %dma_wait3A_833 = arith.constant 0 : i32
          %dma_wait3A_834 = arith.constant 0 : i32
          %dma_wait3A_835 = tpu.memref_slice %arg8[%dma_wait3A_833, %dma_wait3A_834] : memref<10240x16xf32, #tpu.memory_space<vmem_shared>> -> memref<10240x16xf32, #tpu.memory_space<vmem_shared>>
          %dma_wait3A_836 = tpu.memref_slice %arg21[%dma_wait3A_825] : memref<8x!tpu.dma_semaphore, #tpu.memory_space<semaphore_mem>> -> memref<1x!tpu.dma_semaphore, #tpu.memory_space<semaphore_mem>>
          %dma_wait3A_837 = tpu.memref_squeeze %dma_wait3A_836 : memref<1x!tpu.dma_semaphore, #tpu.memory_space<semaphore_mem>> -> memref<!tpu.dma_semaphore, #tpu.memory_space<semaphore_mem>>
          tpu.wait_indirect_dma semaphore(%dma_wait3A_837 : memref<!tpu.dma_semaphore, #tpu.memory_space<semaphore_mem>>) src(%dma_wait3A_829 : memref<256x16xf32, #tpu.memory_space<vmem>>) dst(%dma_wait3A_835 : memref<10240x16xf32, #tpu.memory_space<vmem_shared>>)
        } else {
        }
        %add3A_807 = arith.constant 4 : i32
        %add3A_808 = arith.addi %add3A_565, %add3A_807 : i32
        %dma_start3A_809 = arith.constant 6 : i32
        %dma_start3A_810 = arith.constant 6 : i32
        %dma_start3A_811 = arith.constant 0 : i32
        %dma_start3A_812 = arith.constant 0 : i32
        %dma_start3A_813 = tpu.memref_slice %arg14[%dma_start3A_809, %dma_start3A_811, %dma_start3A_812] : memref<8x256x16xf32, #tpu.memory_space<vmem>> -> memref<1x256x16xf32, #tpu.memory_space<vmem>>
        %dma_start3A_814 = tpu.memref_squeeze %dma_start3A_813 : memref<1x256x16xf32, #tpu.memory_space<vmem>> -> memref<256x16xf32, #tpu.memory_space<vmem>>
        %dma_start3A_815 = arith.constant 0 : i32
        %dma_start3A_816 = tpu.memref_slice %arg12[%add3A_808, %dma_start3A_815] : memref<80x256xi32, #tpu.memory_space<vmem>> -> memref<1x256xi32, #tpu.memory_space<vmem>>
        %dma_start3A_817 = tpu.memref_squeeze %dma_start3A_816 : memref<1x256xi32, #tpu.memory_space<vmem>> -> memref<256xi32, #tpu.memory_space<vmem>>
        %dma_start3A_818 = arith.constant 0 : i32
        %dma_start3A_819 = arith.constant 0 : i32
        %dma_start3A_820 = tpu.memref_slice %arg10[%dma_start3A_818, %dma_start3A_819] : memref<10240x16xf32, #tpu.memory_space<vmem_shared>> -> memref<10240x16xf32, #tpu.memory_space<vmem_shared>>
        %dma_start3A_821 = tpu.memref_slice %arg20[%dma_start3A_810] : memref<8x!tpu.dma_semaphore, #tpu.memory_space<semaphore_mem>> -> memref<1x!tpu.dma_semaphore, #tpu.memory_space<semaphore_mem>>
        %dma_start3A_822 = tpu.memref_squeeze %dma_start3A_821 : memref<1x!tpu.dma_semaphore, #tpu.memory_space<semaphore_mem>> -> memref<!tpu.dma_semaphore, #tpu.memory_space<semaphore_mem>>
        tpu.enqueue_indirect_dma source(%dma_start3A_820 : memref<10240x16xf32, #tpu.memory_space<vmem_shared>>) target(%dma_start3A_814 : memref<256x16xf32, #tpu.memory_space<vmem>>) offsets(%dma_start3A_817 : memref<256xi32, #tpu.memory_space<vmem>>) semaphore(%dma_start3A_822 : memref<!tpu.dma_semaphore, #tpu.memory_space<semaphore_mem>>)
      } else {
      }
      %mul3A_602 = arith.constant 8 : i32
      %mul3A_603 = arith.muli %scan3A_484, %mul3A_602 : i32
      %add3A_604 = arith.constant 3 : i32
      %add3A_605 = arith.addi %mul3A_603, %add3A_604 : i32
      %dma_wait3A_606 = arith.constant 0 : i32
      %dma_wait3A_607 = arith.constant 3 : i32
      %dma_wait3A_608 = arith.constant 3 : i32
      %dma_wait3A_609 = arith.constant 0 : i32
      %dma_wait3A_610 = arith.constant 0 : i32
      %dma_wait3A_611 = tpu.memref_slice %arg14[%dma_wait3A_607, %dma_wait3A_609, %dma_wait3A_610] : memref<8x256x16xf32, #tpu.memory_space<vmem>> -> memref<1x256x16xf32, #tpu.memory_space<vmem>>
      %dma_wait3A_612 = tpu.memref_squeeze %dma_wait3A_611 : memref<1x256x16xf32, #tpu.memory_space<vmem>> -> memref<256x16xf32, #tpu.memory_space<vmem>>
      %dma_wait3A_613 = arith.constant 0 : i32
      %dma_wait3A_614 = tpu.memref_slice %arg12[%dma_wait3A_606, %dma_wait3A_613] : memref<80x256xi32, #tpu.memory_space<vmem>> -> memref<1x256xi32, #tpu.memory_space<vmem>>
      %dma_wait3A_615 = tpu.memref_squeeze %dma_wait3A_614 : memref<1x256xi32, #tpu.memory_space<vmem>> -> memref<256xi32, #tpu.memory_space<vmem>>
      %dma_wait3A_616 = arith.constant 0 : i32
      %dma_wait3A_617 = arith.constant 0 : i32
      %dma_wait3A_618 = tpu.memref_slice %arg10[%dma_wait3A_616, %dma_wait3A_617] : memref<10240x16xf32, #tpu.memory_space<vmem_shared>> -> memref<10240x16xf32, #tpu.memory_space<vmem_shared>>
      %dma_wait3A_619 = tpu.memref_slice %arg20[%dma_wait3A_608] : memref<8x!tpu.dma_semaphore, #tpu.memory_space<semaphore_mem>> -> memref<1x!tpu.dma_semaphore, #tpu.memory_space<semaphore_mem>>
      %dma_wait3A_620 = tpu.memref_squeeze %dma_wait3A_619 : memref<1x!tpu.dma_semaphore, #tpu.memory_space<semaphore_mem>> -> memref<!tpu.dma_semaphore, #tpu.memory_space<semaphore_mem>>
      tpu.wait_indirect_dma semaphore(%dma_wait3A_620 : memref<!tpu.dma_semaphore, #tpu.memory_space<semaphore_mem>>) src(%dma_wait3A_618 : memref<10240x16xf32, #tpu.memory_space<vmem_shared>>) dst(%dma_wait3A_612 : memref<256x16xf32, #tpu.memory_space<vmem>>)
      %dma_start3A_621 = arith.constant 3 : i32
      %dma_start3A_622 = arith.constant 3 : i32
      %dma_start3A_623 = arith.constant 0 : i32
      %dma_start3A_624 = arith.constant 0 : i32
      %dma_start3A_625 = tpu.memref_slice %arg14[%dma_start3A_621, %dma_start3A_623, %dma_start3A_624] : memref<8x256x16xf32, #tpu.memory_space<vmem>> -> memref<1x256x16xf32, #tpu.memory_space<vmem>>
      %dma_start3A_626 = tpu.memref_squeeze %dma_start3A_625 : memref<1x256x16xf32, #tpu.memory_space<vmem>> -> memref<256x16xf32, #tpu.memory_space<vmem>>
      %dma_start3A_627 = arith.constant 0 : i32
      %dma_start3A_628 = tpu.memref_slice %arg13[%add3A_605, %dma_start3A_627] : memref<80x256xi32, #tpu.memory_space<vmem>> -> memref<1x256xi32, #tpu.memory_space<vmem>>
      %dma_start3A_629 = tpu.memref_squeeze %dma_start3A_628 : memref<1x256xi32, #tpu.memory_space<vmem>> -> memref<256xi32, #tpu.memory_space<vmem>>
      %dma_start3A_630 = arith.constant 0 : i32
      %dma_start3A_631 = arith.constant 0 : i32
      %dma_start3A_632 = tpu.memref_slice %arg8[%dma_start3A_630, %dma_start3A_631] : memref<10240x16xf32, #tpu.memory_space<vmem_shared>> -> memref<10240x16xf32, #tpu.memory_space<vmem_shared>>
      %dma_start3A_633 = tpu.memref_slice %arg21[%dma_start3A_622] : memref<8x!tpu.dma_semaphore, #tpu.memory_space<semaphore_mem>> -> memref<1x!tpu.dma_semaphore, #tpu.memory_space<semaphore_mem>>
      %dma_start3A_634 = tpu.memref_squeeze %dma_start3A_633 : memref<1x!tpu.dma_semaphore, #tpu.memory_space<semaphore_mem>> -> memref<!tpu.dma_semaphore, #tpu.memory_space<semaphore_mem>>
      tpu.enqueue_indirect_dma source(%dma_start3A_626 : memref<256x16xf32, #tpu.memory_space<vmem>>) target(%dma_start3A_632 : memref<10240x16xf32, #tpu.memory_space<vmem_shared>>) offsets(%dma_start3A_629 : memref<256xi32, #tpu.memory_space<vmem>>) semaphore(%dma_start3A_634 : memref<!tpu.dma_semaphore, #tpu.memory_space<semaphore_mem>>) {add = true}
      %add3A_635 = arith.constant 4 : i32
      %add3A_636 = arith.addi %add3A_605, %add3A_635 : i32
      %lt3A_637 = arith.constant 80 : i32
      %lt3A_638 = arith.cmpi slt, %add3A_636, %lt3A_637 : i32
      %convert_element_type3A_639 = arith.extui %lt3A_638 : i1 to i32
      %cond3A_640 = arith.constant 0 : i32
      %cond3A_641 = arith.cmpi ne, %convert_element_type3A_639, %cond3A_640 : i32
      scf.if %cond3A_641 {
        %ge3A = arith.constant 4 : i32
        %ge3A_803 = arith.cmpi sge, %add3A_605, %ge3A : i32
        %convert_element_type3A_804 = arith.extui %ge3A_803 : i1 to i32
        %cond3A_805 = arith.constant 0 : i32
        %cond3A_806 = arith.cmpi ne, %convert_element_type3A_804, %cond3A_805 : i32
        scf.if %cond3A_806 {
          %dma_wait3A_823 = arith.constant 7 : i32
          %dma_wait3A_824 = arith.constant 0 : i32
          %dma_wait3A_825 = arith.constant 7 : i32
          %dma_wait3A_826 = arith.constant 0 : i32
          %dma_wait3A_827 = arith.constant 0 : i32
          %dma_wait3A_828 = tpu.memref_slice %arg14[%dma_wait3A_823, %dma_wait3A_826, %dma_wait3A_827] : memref<8x256x16xf32, #tpu.memory_space<vmem>> -> memref<1x256x16xf32, #tpu.memory_space<vmem>>
          %dma_wait3A_829 = tpu.memref_squeeze %dma_wait3A_828 : memref<1x256x16xf32, #tpu.memory_space<vmem>> -> memref<256x16xf32, #tpu.memory_space<vmem>>
          %dma_wait3A_830 = arith.constant 0 : i32
          %dma_wait3A_831 = tpu.memref_slice %arg13[%dma_wait3A_824, %dma_wait3A_830] : memref<80x256xi32, #tpu.memory_space<vmem>> -> memref<1x256xi32, #tpu.memory_space<vmem>>
          %dma_wait3A_832 = tpu.memref_squeeze %dma_wait3A_831 : memref<1x256xi32, #tpu.memory_space<vmem>> -> memref<256xi32, #tpu.memory_space<vmem>>
          %dma_wait3A_833 = arith.constant 0 : i32
          %dma_wait3A_834 = arith.constant 0 : i32
          %dma_wait3A_835 = tpu.memref_slice %arg8[%dma_wait3A_833, %dma_wait3A_834] : memref<10240x16xf32, #tpu.memory_space<vmem_shared>> -> memref<10240x16xf32, #tpu.memory_space<vmem_shared>>
          %dma_wait3A_836 = tpu.memref_slice %arg21[%dma_wait3A_825] : memref<8x!tpu.dma_semaphore, #tpu.memory_space<semaphore_mem>> -> memref<1x!tpu.dma_semaphore, #tpu.memory_space<semaphore_mem>>
          %dma_wait3A_837 = tpu.memref_squeeze %dma_wait3A_836 : memref<1x!tpu.dma_semaphore, #tpu.memory_space<semaphore_mem>> -> memref<!tpu.dma_semaphore, #tpu.memory_space<semaphore_mem>>
          tpu.wait_indirect_dma semaphore(%dma_wait3A_837 : memref<!tpu.dma_semaphore, #tpu.memory_space<semaphore_mem>>) src(%dma_wait3A_829 : memref<256x16xf32, #tpu.memory_space<vmem>>) dst(%dma_wait3A_835 : memref<10240x16xf32, #tpu.memory_space<vmem_shared>>)
        } else {
        }
        %add3A_807 = arith.constant 4 : i32
        %add3A_808 = arith.addi %add3A_605, %add3A_807 : i32
        %dma_start3A_809 = arith.constant 7 : i32
        %dma_start3A_810 = arith.constant 7 : i32
        %dma_start3A_811 = arith.constant 0 : i32
        %dma_start3A_812 = arith.constant 0 : i32
        %dma_start3A_813 = tpu.memref_slice %arg14[%dma_start3A_809, %dma_start3A_811, %dma_start3A_812] : memref<8x256x16xf32, #tpu.memory_space<vmem>> -> memref<1x256x16xf32, #tpu.memory_space<vmem>>
        %dma_start3A_814 = tpu.memref_squeeze %dma_start3A_813 : memref<1x256x16xf32, #tpu.memory_space<vmem>> -> memref<256x16xf32, #tpu.memory_space<vmem>>
        %dma_start3A_815 = arith.constant 0 : i32
        %dma_start3A_816 = tpu.memref_slice %arg12[%add3A_808, %dma_start3A_815] : memref<80x256xi32, #tpu.memory_space<vmem>> -> memref<1x256xi32, #tpu.memory_space<vmem>>
        %dma_start3A_817 = tpu.memref_squeeze %dma_start3A_816 : memref<1x256xi32, #tpu.memory_space<vmem>> -> memref<256xi32, #tpu.memory_space<vmem>>
        %dma_start3A_818 = arith.constant 0 : i32
        %dma_start3A_819 = arith.constant 0 : i32
        %dma_start3A_820 = tpu.memref_slice %arg10[%dma_start3A_818, %dma_start3A_819] : memref<10240x16xf32, #tpu.memory_space<vmem_shared>> -> memref<10240x16xf32, #tpu.memory_space<vmem_shared>>
        %dma_start3A_821 = tpu.memref_slice %arg20[%dma_start3A_810] : memref<8x!tpu.dma_semaphore, #tpu.memory_space<semaphore_mem>> -> memref<1x!tpu.dma_semaphore, #tpu.memory_space<semaphore_mem>>
        %dma_start3A_822 = tpu.memref_squeeze %dma_start3A_821 : memref<1x!tpu.dma_semaphore, #tpu.memory_space<semaphore_mem>> -> memref<!tpu.dma_semaphore, #tpu.memory_space<semaphore_mem>>
        tpu.enqueue_indirect_dma source(%dma_start3A_820 : memref<10240x16xf32, #tpu.memory_space<vmem_shared>>) target(%dma_start3A_814 : memref<256x16xf32, #tpu.memory_space<vmem>>) offsets(%dma_start3A_817 : memref<256xi32, #tpu.memory_space<vmem>>) semaphore(%dma_start3A_822 : memref<!tpu.dma_semaphore, #tpu.memory_space<semaphore_mem>>)
      } else {
      }
      %mul3A_642 = arith.constant 8 : i32
      %mul3A_643 = arith.muli %scan3A_484, %mul3A_642 : i32
      %add3A_644 = arith.constant 4 : i32
      %add3A_645 = arith.addi %mul3A_643, %add3A_644 : i32
      %dma_wait3A_646 = arith.constant 0 : i32
      %dma_wait3A_647 = arith.constant 4 : i32
      %dma_wait3A_648 = arith.constant 4 : i32
      %dma_wait3A_649 = arith.constant 0 : i32
      %dma_wait3A_650 = arith.constant 0 : i32
      %dma_wait3A_651 = tpu.memref_slice %arg14[%dma_wait3A_647, %dma_wait3A_649, %dma_wait3A_650] : memref<8x256x16xf32, #tpu.memory_space<vmem>> -> memref<1x256x16xf32, #tpu.memory_space<vmem>>
      %dma_wait3A_652 = tpu.memref_squeeze %dma_wait3A_651 : memref<1x256x16xf32, #tpu.memory_space<vmem>> -> memref<256x16xf32, #tpu.memory_space<vmem>>
      %dma_wait3A_653 = arith.constant 0 : i32
      %dma_wait3A_654 = tpu.memref_slice %arg12[%dma_wait3A_646, %dma_wait3A_653] : memref<80x256xi32, #tpu.memory_space<vmem>> -> memref<1x256xi32, #tpu.memory_space<vmem>>
      %dma_wait3A_655 = tpu.memref_squeeze %dma_wait3A_654 : memref<1x256xi32, #tpu.memory_space<vmem>> -> memref<256xi32, #tpu.memory_space<vmem>>
      %dma_wait3A_656 = arith.constant 0 : i32
      %dma_wait3A_657 = arith.constant 0 : i32
      %dma_wait3A_658 = tpu.memref_slice %arg10[%dma_wait3A_656, %dma_wait3A_657] : memref<10240x16xf32, #tpu.memory_space<vmem_shared>> -> memref<10240x16xf32, #tpu.memory_space<vmem_shared>>
      %dma_wait3A_659 = tpu.memref_slice %arg20[%dma_wait3A_648] : memref<8x!tpu.dma_semaphore, #tpu.memory_space<semaphore_mem>> -> memref<1x!tpu.dma_semaphore, #tpu.memory_space<semaphore_mem>>
      %dma_wait3A_660 = tpu.memref_squeeze %dma_wait3A_659 : memref<1x!tpu.dma_semaphore, #tpu.memory_space<semaphore_mem>> -> memref<!tpu.dma_semaphore, #tpu.memory_space<semaphore_mem>>
      tpu.wait_indirect_dma semaphore(%dma_wait3A_660 : memref<!tpu.dma_semaphore, #tpu.memory_space<semaphore_mem>>) src(%dma_wait3A_658 : memref<10240x16xf32, #tpu.memory_space<vmem_shared>>) dst(%dma_wait3A_652 : memref<256x16xf32, #tpu.memory_space<vmem>>)
      %dma_start3A_661 = arith.constant 4 : i32
      %dma_start3A_662 = arith.constant 4 : i32
      %dma_start3A_663 = arith.constant 0 : i32
      %dma_start3A_664 = arith.constant 0 : i32
      %dma_start3A_665 = tpu.memref_slice %arg14[%dma_start3A_661, %dma_start3A_663, %dma_start3A_664] : memref<8x256x16xf32, #tpu.memory_space<vmem>> -> memref<1x256x16xf32, #tpu.memory_space<vmem>>
      %dma_start3A_666 = tpu.memref_squeeze %dma_start3A_665 : memref<1x256x16xf32, #tpu.memory_space<vmem>> -> memref<256x16xf32, #tpu.memory_space<vmem>>
      %dma_start3A_667 = arith.constant 0 : i32
      %dma_start3A_668 = tpu.memref_slice %arg13[%add3A_645, %dma_start3A_667] : memref<80x256xi32, #tpu.memory_space<vmem>> -> memref<1x256xi32, #tpu.memory_space<vmem>>
      %dma_start3A_669 = tpu.memref_squeeze %dma_start3A_668 : memref<1x256xi32, #tpu.memory_space<vmem>> -> memref<256xi32, #tpu.memory_space<vmem>>
      %dma_start3A_670 = arith.constant 0 : i32
      %dma_start3A_671 = arith.constant 0 : i32
      %dma_start3A_672 = tpu.memref_slice %arg8[%dma_start3A_670, %dma_start3A_671] : memref<10240x16xf32, #tpu.memory_space<vmem_shared>> -> memref<10240x16xf32, #tpu.memory_space<vmem_shared>>
      %dma_start3A_673 = tpu.memref_slice %arg21[%dma_start3A_662] : memref<8x!tpu.dma_semaphore, #tpu.memory_space<semaphore_mem>> -> memref<1x!tpu.dma_semaphore, #tpu.memory_space<semaphore_mem>>
      %dma_start3A_674 = tpu.memref_squeeze %dma_start3A_673 : memref<1x!tpu.dma_semaphore, #tpu.memory_space<semaphore_mem>> -> memref<!tpu.dma_semaphore, #tpu.memory_space<semaphore_mem>>
      tpu.enqueue_indirect_dma source(%dma_start3A_666 : memref<256x16xf32, #tpu.memory_space<vmem>>) target(%dma_start3A_672 : memref<10240x16xf32, #tpu.memory_space<vmem_shared>>) offsets(%dma_start3A_669 : memref<256xi32, #tpu.memory_space<vmem>>) semaphore(%dma_start3A_674 : memref<!tpu.dma_semaphore, #tpu.memory_space<semaphore_mem>>) {add = true}
      %add3A_675 = arith.constant 4 : i32
      %add3A_676 = arith.addi %add3A_645, %add3A_675 : i32
      %lt3A_677 = arith.constant 80 : i32
      %lt3A_678 = arith.cmpi slt, %add3A_676, %lt3A_677 : i32
      %convert_element_type3A_679 = arith.extui %lt3A_678 : i1 to i32
      %cond3A_680 = arith.constant 0 : i32
      %cond3A_681 = arith.cmpi ne, %convert_element_type3A_679, %cond3A_680 : i32
      scf.if %cond3A_681 {
        %ge3A = arith.constant 4 : i32
        %ge3A_803 = arith.cmpi sge, %add3A_645, %ge3A : i32
        %convert_element_type3A_804 = arith.extui %ge3A_803 : i1 to i32
        %cond3A_805 = arith.constant 0 : i32
        %cond3A_806 = arith.cmpi ne, %convert_element_type3A_804, %cond3A_805 : i32
        scf.if %cond3A_806 {
          %dma_wait3A_823 = arith.constant 0 : i32
          %dma_wait3A_824 = arith.constant 0 : i32
          %dma_wait3A_825 = arith.constant 0 : i32
          %dma_wait3A_826 = arith.constant 0 : i32
          %dma_wait3A_827 = arith.constant 0 : i32
          %dma_wait3A_828 = tpu.memref_slice %arg14[%dma_wait3A_823, %dma_wait3A_826, %dma_wait3A_827] : memref<8x256x16xf32, #tpu.memory_space<vmem>> -> memref<1x256x16xf32, #tpu.memory_space<vmem>>
          %dma_wait3A_829 = tpu.memref_squeeze %dma_wait3A_828 : memref<1x256x16xf32, #tpu.memory_space<vmem>> -> memref<256x16xf32, #tpu.memory_space<vmem>>
          %dma_wait3A_830 = arith.constant 0 : i32
          %dma_wait3A_831 = tpu.memref_slice %arg13[%dma_wait3A_824, %dma_wait3A_830] : memref<80x256xi32, #tpu.memory_space<vmem>> -> memref<1x256xi32, #tpu.memory_space<vmem>>
          %dma_wait3A_832 = tpu.memref_squeeze %dma_wait3A_831 : memref<1x256xi32, #tpu.memory_space<vmem>> -> memref<256xi32, #tpu.memory_space<vmem>>
          %dma_wait3A_833 = arith.constant 0 : i32
          %dma_wait3A_834 = arith.constant 0 : i32
          %dma_wait3A_835 = tpu.memref_slice %arg8[%dma_wait3A_833, %dma_wait3A_834] : memref<10240x16xf32, #tpu.memory_space<vmem_shared>> -> memref<10240x16xf32, #tpu.memory_space<vmem_shared>>
          %dma_wait3A_836 = tpu.memref_slice %arg21[%dma_wait3A_825] : memref<8x!tpu.dma_semaphore, #tpu.memory_space<semaphore_mem>> -> memref<1x!tpu.dma_semaphore, #tpu.memory_space<semaphore_mem>>
          %dma_wait3A_837 = tpu.memref_squeeze %dma_wait3A_836 : memref<1x!tpu.dma_semaphore, #tpu.memory_space<semaphore_mem>> -> memref<!tpu.dma_semaphore, #tpu.memory_space<semaphore_mem>>
          tpu.wait_indirect_dma semaphore(%dma_wait3A_837 : memref<!tpu.dma_semaphore, #tpu.memory_space<semaphore_mem>>) src(%dma_wait3A_829 : memref<256x16xf32, #tpu.memory_space<vmem>>) dst(%dma_wait3A_835 : memref<10240x16xf32, #tpu.memory_space<vmem_shared>>)
        } else {
        }
        %add3A_807 = arith.constant 4 : i32
        %add3A_808 = arith.addi %add3A_645, %add3A_807 : i32
        %dma_start3A_809 = arith.constant 0 : i32
        %dma_start3A_810 = arith.constant 0 : i32
        %dma_start3A_811 = arith.constant 0 : i32
        %dma_start3A_812 = arith.constant 0 : i32
        %dma_start3A_813 = tpu.memref_slice %arg14[%dma_start3A_809, %dma_start3A_811, %dma_start3A_812] : memref<8x256x16xf32, #tpu.memory_space<vmem>> -> memref<1x256x16xf32, #tpu.memory_space<vmem>>
        %dma_start3A_814 = tpu.memref_squeeze %dma_start3A_813 : memref<1x256x16xf32, #tpu.memory_space<vmem>> -> memref<256x16xf32, #tpu.memory_space<vmem>>
        %dma_start3A_815 = arith.constant 0 : i32
        %dma_start3A_816 = tpu.memref_slice %arg12[%add3A_808, %dma_start3A_815] : memref<80x256xi32, #tpu.memory_space<vmem>> -> memref<1x256xi32, #tpu.memory_space<vmem>>
        %dma_start3A_817 = tpu.memref_squeeze %dma_start3A_816 : memref<1x256xi32, #tpu.memory_space<vmem>> -> memref<256xi32, #tpu.memory_space<vmem>>
        %dma_start3A_818 = arith.constant 0 : i32
        %dma_start3A_819 = arith.constant 0 : i32
        %dma_start3A_820 = tpu.memref_slice %arg10[%dma_start3A_818, %dma_start3A_819] : memref<10240x16xf32, #tpu.memory_space<vmem_shared>> -> memref<10240x16xf32, #tpu.memory_space<vmem_shared>>
        %dma_start3A_821 = tpu.memref_slice %arg20[%dma_start3A_810] : memref<8x!tpu.dma_semaphore, #tpu.memory_space<semaphore_mem>> -> memref<1x!tpu.dma_semaphore, #tpu.memory_space<semaphore_mem>>
        %dma_start3A_822 = tpu.memref_squeeze %dma_start3A_821 : memref<1x!tpu.dma_semaphore, #tpu.memory_space<semaphore_mem>> -> memref<!tpu.dma_semaphore, #tpu.memory_space<semaphore_mem>>
        tpu.enqueue_indirect_dma source(%dma_start3A_820 : memref<10240x16xf32, #tpu.memory_space<vmem_shared>>) target(%dma_start3A_814 : memref<256x16xf32, #tpu.memory_space<vmem>>) offsets(%dma_start3A_817 : memref<256xi32, #tpu.memory_space<vmem>>) semaphore(%dma_start3A_822 : memref<!tpu.dma_semaphore, #tpu.memory_space<semaphore_mem>>)
      } else {
      }
      %mul3A_682 = arith.constant 8 : i32
      %mul3A_683 = arith.muli %scan3A_484, %mul3A_682 : i32
      %add3A_684 = arith.constant 5 : i32
      %add3A_685 = arith.addi %mul3A_683, %add3A_684 : i32
      %dma_wait3A_686 = arith.constant 0 : i32
      %dma_wait3A_687 = arith.constant 5 : i32
      %dma_wait3A_688 = arith.constant 5 : i32
      %dma_wait3A_689 = arith.constant 0 : i32
      %dma_wait3A_690 = arith.constant 0 : i32
      %dma_wait3A_691 = tpu.memref_slice %arg14[%dma_wait3A_687, %dma_wait3A_689, %dma_wait3A_690] : memref<8x256x16xf32, #tpu.memory_space<vmem>> -> memref<1x256x16xf32, #tpu.memory_space<vmem>>
      %dma_wait3A_692 = tpu.memref_squeeze %dma_wait3A_691 : memref<1x256x16xf32, #tpu.memory_space<vmem>> -> memref<256x16xf32, #tpu.memory_space<vmem>>
      %dma_wait3A_693 = arith.constant 0 : i32
      %dma_wait3A_694 = tpu.memref_slice %arg12[%dma_wait3A_686, %dma_wait3A_693] : memref<80x256xi32, #tpu.memory_space<vmem>> -> memref<1x256xi32, #tpu.memory_space<vmem>>
      %dma_wait3A_695 = tpu.memref_squeeze %dma_wait3A_694 : memref<1x256xi32, #tpu.memory_space<vmem>> -> memref<256xi32, #tpu.memory_space<vmem>>
      %dma_wait3A_696 = arith.constant 0 : i32
      %dma_wait3A_697 = arith.constant 0 : i32
      %dma_wait3A_698 = tpu.memref_slice %arg10[%dma_wait3A_696, %dma_wait3A_697] : memref<10240x16xf32, #tpu.memory_space<vmem_shared>> -> memref<10240x16xf32, #tpu.memory_space<vmem_shared>>
      %dma_wait3A_699 = tpu.memref_slice %arg20[%dma_wait3A_688] : memref<8x!tpu.dma_semaphore, #tpu.memory_space<semaphore_mem>> -> memref<1x!tpu.dma_semaphore, #tpu.memory_space<semaphore_mem>>
      %dma_wait3A_700 = tpu.memref_squeeze %dma_wait3A_699 : memref<1x!tpu.dma_semaphore, #tpu.memory_space<semaphore_mem>> -> memref<!tpu.dma_semaphore, #tpu.memory_space<semaphore_mem>>
      tpu.wait_indirect_dma semaphore(%dma_wait3A_700 : memref<!tpu.dma_semaphore, #tpu.memory_space<semaphore_mem>>) src(%dma_wait3A_698 : memref<10240x16xf32, #tpu.memory_space<vmem_shared>>) dst(%dma_wait3A_692 : memref<256x16xf32, #tpu.memory_space<vmem>>)
      %dma_start3A_701 = arith.constant 5 : i32
      %dma_start3A_702 = arith.constant 5 : i32
      %dma_start3A_703 = arith.constant 0 : i32
      %dma_start3A_704 = arith.constant 0 : i32
      %dma_start3A_705 = tpu.memref_slice %arg14[%dma_start3A_701, %dma_start3A_703, %dma_start3A_704] : memref<8x256x16xf32, #tpu.memory_space<vmem>> -> memref<1x256x16xf32, #tpu.memory_space<vmem>>
      %dma_start3A_706 = tpu.memref_squeeze %dma_start3A_705 : memref<1x256x16xf32, #tpu.memory_space<vmem>> -> memref<256x16xf32, #tpu.memory_space<vmem>>
      %dma_start3A_707 = arith.constant 0 : i32
      %dma_start3A_708 = tpu.memref_slice %arg13[%add3A_685, %dma_start3A_707] : memref<80x256xi32, #tpu.memory_space<vmem>> -> memref<1x256xi32, #tpu.memory_space<vmem>>
      %dma_start3A_709 = tpu.memref_squeeze %dma_start3A_708 : memref<1x256xi32, #tpu.memory_space<vmem>> -> memref<256xi32, #tpu.memory_space<vmem>>
      %dma_start3A_710 = arith.constant 0 : i32
      %dma_start3A_711 = arith.constant 0 : i32
      %dma_start3A_712 = tpu.memref_slice %arg8[%dma_start3A_710, %dma_start3A_711] : memref<10240x16xf32, #tpu.memory_space<vmem_shared>> -> memref<10240x16xf32, #tpu.memory_space<vmem_shared>>
      %dma_start3A_713 = tpu.memref_slice %arg21[%dma_start3A_702] : memref<8x!tpu.dma_semaphore, #tpu.memory_space<semaphore_mem>> -> memref<1x!tpu.dma_semaphore, #tpu.memory_space<semaphore_mem>>
      %dma_start3A_714 = tpu.memref_squeeze %dma_start3A_713 : memref<1x!tpu.dma_semaphore, #tpu.memory_space<semaphore_mem>> -> memref<!tpu.dma_semaphore, #tpu.memory_space<semaphore_mem>>
      tpu.enqueue_indirect_dma source(%dma_start3A_706 : memref<256x16xf32, #tpu.memory_space<vmem>>) target(%dma_start3A_712 : memref<10240x16xf32, #tpu.memory_space<vmem_shared>>) offsets(%dma_start3A_709 : memref<256xi32, #tpu.memory_space<vmem>>) semaphore(%dma_start3A_714 : memref<!tpu.dma_semaphore, #tpu.memory_space<semaphore_mem>>) {add = true}
      %add3A_715 = arith.constant 4 : i32
      %add3A_716 = arith.addi %add3A_685, %add3A_715 : i32
      %lt3A_717 = arith.constant 80 : i32
      %lt3A_718 = arith.cmpi slt, %add3A_716, %lt3A_717 : i32
      %convert_element_type3A_719 = arith.extui %lt3A_718 : i1 to i32
      %cond3A_720 = arith.constant 0 : i32
      %cond3A_721 = arith.cmpi ne, %convert_element_type3A_719, %cond3A_720 : i32
      scf.if %cond3A_721 {
        %ge3A = arith.constant 4 : i32
        %ge3A_803 = arith.cmpi sge, %add3A_685, %ge3A : i32
        %convert_element_type3A_804 = arith.extui %ge3A_803 : i1 to i32
        %cond3A_805 = arith.constant 0 : i32
        %cond3A_806 = arith.cmpi ne, %convert_element_type3A_804, %cond3A_805 : i32
        scf.if %cond3A_806 {
          %dma_wait3A_823 = arith.constant 1 : i32
          %dma_wait3A_824 = arith.constant 0 : i32
          %dma_wait3A_825 = arith.constant 1 : i32
          %dma_wait3A_826 = arith.constant 0 : i32
          %dma_wait3A_827 = arith.constant 0 : i32
          %dma_wait3A_828 = tpu.memref_slice %arg14[%dma_wait3A_823, %dma_wait3A_826, %dma_wait3A_827] : memref<8x256x16xf32, #tpu.memory_space<vmem>> -> memref<1x256x16xf32, #tpu.memory_space<vmem>>
          %dma_wait3A_829 = tpu.memref_squeeze %dma_wait3A_828 : memref<1x256x16xf32, #tpu.memory_space<vmem>> -> memref<256x16xf32, #tpu.memory_space<vmem>>
          %dma_wait3A_830 = arith.constant 0 : i32
          %dma_wait3A_831 = tpu.memref_slice %arg13[%dma_wait3A_824, %dma_wait3A_830] : memref<80x256xi32, #tpu.memory_space<vmem>> -> memref<1x256xi32, #tpu.memory_space<vmem>>
          %dma_wait3A_832 = tpu.memref_squeeze %dma_wait3A_831 : memref<1x256xi32, #tpu.memory_space<vmem>> -> memref<256xi32, #tpu.memory_space<vmem>>
          %dma_wait3A_833 = arith.constant 0 : i32
          %dma_wait3A_834 = arith.constant 0 : i32
          %dma_wait3A_835 = tpu.memref_slice %arg8[%dma_wait3A_833, %dma_wait3A_834] : memref<10240x16xf32, #tpu.memory_space<vmem_shared>> -> memref<10240x16xf32, #tpu.memory_space<vmem_shared>>
          %dma_wait3A_836 = tpu.memref_slice %arg21[%dma_wait3A_825] : memref<8x!tpu.dma_semaphore, #tpu.memory_space<semaphore_mem>> -> memref<1x!tpu.dma_semaphore, #tpu.memory_space<semaphore_mem>>
          %dma_wait3A_837 = tpu.memref_squeeze %dma_wait3A_836 : memref<1x!tpu.dma_semaphore, #tpu.memory_space<semaphore_mem>> -> memref<!tpu.dma_semaphore, #tpu.memory_space<semaphore_mem>>
          tpu.wait_indirect_dma semaphore(%dma_wait3A_837 : memref<!tpu.dma_semaphore, #tpu.memory_space<semaphore_mem>>) src(%dma_wait3A_829 : memref<256x16xf32, #tpu.memory_space<vmem>>) dst(%dma_wait3A_835 : memref<10240x16xf32, #tpu.memory_space<vmem_shared>>)
        } else {
        }
        %add3A_807 = arith.constant 4 : i32
        %add3A_808 = arith.addi %add3A_685, %add3A_807 : i32
        %dma_start3A_809 = arith.constant 1 : i32
        %dma_start3A_810 = arith.constant 1 : i32
        %dma_start3A_811 = arith.constant 0 : i32
        %dma_start3A_812 = arith.constant 0 : i32
        %dma_start3A_813 = tpu.memref_slice %arg14[%dma_start3A_809, %dma_start3A_811, %dma_start3A_812] : memref<8x256x16xf32, #tpu.memory_space<vmem>> -> memref<1x256x16xf32, #tpu.memory_space<vmem>>
        %dma_start3A_814 = tpu.memref_squeeze %dma_start3A_813 : memref<1x256x16xf32, #tpu.memory_space<vmem>> -> memref<256x16xf32, #tpu.memory_space<vmem>>
        %dma_start3A_815 = arith.constant 0 : i32
        %dma_start3A_816 = tpu.memref_slice %arg12[%add3A_808, %dma_start3A_815] : memref<80x256xi32, #tpu.memory_space<vmem>> -> memref<1x256xi32, #tpu.memory_space<vmem>>
        %dma_start3A_817 = tpu.memref_squeeze %dma_start3A_816 : memref<1x256xi32, #tpu.memory_space<vmem>> -> memref<256xi32, #tpu.memory_space<vmem>>
        %dma_start3A_818 = arith.constant 0 : i32
        %dma_start3A_819 = arith.constant 0 : i32
        %dma_start3A_820 = tpu.memref_slice %arg10[%dma_start3A_818, %dma_start3A_819] : memref<10240x16xf32, #tpu.memory_space<vmem_shared>> -> memref<10240x16xf32, #tpu.memory_space<vmem_shared>>
        %dma_start3A_821 = tpu.memref_slice %arg20[%dma_start3A_810] : memref<8x!tpu.dma_semaphore, #tpu.memory_space<semaphore_mem>> -> memref<1x!tpu.dma_semaphore, #tpu.memory_space<semaphore_mem>>
        %dma_start3A_822 = tpu.memref_squeeze %dma_start3A_821 : memref<1x!tpu.dma_semaphore, #tpu.memory_space<semaphore_mem>> -> memref<!tpu.dma_semaphore, #tpu.memory_space<semaphore_mem>>
        tpu.enqueue_indirect_dma source(%dma_start3A_820 : memref<10240x16xf32, #tpu.memory_space<vmem_shared>>) target(%dma_start3A_814 : memref<256x16xf32, #tpu.memory_space<vmem>>) offsets(%dma_start3A_817 : memref<256xi32, #tpu.memory_space<vmem>>) semaphore(%dma_start3A_822 : memref<!tpu.dma_semaphore, #tpu.memory_space<semaphore_mem>>)
      } else {
      }
      %mul3A_722 = arith.constant 8 : i32
      %mul3A_723 = arith.muli %scan3A_484, %mul3A_722 : i32
      %add3A_724 = arith.constant 6 : i32
      %add3A_725 = arith.addi %mul3A_723, %add3A_724 : i32
      %dma_wait3A_726 = arith.constant 0 : i32
      %dma_wait3A_727 = arith.constant 6 : i32
      %dma_wait3A_728 = arith.constant 6 : i32
      %dma_wait3A_729 = arith.constant 0 : i32
      %dma_wait3A_730 = arith.constant 0 : i32
      %dma_wait3A_731 = tpu.memref_slice %arg14[%dma_wait3A_727, %dma_wait3A_729, %dma_wait3A_730] : memref<8x256x16xf32, #tpu.memory_space<vmem>> -> memref<1x256x16xf32, #tpu.memory_space<vmem>>
      %dma_wait3A_732 = tpu.memref_squeeze %dma_wait3A_731 : memref<1x256x16xf32, #tpu.memory_space<vmem>> -> memref<256x16xf32, #tpu.memory_space<vmem>>
      %dma_wait3A_733 = arith.constant 0 : i32
      %dma_wait3A_734 = tpu.memref_slice %arg12[%dma_wait3A_726, %dma_wait3A_733] : memref<80x256xi32, #tpu.memory_space<vmem>> -> memref<1x256xi32, #tpu.memory_space<vmem>>
      %dma_wait3A_735 = tpu.memref_squeeze %dma_wait3A_734 : memref<1x256xi32, #tpu.memory_space<vmem>> -> memref<256xi32, #tpu.memory_space<vmem>>
      %dma_wait3A_736 = arith.constant 0 : i32
      %dma_wait3A_737 = arith.constant 0 : i32
      %dma_wait3A_738 = tpu.memref_slice %arg10[%dma_wait3A_736, %dma_wait3A_737] : memref<10240x16xf32, #tpu.memory_space<vmem_shared>> -> memref<10240x16xf32, #tpu.memory_space<vmem_shared>>
      %dma_wait3A_739 = tpu.memref_slice %arg20[%dma_wait3A_728] : memref<8x!tpu.dma_semaphore, #tpu.memory_space<semaphore_mem>> -> memref<1x!tpu.dma_semaphore, #tpu.memory_space<semaphore_mem>>
      %dma_wait3A_740 = tpu.memref_squeeze %dma_wait3A_739 : memref<1x!tpu.dma_semaphore, #tpu.memory_space<semaphore_mem>> -> memref<!tpu.dma_semaphore, #tpu.memory_space<semaphore_mem>>
      tpu.wait_indirect_dma semaphore(%dma_wait3A_740 : memref<!tpu.dma_semaphore, #tpu.memory_space<semaphore_mem>>) src(%dma_wait3A_738 : memref<10240x16xf32, #tpu.memory_space<vmem_shared>>) dst(%dma_wait3A_732 : memref<256x16xf32, #tpu.memory_space<vmem>>)
      %dma_start3A_741 = arith.constant 6 : i32
      %dma_start3A_742 = arith.constant 6 : i32
      %dma_start3A_743 = arith.constant 0 : i32
      %dma_start3A_744 = arith.constant 0 : i32
      %dma_start3A_745 = tpu.memref_slice %arg14[%dma_start3A_741, %dma_start3A_743, %dma_start3A_744] : memref<8x256x16xf32, #tpu.memory_space<vmem>> -> memref<1x256x16xf32, #tpu.memory_space<vmem>>
      %dma_start3A_746 = tpu.memref_squeeze %dma_start3A_745 : memref<1x256x16xf32, #tpu.memory_space<vmem>> -> memref<256x16xf32, #tpu.memory_space<vmem>>
      %dma_start3A_747 = arith.constant 0 : i32
      %dma_start3A_748 = tpu.memref_slice %arg13[%add3A_725, %dma_start3A_747] : memref<80x256xi32, #tpu.memory_space<vmem>> -> memref<1x256xi32, #tpu.memory_space<vmem>>
      %dma_start3A_749 = tpu.memref_squeeze %dma_start3A_748 : memref<1x256xi32, #tpu.memory_space<vmem>> -> memref<256xi32, #tpu.memory_space<vmem>>
      %dma_start3A_750 = arith.constant 0 : i32
      %dma_start3A_751 = arith.constant 0 : i32
      %dma_start3A_752 = tpu.memref_slice %arg8[%dma_start3A_750, %dma_start3A_751] : memref<10240x16xf32, #tpu.memory_space<vmem_shared>> -> memref<10240x16xf32, #tpu.memory_space<vmem_shared>>
      %dma_start3A_753 = tpu.memref_slice %arg21[%dma_start3A_742] : memref<8x!tpu.dma_semaphore, #tpu.memory_space<semaphore_mem>> -> memref<1x!tpu.dma_semaphore, #tpu.memory_space<semaphore_mem>>
      %dma_start3A_754 = tpu.memref_squeeze %dma_start3A_753 : memref<1x!tpu.dma_semaphore, #tpu.memory_space<semaphore_mem>> -> memref<!tpu.dma_semaphore, #tpu.memory_space<semaphore_mem>>
      tpu.enqueue_indirect_dma source(%dma_start3A_746 : memref<256x16xf32, #tpu.memory_space<vmem>>) target(%dma_start3A_752 : memref<10240x16xf32, #tpu.memory_space<vmem_shared>>) offsets(%dma_start3A_749 : memref<256xi32, #tpu.memory_space<vmem>>) semaphore(%dma_start3A_754 : memref<!tpu.dma_semaphore, #tpu.memory_space<semaphore_mem>>) {add = true}
      %add3A_755 = arith.constant 4 : i32
      %add3A_756 = arith.addi %add3A_725, %add3A_755 : i32
      %lt3A_757 = arith.constant 80 : i32
      %lt3A_758 = arith.cmpi slt, %add3A_756, %lt3A_757 : i32
      %convert_element_type3A_759 = arith.extui %lt3A_758 : i1 to i32
      %cond3A_760 = arith.constant 0 : i32
      %cond3A_761 = arith.cmpi ne, %convert_element_type3A_759, %cond3A_760 : i32
      scf.if %cond3A_761 {
        %ge3A = arith.constant 4 : i32
        %ge3A_803 = arith.cmpi sge, %add3A_725, %ge3A : i32
        %convert_element_type3A_804 = arith.extui %ge3A_803 : i1 to i32
        %cond3A_805 = arith.constant 0 : i32
        %cond3A_806 = arith.cmpi ne, %convert_element_type3A_804, %cond3A_805 : i32
        scf.if %cond3A_806 {
          %dma_wait3A_823 = arith.constant 2 : i32
          %dma_wait3A_824 = arith.constant 0 : i32
          %dma_wait3A_825 = arith.constant 2 : i32
          %dma_wait3A_826 = arith.constant 0 : i32
          %dma_wait3A_827 = arith.constant 0 : i32
          %dma_wait3A_828 = tpu.memref_slice %arg14[%dma_wait3A_823, %dma_wait3A_826, %dma_wait3A_827] : memref<8x256x16xf32, #tpu.memory_space<vmem>> -> memref<1x256x16xf32, #tpu.memory_space<vmem>>
          %dma_wait3A_829 = tpu.memref_squeeze %dma_wait3A_828 : memref<1x256x16xf32, #tpu.memory_space<vmem>> -> memref<256x16xf32, #tpu.memory_space<vmem>>
          %dma_wait3A_830 = arith.constant 0 : i32
          %dma_wait3A_831 = tpu.memref_slice %arg13[%dma_wait3A_824, %dma_wait3A_830] : memref<80x256xi32, #tpu.memory_space<vmem>> -> memref<1x256xi32, #tpu.memory_space<vmem>>
          %dma_wait3A_832 = tpu.memref_squeeze %dma_wait3A_831 : memref<1x256xi32, #tpu.memory_space<vmem>> -> memref<256xi32, #tpu.memory_space<vmem>>
          %dma_wait3A_833 = arith.constant 0 : i32
          %dma_wait3A_834 = arith.constant 0 : i32
          %dma_wait3A_835 = tpu.memref_slice %arg8[%dma_wait3A_833, %dma_wait3A_834] : memref<10240x16xf32, #tpu.memory_space<vmem_shared>> -> memref<10240x16xf32, #tpu.memory_space<vmem_shared>>
          %dma_wait3A_836 = tpu.memref_slice %arg21[%dma_wait3A_825] : memref<8x!tpu.dma_semaphore, #tpu.memory_space<semaphore_mem>> -> memref<1x!tpu.dma_semaphore, #tpu.memory_space<semaphore_mem>>
          %dma_wait3A_837 = tpu.memref_squeeze %dma_wait3A_836 : memref<1x!tpu.dma_semaphore, #tpu.memory_space<semaphore_mem>> -> memref<!tpu.dma_semaphore, #tpu.memory_space<semaphore_mem>>
          tpu.wait_indirect_dma semaphore(%dma_wait3A_837 : memref<!tpu.dma_semaphore, #tpu.memory_space<semaphore_mem>>) src(%dma_wait3A_829 : memref<256x16xf32, #tpu.memory_space<vmem>>) dst(%dma_wait3A_835 : memref<10240x16xf32, #tpu.memory_space<vmem_shared>>)
        } else {
        }
        %add3A_807 = arith.constant 4 : i32
        %add3A_808 = arith.addi %add3A_725, %add3A_807 : i32
        %dma_start3A_809 = arith.constant 2 : i32
        %dma_start3A_810 = arith.constant 2 : i32
        %dma_start3A_811 = arith.constant 0 : i32
        %dma_start3A_812 = arith.constant 0 : i32
        %dma_start3A_813 = tpu.memref_slice %arg14[%dma_start3A_809, %dma_start3A_811, %dma_start3A_812] : memref<8x256x16xf32, #tpu.memory_space<vmem>> -> memref<1x256x16xf32, #tpu.memory_space<vmem>>
        %dma_start3A_814 = tpu.memref_squeeze %dma_start3A_813 : memref<1x256x16xf32, #tpu.memory_space<vmem>> -> memref<256x16xf32, #tpu.memory_space<vmem>>
        %dma_start3A_815 = arith.constant 0 : i32
        %dma_start3A_816 = tpu.memref_slice %arg12[%add3A_808, %dma_start3A_815] : memref<80x256xi32, #tpu.memory_space<vmem>> -> memref<1x256xi32, #tpu.memory_space<vmem>>
        %dma_start3A_817 = tpu.memref_squeeze %dma_start3A_816 : memref<1x256xi32, #tpu.memory_space<vmem>> -> memref<256xi32, #tpu.memory_space<vmem>>
        %dma_start3A_818 = arith.constant 0 : i32
        %dma_start3A_819 = arith.constant 0 : i32
        %dma_start3A_820 = tpu.memref_slice %arg10[%dma_start3A_818, %dma_start3A_819] : memref<10240x16xf32, #tpu.memory_space<vmem_shared>> -> memref<10240x16xf32, #tpu.memory_space<vmem_shared>>
        %dma_start3A_821 = tpu.memref_slice %arg20[%dma_start3A_810] : memref<8x!tpu.dma_semaphore, #tpu.memory_space<semaphore_mem>> -> memref<1x!tpu.dma_semaphore, #tpu.memory_space<semaphore_mem>>
        %dma_start3A_822 = tpu.memref_squeeze %dma_start3A_821 : memref<1x!tpu.dma_semaphore, #tpu.memory_space<semaphore_mem>> -> memref<!tpu.dma_semaphore, #tpu.memory_space<semaphore_mem>>
        tpu.enqueue_indirect_dma source(%dma_start3A_820 : memref<10240x16xf32, #tpu.memory_space<vmem_shared>>) target(%dma_start3A_814 : memref<256x16xf32, #tpu.memory_space<vmem>>) offsets(%dma_start3A_817 : memref<256xi32, #tpu.memory_space<vmem>>) semaphore(%dma_start3A_822 : memref<!tpu.dma_semaphore, #tpu.memory_space<semaphore_mem>>)
      } else {
      }
      %mul3A_762 = arith.constant 8 : i32
      %mul3A_763 = arith.muli %scan3A_484, %mul3A_762 : i32
      %add3A_764 = arith.constant 7 : i32
      %add3A_765 = arith.addi %mul3A_763, %add3A_764 : i32
      %dma_wait3A_766 = arith.constant 0 : i32
      %dma_wait3A_767 = arith.constant 7 : i32
      %dma_wait3A_768 = arith.constant 7 : i32
      %dma_wait3A_769 = arith.constant 0 : i32
      %dma_wait3A_770 = arith.constant 0 : i32
      %dma_wait3A_771 = tpu.memref_slice %arg14[%dma_wait3A_767, %dma_wait3A_769, %dma_wait3A_770] : memref<8x256x16xf32, #tpu.memory_space<vmem>> -> memref<1x256x16xf32, #tpu.memory_space<vmem>>
      %dma_wait3A_772 = tpu.memref_squeeze %dma_wait3A_771 : memref<1x256x16xf32, #tpu.memory_space<vmem>> -> memref<256x16xf32, #tpu.memory_space<vmem>>
      %dma_wait3A_773 = arith.constant 0 : i32
      %dma_wait3A_774 = tpu.memref_slice %arg12[%dma_wait3A_766, %dma_wait3A_773] : memref<80x256xi32, #tpu.memory_space<vmem>> -> memref<1x256xi32, #tpu.memory_space<vmem>>
      %dma_wait3A_775 = tpu.memref_squeeze %dma_wait3A_774 : memref<1x256xi32, #tpu.memory_space<vmem>> -> memref<256xi32, #tpu.memory_space<vmem>>
      %dma_wait3A_776 = arith.constant 0 : i32
      %dma_wait3A_777 = arith.constant 0 : i32
      %dma_wait3A_778 = tpu.memref_slice %arg10[%dma_wait3A_776, %dma_wait3A_777] : memref<10240x16xf32, #tpu.memory_space<vmem_shared>> -> memref<10240x16xf32, #tpu.memory_space<vmem_shared>>
      %dma_wait3A_779 = tpu.memref_slice %arg20[%dma_wait3A_768] : memref<8x!tpu.dma_semaphore, #tpu.memory_space<semaphore_mem>> -> memref<1x!tpu.dma_semaphore, #tpu.memory_space<semaphore_mem>>
      %dma_wait3A_780 = tpu.memref_squeeze %dma_wait3A_779 : memref<1x!tpu.dma_semaphore, #tpu.memory_space<semaphore_mem>> -> memref<!tpu.dma_semaphore, #tpu.memory_space<semaphore_mem>>
      tpu.wait_indirect_dma semaphore(%dma_wait3A_780 : memref<!tpu.dma_semaphore, #tpu.memory_space<semaphore_mem>>) src(%dma_wait3A_778 : memref<10240x16xf32, #tpu.memory_space<vmem_shared>>) dst(%dma_wait3A_772 : memref<256x16xf32, #tpu.memory_space<vmem>>)
      %dma_start3A_781 = arith.constant 7 : i32
      %dma_start3A_782 = arith.constant 7 : i32
      %dma_start3A_783 = arith.constant 0 : i32
      %dma_start3A_784 = arith.constant 0 : i32
      %dma_start3A_785 = tpu.memref_slice %arg14[%dma_start3A_781, %dma_start3A_783, %dma_start3A_784] : memref<8x256x16xf32, #tpu.memory_space<vmem>> -> memref<1x256x16xf32, #tpu.memory_space<vmem>>
      %dma_start3A_786 = tpu.memref_squeeze %dma_start3A_785 : memref<1x256x16xf32, #tpu.memory_space<vmem>> -> memref<256x16xf32, #tpu.memory_space<vmem>>
      %dma_start3A_787 = arith.constant 0 : i32
      %dma_start3A_788 = tpu.memref_slice %arg13[%add3A_765, %dma_start3A_787] : memref<80x256xi32, #tpu.memory_space<vmem>> -> memref<1x256xi32, #tpu.memory_space<vmem>>
      %dma_start3A_789 = tpu.memref_squeeze %dma_start3A_788 : memref<1x256xi32, #tpu.memory_space<vmem>> -> memref<256xi32, #tpu.memory_space<vmem>>
      %dma_start3A_790 = arith.constant 0 : i32
      %dma_start3A_791 = arith.constant 0 : i32
      %dma_start3A_792 = tpu.memref_slice %arg8[%dma_start3A_790, %dma_start3A_791] : memref<10240x16xf32, #tpu.memory_space<vmem_shared>> -> memref<10240x16xf32, #tpu.memory_space<vmem_shared>>
      %dma_start3A_793 = tpu.memref_slice %arg21[%dma_start3A_782] : memref<8x!tpu.dma_semaphore, #tpu.memory_space<semaphore_mem>> -> memref<1x!tpu.dma_semaphore, #tpu.memory_space<semaphore_mem>>
      %dma_start3A_794 = tpu.memref_squeeze %dma_start3A_793 : memref<1x!tpu.dma_semaphore, #tpu.memory_space<semaphore_mem>> -> memref<!tpu.dma_semaphore, #tpu.memory_space<semaphore_mem>>
      tpu.enqueue_indirect_dma source(%dma_start3A_786 : memref<256x16xf32, #tpu.memory_space<vmem>>) target(%dma_start3A_792 : memref<10240x16xf32, #tpu.memory_space<vmem_shared>>) offsets(%dma_start3A_789 : memref<256xi32, #tpu.memory_space<vmem>>) semaphore(%dma_start3A_794 : memref<!tpu.dma_semaphore, #tpu.memory_space<semaphore_mem>>) {add = true}
      %add3A_795 = arith.constant 4 : i32
      %add3A_796 = arith.addi %add3A_765, %add3A_795 : i32
      %lt3A_797 = arith.constant 80 : i32
      %lt3A_798 = arith.cmpi slt, %add3A_796, %lt3A_797 : i32
      %convert_element_type3A_799 = arith.extui %lt3A_798 : i1 to i32
      %cond3A_800 = arith.constant 0 : i32
      %cond3A_801 = arith.cmpi ne, %convert_element_type3A_799, %cond3A_800 : i32
      scf.if %cond3A_801 {
        %ge3A = arith.constant 4 : i32
        %ge3A_803 = arith.cmpi sge, %add3A_765, %ge3A : i32
        %convert_element_type3A_804 = arith.extui %ge3A_803 : i1 to i32
        %cond3A_805 = arith.constant 0 : i32
        %cond3A_806 = arith.cmpi ne, %convert_element_type3A_804, %cond3A_805 : i32
        scf.if %cond3A_806 {
          %dma_wait3A_823 = arith.constant 3 : i32
          %dma_wait3A_824 = arith.constant 0 : i32
          %dma_wait3A_825 = arith.constant 3 : i32
          %dma_wait3A_826 = arith.constant 0 : i32
          %dma_wait3A_827 = arith.constant 0 : i32
          %dma_wait3A_828 = tpu.memref_slice %arg14[%dma_wait3A_823, %dma_wait3A_826, %dma_wait3A_827] : memref<8x256x16xf32, #tpu.memory_space<vmem>> -> memref<1x256x16xf32, #tpu.memory_space<vmem>>
          %dma_wait3A_829 = tpu.memref_squeeze %dma_wait3A_828 : memref<1x256x16xf32, #tpu.memory_space<vmem>> -> memref<256x16xf32, #tpu.memory_space<vmem>>
          %dma_wait3A_830 = arith.constant 0 : i32
          %dma_wait3A_831 = tpu.memref_slice %arg13[%dma_wait3A_824, %dma_wait3A_830] : memref<80x256xi32, #tpu.memory_space<vmem>> -> memref<1x256xi32, #tpu.memory_space<vmem>>
          %dma_wait3A_832 = tpu.memref_squeeze %dma_wait3A_831 : memref<1x256xi32, #tpu.memory_space<vmem>> -> memref<256xi32, #tpu.memory_space<vmem>>
          %dma_wait3A_833 = arith.constant 0 : i32
          %dma_wait3A_834 = arith.constant 0 : i32
          %dma_wait3A_835 = tpu.memref_slice %arg8[%dma_wait3A_833, %dma_wait3A_834] : memref<10240x16xf32, #tpu.memory_space<vmem_shared>> -> memref<10240x16xf32, #tpu.memory_space<vmem_shared>>
          %dma_wait3A_836 = tpu.memref_slice %arg21[%dma_wait3A_825] : memref<8x!tpu.dma_semaphore, #tpu.memory_space<semaphore_mem>> -> memref<1x!tpu.dma_semaphore, #tpu.memory_space<semaphore_mem>>
          %dma_wait3A_837 = tpu.memref_squeeze %dma_wait3A_836 : memref<1x!tpu.dma_semaphore, #tpu.memory_space<semaphore_mem>> -> memref<!tpu.dma_semaphore, #tpu.memory_space<semaphore_mem>>
          tpu.wait_indirect_dma semaphore(%dma_wait3A_837 : memref<!tpu.dma_semaphore, #tpu.memory_space<semaphore_mem>>) src(%dma_wait3A_829 : memref<256x16xf32, #tpu.memory_space<vmem>>) dst(%dma_wait3A_835 : memref<10240x16xf32, #tpu.memory_space<vmem_shared>>)
        } else {
        }
        %add3A_807 = arith.constant 4 : i32
        %add3A_808 = arith.addi %add3A_765, %add3A_807 : i32
        %dma_start3A_809 = arith.constant 3 : i32
        %dma_start3A_810 = arith.constant 3 : i32
        %dma_start3A_811 = arith.constant 0 : i32
        %dma_start3A_812 = arith.constant 0 : i32
        %dma_start3A_813 = tpu.memref_slice %arg14[%dma_start3A_809, %dma_start3A_811, %dma_start3A_812] : memref<8x256x16xf32, #tpu.memory_space<vmem>> -> memref<1x256x16xf32, #tpu.memory_space<vmem>>
        %dma_start3A_814 = tpu.memref_squeeze %dma_start3A_813 : memref<1x256x16xf32, #tpu.memory_space<vmem>> -> memref<256x16xf32, #tpu.memory_space<vmem>>
        %dma_start3A_815 = arith.constant 0 : i32
        %dma_start3A_816 = tpu.memref_slice %arg12[%add3A_808, %dma_start3A_815] : memref<80x256xi32, #tpu.memory_space<vmem>> -> memref<1x256xi32, #tpu.memory_space<vmem>>
        %dma_start3A_817 = tpu.memref_squeeze %dma_start3A_816 : memref<1x256xi32, #tpu.memory_space<vmem>> -> memref<256xi32, #tpu.memory_space<vmem>>
        %dma_start3A_818 = arith.constant 0 : i32
        %dma_start3A_819 = arith.constant 0 : i32
        %dma_start3A_820 = tpu.memref_slice %arg10[%dma_start3A_818, %dma_start3A_819] : memref<10240x16xf32, #tpu.memory_space<vmem_shared>> -> memref<10240x16xf32, #tpu.memory_space<vmem_shared>>
        %dma_start3A_821 = tpu.memref_slice %arg20[%dma_start3A_810] : memref<8x!tpu.dma_semaphore, #tpu.memory_space<semaphore_mem>> -> memref<1x!tpu.dma_semaphore, #tpu.memory_space<semaphore_mem>>
        %dma_start3A_822 = tpu.memref_squeeze %dma_start3A_821 : memref<1x!tpu.dma_semaphore, #tpu.memory_space<semaphore_mem>> -> memref<!tpu.dma_semaphore, #tpu.memory_space<semaphore_mem>>
        tpu.enqueue_indirect_dma source(%dma_start3A_820 : memref<10240x16xf32, #tpu.memory_space<vmem_shared>>) target(%dma_start3A_814 : memref<256x16xf32, #tpu.memory_space<vmem>>) offsets(%dma_start3A_817 : memref<256xi32, #tpu.memory_space<vmem>>) semaphore(%dma_start3A_822 : memref<!tpu.dma_semaphore, #tpu.memory_space<semaphore_mem>>)
      } else {
      }
      %scan3A_802 = arith.constant 0 : i32
      scf.yield %scan3A_802 : i32
    }
    %scan3A_157 = arith.constant 10 : i32
    %dma_wait3A_158 = arith.constant 0 : i32
    %dma_wait3A_159 = arith.constant 0 : i32
    %dma_wait3A_160 = arith.constant 0 : i32
    %dma_wait3A_161 = arith.constant 0 : i32
    %dma_wait3A_162 = arith.constant 0 : i32
    %dma_wait3A_163 = tpu.memref_slice %arg14[%dma_wait3A_158, %dma_wait3A_161, %dma_wait3A_162] : memref<8x256x16xf32, #tpu.memory_space<vmem>> -> memref<1x256x16xf32, #tpu.memory_space<vmem>>
    %dma_wait3A_164 = tpu.memref_squeeze %dma_wait3A_163 : memref<1x256x16xf32, #tpu.memory_space<vmem>> -> memref<256x16xf32, #tpu.memory_space<vmem>>
    %dma_wait3A_165 = arith.constant 0 : i32
    %dma_wait3A_166 = tpu.memref_slice %arg13[%dma_wait3A_159, %dma_wait3A_165] : memref<80x256xi32, #tpu.memory_space<vmem>> -> memref<1x256xi32, #tpu.memory_space<vmem>>
    %dma_wait3A_167 = tpu.memref_squeeze %dma_wait3A_166 : memref<1x256xi32, #tpu.memory_space<vmem>> -> memref<256xi32, #tpu.memory_space<vmem>>
    %dma_wait3A_168 = arith.constant 0 : i32
    %dma_wait3A_169 = arith.constant 0 : i32
    %dma_wait3A_170 = tpu.memref_slice %arg8[%dma_wait3A_168, %dma_wait3A_169] : memref<10240x16xf32, #tpu.memory_space<vmem_shared>> -> memref<10240x16xf32, #tpu.memory_space<vmem_shared>>
    %dma_wait3A_171 = tpu.memref_slice %arg21[%dma_wait3A_160] : memref<8x!tpu.dma_semaphore, #tpu.memory_space<semaphore_mem>> -> memref<1x!tpu.dma_semaphore, #tpu.memory_space<semaphore_mem>>
    %dma_wait3A_172 = tpu.memref_squeeze %dma_wait3A_171 : memref<1x!tpu.dma_semaphore, #tpu.memory_space<semaphore_mem>> -> memref<!tpu.dma_semaphore, #tpu.memory_space<semaphore_mem>>
    tpu.wait_indirect_dma semaphore(%dma_wait3A_172 : memref<!tpu.dma_semaphore, #tpu.memory_space<semaphore_mem>>) src(%dma_wait3A_164 : memref<256x16xf32, #tpu.memory_space<vmem>>) dst(%dma_wait3A_170 : memref<10240x16xf32, #tpu.memory_space<vmem_shared>>)
    %dma_wait3A_173 = arith.constant 1 : i32
    %dma_wait3A_174 = arith.constant 0 : i32
    %dma_wait3A_175 = arith.constant 1 : i32
    %dma_wait3A_176 = arith.constant 0 : i32
    %dma_wait3A_177 = arith.constant 0 : i32
    %dma_wait3A_178 = tpu.memref_slice %arg14[%dma_wait3A_173, %dma_wait3A_176, %dma_wait3A_177] : memref<8x256x16xf32, #tpu.memory_space<vmem>> -> memref<1x256x16xf32, #tpu.memory_space<vmem>>
    %dma_wait3A_179 = tpu.memref_squeeze %dma_wait3A_178 : memref<1x256x16xf32, #tpu.memory_space<vmem>> -> memref<256x16xf32, #tpu.memory_space<vmem>>
    %dma_wait3A_180 = arith.constant 0 : i32
    %dma_wait3A_181 = tpu.memref_slice %arg13[%dma_wait3A_174, %dma_wait3A_180] : memref<80x256xi32, #tpu.memory_space<vmem>> -> memref<1x256xi32, #tpu.memory_space<vmem>>
    %dma_wait3A_182 = tpu.memref_squeeze %dma_wait3A_181 : memref<1x256xi32, #tpu.memory_space<vmem>> -> memref<256xi32, #tpu.memory_space<vmem>>
    %dma_wait3A_183 = arith.constant 0 : i32
    %dma_wait3A_184 = arith.constant 0 : i32
    %dma_wait3A_185 = tpu.memref_slice %arg8[%dma_wait3A_183, %dma_wait3A_184] : memref<10240x16xf32, #tpu.memory_space<vmem_shared>> -> memref<10240x16xf32, #tpu.memory_space<vmem_shared>>
    %dma_wait3A_186 = tpu.memref_slice %arg21[%dma_wait3A_175] : memref<8x!tpu.dma_semaphore, #tpu.memory_space<semaphore_mem>> -> memref<1x!tpu.dma_semaphore, #tpu.memory_space<semaphore_mem>>
    %dma_wait3A_187 = tpu.memref_squeeze %dma_wait3A_186 : memref<1x!tpu.dma_semaphore, #tpu.memory_space<semaphore_mem>> -> memref<!tpu.dma_semaphore, #tpu.memory_space<semaphore_mem>>
    tpu.wait_indirect_dma semaphore(%dma_wait3A_187 : memref<!tpu.dma_semaphore, #tpu.memory_space<semaphore_mem>>) src(%dma_wait3A_179 : memref<256x16xf32, #tpu.memory_space<vmem>>) dst(%dma_wait3A_185 : memref<10240x16xf32, #tpu.memory_space<vmem_shared>>)
    %dma_wait3A_188 = arith.constant 2 : i32
    %dma_wait3A_189 = arith.constant 0 : i32
    %dma_wait3A_190 = arith.constant 2 : i32
    %dma_wait3A_191 = arith.constant 0 : i32
    %dma_wait3A_192 = arith.constant 0 : i32
    %dma_wait3A_193 = tpu.memref_slice %arg14[%dma_wait3A_188, %dma_wait3A_191, %dma_wait3A_192] : memref<8x256x16xf32, #tpu.memory_space<vmem>> -> memref<1x256x16xf32, #tpu.memory_space<vmem>>
    %dma_wait3A_194 = tpu.memref_squeeze %dma_wait3A_193 : memref<1x256x16xf32, #tpu.memory_space<vmem>> -> memref<256x16xf32, #tpu.memory_space<vmem>>
    %dma_wait3A_195 = arith.constant 0 : i32
    %dma_wait3A_196 = tpu.memref_slice %arg13[%dma_wait3A_189, %dma_wait3A_195] : memref<80x256xi32, #tpu.memory_space<vmem>> -> memref<1x256xi32, #tpu.memory_space<vmem>>
    %dma_wait3A_197 = tpu.memref_squeeze %dma_wait3A_196 : memref<1x256xi32, #tpu.memory_space<vmem>> -> memref<256xi32, #tpu.memory_space<vmem>>
    %dma_wait3A_198 = arith.constant 0 : i32
    %dma_wait3A_199 = arith.constant 0 : i32
    %dma_wait3A_200 = tpu.memref_slice %arg8[%dma_wait3A_198, %dma_wait3A_199] : memref<10240x16xf32, #tpu.memory_space<vmem_shared>> -> memref<10240x16xf32, #tpu.memory_space<vmem_shared>>
    %dma_wait3A_201 = tpu.memref_slice %arg21[%dma_wait3A_190] : memref<8x!tpu.dma_semaphore, #tpu.memory_space<semaphore_mem>> -> memref<1x!tpu.dma_semaphore, #tpu.memory_space<semaphore_mem>>
    %dma_wait3A_202 = tpu.memref_squeeze %dma_wait3A_201 : memref<1x!tpu.dma_semaphore, #tpu.memory_space<semaphore_mem>> -> memref<!tpu.dma_semaphore, #tpu.memory_space<semaphore_mem>>
    tpu.wait_indirect_dma semaphore(%dma_wait3A_202 : memref<!tpu.dma_semaphore, #tpu.memory_space<semaphore_mem>>) src(%dma_wait3A_194 : memref<256x16xf32, #tpu.memory_space<vmem>>) dst(%dma_wait3A_200 : memref<10240x16xf32, #tpu.memory_space<vmem_shared>>)
    %dma_wait3A_203 = arith.constant 3 : i32
    %dma_wait3A_204 = arith.constant 0 : i32
    %dma_wait3A_205 = arith.constant 3 : i32
    %dma_wait3A_206 = arith.constant 0 : i32
    %dma_wait3A_207 = arith.constant 0 : i32
    %dma_wait3A_208 = tpu.memref_slice %arg14[%dma_wait3A_203, %dma_wait3A_206, %dma_wait3A_207] : memref<8x256x16xf32, #tpu.memory_space<vmem>> -> memref<1x256x16xf32, #tpu.memory_space<vmem>>
    %dma_wait3A_209 = tpu.memref_squeeze %dma_wait3A_208 : memref<1x256x16xf32, #tpu.memory_space<vmem>> -> memref<256x16xf32, #tpu.memory_space<vmem>>
    %dma_wait3A_210 = arith.constant 0 : i32
    %dma_wait3A_211 = tpu.memref_slice %arg13[%dma_wait3A_204, %dma_wait3A_210] : memref<80x256xi32, #tpu.memory_space<vmem>> -> memref<1x256xi32, #tpu.memory_space<vmem>>
    %dma_wait3A_212 = tpu.memref_squeeze %dma_wait3A_211 : memref<1x256xi32, #tpu.memory_space<vmem>> -> memref<256xi32, #tpu.memory_space<vmem>>
    %dma_wait3A_213 = arith.constant 0 : i32
    %dma_wait3A_214 = arith.constant 0 : i32
    %dma_wait3A_215 = tpu.memref_slice %arg8[%dma_wait3A_213, %dma_wait3A_214] : memref<10240x16xf32, #tpu.memory_space<vmem_shared>> -> memref<10240x16xf32, #tpu.memory_space<vmem_shared>>
    %dma_wait3A_216 = tpu.memref_slice %arg21[%dma_wait3A_205] : memref<8x!tpu.dma_semaphore, #tpu.memory_space<semaphore_mem>> -> memref<1x!tpu.dma_semaphore, #tpu.memory_space<semaphore_mem>>
    %dma_wait3A_217 = tpu.memref_squeeze %dma_wait3A_216 : memref<1x!tpu.dma_semaphore, #tpu.memory_space<semaphore_mem>> -> memref<!tpu.dma_semaphore, #tpu.memory_space<semaphore_mem>>
    tpu.wait_indirect_dma semaphore(%dma_wait3A_217 : memref<!tpu.dma_semaphore, #tpu.memory_space<semaphore_mem>>) src(%dma_wait3A_209 : memref<256x16xf32, #tpu.memory_space<vmem>>) dst(%dma_wait3A_215 : memref<10240x16xf32, #tpu.memory_space<vmem_shared>>)
    %dma_wait3A_218 = arith.constant 4 : i32
    %dma_wait3A_219 = arith.constant 0 : i32
    %dma_wait3A_220 = arith.constant 4 : i32
    %dma_wait3A_221 = arith.constant 0 : i32
    %dma_wait3A_222 = arith.constant 0 : i32
    %dma_wait3A_223 = tpu.memref_slice %arg14[%dma_wait3A_218, %dma_wait3A_221, %dma_wait3A_222] : memref<8x256x16xf32, #tpu.memory_space<vmem>> -> memref<1x256x16xf32, #tpu.memory_space<vmem>>
    %dma_wait3A_224 = tpu.memref_squeeze %dma_wait3A_223 : memref<1x256x16xf32, #tpu.memory_space<vmem>> -> memref<256x16xf32, #tpu.memory_space<vmem>>
    %dma_wait3A_225 = arith.constant 0 : i32
    %dma_wait3A_226 = tpu.memref_slice %arg13[%dma_wait3A_219, %dma_wait3A_225] : memref<80x256xi32, #tpu.memory_space<vmem>> -> memref<1x256xi32, #tpu.memory_space<vmem>>
    %dma_wait3A_227 = tpu.memref_squeeze %dma_wait3A_226 : memref<1x256xi32, #tpu.memory_space<vmem>> -> memref<256xi32, #tpu.memory_space<vmem>>
    %dma_wait3A_228 = arith.constant 0 : i32
    %dma_wait3A_229 = arith.constant 0 : i32
    %dma_wait3A_230 = tpu.memref_slice %arg8[%dma_wait3A_228, %dma_wait3A_229] : memref<10240x16xf32, #tpu.memory_space<vmem_shared>> -> memref<10240x16xf32, #tpu.memory_space<vmem_shared>>
    %dma_wait3A_231 = tpu.memref_slice %arg21[%dma_wait3A_220] : memref<8x!tpu.dma_semaphore, #tpu.memory_space<semaphore_mem>> -> memref<1x!tpu.dma_semaphore, #tpu.memory_space<semaphore_mem>>
    %dma_wait3A_232 = tpu.memref_squeeze %dma_wait3A_231 : memref<1x!tpu.dma_semaphore, #tpu.memory_space<semaphore_mem>> -> memref<!tpu.dma_semaphore, #tpu.memory_space<semaphore_mem>>
    tpu.wait_indirect_dma semaphore(%dma_wait3A_232 : memref<!tpu.dma_semaphore, #tpu.memory_space<semaphore_mem>>) src(%dma_wait3A_224 : memref<256x16xf32, #tpu.memory_space<vmem>>) dst(%dma_wait3A_230 : memref<10240x16xf32, #tpu.memory_space<vmem_shared>>)
    %dma_wait3A_233 = arith.constant 5 : i32
    %dma_wait3A_234 = arith.constant 0 : i32
    %dma_wait3A_235 = arith.constant 5 : i32
    %dma_wait3A_236 = arith.constant 0 : i32
    %dma_wait3A_237 = arith.constant 0 : i32
    %dma_wait3A_238 = tpu.memref_slice %arg14[%dma_wait3A_233, %dma_wait3A_236, %dma_wait3A_237] : memref<8x256x16xf32, #tpu.memory_space<vmem>> -> memref<1x256x16xf32, #tpu.memory_space<vmem>>
    %dma_wait3A_239 = tpu.memref_squeeze %dma_wait3A_238 : memref<1x256x16xf32, #tpu.memory_space<vmem>> -> memref<256x16xf32, #tpu.memory_space<vmem>>
    %dma_wait3A_240 = arith.constant 0 : i32
    %dma_wait3A_241 = tpu.memref_slice %arg13[%dma_wait3A_234, %dma_wait3A_240] : memref<80x256xi32, #tpu.memory_space<vmem>> -> memref<1x256xi32, #tpu.memory_space<vmem>>
    %dma_wait3A_242 = tpu.memref_squeeze %dma_wait3A_241 : memref<1x256xi32, #tpu.memory_space<vmem>> -> memref<256xi32, #tpu.memory_space<vmem>>
    %dma_wait3A_243 = arith.constant 0 : i32
    %dma_wait3A_244 = arith.constant 0 : i32
    %dma_wait3A_245 = tpu.memref_slice %arg8[%dma_wait3A_243, %dma_wait3A_244] : memref<10240x16xf32, #tpu.memory_space<vmem_shared>> -> memref<10240x16xf32, #tpu.memory_space<vmem_shared>>
    %dma_wait3A_246 = tpu.memref_slice %arg21[%dma_wait3A_235] : memref<8x!tpu.dma_semaphore, #tpu.memory_space<semaphore_mem>> -> memref<1x!tpu.dma_semaphore, #tpu.memory_space<semaphore_mem>>
    %dma_wait3A_247 = tpu.memref_squeeze %dma_wait3A_246 : memref<1x!tpu.dma_semaphore, #tpu.memory_space<semaphore_mem>> -> memref<!tpu.dma_semaphore, #tpu.memory_space<semaphore_mem>>
    tpu.wait_indirect_dma semaphore(%dma_wait3A_247 : memref<!tpu.dma_semaphore, #tpu.memory_space<semaphore_mem>>) src(%dma_wait3A_239 : memref<256x16xf32, #tpu.memory_space<vmem>>) dst(%dma_wait3A_245 : memref<10240x16xf32, #tpu.memory_space<vmem_shared>>)
    %dma_wait3A_248 = arith.constant 6 : i32
    %dma_wait3A_249 = arith.constant 0 : i32
    %dma_wait3A_250 = arith.constant 6 : i32
    %dma_wait3A_251 = arith.constant 0 : i32
    %dma_wait3A_252 = arith.constant 0 : i32
    %dma_wait3A_253 = tpu.memref_slice %arg14[%dma_wait3A_248, %dma_wait3A_251, %dma_wait3A_252] : memref<8x256x16xf32, #tpu.memory_space<vmem>> -> memref<1x256x16xf32, #tpu.memory_space<vmem>>
    %dma_wait3A_254 = tpu.memref_squeeze %dma_wait3A_253 : memref<1x256x16xf32, #tpu.memory_space<vmem>> -> memref<256x16xf32, #tpu.memory_space<vmem>>
    %dma_wait3A_255 = arith.constant 0 : i32
    %dma_wait3A_256 = tpu.memref_slice %arg13[%dma_wait3A_249, %dma_wait3A_255] : memref<80x256xi32, #tpu.memory_space<vmem>> -> memref<1x256xi32, #tpu.memory_space<vmem>>
    %dma_wait3A_257 = tpu.memref_squeeze %dma_wait3A_256 : memref<1x256xi32, #tpu.memory_space<vmem>> -> memref<256xi32, #tpu.memory_space<vmem>>
    %dma_wait3A_258 = arith.constant 0 : i32
    %dma_wait3A_259 = arith.constant 0 : i32
    %dma_wait3A_260 = tpu.memref_slice %arg8[%dma_wait3A_258, %dma_wait3A_259] : memref<10240x16xf32, #tpu.memory_space<vmem_shared>> -> memref<10240x16xf32, #tpu.memory_space<vmem_shared>>
    %dma_wait3A_261 = tpu.memref_slice %arg21[%dma_wait3A_250] : memref<8x!tpu.dma_semaphore, #tpu.memory_space<semaphore_mem>> -> memref<1x!tpu.dma_semaphore, #tpu.memory_space<semaphore_mem>>
    %dma_wait3A_262 = tpu.memref_squeeze %dma_wait3A_261 : memref<1x!tpu.dma_semaphore, #tpu.memory_space<semaphore_mem>> -> memref<!tpu.dma_semaphore, #tpu.memory_space<semaphore_mem>>
    tpu.wait_indirect_dma semaphore(%dma_wait3A_262 : memref<!tpu.dma_semaphore, #tpu.memory_space<semaphore_mem>>) src(%dma_wait3A_254 : memref<256x16xf32, #tpu.memory_space<vmem>>) dst(%dma_wait3A_260 : memref<10240x16xf32, #tpu.memory_space<vmem_shared>>)
    %dma_wait3A_263 = arith.constant 7 : i32
    %dma_wait3A_264 = arith.constant 0 : i32
    %dma_wait3A_265 = arith.constant 7 : i32
    %dma_wait3A_266 = arith.constant 0 : i32
    %dma_wait3A_267 = arith.constant 0 : i32
    %dma_wait3A_268 = tpu.memref_slice %arg14[%dma_wait3A_263, %dma_wait3A_266, %dma_wait3A_267] : memref<8x256x16xf32, #tpu.memory_space<vmem>> -> memref<1x256x16xf32, #tpu.memory_space<vmem>>
    %dma_wait3A_269 = tpu.memref_squeeze %dma_wait3A_268 : memref<1x256x16xf32, #tpu.memory_space<vmem>> -> memref<256x16xf32, #tpu.memory_space<vmem>>
    %dma_wait3A_270 = arith.constant 0 : i32
    %dma_wait3A_271 = tpu.memref_slice %arg13[%dma_wait3A_264, %dma_wait3A_270] : memref<80x256xi32, #tpu.memory_space<vmem>> -> memref<1x256xi32, #tpu.memory_space<vmem>>
    %dma_wait3A_272 = tpu.memref_squeeze %dma_wait3A_271 : memref<1x256xi32, #tpu.memory_space<vmem>> -> memref<256xi32, #tpu.memory_space<vmem>>
    %dma_wait3A_273 = arith.constant 0 : i32
    %dma_wait3A_274 = arith.constant 0 : i32
    %dma_wait3A_275 = tpu.memref_slice %arg8[%dma_wait3A_273, %dma_wait3A_274] : memref<10240x16xf32, #tpu.memory_space<vmem_shared>> -> memref<10240x16xf32, #tpu.memory_space<vmem_shared>>
    %dma_wait3A_276 = tpu.memref_slice %arg21[%dma_wait3A_265] : memref<8x!tpu.dma_semaphore, #tpu.memory_space<semaphore_mem>> -> memref<1x!tpu.dma_semaphore, #tpu.memory_space<semaphore_mem>>
    %dma_wait3A_277 = tpu.memref_squeeze %dma_wait3A_276 : memref<1x!tpu.dma_semaphore, #tpu.memory_space<semaphore_mem>> -> memref<!tpu.dma_semaphore, #tpu.memory_space<semaphore_mem>>
    tpu.wait_indirect_dma semaphore(%dma_wait3A_277 : memref<!tpu.dma_semaphore, #tpu.memory_space<semaphore_mem>>) src(%dma_wait3A_269 : memref<256x16xf32, #tpu.memory_space<vmem>>) dst(%dma_wait3A_275 : memref<10240x16xf32, #tpu.memory_space<vmem_shared>>)
    %barrier3A_278 = arith.constant 0 : index
    tpu.barrier barrier_id(%barrier3A_278)
    "tpu.region"() ({
      %run_scoped3A = tpu.sem_alloc : memref<!tpu.dma_semaphore, #tpu.memory_space<semaphore_mem>>
      %dma_start3A_484 = arith.constant 0 : i32
      %dma_start3A_485 = tpu.memref_slice %arg8[%mul3A_0, %dma_start3A_484] : memref<10240x16xf32, #tpu.memory_space<vmem_shared>> -> memref<640x16xf32, #tpu.memory_space<vmem_shared>>
      %dma_start3A_486 = arith.constant 0 : i32
      %dma_start3A_487 = tpu.memref_slice %arg8[%mul3A_0, %dma_start3A_486] : memref<10240x16xf32, #tpu.memory_space<vmem_shared>> -> memref<640x16xf32, #tpu.memory_space<vmem_shared>>
      tpu.enqueue_dma source(%dma_start3A_487 : memref<640x16xf32, #tpu.memory_space<vmem_shared>>) target(%arg15 : memref<640x16xf32, #tpu.memory_space<vmem>>) target_semaphore(%run_scoped3A : memref<!tpu.dma_semaphore, #tpu.memory_space<semaphore_mem>>)
      %dma_wait3A_488 = arith.constant 0 : i32
      %dma_wait3A_489 = tpu.memref_slice %arg8[%mul3A_0, %dma_wait3A_488] : memref<10240x16xf32, #tpu.memory_space<vmem_shared>> -> memref<640x16xf32, #tpu.memory_space<vmem_shared>>
      %dma_wait3A_490 = arith.constant 0 : i32
      %dma_wait3A_491 = tpu.memref_slice %arg8[%mul3A_0, %dma_wait3A_490] : memref<10240x16xf32, #tpu.memory_space<vmem_shared>> -> memref<640x16xf32, #tpu.memory_space<vmem_shared>>
      tpu.wait_dma2 semaphore(%run_scoped3A : memref<!tpu.dma_semaphore, #tpu.memory_space<semaphore_mem>>) src(%dma_wait3A_491 : memref<640x16xf32, #tpu.memory_space<vmem_shared>>) dst(%arg15 : memref<640x16xf32, #tpu.memory_space<vmem>>)
      tpu.yield
    }) : () -> ()
    %get3A = arith.constant 0 : index
    %get3A_279 = tpu.vector_load %arg19[%get3A] {strides = array<i32>} : memref<16xf32, #tpu.memory_space<vmem>>, vector<16xf32>,
    %get3A_280 = vector.shape_cast %get3A_279 : vector<16xf32> to vector<16xf32>
    %scan3A_281 = arith.constant 0 : i32
    %scan3A_282 = arith.constant 0 : i32
    %scan3A_283 = arith.constant 40 : i32
    %scan3A_284 = arith.addi %scan3A_282, %scan3A_283 : i32
    %scan3A_285 = arith.constant 1 : i32
    %scan3A_286 = scf.for %scan3A_484 = %scan3A_282 to %scan3A_284 step %scan3A_285 iter_args(%scan3A_485 = %scan3A_281) -> (i32)  : i32 {
      %mul3A_486 = arith.constant 16 : i32
      %mul3A_487 = arith.muli %scan3A_484, %mul3A_486 : i32
      %get3A_488 = arith.index_cast %mul3A_487 : i32 to index
      %get3A_489 = tpu.vector_load %arg16[%get3A_488] {strides = array<i32>} : memref<640xf32, #tpu.memory_space<vmem>>, vector<16xf32>,
      %get3A_490 = vector.shape_cast %get3A_489 : vector<16xf32> to vector<16xf32>
      %mul3A_491 = arith.constant 16 : i32
      %mul3A_492 = arith.muli %scan3A_484, %mul3A_491 : i32
      %add3A = arith.constant 0 : i32
      %add3A_493 = arith.addi %mul3A_492, %add3A : i32
      %slice3A = vector.extract_strided_slice %get3A_490 {offsets = [0], sizes = [1], strides = [1]} : vector<16xf32> to vector<1xf32>
      %squeeze3A = vector.extract %slice3A[0] : f32 from vector<1xf32>
      %get3A_494 = arith.index_cast %add3A_493 : i32 to index
      %get3A_495 = arith.constant 0 : index
      %get3A_496 = tpu.vector_load %arg15[%get3A_494, %get3A_495] {strides = array<i32>} : memref<640x16xf32, #tpu.memory_space<vmem>>, vector<1x16xf32>,
      %get3A_497 = vector.shape_cast %get3A_496 : vector<1x16xf32> to vector<16xf32>
      %mul3A_498 = vector.broadcast %squeeze3A : f32 to vector<16xf32>
      %mul3A_499 = arith.mulf %get3A_497, %mul3A_498 : vector<16xf32>
      %add3A_500 = arith.addf %mul3A_499, %get3A_280 : vector<16xf32>
      %max3A = arith.constant 0.000000e+00 : f32
      %max3A_501 = vector.broadcast %max3A : f32 to vector<16xf32>
      %max3A_502 = arith.maximumf %add3A_500, %max3A_501 : vector<16xf32>
      %mul3A_503 = vector.broadcast %squeeze3A : f32 to vector<16xf32>
      %mul3A_504 = arith.mulf %max3A_502, %mul3A_503 : vector<16xf32>
      %swap3A = arith.index_cast %add3A_493 : i32 to index
      %swap3A_505 = arith.constant 0 : index
      %swap3A_506 = tpu.vector_load %arg15[%swap3A, %swap3A_505] {strides = array<i32>} : memref<640x16xf32, #tpu.memory_space<vmem>>, vector<1x16xf32>,
      %swap3A_507 = vector.shape_cast %swap3A_506 : vector<1x16xf32> to vector<16xf32>
      %swap3A_508 = vector.shape_cast %mul3A_504 : vector<16xf32> to vector<1x16xf32>
      tpu.vector_store %arg15[%swap3A, %swap3A_505], %swap3A_508 {strides = array<i32>} : memref<640x16xf32, #tpu.memory_space<vmem>>, vector<1x16xf32>,
      %mul3A_509 = arith.constant 16 : i32
      %mul3A_510 = arith.muli %scan3A_484, %mul3A_509 : i32
      %add3A_511 = arith.constant 1 : i32
      %add3A_512 = arith.addi %mul3A_510, %add3A_511 : i32
      %slice3A_513 = vector.extract_strided_slice %get3A_490 {offsets = [1], sizes = [1], strides = [1]} : vector<16xf32> to vector<1xf32>
      %squeeze3A_514 = vector.extract %slice3A_513[0] : f32 from vector<1xf32>
      %get3A_515 = arith.index_cast %add3A_512 : i32 to index
      %get3A_516 = arith.constant 0 : index
      %get3A_517 = tpu.vector_load %arg15[%get3A_515, %get3A_516] {strides = array<i32>} : memref<640x16xf32, #tpu.memory_space<vmem>>, vector<1x16xf32>,
      %get3A_518 = vector.shape_cast %get3A_517 : vector<1x16xf32> to vector<16xf32>
      %mul3A_519 = vector.broadcast %squeeze3A_514 : f32 to vector<16xf32>
      %mul3A_520 = arith.mulf %get3A_518, %mul3A_519 : vector<16xf32>
      %add3A_521 = arith.addf %mul3A_520, %get3A_280 : vector<16xf32>
      %max3A_522 = arith.constant 0.000000e+00 : f32
      %max3A_523 = vector.broadcast %max3A_522 : f32 to vector<16xf32>
      %max3A_524 = arith.maximumf %add3A_521, %max3A_523 : vector<16xf32>
      %mul3A_525 = vector.broadcast %squeeze3A_514 : f32 to vector<16xf32>
      %mul3A_526 = arith.mulf %max3A_524, %mul3A_525 : vector<16xf32>
      %swap3A_527 = arith.index_cast %add3A_512 : i32 to index
      %swap3A_528 = arith.constant 0 : index
      %swap3A_529 = tpu.vector_load %arg15[%swap3A_527, %swap3A_528] {strides = array<i32>} : memref<640x16xf32, #tpu.memory_space<vmem>>, vector<1x16xf32>,
      %swap3A_530 = vector.shape_cast %swap3A_529 : vector<1x16xf32> to vector<16xf32>
      %swap3A_531 = vector.shape_cast %mul3A_526 : vector<16xf32> to vector<1x16xf32>
      tpu.vector_store %arg15[%swap3A_527, %swap3A_528], %swap3A_531 {strides = array<i32>} : memref<640x16xf32, #tpu.memory_space<vmem>>, vector<1x16xf32>,
      %mul3A_532 = arith.constant 16 : i32
      %mul3A_533 = arith.muli %scan3A_484, %mul3A_532 : i32
      %add3A_534 = arith.constant 2 : i32
      %add3A_535 = arith.addi %mul3A_533, %add3A_534 : i32
      %slice3A_536 = vector.extract_strided_slice %get3A_490 {offsets = [2], sizes = [1], strides = [1]} : vector<16xf32> to vector<1xf32>
      %squeeze3A_537 = vector.extract %slice3A_536[0] : f32 from vector<1xf32>
      %get3A_538 = arith.index_cast %add3A_535 : i32 to index
      %get3A_539 = arith.constant 0 : index
      %get3A_540 = tpu.vector_load %arg15[%get3A_538, %get3A_539] {strides = array<i32>} : memref<640x16xf32, #tpu.memory_space<vmem>>, vector<1x16xf32>,
      %get3A_541 = vector.shape_cast %get3A_540 : vector<1x16xf32> to vector<16xf32>
      %mul3A_542 = vector.broadcast %squeeze3A_537 : f32 to vector<16xf32>
      %mul3A_543 = arith.mulf %get3A_541, %mul3A_542 : vector<16xf32>
      %add3A_544 = arith.addf %mul3A_543, %get3A_280 : vector<16xf32>
      %max3A_545 = arith.constant 0.000000e+00 : f32
      %max3A_546 = vector.broadcast %max3A_545 : f32 to vector<16xf32>
      %max3A_547 = arith.maximumf %add3A_544, %max3A_546 : vector<16xf32>
      %mul3A_548 = vector.broadcast %squeeze3A_537 : f32 to vector<16xf32>
      %mul3A_549 = arith.mulf %max3A_547, %mul3A_548 : vector<16xf32>
      %swap3A_550 = arith.index_cast %add3A_535 : i32 to index
      %swap3A_551 = arith.constant 0 : index
      %swap3A_552 = tpu.vector_load %arg15[%swap3A_550, %swap3A_551] {strides = array<i32>} : memref<640x16xf32, #tpu.memory_space<vmem>>, vector<1x16xf32>,
      %swap3A_553 = vector.shape_cast %swap3A_552 : vector<1x16xf32> to vector<16xf32>
      %swap3A_554 = vector.shape_cast %mul3A_549 : vector<16xf32> to vector<1x16xf32>
      tpu.vector_store %arg15[%swap3A_550, %swap3A_551], %swap3A_554 {strides = array<i32>} : memref<640x16xf32, #tpu.memory_space<vmem>>, vector<1x16xf32>,
      %mul3A_555 = arith.constant 16 : i32
      %mul3A_556 = arith.muli %scan3A_484, %mul3A_555 : i32
      %add3A_557 = arith.constant 3 : i32
      %add3A_558 = arith.addi %mul3A_556, %add3A_557 : i32
      %slice3A_559 = vector.extract_strided_slice %get3A_490 {offsets = [3], sizes = [1], strides = [1]} : vector<16xf32> to vector<1xf32>
      %squeeze3A_560 = vector.extract %slice3A_559[0] : f32 from vector<1xf32>
      %get3A_561 = arith.index_cast %add3A_558 : i32 to index
      %get3A_562 = arith.constant 0 : index
      %get3A_563 = tpu.vector_load %arg15[%get3A_561, %get3A_562] {strides = array<i32>} : memref<640x16xf32, #tpu.memory_space<vmem>>, vector<1x16xf32>,
      %get3A_564 = vector.shape_cast %get3A_563 : vector<1x16xf32> to vector<16xf32>
      %mul3A_565 = vector.broadcast %squeeze3A_560 : f32 to vector<16xf32>
      %mul3A_566 = arith.mulf %get3A_564, %mul3A_565 : vector<16xf32>
      %add3A_567 = arith.addf %mul3A_566, %get3A_280 : vector<16xf32>
      %max3A_568 = arith.constant 0.000000e+00 : f32
      %max3A_569 = vector.broadcast %max3A_568 : f32 to vector<16xf32>
      %max3A_570 = arith.maximumf %add3A_567, %max3A_569 : vector<16xf32>
      %mul3A_571 = vector.broadcast %squeeze3A_560 : f32 to vector<16xf32>
      %mul3A_572 = arith.mulf %max3A_570, %mul3A_571 : vector<16xf32>
      %swap3A_573 = arith.index_cast %add3A_558 : i32 to index
      %swap3A_574 = arith.constant 0 : index
      %swap3A_575 = tpu.vector_load %arg15[%swap3A_573, %swap3A_574] {strides = array<i32>} : memref<640x16xf32, #tpu.memory_space<vmem>>, vector<1x16xf32>,
      %swap3A_576 = vector.shape_cast %swap3A_575 : vector<1x16xf32> to vector<16xf32>
      %swap3A_577 = vector.shape_cast %mul3A_572 : vector<16xf32> to vector<1x16xf32>
      tpu.vector_store %arg15[%swap3A_573, %swap3A_574], %swap3A_577 {strides = array<i32>} : memref<640x16xf32, #tpu.memory_space<vmem>>, vector<1x16xf32>,
      %mul3A_578 = arith.constant 16 : i32
      %mul3A_579 = arith.muli %scan3A_484, %mul3A_578 : i32
      %add3A_580 = arith.constant 4 : i32
      %add3A_581 = arith.addi %mul3A_579, %add3A_580 : i32
      %slice3A_582 = vector.extract_strided_slice %get3A_490 {offsets = [4], sizes = [1], strides = [1]} : vector<16xf32> to vector<1xf32>
      %squeeze3A_583 = vector.extract %slice3A_582[0] : f32 from vector<1xf32>
      %get3A_584 = arith.index_cast %add3A_581 : i32 to index
      %get3A_585 = arith.constant 0 : index
      %get3A_586 = tpu.vector_load %arg15[%get3A_584, %get3A_585] {strides = array<i32>} : memref<640x16xf32, #tpu.memory_space<vmem>>, vector<1x16xf32>,
      %get3A_587 = vector.shape_cast %get3A_586 : vector<1x16xf32> to vector<16xf32>
      %mul3A_588 = vector.broadcast %squeeze3A_583 : f32 to vector<16xf32>
      %mul3A_589 = arith.mulf %get3A_587, %mul3A_588 : vector<16xf32>
      %add3A_590 = arith.addf %mul3A_589, %get3A_280 : vector<16xf32>
      %max3A_591 = arith.constant 0.000000e+00 : f32
      %max3A_592 = vector.broadcast %max3A_591 : f32 to vector<16xf32>
      %max3A_593 = arith.maximumf %add3A_590, %max3A_592 : vector<16xf32>
      %mul3A_594 = vector.broadcast %squeeze3A_583 : f32 to vector<16xf32>
      %mul3A_595 = arith.mulf %max3A_593, %mul3A_594 : vector<16xf32>
      %swap3A_596 = arith.index_cast %add3A_581 : i32 to index
      %swap3A_597 = arith.constant 0 : index
      %swap3A_598 = tpu.vector_load %arg15[%swap3A_596, %swap3A_597] {strides = array<i32>} : memref<640x16xf32, #tpu.memory_space<vmem>>, vector<1x16xf32>,
      %swap3A_599 = vector.shape_cast %swap3A_598 : vector<1x16xf32> to vector<16xf32>
      %swap3A_600 = vector.shape_cast %mul3A_595 : vector<16xf32> to vector<1x16xf32>
      tpu.vector_store %arg15[%swap3A_596, %swap3A_597], %swap3A_600 {strides = array<i32>} : memref<640x16xf32, #tpu.memory_space<vmem>>, vector<1x16xf32>,
      %mul3A_601 = arith.constant 16 : i32
      %mul3A_602 = arith.muli %scan3A_484, %mul3A_601 : i32
      %add3A_603 = arith.constant 5 : i32
      %add3A_604 = arith.addi %mul3A_602, %add3A_603 : i32
      %slice3A_605 = vector.extract_strided_slice %get3A_490 {offsets = [5], sizes = [1], strides = [1]} : vector<16xf32> to vector<1xf32>
      %squeeze3A_606 = vector.extract %slice3A_605[0] : f32 from vector<1xf32>
      %get3A_607 = arith.index_cast %add3A_604 : i32 to index
      %get3A_608 = arith.constant 0 : index
      %get3A_609 = tpu.vector_load %arg15[%get3A_607, %get3A_608] {strides = array<i32>} : memref<640x16xf32, #tpu.memory_space<vmem>>, vector<1x16xf32>,
      %get3A_610 = vector.shape_cast %get3A_609 : vector<1x16xf32> to vector<16xf32>
      %mul3A_611 = vector.broadcast %squeeze3A_606 : f32 to vector<16xf32>
      %mul3A_612 = arith.mulf %get3A_610, %mul3A_611 : vector<16xf32>
      %add3A_613 = arith.addf %mul3A_612, %get3A_280 : vector<16xf32>
      %max3A_614 = arith.constant 0.000000e+00 : f32
      %max3A_615 = vector.broadcast %max3A_614 : f32 to vector<16xf32>
      %max3A_616 = arith.maximumf %add3A_613, %max3A_615 : vector<16xf32>
      %mul3A_617 = vector.broadcast %squeeze3A_606 : f32 to vector<16xf32>
      %mul3A_618 = arith.mulf %max3A_616, %mul3A_617 : vector<16xf32>
      %swap3A_619 = arith.index_cast %add3A_604 : i32 to index
      %swap3A_620 = arith.constant 0 : index
      %swap3A_621 = tpu.vector_load %arg15[%swap3A_619, %swap3A_620] {strides = array<i32>} : memref<640x16xf32, #tpu.memory_space<vmem>>, vector<1x16xf32>,
      %swap3A_622 = vector.shape_cast %swap3A_621 : vector<1x16xf32> to vector<16xf32>
      %swap3A_623 = vector.shape_cast %mul3A_618 : vector<16xf32> to vector<1x16xf32>
      tpu.vector_store %arg15[%swap3A_619, %swap3A_620], %swap3A_623 {strides = array<i32>} : memref<640x16xf32, #tpu.memory_space<vmem>>, vector<1x16xf32>,
      %mul3A_624 = arith.constant 16 : i32
      %mul3A_625 = arith.muli %scan3A_484, %mul3A_624 : i32
      %add3A_626 = arith.constant 6 : i32
      %add3A_627 = arith.addi %mul3A_625, %add3A_626 : i32
      %slice3A_628 = vector.extract_strided_slice %get3A_490 {offsets = [6], sizes = [1], strides = [1]} : vector<16xf32> to vector<1xf32>
      %squeeze3A_629 = vector.extract %slice3A_628[0] : f32 from vector<1xf32>
      %get3A_630 = arith.index_cast %add3A_627 : i32 to index
      %get3A_631 = arith.constant 0 : index
      %get3A_632 = tpu.vector_load %arg15[%get3A_630, %get3A_631] {strides = array<i32>} : memref<640x16xf32, #tpu.memory_space<vmem>>, vector<1x16xf32>,
      %get3A_633 = vector.shape_cast %get3A_632 : vector<1x16xf32> to vector<16xf32>
      %mul3A_634 = vector.broadcast %squeeze3A_629 : f32 to vector<16xf32>
      %mul3A_635 = arith.mulf %get3A_633, %mul3A_634 : vector<16xf32>
      %add3A_636 = arith.addf %mul3A_635, %get3A_280 : vector<16xf32>
      %max3A_637 = arith.constant 0.000000e+00 : f32
      %max3A_638 = vector.broadcast %max3A_637 : f32 to vector<16xf32>
      %max3A_639 = arith.maximumf %add3A_636, %max3A_638 : vector<16xf32>
      %mul3A_640 = vector.broadcast %squeeze3A_629 : f32 to vector<16xf32>
      %mul3A_641 = arith.mulf %max3A_639, %mul3A_640 : vector<16xf32>
      %swap3A_642 = arith.index_cast %add3A_627 : i32 to index
      %swap3A_643 = arith.constant 0 : index
      %swap3A_644 = tpu.vector_load %arg15[%swap3A_642, %swap3A_643] {strides = array<i32>} : memref<640x16xf32, #tpu.memory_space<vmem>>, vector<1x16xf32>,
      %swap3A_645 = vector.shape_cast %swap3A_644 : vector<1x16xf32> to vector<16xf32>
      %swap3A_646 = vector.shape_cast %mul3A_641 : vector<16xf32> to vector<1x16xf32>
      tpu.vector_store %arg15[%swap3A_642, %swap3A_643], %swap3A_646 {strides = array<i32>} : memref<640x16xf32, #tpu.memory_space<vmem>>, vector<1x16xf32>,
      %mul3A_647 = arith.constant 16 : i32
      %mul3A_648 = arith.muli %scan3A_484, %mul3A_647 : i32
      %add3A_649 = arith.constant 7 : i32
      %add3A_650 = arith.addi %mul3A_648, %add3A_649 : i32
      %slice3A_651 = vector.extract_strided_slice %get3A_490 {offsets = [7], sizes = [1], strides = [1]} : vector<16xf32> to vector<1xf32>
      %squeeze3A_652 = vector.extract %slice3A_651[0] : f32 from vector<1xf32>
      %get3A_653 = arith.index_cast %add3A_650 : i32 to index
      %get3A_654 = arith.constant 0 : index
      %get3A_655 = tpu.vector_load %arg15[%get3A_653, %get3A_654] {strides = array<i32>} : memref<640x16xf32, #tpu.memory_space<vmem>>, vector<1x16xf32>,
      %get3A_656 = vector.shape_cast %get3A_655 : vector<1x16xf32> to vector<16xf32>
      %mul3A_657 = vector.broadcast %squeeze3A_652 : f32 to vector<16xf32>
      %mul3A_658 = arith.mulf %get3A_656, %mul3A_657 : vector<16xf32>
      %add3A_659 = arith.addf %mul3A_658, %get3A_280 : vector<16xf32>
      %max3A_660 = arith.constant 0.000000e+00 : f32
      %max3A_661 = vector.broadcast %max3A_660 : f32 to vector<16xf32>
      %max3A_662 = arith.maximumf %add3A_659, %max3A_661 : vector<16xf32>
      %mul3A_663 = vector.broadcast %squeeze3A_652 : f32 to vector<16xf32>
      %mul3A_664 = arith.mulf %max3A_662, %mul3A_663 : vector<16xf32>
      %swap3A_665 = arith.index_cast %add3A_650 : i32 to index
      %swap3A_666 = arith.constant 0 : index
      %swap3A_667 = tpu.vector_load %arg15[%swap3A_665, %swap3A_666] {strides = array<i32>} : memref<640x16xf32, #tpu.memory_space<vmem>>, vector<1x16xf32>,
      %swap3A_668 = vector.shape_cast %swap3A_667 : vector<1x16xf32> to vector<16xf32>
      %swap3A_669 = vector.shape_cast %mul3A_664 : vector<16xf32> to vector<1x16xf32>
      tpu.vector_store %arg15[%swap3A_665, %swap3A_666], %swap3A_669 {strides = array<i32>} : memref<640x16xf32, #tpu.memory_space<vmem>>, vector<1x16xf32>,
      %mul3A_670 = arith.constant 16 : i32
      %mul3A_671 = arith.muli %scan3A_484, %mul3A_670 : i32
      %add3A_672 = arith.constant 8 : i32
      %add3A_673 = arith.addi %mul3A_671, %add3A_672 : i32
      %slice3A_674 = vector.extract_strided_slice %get3A_490 {offsets = [8], sizes = [1], strides = [1]} : vector<16xf32> to vector<1xf32>
      %squeeze3A_675 = vector.extract %slice3A_674[0] : f32 from vector<1xf32>
      %get3A_676 = arith.index_cast %add3A_673 : i32 to index
      %get3A_677 = arith.constant 0 : index
      %get3A_678 = tpu.vector_load %arg15[%get3A_676, %get3A_677] {strides = array<i32>} : memref<640x16xf32, #tpu.memory_space<vmem>>, vector<1x16xf32>,
      %get3A_679 = vector.shape_cast %get3A_678 : vector<1x16xf32> to vector<16xf32>
      %mul3A_680 = vector.broadcast %squeeze3A_675 : f32 to vector<16xf32>
      %mul3A_681 = arith.mulf %get3A_679, %mul3A_680 : vector<16xf32>
      %add3A_682 = arith.addf %mul3A_681, %get3A_280 : vector<16xf32>
      %max3A_683 = arith.constant 0.000000e+00 : f32
      %max3A_684 = vector.broadcast %max3A_683 : f32 to vector<16xf32>
      %max3A_685 = arith.maximumf %add3A_682, %max3A_684 : vector<16xf32>
      %mul3A_686 = vector.broadcast %squeeze3A_675 : f32 to vector<16xf32>
      %mul3A_687 = arith.mulf %max3A_685, %mul3A_686 : vector<16xf32>
      %swap3A_688 = arith.index_cast %add3A_673 : i32 to index
      %swap3A_689 = arith.constant 0 : index
      %swap3A_690 = tpu.vector_load %arg15[%swap3A_688, %swap3A_689] {strides = array<i32>} : memref<640x16xf32, #tpu.memory_space<vmem>>, vector<1x16xf32>,
      %swap3A_691 = vector.shape_cast %swap3A_690 : vector<1x16xf32> to vector<16xf32>
      %swap3A_692 = vector.shape_cast %mul3A_687 : vector<16xf32> to vector<1x16xf32>
      tpu.vector_store %arg15[%swap3A_688, %swap3A_689], %swap3A_692 {strides = array<i32>} : memref<640x16xf32, #tpu.memory_space<vmem>>, vector<1x16xf32>,
      %mul3A_693 = arith.constant 16 : i32
      %mul3A_694 = arith.muli %scan3A_484, %mul3A_693 : i32
      %add3A_695 = arith.constant 9 : i32
      %add3A_696 = arith.addi %mul3A_694, %add3A_695 : i32
      %slice3A_697 = vector.extract_strided_slice %get3A_490 {offsets = [9], sizes = [1], strides = [1]} : vector<16xf32> to vector<1xf32>
      %squeeze3A_698 = vector.extract %slice3A_697[0] : f32 from vector<1xf32>
      %get3A_699 = arith.index_cast %add3A_696 : i32 to index
      %get3A_700 = arith.constant 0 : index
      %get3A_701 = tpu.vector_load %arg15[%get3A_699, %get3A_700] {strides = array<i32>} : memref<640x16xf32, #tpu.memory_space<vmem>>, vector<1x16xf32>,
      %get3A_702 = vector.shape_cast %get3A_701 : vector<1x16xf32> to vector<16xf32>
      %mul3A_703 = vector.broadcast %squeeze3A_698 : f32 to vector<16xf32>
      %mul3A_704 = arith.mulf %get3A_702, %mul3A_703 : vector<16xf32>
      %add3A_705 = arith.addf %mul3A_704, %get3A_280 : vector<16xf32>
      %max3A_706 = arith.constant 0.000000e+00 : f32
      %max3A_707 = vector.broadcast %max3A_706 : f32 to vector<16xf32>
      %max3A_708 = arith.maximumf %add3A_705, %max3A_707 : vector<16xf32>
      %mul3A_709 = vector.broadcast %squeeze3A_698 : f32 to vector<16xf32>
      %mul3A_710 = arith.mulf %max3A_708, %mul3A_709 : vector<16xf32>
      %swap3A_711 = arith.index_cast %add3A_696 : i32 to index
      %swap3A_712 = arith.constant 0 : index
      %swap3A_713 = tpu.vector_load %arg15[%swap3A_711, %swap3A_712] {strides = array<i32>} : memref<640x16xf32, #tpu.memory_space<vmem>>, vector<1x16xf32>,
      %swap3A_714 = vector.shape_cast %swap3A_713 : vector<1x16xf32> to vector<16xf32>
      %swap3A_715 = vector.shape_cast %mul3A_710 : vector<16xf32> to vector<1x16xf32>
      tpu.vector_store %arg15[%swap3A_711, %swap3A_712], %swap3A_715 {strides = array<i32>} : memref<640x16xf32, #tpu.memory_space<vmem>>, vector<1x16xf32>,
      %mul3A_716 = arith.constant 16 : i32
      %mul3A_717 = arith.muli %scan3A_484, %mul3A_716 : i32
      %add3A_718 = arith.constant 10 : i32
      %add3A_719 = arith.addi %mul3A_717, %add3A_718 : i32
      %slice3A_720 = vector.extract_strided_slice %get3A_490 {offsets = [10], sizes = [1], strides = [1]} : vector<16xf32> to vector<1xf32>
      %squeeze3A_721 = vector.extract %slice3A_720[0] : f32 from vector<1xf32>
      %get3A_722 = arith.index_cast %add3A_719 : i32 to index
      %get3A_723 = arith.constant 0 : index
      %get3A_724 = tpu.vector_load %arg15[%get3A_722, %get3A_723] {strides = array<i32>} : memref<640x16xf32, #tpu.memory_space<vmem>>, vector<1x16xf32>,
      %get3A_725 = vector.shape_cast %get3A_724 : vector<1x16xf32> to vector<16xf32>
      %mul3A_726 = vector.broadcast %squeeze3A_721 : f32 to vector<16xf32>
      %mul3A_727 = arith.mulf %get3A_725, %mul3A_726 : vector<16xf32>
      %add3A_728 = arith.addf %mul3A_727, %get3A_280 : vector<16xf32>
      %max3A_729 = arith.constant 0.000000e+00 : f32
      %max3A_730 = vector.broadcast %max3A_729 : f32 to vector<16xf32>
      %max3A_731 = arith.maximumf %add3A_728, %max3A_730 : vector<16xf32>
      %mul3A_732 = vector.broadcast %squeeze3A_721 : f32 to vector<16xf32>
      %mul3A_733 = arith.mulf %max3A_731, %mul3A_732 : vector<16xf32>
      %swap3A_734 = arith.index_cast %add3A_719 : i32 to index
      %swap3A_735 = arith.constant 0 : index
      %swap3A_736 = tpu.vector_load %arg15[%swap3A_734, %swap3A_735] {strides = array<i32>} : memref<640x16xf32, #tpu.memory_space<vmem>>, vector<1x16xf32>,
      %swap3A_737 = vector.shape_cast %swap3A_736 : vector<1x16xf32> to vector<16xf32>
      %swap3A_738 = vector.shape_cast %mul3A_733 : vector<16xf32> to vector<1x16xf32>
      tpu.vector_store %arg15[%swap3A_734, %swap3A_735], %swap3A_738 {strides = array<i32>} : memref<640x16xf32, #tpu.memory_space<vmem>>, vector<1x16xf32>,
      %mul3A_739 = arith.constant 16 : i32
      %mul3A_740 = arith.muli %scan3A_484, %mul3A_739 : i32
      %add3A_741 = arith.constant 11 : i32
      %add3A_742 = arith.addi %mul3A_740, %add3A_741 : i32
      %slice3A_743 = vector.extract_strided_slice %get3A_490 {offsets = [11], sizes = [1], strides = [1]} : vector<16xf32> to vector<1xf32>
      %squeeze3A_744 = vector.extract %slice3A_743[0] : f32 from vector<1xf32>
      %get3A_745 = arith.index_cast %add3A_742 : i32 to index
      %get3A_746 = arith.constant 0 : index
      %get3A_747 = tpu.vector_load %arg15[%get3A_745, %get3A_746] {strides = array<i32>} : memref<640x16xf32, #tpu.memory_space<vmem>>, vector<1x16xf32>,
      %get3A_748 = vector.shape_cast %get3A_747 : vector<1x16xf32> to vector<16xf32>
      %mul3A_749 = vector.broadcast %squeeze3A_744 : f32 to vector<16xf32>
      %mul3A_750 = arith.mulf %get3A_748, %mul3A_749 : vector<16xf32>
      %add3A_751 = arith.addf %mul3A_750, %get3A_280 : vector<16xf32>
      %max3A_752 = arith.constant 0.000000e+00 : f32
      %max3A_753 = vector.broadcast %max3A_752 : f32 to vector<16xf32>
      %max3A_754 = arith.maximumf %add3A_751, %max3A_753 : vector<16xf32>
      %mul3A_755 = vector.broadcast %squeeze3A_744 : f32 to vector<16xf32>
      %mul3A_756 = arith.mulf %max3A_754, %mul3A_755 : vector<16xf32>
      %swap3A_757 = arith.index_cast %add3A_742 : i32 to index
      %swap3A_758 = arith.constant 0 : index
      %swap3A_759 = tpu.vector_load %arg15[%swap3A_757, %swap3A_758] {strides = array<i32>} : memref<640x16xf32, #tpu.memory_space<vmem>>, vector<1x16xf32>,
      %swap3A_760 = vector.shape_cast %swap3A_759 : vector<1x16xf32> to vector<16xf32>
      %swap3A_761 = vector.shape_cast %mul3A_756 : vector<16xf32> to vector<1x16xf32>
      tpu.vector_store %arg15[%swap3A_757, %swap3A_758], %swap3A_761 {strides = array<i32>} : memref<640x16xf32, #tpu.memory_space<vmem>>, vector<1x16xf32>,
      %mul3A_762 = arith.constant 16 : i32
      %mul3A_763 = arith.muli %scan3A_484, %mul3A_762 : i32
      %add3A_764 = arith.constant 12 : i32
      %add3A_765 = arith.addi %mul3A_763, %add3A_764 : i32
      %slice3A_766 = vector.extract_strided_slice %get3A_490 {offsets = [12], sizes = [1], strides = [1]} : vector<16xf32> to vector<1xf32>
      %squeeze3A_767 = vector.extract %slice3A_766[0] : f32 from vector<1xf32>
      %get3A_768 = arith.index_cast %add3A_765 : i32 to index
      %get3A_769 = arith.constant 0 : index
      %get3A_770 = tpu.vector_load %arg15[%get3A_768, %get3A_769] {strides = array<i32>} : memref<640x16xf32, #tpu.memory_space<vmem>>, vector<1x16xf32>,
      %get3A_771 = vector.shape_cast %get3A_770 : vector<1x16xf32> to vector<16xf32>
      %mul3A_772 = vector.broadcast %squeeze3A_767 : f32 to vector<16xf32>
      %mul3A_773 = arith.mulf %get3A_771, %mul3A_772 : vector<16xf32>
      %add3A_774 = arith.addf %mul3A_773, %get3A_280 : vector<16xf32>
      %max3A_775 = arith.constant 0.000000e+00 : f32
      %max3A_776 = vector.broadcast %max3A_775 : f32 to vector<16xf32>
      %max3A_777 = arith.maximumf %add3A_774, %max3A_776 : vector<16xf32>
      %mul3A_778 = vector.broadcast %squeeze3A_767 : f32 to vector<16xf32>
      %mul3A_779 = arith.mulf %max3A_777, %mul3A_778 : vector<16xf32>
      %swap3A_780 = arith.index_cast %add3A_765 : i32 to index
      %swap3A_781 = arith.constant 0 : index
      %swap3A_782 = tpu.vector_load %arg15[%swap3A_780, %swap3A_781] {strides = array<i32>} : memref<640x16xf32, #tpu.memory_space<vmem>>, vector<1x16xf32>,
      %swap3A_783 = vector.shape_cast %swap3A_782 : vector<1x16xf32> to vector<16xf32>
      %swap3A_784 = vector.shape_cast %mul3A_779 : vector<16xf32> to vector<1x16xf32>
      tpu.vector_store %arg15[%swap3A_780, %swap3A_781], %swap3A_784 {strides = array<i32>} : memref<640x16xf32, #tpu.memory_space<vmem>>, vector<1x16xf32>,
      %mul3A_785 = arith.constant 16 : i32
      %mul3A_786 = arith.muli %scan3A_484, %mul3A_785 : i32
      %add3A_787 = arith.constant 13 : i32
      %add3A_788 = arith.addi %mul3A_786, %add3A_787 : i32
      %slice3A_789 = vector.extract_strided_slice %get3A_490 {offsets = [13], sizes = [1], strides = [1]} : vector<16xf32> to vector<1xf32>
      %squeeze3A_790 = vector.extract %slice3A_789[0] : f32 from vector<1xf32>
      %get3A_791 = arith.index_cast %add3A_788 : i32 to index
      %get3A_792 = arith.constant 0 : index
      %get3A_793 = tpu.vector_load %arg15[%get3A_791, %get3A_792] {strides = array<i32>} : memref<640x16xf32, #tpu.memory_space<vmem>>, vector<1x16xf32>,
      %get3A_794 = vector.shape_cast %get3A_793 : vector<1x16xf32> to vector<16xf32>
      %mul3A_795 = vector.broadcast %squeeze3A_790 : f32 to vector<16xf32>
      %mul3A_796 = arith.mulf %get3A_794, %mul3A_795 : vector<16xf32>
      %add3A_797 = arith.addf %mul3A_796, %get3A_280 : vector<16xf32>
      %max3A_798 = arith.constant 0.000000e+00 : f32
      %max3A_799 = vector.broadcast %max3A_798 : f32 to vector<16xf32>
      %max3A_800 = arith.maximumf %add3A_797, %max3A_799 : vector<16xf32>
      %mul3A_801 = vector.broadcast %squeeze3A_790 : f32 to vector<16xf32>
      %mul3A_802 = arith.mulf %max3A_800, %mul3A_801 : vector<16xf32>
      %swap3A_803 = arith.index_cast %add3A_788 : i32 to index
      %swap3A_804 = arith.constant 0 : index
      %swap3A_805 = tpu.vector_load %arg15[%swap3A_803, %swap3A_804] {strides = array<i32>} : memref<640x16xf32, #tpu.memory_space<vmem>>, vector<1x16xf32>,
      %swap3A_806 = vector.shape_cast %swap3A_805 : vector<1x16xf32> to vector<16xf32>
      %swap3A_807 = vector.shape_cast %mul3A_802 : vector<16xf32> to vector<1x16xf32>
      tpu.vector_store %arg15[%swap3A_803, %swap3A_804], %swap3A_807 {strides = array<i32>} : memref<640x16xf32, #tpu.memory_space<vmem>>, vector<1x16xf32>,
      %mul3A_808 = arith.constant 16 : i32
      %mul3A_809 = arith.muli %scan3A_484, %mul3A_808 : i32
      %add3A_810 = arith.constant 14 : i32
      %add3A_811 = arith.addi %mul3A_809, %add3A_810 : i32
      %slice3A_812 = vector.extract_strided_slice %get3A_490 {offsets = [14], sizes = [1], strides = [1]} : vector<16xf32> to vector<1xf32>
      %squeeze3A_813 = vector.extract %slice3A_812[0] : f32 from vector<1xf32>
      %get3A_814 = arith.index_cast %add3A_811 : i32 to index
      %get3A_815 = arith.constant 0 : index
      %get3A_816 = tpu.vector_load %arg15[%get3A_814, %get3A_815] {strides = array<i32>} : memref<640x16xf32, #tpu.memory_space<vmem>>, vector<1x16xf32>,
      %get3A_817 = vector.shape_cast %get3A_816 : vector<1x16xf32> to vector<16xf32>
      %mul3A_818 = vector.broadcast %squeeze3A_813 : f32 to vector<16xf32>
      %mul3A_819 = arith.mulf %get3A_817, %mul3A_818 : vector<16xf32>
      %add3A_820 = arith.addf %mul3A_819, %get3A_280 : vector<16xf32>
      %max3A_821 = arith.constant 0.000000e+00 : f32
      %max3A_822 = vector.broadcast %max3A_821 : f32 to vector<16xf32>
      %max3A_823 = arith.maximumf %add3A_820, %max3A_822 : vector<16xf32>
      %mul3A_824 = vector.broadcast %squeeze3A_813 : f32 to vector<16xf32>
      %mul3A_825 = arith.mulf %max3A_823, %mul3A_824 : vector<16xf32>
      %swap3A_826 = arith.index_cast %add3A_811 : i32 to index
      %swap3A_827 = arith.constant 0 : index
      %swap3A_828 = tpu.vector_load %arg15[%swap3A_826, %swap3A_827] {strides = array<i32>} : memref<640x16xf32, #tpu.memory_space<vmem>>, vector<1x16xf32>,
      %swap3A_829 = vector.shape_cast %swap3A_828 : vector<1x16xf32> to vector<16xf32>
      %swap3A_830 = vector.shape_cast %mul3A_825 : vector<16xf32> to vector<1x16xf32>
      tpu.vector_store %arg15[%swap3A_826, %swap3A_827], %swap3A_830 {strides = array<i32>} : memref<640x16xf32, #tpu.memory_space<vmem>>, vector<1x16xf32>,
      %mul3A_831 = arith.constant 16 : i32
      %mul3A_832 = arith.muli %scan3A_484, %mul3A_831 : i32
      %add3A_833 = arith.constant 15 : i32
      %add3A_834 = arith.addi %mul3A_832, %add3A_833 : i32
      %slice3A_835 = vector.extract_strided_slice %get3A_490 {offsets = [15], sizes = [1], strides = [1]} : vector<16xf32> to vector<1xf32>
      %squeeze3A_836 = vector.extract %slice3A_835[0] : f32 from vector<1xf32>
      %get3A_837 = arith.index_cast %add3A_834 : i32 to index
      %get3A_838 = arith.constant 0 : index
      %get3A_839 = tpu.vector_load %arg15[%get3A_837, %get3A_838] {strides = array<i32>} : memref<640x16xf32, #tpu.memory_space<vmem>>, vector<1x16xf32>,
      %get3A_840 = vector.shape_cast %get3A_839 : vector<1x16xf32> to vector<16xf32>
      %mul3A_841 = vector.broadcast %squeeze3A_836 : f32 to vector<16xf32>
      %mul3A_842 = arith.mulf %get3A_840, %mul3A_841 : vector<16xf32>
      %add3A_843 = arith.addf %mul3A_842, %get3A_280 : vector<16xf32>
      %max3A_844 = arith.constant 0.000000e+00 : f32
      %max3A_845 = vector.broadcast %max3A_844 : f32 to vector<16xf32>
      %max3A_846 = arith.maximumf %add3A_843, %max3A_845 : vector<16xf32>
      %mul3A_847 = vector.broadcast %squeeze3A_836 : f32 to vector<16xf32>
      %mul3A_848 = arith.mulf %max3A_846, %mul3A_847 : vector<16xf32>
      %swap3A_849 = arith.index_cast %add3A_834 : i32 to index
      %swap3A_850 = arith.constant 0 : index
      %swap3A_851 = tpu.vector_load %arg15[%swap3A_849, %swap3A_850] {strides = array<i32>} : memref<640x16xf32, #tpu.memory_space<vmem>>, vector<1x16xf32>,
      %swap3A_852 = vector.shape_cast %swap3A_851 : vector<1x16xf32> to vector<16xf32>
      %swap3A_853 = vector.shape_cast %mul3A_848 : vector<16xf32> to vector<1x16xf32>
      tpu.vector_store %arg15[%swap3A_849, %swap3A_850], %swap3A_853 {strides = array<i32>} : memref<640x16xf32, #tpu.memory_space<vmem>>, vector<1x16xf32>,
      %scan3A_854 = arith.constant 0 : i32
      scf.yield %scan3A_854 : i32
    }
    %scan3A_287 = arith.constant 40 : i32
    "tpu.region"() ({
      %run_scoped3A = tpu.sem_alloc : memref<!tpu.dma_semaphore, #tpu.memory_space<semaphore_mem>>
      %dma_start3A_484 = arith.constant 0 : i32
      %dma_start3A_485 = tpu.memref_slice %arg11[%mul3A_0, %dma_start3A_484] : memref<10240x16xf32, #tpu.memory_space<vmem_shared>> -> memref<640x16xf32, #tpu.memory_space<vmem_shared>>
      %dma_start3A_486 = arith.constant 0 : i32
      %dma_start3A_487 = tpu.memref_slice %arg11[%mul3A_0, %dma_start3A_486] : memref<10240x16xf32, #tpu.memory_space<vmem_shared>> -> memref<640x16xf32, #tpu.memory_space<vmem_shared>>
      tpu.enqueue_dma source(%arg15 : memref<640x16xf32, #tpu.memory_space<vmem>>) target(%dma_start3A_487 : memref<640x16xf32, #tpu.memory_space<vmem_shared>>) target_semaphore(%run_scoped3A : memref<!tpu.dma_semaphore, #tpu.memory_space<semaphore_mem>>)
      %dma_wait3A_488 = arith.constant 0 : i32
      %dma_wait3A_489 = tpu.memref_slice %arg11[%mul3A_0, %dma_wait3A_488] : memref<10240x16xf32, #tpu.memory_space<vmem_shared>> -> memref<640x16xf32, #tpu.memory_space<vmem_shared>>
      %dma_wait3A_490 = arith.constant 0 : i32
      %dma_wait3A_491 = tpu.memref_slice %arg11[%mul3A_0, %dma_wait3A_490] : memref<10240x16xf32, #tpu.memory_space<vmem_shared>> -> memref<640x16xf32, #tpu.memory_space<vmem_shared>>
      tpu.wait_dma2 semaphore(%run_scoped3A : memref<!tpu.dma_semaphore, #tpu.memory_space<semaphore_mem>>) src(%arg15 : memref<640x16xf32, #tpu.memory_space<vmem>>) dst(%dma_wait3A_491 : memref<640x16xf32, #tpu.memory_space<vmem_shared>>)
      tpu.yield
    }) : () -> ()
    "tpu.region"() ({
      %run_scoped3A = tpu.sem_alloc : memref<!tpu.dma_semaphore, #tpu.memory_space<semaphore_mem>>
      %dma_start3A_484 = arith.constant 0 : i32
      %dma_start3A_485 = tpu.memref_slice %arg9[%mul3A_0, %dma_start3A_484] : memref<10240x16xf32, #tpu.memory_space<vmem_shared>> -> memref<640x16xf32, #tpu.memory_space<vmem_shared>>
      %dma_start3A_486 = arith.constant 0 : i32
      %dma_start3A_487 = tpu.memref_slice %arg9[%mul3A_0, %dma_start3A_486] : memref<10240x16xf32, #tpu.memory_space<vmem_shared>> -> memref<640x16xf32, #tpu.memory_space<vmem_shared>>
      tpu.enqueue_dma source(%arg15 : memref<640x16xf32, #tpu.memory_space<vmem>>) target(%dma_start3A_487 : memref<640x16xf32, #tpu.memory_space<vmem_shared>>) target_semaphore(%run_scoped3A : memref<!tpu.dma_semaphore, #tpu.memory_space<semaphore_mem>>)
      %dma_wait3A_488 = arith.constant 0 : i32
      %dma_wait3A_489 = tpu.memref_slice %arg9[%mul3A_0, %dma_wait3A_488] : memref<10240x16xf32, #tpu.memory_space<vmem_shared>> -> memref<640x16xf32, #tpu.memory_space<vmem_shared>>
      %dma_wait3A_490 = arith.constant 0 : i32
      %dma_wait3A_491 = tpu.memref_slice %arg9[%mul3A_0, %dma_wait3A_490] : memref<10240x16xf32, #tpu.memory_space<vmem_shared>> -> memref<640x16xf32, #tpu.memory_space<vmem_shared>>
      tpu.wait_dma2 semaphore(%run_scoped3A : memref<!tpu.dma_semaphore, #tpu.memory_space<semaphore_mem>>) src(%arg15 : memref<640x16xf32, #tpu.memory_space<vmem>>) dst(%dma_wait3A_491 : memref<640x16xf32, #tpu.memory_space<vmem_shared>>)
      tpu.yield
    }) : () -> ()
    %barrier3A_288 = arith.constant 0 : index
    tpu.barrier barrier_id(%barrier3A_288)
    %dma_start3A_289 = arith.constant 0 : i32
    %dma_start3A_290 = arith.constant 0 : i32
    %dma_start3A_291 = arith.constant 0 : i32
    %dma_start3A_292 = arith.constant 0 : i32
    %dma_start3A_293 = arith.constant 0 : i32
    %dma_start3A_294 = tpu.memref_slice %arg14[%dma_start3A_290, %dma_start3A_292, %dma_start3A_293] : memref<8x256x16xf32, #tpu.memory_space<vmem>> -> memref<1x256x16xf32, #tpu.memory_space<vmem>>
    %dma_start3A_295 = tpu.memref_squeeze %dma_start3A_294 : memref<1x256x16xf32, #tpu.memory_space<vmem>> -> memref<256x16xf32, #tpu.memory_space<vmem>>
    %dma_start3A_296 = arith.constant 0 : i32
    %dma_start3A_297 = tpu.memref_slice %arg12[%dma_start3A_289, %dma_start3A_296] : memref<80x256xi32, #tpu.memory_space<vmem>> -> memref<1x256xi32, #tpu.memory_space<vmem>>
    %dma_start3A_298 = tpu.memref_squeeze %dma_start3A_297 : memref<1x256xi32, #tpu.memory_space<vmem>> -> memref<256xi32, #tpu.memory_space<vmem>>
    %dma_start3A_299 = arith.constant 0 : i32
    %dma_start3A_300 = arith.constant 0 : i32
    %dma_start3A_301 = tpu.memref_slice %arg11[%dma_start3A_299, %dma_start3A_300] : memref<10240x16xf32, #tpu.memory_space<vmem_shared>> -> memref<10240x16xf32, #tpu.memory_space<vmem_shared>>
    %dma_start3A_302 = tpu.memref_slice %arg20[%dma_start3A_291] : memref<8x!tpu.dma_semaphore, #tpu.memory_space<semaphore_mem>> -> memref<1x!tpu.dma_semaphore, #tpu.memory_space<semaphore_mem>>
    %dma_start3A_303 = tpu.memref_squeeze %dma_start3A_302 : memref<1x!tpu.dma_semaphore, #tpu.memory_space<semaphore_mem>> -> memref<!tpu.dma_semaphore, #tpu.memory_space<semaphore_mem>>
    tpu.enqueue_indirect_dma source(%dma_start3A_301 : memref<10240x16xf32, #tpu.memory_space<vmem_shared>>) target(%dma_start3A_295 : memref<256x16xf32, #tpu.memory_space<vmem>>) offsets(%dma_start3A_298 : memref<256xi32, #tpu.memory_space<vmem>>) semaphore(%dma_start3A_303 : memref<!tpu.dma_semaphore, #tpu.memory_space<semaphore_mem>>)
    %dma_start3A_304 = arith.constant 1 : i32
    %dma_start3A_305 = arith.constant 1 : i32
    %dma_start3A_306 = arith.constant 1 : i32
    %dma_start3A_307 = arith.constant 0 : i32
    %dma_start3A_308 = arith.constant 0 : i32
    %dma_start3A_309 = tpu.memref_slice %arg14[%dma_start3A_305, %dma_start3A_307, %dma_start3A_308] : memref<8x256x16xf32, #tpu.memory_space<vmem>> -> memref<1x256x16xf32, #tpu.memory_space<vmem>>
    %dma_start3A_310 = tpu.memref_squeeze %dma_start3A_309 : memref<1x256x16xf32, #tpu.memory_space<vmem>> -> memref<256x16xf32, #tpu.memory_space<vmem>>
    %dma_start3A_311 = arith.constant 0 : i32
    %dma_start3A_312 = tpu.memref_slice %arg12[%dma_start3A_304, %dma_start3A_311] : memref<80x256xi32, #tpu.memory_space<vmem>> -> memref<1x256xi32, #tpu.memory_space<vmem>>
    %dma_start3A_313 = tpu.memref_squeeze %dma_start3A_312 : memref<1x256xi32, #tpu.memory_space<vmem>> -> memref<256xi32, #tpu.memory_space<vmem>>
    %dma_start3A_314 = arith.constant 0 : i32
    %dma_start3A_315 = arith.constant 0 : i32
    %dma_start3A_316 = tpu.memref_slice %arg11[%dma_start3A_314, %dma_start3A_315] : memref<10240x16xf32, #tpu.memory_space<vmem_shared>> -> memref<10240x16xf32, #tpu.memory_space<vmem_shared>>
    %dma_start3A_317 = tpu.memref_slice %arg20[%dma_start3A_306] : memref<8x!tpu.dma_semaphore, #tpu.memory_space<semaphore_mem>> -> memref<1x!tpu.dma_semaphore, #tpu.memory_space<semaphore_mem>>
    %dma_start3A_318 = tpu.memref_squeeze %dma_start3A_317 : memref<1x!tpu.dma_semaphore, #tpu.memory_space<semaphore_mem>> -> memref<!tpu.dma_semaphore, #tpu.memory_space<semaphore_mem>>
    tpu.enqueue_indirect_dma source(%dma_start3A_316 : memref<10240x16xf32, #tpu.memory_space<vmem_shared>>) target(%dma_start3A_310 : memref<256x16xf32, #tpu.memory_space<vmem>>) offsets(%dma_start3A_313 : memref<256xi32, #tpu.memory_space<vmem>>) semaphore(%dma_start3A_318 : memref<!tpu.dma_semaphore, #tpu.memory_space<semaphore_mem>>)
    %dma_start3A_319 = arith.constant 2 : i32
    %dma_start3A_320 = arith.constant 2 : i32
    %dma_start3A_321 = arith.constant 2 : i32
    %dma_start3A_322 = arith.constant 0 : i32
    %dma_start3A_323 = arith.constant 0 : i32
    %dma_start3A_324 = tpu.memref_slice %arg14[%dma_start3A_320, %dma_start3A_322, %dma_start3A_323] : memref<8x256x16xf32, #tpu.memory_space<vmem>> -> memref<1x256x16xf32, #tpu.memory_space<vmem>>
    %dma_start3A_325 = tpu.memref_squeeze %dma_start3A_324 : memref<1x256x16xf32, #tpu.memory_space<vmem>> -> memref<256x16xf32, #tpu.memory_space<vmem>>
    %dma_start3A_326 = arith.constant 0 : i32
    %dma_start3A_327 = tpu.memref_slice %arg12[%dma_start3A_319, %dma_start3A_326] : memref<80x256xi32, #tpu.memory_space<vmem>> -> memref<1x256xi32, #tpu.memory_space<vmem>>
    %dma_start3A_328 = tpu.memref_squeeze %dma_start3A_327 : memref<1x256xi32, #tpu.memory_space<vmem>> -> memref<256xi32, #tpu.memory_space<vmem>>
    %dma_start3A_329 = arith.constant 0 : i32
    %dma_start3A_330 = arith.constant 0 : i32
    %dma_start3A_331 = tpu.memref_slice %arg11[%dma_start3A_329, %dma_start3A_330] : memref<10240x16xf32, #tpu.memory_space<vmem_shared>> -> memref<10240x16xf32, #tpu.memory_space<vmem_shared>>
    %dma_start3A_332 = tpu.memref_slice %arg20[%dma_start3A_321] : memref<8x!tpu.dma_semaphore, #tpu.memory_space<semaphore_mem>> -> memref<1x!tpu.dma_semaphore, #tpu.memory_space<semaphore_mem>>
    %dma_start3A_333 = tpu.memref_squeeze %dma_start3A_332 : memref<1x!tpu.dma_semaphore, #tpu.memory_space<semaphore_mem>> -> memref<!tpu.dma_semaphore, #tpu.memory_space<semaphore_mem>>
    tpu.enqueue_indirect_dma source(%dma_start3A_331 : memref<10240x16xf32, #tpu.memory_space<vmem_shared>>) target(%dma_start3A_325 : memref<256x16xf32, #tpu.memory_space<vmem>>) offsets(%dma_start3A_328 : memref<256xi32, #tpu.memory_space<vmem>>) semaphore(%dma_start3A_333 : memref<!tpu.dma_semaphore, #tpu.memory_space<semaphore_mem>>)
    %dma_start3A_334 = arith.constant 3 : i32
    %dma_start3A_335 = arith.constant 3 : i32
    %dma_start3A_336 = arith.constant 3 : i32
    %dma_start3A_337 = arith.constant 0 : i32
    %dma_start3A_338 = arith.constant 0 : i32
    %dma_start3A_339 = tpu.memref_slice %arg14[%dma_start3A_335, %dma_start3A_337, %dma_start3A_338] : memref<8x256x16xf32, #tpu.memory_space<vmem>> -> memref<1x256x16xf32, #tpu.memory_space<vmem>>
    %dma_start3A_340 = tpu.memref_squeeze %dma_start3A_339 : memref<1x256x16xf32, #tpu.memory_space<vmem>> -> memref<256x16xf32, #tpu.memory_space<vmem>>
    %dma_start3A_341 = arith.constant 0 : i32
    %dma_start3A_342 = tpu.memref_slice %arg12[%dma_start3A_334, %dma_start3A_341] : memref<80x256xi32, #tpu.memory_space<vmem>> -> memref<1x256xi32, #tpu.memory_space<vmem>>
    %dma_start3A_343 = tpu.memref_squeeze %dma_start3A_342 : memref<1x256xi32, #tpu.memory_space<vmem>> -> memref<256xi32, #tpu.memory_space<vmem>>
    %dma_start3A_344 = arith.constant 0 : i32
    %dma_start3A_345 = arith.constant 0 : i32
    %dma_start3A_346 = tpu.memref_slice %arg11[%dma_start3A_344, %dma_start3A_345] : memref<10240x16xf32, #tpu.memory_space<vmem_shared>> -> memref<10240x16xf32, #tpu.memory_space<vmem_shared>>
    %dma_start3A_347 = tpu.memref_slice %arg20[%dma_start3A_336] : memref<8x!tpu.dma_semaphore, #tpu.memory_space<semaphore_mem>> -> memref<1x!tpu.dma_semaphore, #tpu.memory_space<semaphore_mem>>
    %dma_start3A_348 = tpu.memref_squeeze %dma_start3A_347 : memref<1x!tpu.dma_semaphore, #tpu.memory_space<semaphore_mem>> -> memref<!tpu.dma_semaphore, #tpu.memory_space<semaphore_mem>>
    tpu.enqueue_indirect_dma source(%dma_start3A_346 : memref<10240x16xf32, #tpu.memory_space<vmem_shared>>) target(%dma_start3A_340 : memref<256x16xf32, #tpu.memory_space<vmem>>) offsets(%dma_start3A_343 : memref<256xi32, #tpu.memory_space<vmem>>) semaphore(%dma_start3A_348 : memref<!tpu.dma_semaphore, #tpu.memory_space<semaphore_mem>>)
    %scan3A_349 = arith.constant 0 : i32
    %scan3A_350 = arith.constant 0 : i32
    %scan3A_351 = arith.constant 10 : i32
    %scan3A_352 = arith.addi %scan3A_350, %scan3A_351 : i32
    %scan3A_353 = arith.constant 1 : i32
    %scan3A_354 = scf.for %scan3A_484 = %scan3A_350 to %scan3A_352 step %scan3A_353 iter_args(%scan3A_485 = %scan3A_349) -> (i32)  : i32 {
      %mul3A_486 = arith.constant 8 : i32
      %mul3A_487 = arith.muli %scan3A_484, %mul3A_486 : i32
      %add3A = arith.constant 0 : i32
      %add3A_488 = arith.addi %mul3A_487, %add3A : i32
      %dma_wait3A_489 = arith.constant 0 : i32
      %dma_wait3A_490 = arith.constant 0 : i32
      %dma_wait3A_491 = arith.constant 0 : i32
      %dma_wait3A_492 = arith.constant 0 : i32
      %dma_wait3A_493 = arith.constant 0 : i32
      %dma_wait3A_494 = tpu.memref_slice %arg14[%dma_wait3A_490, %dma_wait3A_492, %dma_wait3A_493] : memref<8x256x16xf32, #tpu.memory_space<vmem>> -> memref<1x256x16xf32, #tpu.memory_space<vmem>>
      %dma_wait3A_495 = tpu.memref_squeeze %dma_wait3A_494 : memref<1x256x16xf32, #tpu.memory_space<vmem>> -> memref<256x16xf32, #tpu.memory_space<vmem>>
      %dma_wait3A_496 = arith.constant 0 : i32
      %dma_wait3A_497 = tpu.memref_slice %arg12[%dma_wait3A_489, %dma_wait3A_496] : memref<80x256xi32, #tpu.memory_space<vmem>> -> memref<1x256xi32, #tpu.memory_space<vmem>>
      %dma_wait3A_498 = tpu.memref_squeeze %dma_wait3A_497 : memref<1x256xi32, #tpu.memory_space<vmem>> -> memref<256xi32, #tpu.memory_space<vmem>>
      %dma_wait3A_499 = arith.constant 0 : i32
      %dma_wait3A_500 = arith.constant 0 : i32
      %dma_wait3A_501 = tpu.memref_slice %arg11[%dma_wait3A_499, %dma_wait3A_500] : memref<10240x16xf32, #tpu.memory_space<vmem_shared>> -> memref<10240x16xf32, #tpu.memory_space<vmem_shared>>
      %dma_wait3A_502 = tpu.memref_slice %arg20[%dma_wait3A_491] : memref<8x!tpu.dma_semaphore, #tpu.memory_space<semaphore_mem>> -> memref<1x!tpu.dma_semaphore, #tpu.memory_space<semaphore_mem>>
      %dma_wait3A_503 = tpu.memref_squeeze %dma_wait3A_502 : memref<1x!tpu.dma_semaphore, #tpu.memory_space<semaphore_mem>> -> memref<!tpu.dma_semaphore, #tpu.memory_space<semaphore_mem>>
      tpu.wait_indirect_dma semaphore(%dma_wait3A_503 : memref<!tpu.dma_semaphore, #tpu.memory_space<semaphore_mem>>) src(%dma_wait3A_501 : memref<10240x16xf32, #tpu.memory_space<vmem_shared>>) dst(%dma_wait3A_495 : memref<256x16xf32, #tpu.memory_space<vmem>>)
      %dma_start3A_504 = arith.constant 0 : i32
      %dma_start3A_505 = arith.constant 0 : i32
      %dma_start3A_506 = arith.constant 0 : i32
      %dma_start3A_507 = arith.constant 0 : i32
      %dma_start3A_508 = tpu.memref_slice %arg14[%dma_start3A_504, %dma_start3A_506, %dma_start3A_507] : memref<8x256x16xf32, #tpu.memory_space<vmem>> -> memref<1x256x16xf32, #tpu.memory_space<vmem>>
      %dma_start3A_509 = tpu.memref_squeeze %dma_start3A_508 : memref<1x256x16xf32, #tpu.memory_space<vmem>> -> memref<256x16xf32, #tpu.memory_space<vmem>>
      %dma_start3A_510 = arith.constant 0 : i32
      %dma_start3A_511 = tpu.memref_slice %arg13[%add3A_488, %dma_start3A_510] : memref<80x256xi32, #tpu.memory_space<vmem>> -> memref<1x256xi32, #tpu.memory_space<vmem>>
      %dma_start3A_512 = tpu.memref_squeeze %dma_start3A_511 : memref<1x256xi32, #tpu.memory_space<vmem>> -> memref<256xi32, #tpu.memory_space<vmem>>
      %dma_start3A_513 = arith.constant 0 : i32
      %dma_start3A_514 = arith.constant 0 : i32
      %dma_start3A_515 = tpu.memref_slice %arg9[%dma_start3A_513, %dma_start3A_514] : memref<10240x16xf32, #tpu.memory_space<vmem_shared>> -> memref<10240x16xf32, #tpu.memory_space<vmem_shared>>
      %dma_start3A_516 = tpu.memref_slice %arg21[%dma_start3A_505] : memref<8x!tpu.dma_semaphore, #tpu.memory_space<semaphore_mem>> -> memref<1x!tpu.dma_semaphore, #tpu.memory_space<semaphore_mem>>
      %dma_start3A_517 = tpu.memref_squeeze %dma_start3A_516 : memref<1x!tpu.dma_semaphore, #tpu.memory_space<semaphore_mem>> -> memref<!tpu.dma_semaphore, #tpu.memory_space<semaphore_mem>>
      tpu.enqueue_indirect_dma source(%dma_start3A_509 : memref<256x16xf32, #tpu.memory_space<vmem>>) target(%dma_start3A_515 : memref<10240x16xf32, #tpu.memory_space<vmem_shared>>) offsets(%dma_start3A_512 : memref<256xi32, #tpu.memory_space<vmem>>) semaphore(%dma_start3A_517 : memref<!tpu.dma_semaphore, #tpu.memory_space<semaphore_mem>>) {add = true}
      %add3A_518 = arith.constant 4 : i32
      %add3A_519 = arith.addi %add3A_488, %add3A_518 : i32
      %lt3A = arith.constant 80 : i32
      %lt3A_520 = arith.cmpi slt, %add3A_519, %lt3A : i32
      %convert_element_type3A = arith.extui %lt3A_520 : i1 to i32
      %cond3A = arith.constant 0 : i32
      %cond3A_521 = arith.cmpi ne, %convert_element_type3A, %cond3A : i32
      scf.if %cond3A_521 {
        %ge3A = arith.constant 4 : i32
        %ge3A_803 = arith.cmpi sge, %add3A_488, %ge3A : i32
        %convert_element_type3A_804 = arith.extui %ge3A_803 : i1 to i32
        %cond3A_805 = arith.constant 0 : i32
        %cond3A_806 = arith.cmpi ne, %convert_element_type3A_804, %cond3A_805 : i32
        scf.if %cond3A_806 {
          %dma_wait3A_823 = arith.constant 4 : i32
          %dma_wait3A_824 = arith.constant 0 : i32
          %dma_wait3A_825 = arith.constant 4 : i32
          %dma_wait3A_826 = arith.constant 0 : i32
          %dma_wait3A_827 = arith.constant 0 : i32
          %dma_wait3A_828 = tpu.memref_slice %arg14[%dma_wait3A_823, %dma_wait3A_826, %dma_wait3A_827] : memref<8x256x16xf32, #tpu.memory_space<vmem>> -> memref<1x256x16xf32, #tpu.memory_space<vmem>>
          %dma_wait3A_829 = tpu.memref_squeeze %dma_wait3A_828 : memref<1x256x16xf32, #tpu.memory_space<vmem>> -> memref<256x16xf32, #tpu.memory_space<vmem>>
          %dma_wait3A_830 = arith.constant 0 : i32
          %dma_wait3A_831 = tpu.memref_slice %arg13[%dma_wait3A_824, %dma_wait3A_830] : memref<80x256xi32, #tpu.memory_space<vmem>> -> memref<1x256xi32, #tpu.memory_space<vmem>>
          %dma_wait3A_832 = tpu.memref_squeeze %dma_wait3A_831 : memref<1x256xi32, #tpu.memory_space<vmem>> -> memref<256xi32, #tpu.memory_space<vmem>>
          %dma_wait3A_833 = arith.constant 0 : i32
          %dma_wait3A_834 = arith.constant 0 : i32
          %dma_wait3A_835 = tpu.memref_slice %arg9[%dma_wait3A_833, %dma_wait3A_834] : memref<10240x16xf32, #tpu.memory_space<vmem_shared>> -> memref<10240x16xf32, #tpu.memory_space<vmem_shared>>
          %dma_wait3A_836 = tpu.memref_slice %arg21[%dma_wait3A_825] : memref<8x!tpu.dma_semaphore, #tpu.memory_space<semaphore_mem>> -> memref<1x!tpu.dma_semaphore, #tpu.memory_space<semaphore_mem>>
          %dma_wait3A_837 = tpu.memref_squeeze %dma_wait3A_836 : memref<1x!tpu.dma_semaphore, #tpu.memory_space<semaphore_mem>> -> memref<!tpu.dma_semaphore, #tpu.memory_space<semaphore_mem>>
          tpu.wait_indirect_dma semaphore(%dma_wait3A_837 : memref<!tpu.dma_semaphore, #tpu.memory_space<semaphore_mem>>) src(%dma_wait3A_829 : memref<256x16xf32, #tpu.memory_space<vmem>>) dst(%dma_wait3A_835 : memref<10240x16xf32, #tpu.memory_space<vmem_shared>>)
        } else {
        }
        %add3A_807 = arith.constant 4 : i32
        %add3A_808 = arith.addi %add3A_488, %add3A_807 : i32
        %dma_start3A_809 = arith.constant 4 : i32
        %dma_start3A_810 = arith.constant 4 : i32
        %dma_start3A_811 = arith.constant 0 : i32
        %dma_start3A_812 = arith.constant 0 : i32
        %dma_start3A_813 = tpu.memref_slice %arg14[%dma_start3A_809, %dma_start3A_811, %dma_start3A_812] : memref<8x256x16xf32, #tpu.memory_space<vmem>> -> memref<1x256x16xf32, #tpu.memory_space<vmem>>
        %dma_start3A_814 = tpu.memref_squeeze %dma_start3A_813 : memref<1x256x16xf32, #tpu.memory_space<vmem>> -> memref<256x16xf32, #tpu.memory_space<vmem>>
        %dma_start3A_815 = arith.constant 0 : i32
        %dma_start3A_816 = tpu.memref_slice %arg12[%add3A_808, %dma_start3A_815] : memref<80x256xi32, #tpu.memory_space<vmem>> -> memref<1x256xi32, #tpu.memory_space<vmem>>
        %dma_start3A_817 = tpu.memref_squeeze %dma_start3A_816 : memref<1x256xi32, #tpu.memory_space<vmem>> -> memref<256xi32, #tpu.memory_space<vmem>>
        %dma_start3A_818 = arith.constant 0 : i32
        %dma_start3A_819 = arith.constant 0 : i32
        %dma_start3A_820 = tpu.memref_slice %arg11[%dma_start3A_818, %dma_start3A_819] : memref<10240x16xf32, #tpu.memory_space<vmem_shared>> -> memref<10240x16xf32, #tpu.memory_space<vmem_shared>>
        %dma_start3A_821 = tpu.memref_slice %arg20[%dma_start3A_810] : memref<8x!tpu.dma_semaphore, #tpu.memory_space<semaphore_mem>> -> memref<1x!tpu.dma_semaphore, #tpu.memory_space<semaphore_mem>>
        %dma_start3A_822 = tpu.memref_squeeze %dma_start3A_821 : memref<1x!tpu.dma_semaphore, #tpu.memory_space<semaphore_mem>> -> memref<!tpu.dma_semaphore, #tpu.memory_space<semaphore_mem>>
        tpu.enqueue_indirect_dma source(%dma_start3A_820 : memref<10240x16xf32, #tpu.memory_space<vmem_shared>>) target(%dma_start3A_814 : memref<256x16xf32, #tpu.memory_space<vmem>>) offsets(%dma_start3A_817 : memref<256xi32, #tpu.memory_space<vmem>>) semaphore(%dma_start3A_822 : memref<!tpu.dma_semaphore, #tpu.memory_space<semaphore_mem>>)
      } else {
      }
      %mul3A_522 = arith.constant 8 : i32
      %mul3A_523 = arith.muli %scan3A_484, %mul3A_522 : i32
      %add3A_524 = arith.constant 1 : i32
      %add3A_525 = arith.addi %mul3A_523, %add3A_524 : i32
      %dma_wait3A_526 = arith.constant 0 : i32
      %dma_wait3A_527 = arith.constant 1 : i32
      %dma_wait3A_528 = arith.constant 1 : i32
      %dma_wait3A_529 = arith.constant 0 : i32
      %dma_wait3A_530 = arith.constant 0 : i32
      %dma_wait3A_531 = tpu.memref_slice %arg14[%dma_wait3A_527, %dma_wait3A_529, %dma_wait3A_530] : memref<8x256x16xf32, #tpu.memory_space<vmem>> -> memref<1x256x16xf32, #tpu.memory_space<vmem>>
      %dma_wait3A_532 = tpu.memref_squeeze %dma_wait3A_531 : memref<1x256x16xf32, #tpu.memory_space<vmem>> -> memref<256x16xf32, #tpu.memory_space<vmem>>
      %dma_wait3A_533 = arith.constant 0 : i32
      %dma_wait3A_534 = tpu.memref_slice %arg12[%dma_wait3A_526, %dma_wait3A_533] : memref<80x256xi32, #tpu.memory_space<vmem>> -> memref<1x256xi32, #tpu.memory_space<vmem>>
      %dma_wait3A_535 = tpu.memref_squeeze %dma_wait3A_534 : memref<1x256xi32, #tpu.memory_space<vmem>> -> memref<256xi32, #tpu.memory_space<vmem>>
      %dma_wait3A_536 = arith.constant 0 : i32
      %dma_wait3A_537 = arith.constant 0 : i32
      %dma_wait3A_538 = tpu.memref_slice %arg11[%dma_wait3A_536, %dma_wait3A_537] : memref<10240x16xf32, #tpu.memory_space<vmem_shared>> -> memref<10240x16xf32, #tpu.memory_space<vmem_shared>>
      %dma_wait3A_539 = tpu.memref_slice %arg20[%dma_wait3A_528] : memref<8x!tpu.dma_semaphore, #tpu.memory_space<semaphore_mem>> -> memref<1x!tpu.dma_semaphore, #tpu.memory_space<semaphore_mem>>
      %dma_wait3A_540 = tpu.memref_squeeze %dma_wait3A_539 : memref<1x!tpu.dma_semaphore, #tpu.memory_space<semaphore_mem>> -> memref<!tpu.dma_semaphore, #tpu.memory_space<semaphore_mem>>
      tpu.wait_indirect_dma semaphore(%dma_wait3A_540 : memref<!tpu.dma_semaphore, #tpu.memory_space<semaphore_mem>>) src(%dma_wait3A_538 : memref<10240x16xf32, #tpu.memory_space<vmem_shared>>) dst(%dma_wait3A_532 : memref<256x16xf32, #tpu.memory_space<vmem>>)
      %dma_start3A_541 = arith.constant 1 : i32
      %dma_start3A_542 = arith.constant 1 : i32
      %dma_start3A_543 = arith.constant 0 : i32
      %dma_start3A_544 = arith.constant 0 : i32
      %dma_start3A_545 = tpu.memref_slice %arg14[%dma_start3A_541, %dma_start3A_543, %dma_start3A_544] : memref<8x256x16xf32, #tpu.memory_space<vmem>> -> memref<1x256x16xf32, #tpu.memory_space<vmem>>
      %dma_start3A_546 = tpu.memref_squeeze %dma_start3A_545 : memref<1x256x16xf32, #tpu.memory_space<vmem>> -> memref<256x16xf32, #tpu.memory_space<vmem>>
      %dma_start3A_547 = arith.constant 0 : i32
      %dma_start3A_548 = tpu.memref_slice %arg13[%add3A_525, %dma_start3A_547] : memref<80x256xi32, #tpu.memory_space<vmem>> -> memref<1x256xi32, #tpu.memory_space<vmem>>
      %dma_start3A_549 = tpu.memref_squeeze %dma_start3A_548 : memref<1x256xi32, #tpu.memory_space<vmem>> -> memref<256xi32, #tpu.memory_space<vmem>>
      %dma_start3A_550 = arith.constant 0 : i32
      %dma_start3A_551 = arith.constant 0 : i32
      %dma_start3A_552 = tpu.memref_slice %arg9[%dma_start3A_550, %dma_start3A_551] : memref<10240x16xf32, #tpu.memory_space<vmem_shared>> -> memref<10240x16xf32, #tpu.memory_space<vmem_shared>>
      %dma_start3A_553 = tpu.memref_slice %arg21[%dma_start3A_542] : memref<8x!tpu.dma_semaphore, #tpu.memory_space<semaphore_mem>> -> memref<1x!tpu.dma_semaphore, #tpu.memory_space<semaphore_mem>>
      %dma_start3A_554 = tpu.memref_squeeze %dma_start3A_553 : memref<1x!tpu.dma_semaphore, #tpu.memory_space<semaphore_mem>> -> memref<!tpu.dma_semaphore, #tpu.memory_space<semaphore_mem>>
      tpu.enqueue_indirect_dma source(%dma_start3A_546 : memref<256x16xf32, #tpu.memory_space<vmem>>) target(%dma_start3A_552 : memref<10240x16xf32, #tpu.memory_space<vmem_shared>>) offsets(%dma_start3A_549 : memref<256xi32, #tpu.memory_space<vmem>>) semaphore(%dma_start3A_554 : memref<!tpu.dma_semaphore, #tpu.memory_space<semaphore_mem>>) {add = true}
      %add3A_555 = arith.constant 4 : i32
      %add3A_556 = arith.addi %add3A_525, %add3A_555 : i32
      %lt3A_557 = arith.constant 80 : i32
      %lt3A_558 = arith.cmpi slt, %add3A_556, %lt3A_557 : i32
      %convert_element_type3A_559 = arith.extui %lt3A_558 : i1 to i32
      %cond3A_560 = arith.constant 0 : i32
      %cond3A_561 = arith.cmpi ne, %convert_element_type3A_559, %cond3A_560 : i32
      scf.if %cond3A_561 {
        %ge3A = arith.constant 4 : i32
        %ge3A_803 = arith.cmpi sge, %add3A_525, %ge3A : i32
        %convert_element_type3A_804 = arith.extui %ge3A_803 : i1 to i32
        %cond3A_805 = arith.constant 0 : i32
        %cond3A_806 = arith.cmpi ne, %convert_element_type3A_804, %cond3A_805 : i32
        scf.if %cond3A_806 {
          %dma_wait3A_823 = arith.constant 5 : i32
          %dma_wait3A_824 = arith.constant 0 : i32
          %dma_wait3A_825 = arith.constant 5 : i32
          %dma_wait3A_826 = arith.constant 0 : i32
          %dma_wait3A_827 = arith.constant 0 : i32
          %dma_wait3A_828 = tpu.memref_slice %arg14[%dma_wait3A_823, %dma_wait3A_826, %dma_wait3A_827] : memref<8x256x16xf32, #tpu.memory_space<vmem>> -> memref<1x256x16xf32, #tpu.memory_space<vmem>>
          %dma_wait3A_829 = tpu.memref_squeeze %dma_wait3A_828 : memref<1x256x16xf32, #tpu.memory_space<vmem>> -> memref<256x16xf32, #tpu.memory_space<vmem>>
          %dma_wait3A_830 = arith.constant 0 : i32
          %dma_wait3A_831 = tpu.memref_slice %arg13[%dma_wait3A_824, %dma_wait3A_830] : memref<80x256xi32, #tpu.memory_space<vmem>> -> memref<1x256xi32, #tpu.memory_space<vmem>>
          %dma_wait3A_832 = tpu.memref_squeeze %dma_wait3A_831 : memref<1x256xi32, #tpu.memory_space<vmem>> -> memref<256xi32, #tpu.memory_space<vmem>>
          %dma_wait3A_833 = arith.constant 0 : i32
          %dma_wait3A_834 = arith.constant 0 : i32
          %dma_wait3A_835 = tpu.memref_slice %arg9[%dma_wait3A_833, %dma_wait3A_834] : memref<10240x16xf32, #tpu.memory_space<vmem_shared>> -> memref<10240x16xf32, #tpu.memory_space<vmem_shared>>
          %dma_wait3A_836 = tpu.memref_slice %arg21[%dma_wait3A_825] : memref<8x!tpu.dma_semaphore, #tpu.memory_space<semaphore_mem>> -> memref<1x!tpu.dma_semaphore, #tpu.memory_space<semaphore_mem>>
          %dma_wait3A_837 = tpu.memref_squeeze %dma_wait3A_836 : memref<1x!tpu.dma_semaphore, #tpu.memory_space<semaphore_mem>> -> memref<!tpu.dma_semaphore, #tpu.memory_space<semaphore_mem>>
          tpu.wait_indirect_dma semaphore(%dma_wait3A_837 : memref<!tpu.dma_semaphore, #tpu.memory_space<semaphore_mem>>) src(%dma_wait3A_829 : memref<256x16xf32, #tpu.memory_space<vmem>>) dst(%dma_wait3A_835 : memref<10240x16xf32, #tpu.memory_space<vmem_shared>>)
        } else {
        }
        %add3A_807 = arith.constant 4 : i32
        %add3A_808 = arith.addi %add3A_525, %add3A_807 : i32
        %dma_start3A_809 = arith.constant 5 : i32
        %dma_start3A_810 = arith.constant 5 : i32
        %dma_start3A_811 = arith.constant 0 : i32
        %dma_start3A_812 = arith.constant 0 : i32
        %dma_start3A_813 = tpu.memref_slice %arg14[%dma_start3A_809, %dma_start3A_811, %dma_start3A_812] : memref<8x256x16xf32, #tpu.memory_space<vmem>> -> memref<1x256x16xf32, #tpu.memory_space<vmem>>
        %dma_start3A_814 = tpu.memref_squeeze %dma_start3A_813 : memref<1x256x16xf32, #tpu.memory_space<vmem>> -> memref<256x16xf32, #tpu.memory_space<vmem>>
        %dma_start3A_815 = arith.constant 0 : i32
        %dma_start3A_816 = tpu.memref_slice %arg12[%add3A_808, %dma_start3A_815] : memref<80x256xi32, #tpu.memory_space<vmem>> -> memref<1x256xi32, #tpu.memory_space<vmem>>
        %dma_start3A_817 = tpu.memref_squeeze %dma_start3A_816 : memref<1x256xi32, #tpu.memory_space<vmem>> -> memref<256xi32, #tpu.memory_space<vmem>>
        %dma_start3A_818 = arith.constant 0 : i32
        %dma_start3A_819 = arith.constant 0 : i32
        %dma_start3A_820 = tpu.memref_slice %arg11[%dma_start3A_818, %dma_start3A_819] : memref<10240x16xf32, #tpu.memory_space<vmem_shared>> -> memref<10240x16xf32, #tpu.memory_space<vmem_shared>>
        %dma_start3A_821 = tpu.memref_slice %arg20[%dma_start3A_810] : memref<8x!tpu.dma_semaphore, #tpu.memory_space<semaphore_mem>> -> memref<1x!tpu.dma_semaphore, #tpu.memory_space<semaphore_mem>>
        %dma_start3A_822 = tpu.memref_squeeze %dma_start3A_821 : memref<1x!tpu.dma_semaphore, #tpu.memory_space<semaphore_mem>> -> memref<!tpu.dma_semaphore, #tpu.memory_space<semaphore_mem>>
        tpu.enqueue_indirect_dma source(%dma_start3A_820 : memref<10240x16xf32, #tpu.memory_space<vmem_shared>>) target(%dma_start3A_814 : memref<256x16xf32, #tpu.memory_space<vmem>>) offsets(%dma_start3A_817 : memref<256xi32, #tpu.memory_space<vmem>>) semaphore(%dma_start3A_822 : memref<!tpu.dma_semaphore, #tpu.memory_space<semaphore_mem>>)
      } else {
      }
      %mul3A_562 = arith.constant 8 : i32
      %mul3A_563 = arith.muli %scan3A_484, %mul3A_562 : i32
      %add3A_564 = arith.constant 2 : i32
      %add3A_565 = arith.addi %mul3A_563, %add3A_564 : i32
      %dma_wait3A_566 = arith.constant 0 : i32
      %dma_wait3A_567 = arith.constant 2 : i32
      %dma_wait3A_568 = arith.constant 2 : i32
      %dma_wait3A_569 = arith.constant 0 : i32
      %dma_wait3A_570 = arith.constant 0 : i32
      %dma_wait3A_571 = tpu.memref_slice %arg14[%dma_wait3A_567, %dma_wait3A_569, %dma_wait3A_570] : memref<8x256x16xf32, #tpu.memory_space<vmem>> -> memref<1x256x16xf32, #tpu.memory_space<vmem>>
      %dma_wait3A_572 = tpu.memref_squeeze %dma_wait3A_571 : memref<1x256x16xf32, #tpu.memory_space<vmem>> -> memref<256x16xf32, #tpu.memory_space<vmem>>
      %dma_wait3A_573 = arith.constant 0 : i32
      %dma_wait3A_574 = tpu.memref_slice %arg12[%dma_wait3A_566, %dma_wait3A_573] : memref<80x256xi32, #tpu.memory_space<vmem>> -> memref<1x256xi32, #tpu.memory_space<vmem>>
      %dma_wait3A_575 = tpu.memref_squeeze %dma_wait3A_574 : memref<1x256xi32, #tpu.memory_space<vmem>> -> memref<256xi32, #tpu.memory_space<vmem>>
      %dma_wait3A_576 = arith.constant 0 : i32
      %dma_wait3A_577 = arith.constant 0 : i32
      %dma_wait3A_578 = tpu.memref_slice %arg11[%dma_wait3A_576, %dma_wait3A_577] : memref<10240x16xf32, #tpu.memory_space<vmem_shared>> -> memref<10240x16xf32, #tpu.memory_space<vmem_shared>>
      %dma_wait3A_579 = tpu.memref_slice %arg20[%dma_wait3A_568] : memref<8x!tpu.dma_semaphore, #tpu.memory_space<semaphore_mem>> -> memref<1x!tpu.dma_semaphore, #tpu.memory_space<semaphore_mem>>
      %dma_wait3A_580 = tpu.memref_squeeze %dma_wait3A_579 : memref<1x!tpu.dma_semaphore, #tpu.memory_space<semaphore_mem>> -> memref<!tpu.dma_semaphore, #tpu.memory_space<semaphore_mem>>
      tpu.wait_indirect_dma semaphore(%dma_wait3A_580 : memref<!tpu.dma_semaphore, #tpu.memory_space<semaphore_mem>>) src(%dma_wait3A_578 : memref<10240x16xf32, #tpu.memory_space<vmem_shared>>) dst(%dma_wait3A_572 : memref<256x16xf32, #tpu.memory_space<vmem>>)
      %dma_start3A_581 = arith.constant 2 : i32
      %dma_start3A_582 = arith.constant 2 : i32
      %dma_start3A_583 = arith.constant 0 : i32
      %dma_start3A_584 = arith.constant 0 : i32
      %dma_start3A_585 = tpu.memref_slice %arg14[%dma_start3A_581, %dma_start3A_583, %dma_start3A_584] : memref<8x256x16xf32, #tpu.memory_space<vmem>> -> memref<1x256x16xf32, #tpu.memory_space<vmem>>
      %dma_start3A_586 = tpu.memref_squeeze %dma_start3A_585 : memref<1x256x16xf32, #tpu.memory_space<vmem>> -> memref<256x16xf32, #tpu.memory_space<vmem>>
      %dma_start3A_587 = arith.constant 0 : i32
      %dma_start3A_588 = tpu.memref_slice %arg13[%add3A_565, %dma_start3A_587] : memref<80x256xi32, #tpu.memory_space<vmem>> -> memref<1x256xi32, #tpu.memory_space<vmem>>
      %dma_start3A_589 = tpu.memref_squeeze %dma_start3A_588 : memref<1x256xi32, #tpu.memory_space<vmem>> -> memref<256xi32, #tpu.memory_space<vmem>>
      %dma_start3A_590 = arith.constant 0 : i32
      %dma_start3A_591 = arith.constant 0 : i32
      %dma_start3A_592 = tpu.memref_slice %arg9[%dma_start3A_590, %dma_start3A_591] : memref<10240x16xf32, #tpu.memory_space<vmem_shared>> -> memref<10240x16xf32, #tpu.memory_space<vmem_shared>>
      %dma_start3A_593 = tpu.memref_slice %arg21[%dma_start3A_582] : memref<8x!tpu.dma_semaphore, #tpu.memory_space<semaphore_mem>> -> memref<1x!tpu.dma_semaphore, #tpu.memory_space<semaphore_mem>>
      %dma_start3A_594 = tpu.memref_squeeze %dma_start3A_593 : memref<1x!tpu.dma_semaphore, #tpu.memory_space<semaphore_mem>> -> memref<!tpu.dma_semaphore, #tpu.memory_space<semaphore_mem>>
      tpu.enqueue_indirect_dma source(%dma_start3A_586 : memref<256x16xf32, #tpu.memory_space<vmem>>) target(%dma_start3A_592 : memref<10240x16xf32, #tpu.memory_space<vmem_shared>>) offsets(%dma_start3A_589 : memref<256xi32, #tpu.memory_space<vmem>>) semaphore(%dma_start3A_594 : memref<!tpu.dma_semaphore, #tpu.memory_space<semaphore_mem>>) {add = true}
      %add3A_595 = arith.constant 4 : i32
      %add3A_596 = arith.addi %add3A_565, %add3A_595 : i32
      %lt3A_597 = arith.constant 80 : i32
      %lt3A_598 = arith.cmpi slt, %add3A_596, %lt3A_597 : i32
      %convert_element_type3A_599 = arith.extui %lt3A_598 : i1 to i32
      %cond3A_600 = arith.constant 0 : i32
      %cond3A_601 = arith.cmpi ne, %convert_element_type3A_599, %cond3A_600 : i32
      scf.if %cond3A_601 {
        %ge3A = arith.constant 4 : i32
        %ge3A_803 = arith.cmpi sge, %add3A_565, %ge3A : i32
        %convert_element_type3A_804 = arith.extui %ge3A_803 : i1 to i32
        %cond3A_805 = arith.constant 0 : i32
        %cond3A_806 = arith.cmpi ne, %convert_element_type3A_804, %cond3A_805 : i32
        scf.if %cond3A_806 {
          %dma_wait3A_823 = arith.constant 6 : i32
          %dma_wait3A_824 = arith.constant 0 : i32
          %dma_wait3A_825 = arith.constant 6 : i32
          %dma_wait3A_826 = arith.constant 0 : i32
          %dma_wait3A_827 = arith.constant 0 : i32
          %dma_wait3A_828 = tpu.memref_slice %arg14[%dma_wait3A_823, %dma_wait3A_826, %dma_wait3A_827] : memref<8x256x16xf32, #tpu.memory_space<vmem>> -> memref<1x256x16xf32, #tpu.memory_space<vmem>>
          %dma_wait3A_829 = tpu.memref_squeeze %dma_wait3A_828 : memref<1x256x16xf32, #tpu.memory_space<vmem>> -> memref<256x16xf32, #tpu.memory_space<vmem>>
          %dma_wait3A_830 = arith.constant 0 : i32
          %dma_wait3A_831 = tpu.memref_slice %arg13[%dma_wait3A_824, %dma_wait3A_830] : memref<80x256xi32, #tpu.memory_space<vmem>> -> memref<1x256xi32, #tpu.memory_space<vmem>>
          %dma_wait3A_832 = tpu.memref_squeeze %dma_wait3A_831 : memref<1x256xi32, #tpu.memory_space<vmem>> -> memref<256xi32, #tpu.memory_space<vmem>>
          %dma_wait3A_833 = arith.constant 0 : i32
          %dma_wait3A_834 = arith.constant 0 : i32
          %dma_wait3A_835 = tpu.memref_slice %arg9[%dma_wait3A_833, %dma_wait3A_834] : memref<10240x16xf32, #tpu.memory_space<vmem_shared>> -> memref<10240x16xf32, #tpu.memory_space<vmem_shared>>
          %dma_wait3A_836 = tpu.memref_slice %arg21[%dma_wait3A_825] : memref<8x!tpu.dma_semaphore, #tpu.memory_space<semaphore_mem>> -> memref<1x!tpu.dma_semaphore, #tpu.memory_space<semaphore_mem>>
          %dma_wait3A_837 = tpu.memref_squeeze %dma_wait3A_836 : memref<1x!tpu.dma_semaphore, #tpu.memory_space<semaphore_mem>> -> memref<!tpu.dma_semaphore, #tpu.memory_space<semaphore_mem>>
          tpu.wait_indirect_dma semaphore(%dma_wait3A_837 : memref<!tpu.dma_semaphore, #tpu.memory_space<semaphore_mem>>) src(%dma_wait3A_829 : memref<256x16xf32, #tpu.memory_space<vmem>>) dst(%dma_wait3A_835 : memref<10240x16xf32, #tpu.memory_space<vmem_shared>>)
        } else {
        }
        %add3A_807 = arith.constant 4 : i32
        %add3A_808 = arith.addi %add3A_565, %add3A_807 : i32
        %dma_start3A_809 = arith.constant 6 : i32
        %dma_start3A_810 = arith.constant 6 : i32
        %dma_start3A_811 = arith.constant 0 : i32
        %dma_start3A_812 = arith.constant 0 : i32
        %dma_start3A_813 = tpu.memref_slice %arg14[%dma_start3A_809, %dma_start3A_811, %dma_start3A_812] : memref<8x256x16xf32, #tpu.memory_space<vmem>> -> memref<1x256x16xf32, #tpu.memory_space<vmem>>
        %dma_start3A_814 = tpu.memref_squeeze %dma_start3A_813 : memref<1x256x16xf32, #tpu.memory_space<vmem>> -> memref<256x16xf32, #tpu.memory_space<vmem>>
        %dma_start3A_815 = arith.constant 0 : i32
        %dma_start3A_816 = tpu.memref_slice %arg12[%add3A_808, %dma_start3A_815] : memref<80x256xi32, #tpu.memory_space<vmem>> -> memref<1x256xi32, #tpu.memory_space<vmem>>
        %dma_start3A_817 = tpu.memref_squeeze %dma_start3A_816 : memref<1x256xi32, #tpu.memory_space<vmem>> -> memref<256xi32, #tpu.memory_space<vmem>>
        %dma_start3A_818 = arith.constant 0 : i32
        %dma_start3A_819 = arith.constant 0 : i32
        %dma_start3A_820 = tpu.memref_slice %arg11[%dma_start3A_818, %dma_start3A_819] : memref<10240x16xf32, #tpu.memory_space<vmem_shared>> -> memref<10240x16xf32, #tpu.memory_space<vmem_shared>>
        %dma_start3A_821 = tpu.memref_slice %arg20[%dma_start3A_810] : memref<8x!tpu.dma_semaphore, #tpu.memory_space<semaphore_mem>> -> memref<1x!tpu.dma_semaphore, #tpu.memory_space<semaphore_mem>>
        %dma_start3A_822 = tpu.memref_squeeze %dma_start3A_821 : memref<1x!tpu.dma_semaphore, #tpu.memory_space<semaphore_mem>> -> memref<!tpu.dma_semaphore, #tpu.memory_space<semaphore_mem>>
        tpu.enqueue_indirect_dma source(%dma_start3A_820 : memref<10240x16xf32, #tpu.memory_space<vmem_shared>>) target(%dma_start3A_814 : memref<256x16xf32, #tpu.memory_space<vmem>>) offsets(%dma_start3A_817 : memref<256xi32, #tpu.memory_space<vmem>>) semaphore(%dma_start3A_822 : memref<!tpu.dma_semaphore, #tpu.memory_space<semaphore_mem>>)
      } else {
      }
      %mul3A_602 = arith.constant 8 : i32
      %mul3A_603 = arith.muli %scan3A_484, %mul3A_602 : i32
      %add3A_604 = arith.constant 3 : i32
      %add3A_605 = arith.addi %mul3A_603, %add3A_604 : i32
      %dma_wait3A_606 = arith.constant 0 : i32
      %dma_wait3A_607 = arith.constant 3 : i32
      %dma_wait3A_608 = arith.constant 3 : i32
      %dma_wait3A_609 = arith.constant 0 : i32
      %dma_wait3A_610 = arith.constant 0 : i32
      %dma_wait3A_611 = tpu.memref_slice %arg14[%dma_wait3A_607, %dma_wait3A_609, %dma_wait3A_610] : memref<8x256x16xf32, #tpu.memory_space<vmem>> -> memref<1x256x16xf32, #tpu.memory_space<vmem>>
      %dma_wait3A_612 = tpu.memref_squeeze %dma_wait3A_611 : memref<1x256x16xf32, #tpu.memory_space<vmem>> -> memref<256x16xf32, #tpu.memory_space<vmem>>
      %dma_wait3A_613 = arith.constant 0 : i32
      %dma_wait3A_614 = tpu.memref_slice %arg12[%dma_wait3A_606, %dma_wait3A_613] : memref<80x256xi32, #tpu.memory_space<vmem>> -> memref<1x256xi32, #tpu.memory_space<vmem>>
      %dma_wait3A_615 = tpu.memref_squeeze %dma_wait3A_614 : memref<1x256xi32, #tpu.memory_space<vmem>> -> memref<256xi32, #tpu.memory_space<vmem>>
      %dma_wait3A_616 = arith.constant 0 : i32
      %dma_wait3A_617 = arith.constant 0 : i32
      %dma_wait3A_618 = tpu.memref_slice %arg11[%dma_wait3A_616, %dma_wait3A_617] : memref<10240x16xf32, #tpu.memory_space<vmem_shared>> -> memref<10240x16xf32, #tpu.memory_space<vmem_shared>>
      %dma_wait3A_619 = tpu.memref_slice %arg20[%dma_wait3A_608] : memref<8x!tpu.dma_semaphore, #tpu.memory_space<semaphore_mem>> -> memref<1x!tpu.dma_semaphore, #tpu.memory_space<semaphore_mem>>
      %dma_wait3A_620 = tpu.memref_squeeze %dma_wait3A_619 : memref<1x!tpu.dma_semaphore, #tpu.memory_space<semaphore_mem>> -> memref<!tpu.dma_semaphore, #tpu.memory_space<semaphore_mem>>
      tpu.wait_indirect_dma semaphore(%dma_wait3A_620 : memref<!tpu.dma_semaphore, #tpu.memory_space<semaphore_mem>>) src(%dma_wait3A_618 : memref<10240x16xf32, #tpu.memory_space<vmem_shared>>) dst(%dma_wait3A_612 : memref<256x16xf32, #tpu.memory_space<vmem>>)
      %dma_start3A_621 = arith.constant 3 : i32
      %dma_start3A_622 = arith.constant 3 : i32
      %dma_start3A_623 = arith.constant 0 : i32
      %dma_start3A_624 = arith.constant 0 : i32
      %dma_start3A_625 = tpu.memref_slice %arg14[%dma_start3A_621, %dma_start3A_623, %dma_start3A_624] : memref<8x256x16xf32, #tpu.memory_space<vmem>> -> memref<1x256x16xf32, #tpu.memory_space<vmem>>
      %dma_start3A_626 = tpu.memref_squeeze %dma_start3A_625 : memref<1x256x16xf32, #tpu.memory_space<vmem>> -> memref<256x16xf32, #tpu.memory_space<vmem>>
      %dma_start3A_627 = arith.constant 0 : i32
      %dma_start3A_628 = tpu.memref_slice %arg13[%add3A_605, %dma_start3A_627] : memref<80x256xi32, #tpu.memory_space<vmem>> -> memref<1x256xi32, #tpu.memory_space<vmem>>
      %dma_start3A_629 = tpu.memref_squeeze %dma_start3A_628 : memref<1x256xi32, #tpu.memory_space<vmem>> -> memref<256xi32, #tpu.memory_space<vmem>>
      %dma_start3A_630 = arith.constant 0 : i32
      %dma_start3A_631 = arith.constant 0 : i32
      %dma_start3A_632 = tpu.memref_slice %arg9[%dma_start3A_630, %dma_start3A_631] : memref<10240x16xf32, #tpu.memory_space<vmem_shared>> -> memref<10240x16xf32, #tpu.memory_space<vmem_shared>>
      %dma_start3A_633 = tpu.memref_slice %arg21[%dma_start3A_622] : memref<8x!tpu.dma_semaphore, #tpu.memory_space<semaphore_mem>> -> memref<1x!tpu.dma_semaphore, #tpu.memory_space<semaphore_mem>>
      %dma_start3A_634 = tpu.memref_squeeze %dma_start3A_633 : memref<1x!tpu.dma_semaphore, #tpu.memory_space<semaphore_mem>> -> memref<!tpu.dma_semaphore, #tpu.memory_space<semaphore_mem>>
      tpu.enqueue_indirect_dma source(%dma_start3A_626 : memref<256x16xf32, #tpu.memory_space<vmem>>) target(%dma_start3A_632 : memref<10240x16xf32, #tpu.memory_space<vmem_shared>>) offsets(%dma_start3A_629 : memref<256xi32, #tpu.memory_space<vmem>>) semaphore(%dma_start3A_634 : memref<!tpu.dma_semaphore, #tpu.memory_space<semaphore_mem>>) {add = true}
      %add3A_635 = arith.constant 4 : i32
      %add3A_636 = arith.addi %add3A_605, %add3A_635 : i32
      %lt3A_637 = arith.constant 80 : i32
      %lt3A_638 = arith.cmpi slt, %add3A_636, %lt3A_637 : i32
      %convert_element_type3A_639 = arith.extui %lt3A_638 : i1 to i32
      %cond3A_640 = arith.constant 0 : i32
      %cond3A_641 = arith.cmpi ne, %convert_element_type3A_639, %cond3A_640 : i32
      scf.if %cond3A_641 {
        %ge3A = arith.constant 4 : i32
        %ge3A_803 = arith.cmpi sge, %add3A_605, %ge3A : i32
        %convert_element_type3A_804 = arith.extui %ge3A_803 : i1 to i32
        %cond3A_805 = arith.constant 0 : i32
        %cond3A_806 = arith.cmpi ne, %convert_element_type3A_804, %cond3A_805 : i32
        scf.if %cond3A_806 {
          %dma_wait3A_823 = arith.constant 7 : i32
          %dma_wait3A_824 = arith.constant 0 : i32
          %dma_wait3A_825 = arith.constant 7 : i32
          %dma_wait3A_826 = arith.constant 0 : i32
          %dma_wait3A_827 = arith.constant 0 : i32
          %dma_wait3A_828 = tpu.memref_slice %arg14[%dma_wait3A_823, %dma_wait3A_826, %dma_wait3A_827] : memref<8x256x16xf32, #tpu.memory_space<vmem>> -> memref<1x256x16xf32, #tpu.memory_space<vmem>>
          %dma_wait3A_829 = tpu.memref_squeeze %dma_wait3A_828 : memref<1x256x16xf32, #tpu.memory_space<vmem>> -> memref<256x16xf32, #tpu.memory_space<vmem>>
          %dma_wait3A_830 = arith.constant 0 : i32
          %dma_wait3A_831 = tpu.memref_slice %arg13[%dma_wait3A_824, %dma_wait3A_830] : memref<80x256xi32, #tpu.memory_space<vmem>> -> memref<1x256xi32, #tpu.memory_space<vmem>>
          %dma_wait3A_832 = tpu.memref_squeeze %dma_wait3A_831 : memref<1x256xi32, #tpu.memory_space<vmem>> -> memref<256xi32, #tpu.memory_space<vmem>>
          %dma_wait3A_833 = arith.constant 0 : i32
          %dma_wait3A_834 = arith.constant 0 : i32
          %dma_wait3A_835 = tpu.memref_slice %arg9[%dma_wait3A_833, %dma_wait3A_834] : memref<10240x16xf32, #tpu.memory_space<vmem_shared>> -> memref<10240x16xf32, #tpu.memory_space<vmem_shared>>
          %dma_wait3A_836 = tpu.memref_slice %arg21[%dma_wait3A_825] : memref<8x!tpu.dma_semaphore, #tpu.memory_space<semaphore_mem>> -> memref<1x!tpu.dma_semaphore, #tpu.memory_space<semaphore_mem>>
          %dma_wait3A_837 = tpu.memref_squeeze %dma_wait3A_836 : memref<1x!tpu.dma_semaphore, #tpu.memory_space<semaphore_mem>> -> memref<!tpu.dma_semaphore, #tpu.memory_space<semaphore_mem>>
          tpu.wait_indirect_dma semaphore(%dma_wait3A_837 : memref<!tpu.dma_semaphore, #tpu.memory_space<semaphore_mem>>) src(%dma_wait3A_829 : memref<256x16xf32, #tpu.memory_space<vmem>>) dst(%dma_wait3A_835 : memref<10240x16xf32, #tpu.memory_space<vmem_shared>>)
        } else {
        }
        %add3A_807 = arith.constant 4 : i32
        %add3A_808 = arith.addi %add3A_605, %add3A_807 : i32
        %dma_start3A_809 = arith.constant 7 : i32
        %dma_start3A_810 = arith.constant 7 : i32
        %dma_start3A_811 = arith.constant 0 : i32
        %dma_start3A_812 = arith.constant 0 : i32
        %dma_start3A_813 = tpu.memref_slice %arg14[%dma_start3A_809, %dma_start3A_811, %dma_start3A_812] : memref<8x256x16xf32, #tpu.memory_space<vmem>> -> memref<1x256x16xf32, #tpu.memory_space<vmem>>
        %dma_start3A_814 = tpu.memref_squeeze %dma_start3A_813 : memref<1x256x16xf32, #tpu.memory_space<vmem>> -> memref<256x16xf32, #tpu.memory_space<vmem>>
        %dma_start3A_815 = arith.constant 0 : i32
        %dma_start3A_816 = tpu.memref_slice %arg12[%add3A_808, %dma_start3A_815] : memref<80x256xi32, #tpu.memory_space<vmem>> -> memref<1x256xi32, #tpu.memory_space<vmem>>
        %dma_start3A_817 = tpu.memref_squeeze %dma_start3A_816 : memref<1x256xi32, #tpu.memory_space<vmem>> -> memref<256xi32, #tpu.memory_space<vmem>>
        %dma_start3A_818 = arith.constant 0 : i32
        %dma_start3A_819 = arith.constant 0 : i32
        %dma_start3A_820 = tpu.memref_slice %arg11[%dma_start3A_818, %dma_start3A_819] : memref<10240x16xf32, #tpu.memory_space<vmem_shared>> -> memref<10240x16xf32, #tpu.memory_space<vmem_shared>>
        %dma_start3A_821 = tpu.memref_slice %arg20[%dma_start3A_810] : memref<8x!tpu.dma_semaphore, #tpu.memory_space<semaphore_mem>> -> memref<1x!tpu.dma_semaphore, #tpu.memory_space<semaphore_mem>>
        %dma_start3A_822 = tpu.memref_squeeze %dma_start3A_821 : memref<1x!tpu.dma_semaphore, #tpu.memory_space<semaphore_mem>> -> memref<!tpu.dma_semaphore, #tpu.memory_space<semaphore_mem>>
        tpu.enqueue_indirect_dma source(%dma_start3A_820 : memref<10240x16xf32, #tpu.memory_space<vmem_shared>>) target(%dma_start3A_814 : memref<256x16xf32, #tpu.memory_space<vmem>>) offsets(%dma_start3A_817 : memref<256xi32, #tpu.memory_space<vmem>>) semaphore(%dma_start3A_822 : memref<!tpu.dma_semaphore, #tpu.memory_space<semaphore_mem>>)
      } else {
      }
      %mul3A_642 = arith.constant 8 : i32
      %mul3A_643 = arith.muli %scan3A_484, %mul3A_642 : i32
      %add3A_644 = arith.constant 4 : i32
      %add3A_645 = arith.addi %mul3A_643, %add3A_644 : i32
      %dma_wait3A_646 = arith.constant 0 : i32
      %dma_wait3A_647 = arith.constant 4 : i32
      %dma_wait3A_648 = arith.constant 4 : i32
      %dma_wait3A_649 = arith.constant 0 : i32
      %dma_wait3A_650 = arith.constant 0 : i32
      %dma_wait3A_651 = tpu.memref_slice %arg14[%dma_wait3A_647, %dma_wait3A_649, %dma_wait3A_650] : memref<8x256x16xf32, #tpu.memory_space<vmem>> -> memref<1x256x16xf32, #tpu.memory_space<vmem>>
      %dma_wait3A_652 = tpu.memref_squeeze %dma_wait3A_651 : memref<1x256x16xf32, #tpu.memory_space<vmem>> -> memref<256x16xf32, #tpu.memory_space<vmem>>
      %dma_wait3A_653 = arith.constant 0 : i32
      %dma_wait3A_654 = tpu.memref_slice %arg12[%dma_wait3A_646, %dma_wait3A_653] : memref<80x256xi32, #tpu.memory_space<vmem>> -> memref<1x256xi32, #tpu.memory_space<vmem>>
      %dma_wait3A_655 = tpu.memref_squeeze %dma_wait3A_654 : memref<1x256xi32, #tpu.memory_space<vmem>> -> memref<256xi32, #tpu.memory_space<vmem>>
      %dma_wait3A_656 = arith.constant 0 : i32
      %dma_wait3A_657 = arith.constant 0 : i32
      %dma_wait3A_658 = tpu.memref_slice %arg11[%dma_wait3A_656, %dma_wait3A_657] : memref<10240x16xf32, #tpu.memory_space<vmem_shared>> -> memref<10240x16xf32, #tpu.memory_space<vmem_shared>>
      %dma_wait3A_659 = tpu.memref_slice %arg20[%dma_wait3A_648] : memref<8x!tpu.dma_semaphore, #tpu.memory_space<semaphore_mem>> -> memref<1x!tpu.dma_semaphore, #tpu.memory_space<semaphore_mem>>
      %dma_wait3A_660 = tpu.memref_squeeze %dma_wait3A_659 : memref<1x!tpu.dma_semaphore, #tpu.memory_space<semaphore_mem>> -> memref<!tpu.dma_semaphore, #tpu.memory_space<semaphore_mem>>
      tpu.wait_indirect_dma semaphore(%dma_wait3A_660 : memref<!tpu.dma_semaphore, #tpu.memory_space<semaphore_mem>>) src(%dma_wait3A_658 : memref<10240x16xf32, #tpu.memory_space<vmem_shared>>) dst(%dma_wait3A_652 : memref<256x16xf32, #tpu.memory_space<vmem>>)
      %dma_start3A_661 = arith.constant 4 : i32
      %dma_start3A_662 = arith.constant 4 : i32
      %dma_start3A_663 = arith.constant 0 : i32
      %dma_start3A_664 = arith.constant 0 : i32
      %dma_start3A_665 = tpu.memref_slice %arg14[%dma_start3A_661, %dma_start3A_663, %dma_start3A_664] : memref<8x256x16xf32, #tpu.memory_space<vmem>> -> memref<1x256x16xf32, #tpu.memory_space<vmem>>
      %dma_start3A_666 = tpu.memref_squeeze %dma_start3A_665 : memref<1x256x16xf32, #tpu.memory_space<vmem>> -> memref<256x16xf32, #tpu.memory_space<vmem>>
      %dma_start3A_667 = arith.constant 0 : i32
      %dma_start3A_668 = tpu.memref_slice %arg13[%add3A_645, %dma_start3A_667] : memref<80x256xi32, #tpu.memory_space<vmem>> -> memref<1x256xi32, #tpu.memory_space<vmem>>
      %dma_start3A_669 = tpu.memref_squeeze %dma_start3A_668 : memref<1x256xi32, #tpu.memory_space<vmem>> -> memref<256xi32, #tpu.memory_space<vmem>>
      %dma_start3A_670 = arith.constant 0 : i32
      %dma_start3A_671 = arith.constant 0 : i32
      %dma_start3A_672 = tpu.memref_slice %arg9[%dma_start3A_670, %dma_start3A_671] : memref<10240x16xf32, #tpu.memory_space<vmem_shared>> -> memref<10240x16xf32, #tpu.memory_space<vmem_shared>>
      %dma_start3A_673 = tpu.memref_slice %arg21[%dma_start3A_662] : memref<8x!tpu.dma_semaphore, #tpu.memory_space<semaphore_mem>> -> memref<1x!tpu.dma_semaphore, #tpu.memory_space<semaphore_mem>>
      %dma_start3A_674 = tpu.memref_squeeze %dma_start3A_673 : memref<1x!tpu.dma_semaphore, #tpu.memory_space<semaphore_mem>> -> memref<!tpu.dma_semaphore, #tpu.memory_space<semaphore_mem>>
      tpu.enqueue_indirect_dma source(%dma_start3A_666 : memref<256x16xf32, #tpu.memory_space<vmem>>) target(%dma_start3A_672 : memref<10240x16xf32, #tpu.memory_space<vmem_shared>>) offsets(%dma_start3A_669 : memref<256xi32, #tpu.memory_space<vmem>>) semaphore(%dma_start3A_674 : memref<!tpu.dma_semaphore, #tpu.memory_space<semaphore_mem>>) {add = true}
      %add3A_675 = arith.constant 4 : i32
      %add3A_676 = arith.addi %add3A_645, %add3A_675 : i32
      %lt3A_677 = arith.constant 80 : i32
      %lt3A_678 = arith.cmpi slt, %add3A_676, %lt3A_677 : i32
      %convert_element_type3A_679 = arith.extui %lt3A_678 : i1 to i32
      %cond3A_680 = arith.constant 0 : i32
      %cond3A_681 = arith.cmpi ne, %convert_element_type3A_679, %cond3A_680 : i32
      scf.if %cond3A_681 {
        %ge3A = arith.constant 4 : i32
        %ge3A_803 = arith.cmpi sge, %add3A_645, %ge3A : i32
        %convert_element_type3A_804 = arith.extui %ge3A_803 : i1 to i32
        %cond3A_805 = arith.constant 0 : i32
        %cond3A_806 = arith.cmpi ne, %convert_element_type3A_804, %cond3A_805 : i32
        scf.if %cond3A_806 {
          %dma_wait3A_823 = arith.constant 0 : i32
          %dma_wait3A_824 = arith.constant 0 : i32
          %dma_wait3A_825 = arith.constant 0 : i32
          %dma_wait3A_826 = arith.constant 0 : i32
          %dma_wait3A_827 = arith.constant 0 : i32
          %dma_wait3A_828 = tpu.memref_slice %arg14[%dma_wait3A_823, %dma_wait3A_826, %dma_wait3A_827] : memref<8x256x16xf32, #tpu.memory_space<vmem>> -> memref<1x256x16xf32, #tpu.memory_space<vmem>>
          %dma_wait3A_829 = tpu.memref_squeeze %dma_wait3A_828 : memref<1x256x16xf32, #tpu.memory_space<vmem>> -> memref<256x16xf32, #tpu.memory_space<vmem>>
          %dma_wait3A_830 = arith.constant 0 : i32
          %dma_wait3A_831 = tpu.memref_slice %arg13[%dma_wait3A_824, %dma_wait3A_830] : memref<80x256xi32, #tpu.memory_space<vmem>> -> memref<1x256xi32, #tpu.memory_space<vmem>>
          %dma_wait3A_832 = tpu.memref_squeeze %dma_wait3A_831 : memref<1x256xi32, #tpu.memory_space<vmem>> -> memref<256xi32, #tpu.memory_space<vmem>>
          %dma_wait3A_833 = arith.constant 0 : i32
          %dma_wait3A_834 = arith.constant 0 : i32
          %dma_wait3A_835 = tpu.memref_slice %arg9[%dma_wait3A_833, %dma_wait3A_834] : memref<10240x16xf32, #tpu.memory_space<vmem_shared>> -> memref<10240x16xf32, #tpu.memory_space<vmem_shared>>
          %dma_wait3A_836 = tpu.memref_slice %arg21[%dma_wait3A_825] : memref<8x!tpu.dma_semaphore, #tpu.memory_space<semaphore_mem>> -> memref<1x!tpu.dma_semaphore, #tpu.memory_space<semaphore_mem>>
          %dma_wait3A_837 = tpu.memref_squeeze %dma_wait3A_836 : memref<1x!tpu.dma_semaphore, #tpu.memory_space<semaphore_mem>> -> memref<!tpu.dma_semaphore, #tpu.memory_space<semaphore_mem>>
          tpu.wait_indirect_dma semaphore(%dma_wait3A_837 : memref<!tpu.dma_semaphore, #tpu.memory_space<semaphore_mem>>) src(%dma_wait3A_829 : memref<256x16xf32, #tpu.memory_space<vmem>>) dst(%dma_wait3A_835 : memref<10240x16xf32, #tpu.memory_space<vmem_shared>>)
        } else {
        }
        %add3A_807 = arith.constant 4 : i32
        %add3A_808 = arith.addi %add3A_645, %add3A_807 : i32
        %dma_start3A_809 = arith.constant 0 : i32
        %dma_start3A_810 = arith.constant 0 : i32
        %dma_start3A_811 = arith.constant 0 : i32
        %dma_start3A_812 = arith.constant 0 : i32
        %dma_start3A_813 = tpu.memref_slice %arg14[%dma_start3A_809, %dma_start3A_811, %dma_start3A_812] : memref<8x256x16xf32, #tpu.memory_space<vmem>> -> memref<1x256x16xf32, #tpu.memory_space<vmem>>
        %dma_start3A_814 = tpu.memref_squeeze %dma_start3A_813 : memref<1x256x16xf32, #tpu.memory_space<vmem>> -> memref<256x16xf32, #tpu.memory_space<vmem>>
        %dma_start3A_815 = arith.constant 0 : i32
        %dma_start3A_816 = tpu.memref_slice %arg12[%add3A_808, %dma_start3A_815] : memref<80x256xi32, #tpu.memory_space<vmem>> -> memref<1x256xi32, #tpu.memory_space<vmem>>
        %dma_start3A_817 = tpu.memref_squeeze %dma_start3A_816 : memref<1x256xi32, #tpu.memory_space<vmem>> -> memref<256xi32, #tpu.memory_space<vmem>>
        %dma_start3A_818 = arith.constant 0 : i32
        %dma_start3A_819 = arith.constant 0 : i32
        %dma_start3A_820 = tpu.memref_slice %arg11[%dma_start3A_818, %dma_start3A_819] : memref<10240x16xf32, #tpu.memory_space<vmem_shared>> -> memref<10240x16xf32, #tpu.memory_space<vmem_shared>>
        %dma_start3A_821 = tpu.memref_slice %arg20[%dma_start3A_810] : memref<8x!tpu.dma_semaphore, #tpu.memory_space<semaphore_mem>> -> memref<1x!tpu.dma_semaphore, #tpu.memory_space<semaphore_mem>>
        %dma_start3A_822 = tpu.memref_squeeze %dma_start3A_821 : memref<1x!tpu.dma_semaphore, #tpu.memory_space<semaphore_mem>> -> memref<!tpu.dma_semaphore, #tpu.memory_space<semaphore_mem>>
        tpu.enqueue_indirect_dma source(%dma_start3A_820 : memref<10240x16xf32, #tpu.memory_space<vmem_shared>>) target(%dma_start3A_814 : memref<256x16xf32, #tpu.memory_space<vmem>>) offsets(%dma_start3A_817 : memref<256xi32, #tpu.memory_space<vmem>>) semaphore(%dma_start3A_822 : memref<!tpu.dma_semaphore, #tpu.memory_space<semaphore_mem>>)
      } else {
      }
      %mul3A_682 = arith.constant 8 : i32
      %mul3A_683 = arith.muli %scan3A_484, %mul3A_682 : i32
      %add3A_684 = arith.constant 5 : i32
      %add3A_685 = arith.addi %mul3A_683, %add3A_684 : i32
      %dma_wait3A_686 = arith.constant 0 : i32
      %dma_wait3A_687 = arith.constant 5 : i32
      %dma_wait3A_688 = arith.constant 5 : i32
      %dma_wait3A_689 = arith.constant 0 : i32
      %dma_wait3A_690 = arith.constant 0 : i32
      %dma_wait3A_691 = tpu.memref_slice %arg14[%dma_wait3A_687, %dma_wait3A_689, %dma_wait3A_690] : memref<8x256x16xf32, #tpu.memory_space<vmem>> -> memref<1x256x16xf32, #tpu.memory_space<vmem>>
      %dma_wait3A_692 = tpu.memref_squeeze %dma_wait3A_691 : memref<1x256x16xf32, #tpu.memory_space<vmem>> -> memref<256x16xf32, #tpu.memory_space<vmem>>
      %dma_wait3A_693 = arith.constant 0 : i32
      %dma_wait3A_694 = tpu.memref_slice %arg12[%dma_wait3A_686, %dma_wait3A_693] : memref<80x256xi32, #tpu.memory_space<vmem>> -> memref<1x256xi32, #tpu.memory_space<vmem>>
      %dma_wait3A_695 = tpu.memref_squeeze %dma_wait3A_694 : memref<1x256xi32, #tpu.memory_space<vmem>> -> memref<256xi32, #tpu.memory_space<vmem>>
      %dma_wait3A_696 = arith.constant 0 : i32
      %dma_wait3A_697 = arith.constant 0 : i32
      %dma_wait3A_698 = tpu.memref_slice %arg11[%dma_wait3A_696, %dma_wait3A_697] : memref<10240x16xf32, #tpu.memory_space<vmem_shared>> -> memref<10240x16xf32, #tpu.memory_space<vmem_shared>>
      %dma_wait3A_699 = tpu.memref_slice %arg20[%dma_wait3A_688] : memref<8x!tpu.dma_semaphore, #tpu.memory_space<semaphore_mem>> -> memref<1x!tpu.dma_semaphore, #tpu.memory_space<semaphore_mem>>
      %dma_wait3A_700 = tpu.memref_squeeze %dma_wait3A_699 : memref<1x!tpu.dma_semaphore, #tpu.memory_space<semaphore_mem>> -> memref<!tpu.dma_semaphore, #tpu.memory_space<semaphore_mem>>
      tpu.wait_indirect_dma semaphore(%dma_wait3A_700 : memref<!tpu.dma_semaphore, #tpu.memory_space<semaphore_mem>>) src(%dma_wait3A_698 : memref<10240x16xf32, #tpu.memory_space<vmem_shared>>) dst(%dma_wait3A_692 : memref<256x16xf32, #tpu.memory_space<vmem>>)
      %dma_start3A_701 = arith.constant 5 : i32
      %dma_start3A_702 = arith.constant 5 : i32
      %dma_start3A_703 = arith.constant 0 : i32
      %dma_start3A_704 = arith.constant 0 : i32
      %dma_start3A_705 = tpu.memref_slice %arg14[%dma_start3A_701, %dma_start3A_703, %dma_start3A_704] : memref<8x256x16xf32, #tpu.memory_space<vmem>> -> memref<1x256x16xf32, #tpu.memory_space<vmem>>
      %dma_start3A_706 = tpu.memref_squeeze %dma_start3A_705 : memref<1x256x16xf32, #tpu.memory_space<vmem>> -> memref<256x16xf32, #tpu.memory_space<vmem>>
      %dma_start3A_707 = arith.constant 0 : i32
      %dma_start3A_708 = tpu.memref_slice %arg13[%add3A_685, %dma_start3A_707] : memref<80x256xi32, #tpu.memory_space<vmem>> -> memref<1x256xi32, #tpu.memory_space<vmem>>
      %dma_start3A_709 = tpu.memref_squeeze %dma_start3A_708 : memref<1x256xi32, #tpu.memory_space<vmem>> -> memref<256xi32, #tpu.memory_space<vmem>>
      %dma_start3A_710 = arith.constant 0 : i32
      %dma_start3A_711 = arith.constant 0 : i32
      %dma_start3A_712 = tpu.memref_slice %arg9[%dma_start3A_710, %dma_start3A_711] : memref<10240x16xf32, #tpu.memory_space<vmem_shared>> -> memref<10240x16xf32, #tpu.memory_space<vmem_shared>>
      %dma_start3A_713 = tpu.memref_slice %arg21[%dma_start3A_702] : memref<8x!tpu.dma_semaphore, #tpu.memory_space<semaphore_mem>> -> memref<1x!tpu.dma_semaphore, #tpu.memory_space<semaphore_mem>>
      %dma_start3A_714 = tpu.memref_squeeze %dma_start3A_713 : memref<1x!tpu.dma_semaphore, #tpu.memory_space<semaphore_mem>> -> memref<!tpu.dma_semaphore, #tpu.memory_space<semaphore_mem>>
      tpu.enqueue_indirect_dma source(%dma_start3A_706 : memref<256x16xf32, #tpu.memory_space<vmem>>) target(%dma_start3A_712 : memref<10240x16xf32, #tpu.memory_space<vmem_shared>>) offsets(%dma_start3A_709 : memref<256xi32, #tpu.memory_space<vmem>>) semaphore(%dma_start3A_714 : memref<!tpu.dma_semaphore, #tpu.memory_space<semaphore_mem>>) {add = true}
      %add3A_715 = arith.constant 4 : i32
      %add3A_716 = arith.addi %add3A_685, %add3A_715 : i32
      %lt3A_717 = arith.constant 80 : i32
      %lt3A_718 = arith.cmpi slt, %add3A_716, %lt3A_717 : i32
      %convert_element_type3A_719 = arith.extui %lt3A_718 : i1 to i32
      %cond3A_720 = arith.constant 0 : i32
      %cond3A_721 = arith.cmpi ne, %convert_element_type3A_719, %cond3A_720 : i32
      scf.if %cond3A_721 {
        %ge3A = arith.constant 4 : i32
        %ge3A_803 = arith.cmpi sge, %add3A_685, %ge3A : i32
        %convert_element_type3A_804 = arith.extui %ge3A_803 : i1 to i32
        %cond3A_805 = arith.constant 0 : i32
        %cond3A_806 = arith.cmpi ne, %convert_element_type3A_804, %cond3A_805 : i32
        scf.if %cond3A_806 {
          %dma_wait3A_823 = arith.constant 1 : i32
          %dma_wait3A_824 = arith.constant 0 : i32
          %dma_wait3A_825 = arith.constant 1 : i32
          %dma_wait3A_826 = arith.constant 0 : i32
          %dma_wait3A_827 = arith.constant 0 : i32
          %dma_wait3A_828 = tpu.memref_slice %arg14[%dma_wait3A_823, %dma_wait3A_826, %dma_wait3A_827] : memref<8x256x16xf32, #tpu.memory_space<vmem>> -> memref<1x256x16xf32, #tpu.memory_space<vmem>>
          %dma_wait3A_829 = tpu.memref_squeeze %dma_wait3A_828 : memref<1x256x16xf32, #tpu.memory_space<vmem>> -> memref<256x16xf32, #tpu.memory_space<vmem>>
          %dma_wait3A_830 = arith.constant 0 : i32
          %dma_wait3A_831 = tpu.memref_slice %arg13[%dma_wait3A_824, %dma_wait3A_830] : memref<80x256xi32, #tpu.memory_space<vmem>> -> memref<1x256xi32, #tpu.memory_space<vmem>>
          %dma_wait3A_832 = tpu.memref_squeeze %dma_wait3A_831 : memref<1x256xi32, #tpu.memory_space<vmem>> -> memref<256xi32, #tpu.memory_space<vmem>>
          %dma_wait3A_833 = arith.constant 0 : i32
          %dma_wait3A_834 = arith.constant 0 : i32
          %dma_wait3A_835 = tpu.memref_slice %arg9[%dma_wait3A_833, %dma_wait3A_834] : memref<10240x16xf32, #tpu.memory_space<vmem_shared>> -> memref<10240x16xf32, #tpu.memory_space<vmem_shared>>
          %dma_wait3A_836 = tpu.memref_slice %arg21[%dma_wait3A_825] : memref<8x!tpu.dma_semaphore, #tpu.memory_space<semaphore_mem>> -> memref<1x!tpu.dma_semaphore, #tpu.memory_space<semaphore_mem>>
          %dma_wait3A_837 = tpu.memref_squeeze %dma_wait3A_836 : memref<1x!tpu.dma_semaphore, #tpu.memory_space<semaphore_mem>> -> memref<!tpu.dma_semaphore, #tpu.memory_space<semaphore_mem>>
          tpu.wait_indirect_dma semaphore(%dma_wait3A_837 : memref<!tpu.dma_semaphore, #tpu.memory_space<semaphore_mem>>) src(%dma_wait3A_829 : memref<256x16xf32, #tpu.memory_space<vmem>>) dst(%dma_wait3A_835 : memref<10240x16xf32, #tpu.memory_space<vmem_shared>>)
        } else {
        }
        %add3A_807 = arith.constant 4 : i32
        %add3A_808 = arith.addi %add3A_685, %add3A_807 : i32
        %dma_start3A_809 = arith.constant 1 : i32
        %dma_start3A_810 = arith.constant 1 : i32
        %dma_start3A_811 = arith.constant 0 : i32
        %dma_start3A_812 = arith.constant 0 : i32
        %dma_start3A_813 = tpu.memref_slice %arg14[%dma_start3A_809, %dma_start3A_811, %dma_start3A_812] : memref<8x256x16xf32, #tpu.memory_space<vmem>> -> memref<1x256x16xf32, #tpu.memory_space<vmem>>
        %dma_start3A_814 = tpu.memref_squeeze %dma_start3A_813 : memref<1x256x16xf32, #tpu.memory_space<vmem>> -> memref<256x16xf32, #tpu.memory_space<vmem>>
        %dma_start3A_815 = arith.constant 0 : i32
        %dma_start3A_816 = tpu.memref_slice %arg12[%add3A_808, %dma_start3A_815] : memref<80x256xi32, #tpu.memory_space<vmem>> -> memref<1x256xi32, #tpu.memory_space<vmem>>
        %dma_start3A_817 = tpu.memref_squeeze %dma_start3A_816 : memref<1x256xi32, #tpu.memory_space<vmem>> -> memref<256xi32, #tpu.memory_space<vmem>>
        %dma_start3A_818 = arith.constant 0 : i32
        %dma_start3A_819 = arith.constant 0 : i32
        %dma_start3A_820 = tpu.memref_slice %arg11[%dma_start3A_818, %dma_start3A_819] : memref<10240x16xf32, #tpu.memory_space<vmem_shared>> -> memref<10240x16xf32, #tpu.memory_space<vmem_shared>>
        %dma_start3A_821 = tpu.memref_slice %arg20[%dma_start3A_810] : memref<8x!tpu.dma_semaphore, #tpu.memory_space<semaphore_mem>> -> memref<1x!tpu.dma_semaphore, #tpu.memory_space<semaphore_mem>>
        %dma_start3A_822 = tpu.memref_squeeze %dma_start3A_821 : memref<1x!tpu.dma_semaphore, #tpu.memory_space<semaphore_mem>> -> memref<!tpu.dma_semaphore, #tpu.memory_space<semaphore_mem>>
        tpu.enqueue_indirect_dma source(%dma_start3A_820 : memref<10240x16xf32, #tpu.memory_space<vmem_shared>>) target(%dma_start3A_814 : memref<256x16xf32, #tpu.memory_space<vmem>>) offsets(%dma_start3A_817 : memref<256xi32, #tpu.memory_space<vmem>>) semaphore(%dma_start3A_822 : memref<!tpu.dma_semaphore, #tpu.memory_space<semaphore_mem>>)
      } else {
      }
      %mul3A_722 = arith.constant 8 : i32
      %mul3A_723 = arith.muli %scan3A_484, %mul3A_722 : i32
      %add3A_724 = arith.constant 6 : i32
      %add3A_725 = arith.addi %mul3A_723, %add3A_724 : i32
      %dma_wait3A_726 = arith.constant 0 : i32
      %dma_wait3A_727 = arith.constant 6 : i32
      %dma_wait3A_728 = arith.constant 6 : i32
      %dma_wait3A_729 = arith.constant 0 : i32
      %dma_wait3A_730 = arith.constant 0 : i32
      %dma_wait3A_731 = tpu.memref_slice %arg14[%dma_wait3A_727, %dma_wait3A_729, %dma_wait3A_730] : memref<8x256x16xf32, #tpu.memory_space<vmem>> -> memref<1x256x16xf32, #tpu.memory_space<vmem>>
      %dma_wait3A_732 = tpu.memref_squeeze %dma_wait3A_731 : memref<1x256x16xf32, #tpu.memory_space<vmem>> -> memref<256x16xf32, #tpu.memory_space<vmem>>
      %dma_wait3A_733 = arith.constant 0 : i32
      %dma_wait3A_734 = tpu.memref_slice %arg12[%dma_wait3A_726, %dma_wait3A_733] : memref<80x256xi32, #tpu.memory_space<vmem>> -> memref<1x256xi32, #tpu.memory_space<vmem>>
      %dma_wait3A_735 = tpu.memref_squeeze %dma_wait3A_734 : memref<1x256xi32, #tpu.memory_space<vmem>> -> memref<256xi32, #tpu.memory_space<vmem>>
      %dma_wait3A_736 = arith.constant 0 : i32
      %dma_wait3A_737 = arith.constant 0 : i32
      %dma_wait3A_738 = tpu.memref_slice %arg11[%dma_wait3A_736, %dma_wait3A_737] : memref<10240x16xf32, #tpu.memory_space<vmem_shared>> -> memref<10240x16xf32, #tpu.memory_space<vmem_shared>>
      %dma_wait3A_739 = tpu.memref_slice %arg20[%dma_wait3A_728] : memref<8x!tpu.dma_semaphore, #tpu.memory_space<semaphore_mem>> -> memref<1x!tpu.dma_semaphore, #tpu.memory_space<semaphore_mem>>
      %dma_wait3A_740 = tpu.memref_squeeze %dma_wait3A_739 : memref<1x!tpu.dma_semaphore, #tpu.memory_space<semaphore_mem>> -> memref<!tpu.dma_semaphore, #tpu.memory_space<semaphore_mem>>
      tpu.wait_indirect_dma semaphore(%dma_wait3A_740 : memref<!tpu.dma_semaphore, #tpu.memory_space<semaphore_mem>>) src(%dma_wait3A_738 : memref<10240x16xf32, #tpu.memory_space<vmem_shared>>) dst(%dma_wait3A_732 : memref<256x16xf32, #tpu.memory_space<vmem>>)
      %dma_start3A_741 = arith.constant 6 : i32
      %dma_start3A_742 = arith.constant 6 : i32
      %dma_start3A_743 = arith.constant 0 : i32
      %dma_start3A_744 = arith.constant 0 : i32
      %dma_start3A_745 = tpu.memref_slice %arg14[%dma_start3A_741, %dma_start3A_743, %dma_start3A_744] : memref<8x256x16xf32, #tpu.memory_space<vmem>> -> memref<1x256x16xf32, #tpu.memory_space<vmem>>
      %dma_start3A_746 = tpu.memref_squeeze %dma_start3A_745 : memref<1x256x16xf32, #tpu.memory_space<vmem>> -> memref<256x16xf32, #tpu.memory_space<vmem>>
      %dma_start3A_747 = arith.constant 0 : i32
      %dma_start3A_748 = tpu.memref_slice %arg13[%add3A_725, %dma_start3A_747] : memref<80x256xi32, #tpu.memory_space<vmem>> -> memref<1x256xi32, #tpu.memory_space<vmem>>
      %dma_start3A_749 = tpu.memref_squeeze %dma_start3A_748 : memref<1x256xi32, #tpu.memory_space<vmem>> -> memref<256xi32, #tpu.memory_space<vmem>>
      %dma_start3A_750 = arith.constant 0 : i32
      %dma_start3A_751 = arith.constant 0 : i32
      %dma_start3A_752 = tpu.memref_slice %arg9[%dma_start3A_750, %dma_start3A_751] : memref<10240x16xf32, #tpu.memory_space<vmem_shared>> -> memref<10240x16xf32, #tpu.memory_space<vmem_shared>>
      %dma_start3A_753 = tpu.memref_slice %arg21[%dma_start3A_742] : memref<8x!tpu.dma_semaphore, #tpu.memory_space<semaphore_mem>> -> memref<1x!tpu.dma_semaphore, #tpu.memory_space<semaphore_mem>>
      %dma_start3A_754 = tpu.memref_squeeze %dma_start3A_753 : memref<1x!tpu.dma_semaphore, #tpu.memory_space<semaphore_mem>> -> memref<!tpu.dma_semaphore, #tpu.memory_space<semaphore_mem>>
      tpu.enqueue_indirect_dma source(%dma_start3A_746 : memref<256x16xf32, #tpu.memory_space<vmem>>) target(%dma_start3A_752 : memref<10240x16xf32, #tpu.memory_space<vmem_shared>>) offsets(%dma_start3A_749 : memref<256xi32, #tpu.memory_space<vmem>>) semaphore(%dma_start3A_754 : memref<!tpu.dma_semaphore, #tpu.memory_space<semaphore_mem>>) {add = true}
      %add3A_755 = arith.constant 4 : i32
      %add3A_756 = arith.addi %add3A_725, %add3A_755 : i32
      %lt3A_757 = arith.constant 80 : i32
      %lt3A_758 = arith.cmpi slt, %add3A_756, %lt3A_757 : i32
      %convert_element_type3A_759 = arith.extui %lt3A_758 : i1 to i32
      %cond3A_760 = arith.constant 0 : i32
      %cond3A_761 = arith.cmpi ne, %convert_element_type3A_759, %cond3A_760 : i32
      scf.if %cond3A_761 {
        %ge3A = arith.constant 4 : i32
        %ge3A_803 = arith.cmpi sge, %add3A_725, %ge3A : i32
        %convert_element_type3A_804 = arith.extui %ge3A_803 : i1 to i32
        %cond3A_805 = arith.constant 0 : i32
        %cond3A_806 = arith.cmpi ne, %convert_element_type3A_804, %cond3A_805 : i32
        scf.if %cond3A_806 {
          %dma_wait3A_823 = arith.constant 2 : i32
          %dma_wait3A_824 = arith.constant 0 : i32
          %dma_wait3A_825 = arith.constant 2 : i32
          %dma_wait3A_826 = arith.constant 0 : i32
          %dma_wait3A_827 = arith.constant 0 : i32
          %dma_wait3A_828 = tpu.memref_slice %arg14[%dma_wait3A_823, %dma_wait3A_826, %dma_wait3A_827] : memref<8x256x16xf32, #tpu.memory_space<vmem>> -> memref<1x256x16xf32, #tpu.memory_space<vmem>>
          %dma_wait3A_829 = tpu.memref_squeeze %dma_wait3A_828 : memref<1x256x16xf32, #tpu.memory_space<vmem>> -> memref<256x16xf32, #tpu.memory_space<vmem>>
          %dma_wait3A_830 = arith.constant 0 : i32
          %dma_wait3A_831 = tpu.memref_slice %arg13[%dma_wait3A_824, %dma_wait3A_830] : memref<80x256xi32, #tpu.memory_space<vmem>> -> memref<1x256xi32, #tpu.memory_space<vmem>>
          %dma_wait3A_832 = tpu.memref_squeeze %dma_wait3A_831 : memref<1x256xi32, #tpu.memory_space<vmem>> -> memref<256xi32, #tpu.memory_space<vmem>>
          %dma_wait3A_833 = arith.constant 0 : i32
          %dma_wait3A_834 = arith.constant 0 : i32
          %dma_wait3A_835 = tpu.memref_slice %arg9[%dma_wait3A_833, %dma_wait3A_834] : memref<10240x16xf32, #tpu.memory_space<vmem_shared>> -> memref<10240x16xf32, #tpu.memory_space<vmem_shared>>
          %dma_wait3A_836 = tpu.memref_slice %arg21[%dma_wait3A_825] : memref<8x!tpu.dma_semaphore, #tpu.memory_space<semaphore_mem>> -> memref<1x!tpu.dma_semaphore, #tpu.memory_space<semaphore_mem>>
          %dma_wait3A_837 = tpu.memref_squeeze %dma_wait3A_836 : memref<1x!tpu.dma_semaphore, #tpu.memory_space<semaphore_mem>> -> memref<!tpu.dma_semaphore, #tpu.memory_space<semaphore_mem>>
          tpu.wait_indirect_dma semaphore(%dma_wait3A_837 : memref<!tpu.dma_semaphore, #tpu.memory_space<semaphore_mem>>) src(%dma_wait3A_829 : memref<256x16xf32, #tpu.memory_space<vmem>>) dst(%dma_wait3A_835 : memref<10240x16xf32, #tpu.memory_space<vmem_shared>>)
        } else {
        }
        %add3A_807 = arith.constant 4 : i32
        %add3A_808 = arith.addi %add3A_725, %add3A_807 : i32
        %dma_start3A_809 = arith.constant 2 : i32
        %dma_start3A_810 = arith.constant 2 : i32
        %dma_start3A_811 = arith.constant 0 : i32
        %dma_start3A_812 = arith.constant 0 : i32
        %dma_start3A_813 = tpu.memref_slice %arg14[%dma_start3A_809, %dma_start3A_811, %dma_start3A_812] : memref<8x256x16xf32, #tpu.memory_space<vmem>> -> memref<1x256x16xf32, #tpu.memory_space<vmem>>
        %dma_start3A_814 = tpu.memref_squeeze %dma_start3A_813 : memref<1x256x16xf32, #tpu.memory_space<vmem>> -> memref<256x16xf32, #tpu.memory_space<vmem>>
        %dma_start3A_815 = arith.constant 0 : i32
        %dma_start3A_816 = tpu.memref_slice %arg12[%add3A_808, %dma_start3A_815] : memref<80x256xi32, #tpu.memory_space<vmem>> -> memref<1x256xi32, #tpu.memory_space<vmem>>
        %dma_start3A_817 = tpu.memref_squeeze %dma_start3A_816 : memref<1x256xi32, #tpu.memory_space<vmem>> -> memref<256xi32, #tpu.memory_space<vmem>>
        %dma_start3A_818 = arith.constant 0 : i32
        %dma_start3A_819 = arith.constant 0 : i32
        %dma_start3A_820 = tpu.memref_slice %arg11[%dma_start3A_818, %dma_start3A_819] : memref<10240x16xf32, #tpu.memory_space<vmem_shared>> -> memref<10240x16xf32, #tpu.memory_space<vmem_shared>>
        %dma_start3A_821 = tpu.memref_slice %arg20[%dma_start3A_810] : memref<8x!tpu.dma_semaphore, #tpu.memory_space<semaphore_mem>> -> memref<1x!tpu.dma_semaphore, #tpu.memory_space<semaphore_mem>>
        %dma_start3A_822 = tpu.memref_squeeze %dma_start3A_821 : memref<1x!tpu.dma_semaphore, #tpu.memory_space<semaphore_mem>> -> memref<!tpu.dma_semaphore, #tpu.memory_space<semaphore_mem>>
        tpu.enqueue_indirect_dma source(%dma_start3A_820 : memref<10240x16xf32, #tpu.memory_space<vmem_shared>>) target(%dma_start3A_814 : memref<256x16xf32, #tpu.memory_space<vmem>>) offsets(%dma_start3A_817 : memref<256xi32, #tpu.memory_space<vmem>>) semaphore(%dma_start3A_822 : memref<!tpu.dma_semaphore, #tpu.memory_space<semaphore_mem>>)
      } else {
      }
      %mul3A_762 = arith.constant 8 : i32
      %mul3A_763 = arith.muli %scan3A_484, %mul3A_762 : i32
      %add3A_764 = arith.constant 7 : i32
      %add3A_765 = arith.addi %mul3A_763, %add3A_764 : i32
      %dma_wait3A_766 = arith.constant 0 : i32
      %dma_wait3A_767 = arith.constant 7 : i32
      %dma_wait3A_768 = arith.constant 7 : i32
      %dma_wait3A_769 = arith.constant 0 : i32
      %dma_wait3A_770 = arith.constant 0 : i32
      %dma_wait3A_771 = tpu.memref_slice %arg14[%dma_wait3A_767, %dma_wait3A_769, %dma_wait3A_770] : memref<8x256x16xf32, #tpu.memory_space<vmem>> -> memref<1x256x16xf32, #tpu.memory_space<vmem>>
      %dma_wait3A_772 = tpu.memref_squeeze %dma_wait3A_771 : memref<1x256x16xf32, #tpu.memory_space<vmem>> -> memref<256x16xf32, #tpu.memory_space<vmem>>
      %dma_wait3A_773 = arith.constant 0 : i32
      %dma_wait3A_774 = tpu.memref_slice %arg12[%dma_wait3A_766, %dma_wait3A_773] : memref<80x256xi32, #tpu.memory_space<vmem>> -> memref<1x256xi32, #tpu.memory_space<vmem>>
      %dma_wait3A_775 = tpu.memref_squeeze %dma_wait3A_774 : memref<1x256xi32, #tpu.memory_space<vmem>> -> memref<256xi32, #tpu.memory_space<vmem>>
      %dma_wait3A_776 = arith.constant 0 : i32
      %dma_wait3A_777 = arith.constant 0 : i32
      %dma_wait3A_778 = tpu.memref_slice %arg11[%dma_wait3A_776, %dma_wait3A_777] : memref<10240x16xf32, #tpu.memory_space<vmem_shared>> -> memref<10240x16xf32, #tpu.memory_space<vmem_shared>>
      %dma_wait3A_779 = tpu.memref_slice %arg20[%dma_wait3A_768] : memref<8x!tpu.dma_semaphore, #tpu.memory_space<semaphore_mem>> -> memref<1x!tpu.dma_semaphore, #tpu.memory_space<semaphore_mem>>
      %dma_wait3A_780 = tpu.memref_squeeze %dma_wait3A_779 : memref<1x!tpu.dma_semaphore, #tpu.memory_space<semaphore_mem>> -> memref<!tpu.dma_semaphore, #tpu.memory_space<semaphore_mem>>
      tpu.wait_indirect_dma semaphore(%dma_wait3A_780 : memref<!tpu.dma_semaphore, #tpu.memory_space<semaphore_mem>>) src(%dma_wait3A_778 : memref<10240x16xf32, #tpu.memory_space<vmem_shared>>) dst(%dma_wait3A_772 : memref<256x16xf32, #tpu.memory_space<vmem>>)
      %dma_start3A_781 = arith.constant 7 : i32
      %dma_start3A_782 = arith.constant 7 : i32
      %dma_start3A_783 = arith.constant 0 : i32
      %dma_start3A_784 = arith.constant 0 : i32
      %dma_start3A_785 = tpu.memref_slice %arg14[%dma_start3A_781, %dma_start3A_783, %dma_start3A_784] : memref<8x256x16xf32, #tpu.memory_space<vmem>> -> memref<1x256x16xf32, #tpu.memory_space<vmem>>
      %dma_start3A_786 = tpu.memref_squeeze %dma_start3A_785 : memref<1x256x16xf32, #tpu.memory_space<vmem>> -> memref<256x16xf32, #tpu.memory_space<vmem>>
      %dma_start3A_787 = arith.constant 0 : i32
      %dma_start3A_788 = tpu.memref_slice %arg13[%add3A_765, %dma_start3A_787] : memref<80x256xi32, #tpu.memory_space<vmem>> -> memref<1x256xi32, #tpu.memory_space<vmem>>
      %dma_start3A_789 = tpu.memref_squeeze %dma_start3A_788 : memref<1x256xi32, #tpu.memory_space<vmem>> -> memref<256xi32, #tpu.memory_space<vmem>>
      %dma_start3A_790 = arith.constant 0 : i32
      %dma_start3A_791 = arith.constant 0 : i32
      %dma_start3A_792 = tpu.memref_slice %arg9[%dma_start3A_790, %dma_start3A_791] : memref<10240x16xf32, #tpu.memory_space<vmem_shared>> -> memref<10240x16xf32, #tpu.memory_space<vmem_shared>>
      %dma_start3A_793 = tpu.memref_slice %arg21[%dma_start3A_782] : memref<8x!tpu.dma_semaphore, #tpu.memory_space<semaphore_mem>> -> memref<1x!tpu.dma_semaphore, #tpu.memory_space<semaphore_mem>>
      %dma_start3A_794 = tpu.memref_squeeze %dma_start3A_793 : memref<1x!tpu.dma_semaphore, #tpu.memory_space<semaphore_mem>> -> memref<!tpu.dma_semaphore, #tpu.memory_space<semaphore_mem>>
      tpu.enqueue_indirect_dma source(%dma_start3A_786 : memref<256x16xf32, #tpu.memory_space<vmem>>) target(%dma_start3A_792 : memref<10240x16xf32, #tpu.memory_space<vmem_shared>>) offsets(%dma_start3A_789 : memref<256xi32, #tpu.memory_space<vmem>>) semaphore(%dma_start3A_794 : memref<!tpu.dma_semaphore, #tpu.memory_space<semaphore_mem>>) {add = true}
      %add3A_795 = arith.constant 4 : i32
      %add3A_796 = arith.addi %add3A_765, %add3A_795 : i32
      %lt3A_797 = arith.constant 80 : i32
      %lt3A_798 = arith.cmpi slt, %add3A_796, %lt3A_797 : i32
      %convert_element_type3A_799 = arith.extui %lt3A_798 : i1 to i32
      %cond3A_800 = arith.constant 0 : i32
      %cond3A_801 = arith.cmpi ne, %convert_element_type3A_799, %cond3A_800 : i32
      scf.if %cond3A_801 {
        %ge3A = arith.constant 4 : i32
        %ge3A_803 = arith.cmpi sge, %add3A_765, %ge3A : i32
        %convert_element_type3A_804 = arith.extui %ge3A_803 : i1 to i32
        %cond3A_805 = arith.constant 0 : i32
        %cond3A_806 = arith.cmpi ne, %convert_element_type3A_804, %cond3A_805 : i32
        scf.if %cond3A_806 {
          %dma_wait3A_823 = arith.constant 3 : i32
          %dma_wait3A_824 = arith.constant 0 : i32
          %dma_wait3A_825 = arith.constant 3 : i32
          %dma_wait3A_826 = arith.constant 0 : i32
          %dma_wait3A_827 = arith.constant 0 : i32
          %dma_wait3A_828 = tpu.memref_slice %arg14[%dma_wait3A_823, %dma_wait3A_826, %dma_wait3A_827] : memref<8x256x16xf32, #tpu.memory_space<vmem>> -> memref<1x256x16xf32, #tpu.memory_space<vmem>>
          %dma_wait3A_829 = tpu.memref_squeeze %dma_wait3A_828 : memref<1x256x16xf32, #tpu.memory_space<vmem>> -> memref<256x16xf32, #tpu.memory_space<vmem>>
          %dma_wait3A_830 = arith.constant 0 : i32
          %dma_wait3A_831 = tpu.memref_slice %arg13[%dma_wait3A_824, %dma_wait3A_830] : memref<80x256xi32, #tpu.memory_space<vmem>> -> memref<1x256xi32, #tpu.memory_space<vmem>>
          %dma_wait3A_832 = tpu.memref_squeeze %dma_wait3A_831 : memref<1x256xi32, #tpu.memory_space<vmem>> -> memref<256xi32, #tpu.memory_space<vmem>>
          %dma_wait3A_833 = arith.constant 0 : i32
          %dma_wait3A_834 = arith.constant 0 : i32
          %dma_wait3A_835 = tpu.memref_slice %arg9[%dma_wait3A_833, %dma_wait3A_834] : memref<10240x16xf32, #tpu.memory_space<vmem_shared>> -> memref<10240x16xf32, #tpu.memory_space<vmem_shared>>
          %dma_wait3A_836 = tpu.memref_slice %arg21[%dma_wait3A_825] : memref<8x!tpu.dma_semaphore, #tpu.memory_space<semaphore_mem>> -> memref<1x!tpu.dma_semaphore, #tpu.memory_space<semaphore_mem>>
          %dma_wait3A_837 = tpu.memref_squeeze %dma_wait3A_836 : memref<1x!tpu.dma_semaphore, #tpu.memory_space<semaphore_mem>> -> memref<!tpu.dma_semaphore, #tpu.memory_space<semaphore_mem>>
          tpu.wait_indirect_dma semaphore(%dma_wait3A_837 : memref<!tpu.dma_semaphore, #tpu.memory_space<semaphore_mem>>) src(%dma_wait3A_829 : memref<256x16xf32, #tpu.memory_space<vmem>>) dst(%dma_wait3A_835 : memref<10240x16xf32, #tpu.memory_space<vmem_shared>>)
        } else {
        }
        %add3A_807 = arith.constant 4 : i32
        %add3A_808 = arith.addi %add3A_765, %add3A_807 : i32
        %dma_start3A_809 = arith.constant 3 : i32
        %dma_start3A_810 = arith.constant 3 : i32
        %dma_start3A_811 = arith.constant 0 : i32
        %dma_start3A_812 = arith.constant 0 : i32
        %dma_start3A_813 = tpu.memref_slice %arg14[%dma_start3A_809, %dma_start3A_811, %dma_start3A_812] : memref<8x256x16xf32, #tpu.memory_space<vmem>> -> memref<1x256x16xf32, #tpu.memory_space<vmem>>
        %dma_start3A_814 = tpu.memref_squeeze %dma_start3A_813 : memref<1x256x16xf32, #tpu.memory_space<vmem>> -> memref<256x16xf32, #tpu.memory_space<vmem>>
        %dma_start3A_815 = arith.constant 0 : i32
        %dma_start3A_816 = tpu.memref_slice %arg12[%add3A_808, %dma_start3A_815] : memref<80x256xi32, #tpu.memory_space<vmem>> -> memref<1x256xi32, #tpu.memory_space<vmem>>
        %dma_start3A_817 = tpu.memref_squeeze %dma_start3A_816 : memref<1x256xi32, #tpu.memory_space<vmem>> -> memref<256xi32, #tpu.memory_space<vmem>>
        %dma_start3A_818 = arith.constant 0 : i32
        %dma_start3A_819 = arith.constant 0 : i32
        %dma_start3A_820 = tpu.memref_slice %arg11[%dma_start3A_818, %dma_start3A_819] : memref<10240x16xf32, #tpu.memory_space<vmem_shared>> -> memref<10240x16xf32, #tpu.memory_space<vmem_shared>>
        %dma_start3A_821 = tpu.memref_slice %arg20[%dma_start3A_810] : memref<8x!tpu.dma_semaphore, #tpu.memory_space<semaphore_mem>> -> memref<1x!tpu.dma_semaphore, #tpu.memory_space<semaphore_mem>>
        %dma_start3A_822 = tpu.memref_squeeze %dma_start3A_821 : memref<1x!tpu.dma_semaphore, #tpu.memory_space<semaphore_mem>> -> memref<!tpu.dma_semaphore, #tpu.memory_space<semaphore_mem>>
        tpu.enqueue_indirect_dma source(%dma_start3A_820 : memref<10240x16xf32, #tpu.memory_space<vmem_shared>>) target(%dma_start3A_814 : memref<256x16xf32, #tpu.memory_space<vmem>>) offsets(%dma_start3A_817 : memref<256xi32, #tpu.memory_space<vmem>>) semaphore(%dma_start3A_822 : memref<!tpu.dma_semaphore, #tpu.memory_space<semaphore_mem>>)
      } else {
      }
      %scan3A_802 = arith.constant 0 : i32
      scf.yield %scan3A_802 : i32
    }
    %scan3A_355 = arith.constant 10 : i32
    %dma_wait3A_356 = arith.constant 0 : i32
    %dma_wait3A_357 = arith.constant 0 : i32
    %dma_wait3A_358 = arith.constant 0 : i32
    %dma_wait3A_359 = arith.constant 0 : i32
    %dma_wait3A_360 = arith.constant 0 : i32
    %dma_wait3A_361 = tpu.memref_slice %arg14[%dma_wait3A_356, %dma_wait3A_359, %dma_wait3A_360] : memref<8x256x16xf32, #tpu.memory_space<vmem>> -> memref<1x256x16xf32, #tpu.memory_space<vmem>>
    %dma_wait3A_362 = tpu.memref_squeeze %dma_wait3A_361 : memref<1x256x16xf32, #tpu.memory_space<vmem>> -> memref<256x16xf32, #tpu.memory_space<vmem>>
    %dma_wait3A_363 = arith.constant 0 : i32
    %dma_wait3A_364 = tpu.memref_slice %arg13[%dma_wait3A_357, %dma_wait3A_363] : memref<80x256xi32, #tpu.memory_space<vmem>> -> memref<1x256xi32, #tpu.memory_space<vmem>>
    %dma_wait3A_365 = tpu.memref_squeeze %dma_wait3A_364 : memref<1x256xi32, #tpu.memory_space<vmem>> -> memref<256xi32, #tpu.memory_space<vmem>>
    %dma_wait3A_366 = arith.constant 0 : i32
    %dma_wait3A_367 = arith.constant 0 : i32
    %dma_wait3A_368 = tpu.memref_slice %arg9[%dma_wait3A_366, %dma_wait3A_367] : memref<10240x16xf32, #tpu.memory_space<vmem_shared>> -> memref<10240x16xf32, #tpu.memory_space<vmem_shared>>
    %dma_wait3A_369 = tpu.memref_slice %arg21[%dma_wait3A_358] : memref<8x!tpu.dma_semaphore, #tpu.memory_space<semaphore_mem>> -> memref<1x!tpu.dma_semaphore, #tpu.memory_space<semaphore_mem>>
    %dma_wait3A_370 = tpu.memref_squeeze %dma_wait3A_369 : memref<1x!tpu.dma_semaphore, #tpu.memory_space<semaphore_mem>> -> memref<!tpu.dma_semaphore, #tpu.memory_space<semaphore_mem>>
    tpu.wait_indirect_dma semaphore(%dma_wait3A_370 : memref<!tpu.dma_semaphore, #tpu.memory_space<semaphore_mem>>) src(%dma_wait3A_362 : memref<256x16xf32, #tpu.memory_space<vmem>>) dst(%dma_wait3A_368 : memref<10240x16xf32, #tpu.memory_space<vmem_shared>>)
    %dma_wait3A_371 = arith.constant 1 : i32
    %dma_wait3A_372 = arith.constant 0 : i32
    %dma_wait3A_373 = arith.constant 1 : i32
    %dma_wait3A_374 = arith.constant 0 : i32
    %dma_wait3A_375 = arith.constant 0 : i32
    %dma_wait3A_376 = tpu.memref_slice %arg14[%dma_wait3A_371, %dma_wait3A_374, %dma_wait3A_375] : memref<8x256x16xf32, #tpu.memory_space<vmem>> -> memref<1x256x16xf32, #tpu.memory_space<vmem>>
    %dma_wait3A_377 = tpu.memref_squeeze %dma_wait3A_376 : memref<1x256x16xf32, #tpu.memory_space<vmem>> -> memref<256x16xf32, #tpu.memory_space<vmem>>
    %dma_wait3A_378 = arith.constant 0 : i32
    %dma_wait3A_379 = tpu.memref_slice %arg13[%dma_wait3A_372, %dma_wait3A_378] : memref<80x256xi32, #tpu.memory_space<vmem>> -> memref<1x256xi32, #tpu.memory_space<vmem>>
    %dma_wait3A_380 = tpu.memref_squeeze %dma_wait3A_379 : memref<1x256xi32, #tpu.memory_space<vmem>> -> memref<256xi32, #tpu.memory_space<vmem>>
    %dma_wait3A_381 = arith.constant 0 : i32
    %dma_wait3A_382 = arith.constant 0 : i32
    %dma_wait3A_383 = tpu.memref_slice %arg9[%dma_wait3A_381, %dma_wait3A_382] : memref<10240x16xf32, #tpu.memory_space<vmem_shared>> -> memref<10240x16xf32, #tpu.memory_space<vmem_shared>>
    %dma_wait3A_384 = tpu.memref_slice %arg21[%dma_wait3A_373] : memref<8x!tpu.dma_semaphore, #tpu.memory_space<semaphore_mem>> -> memref<1x!tpu.dma_semaphore, #tpu.memory_space<semaphore_mem>>
    %dma_wait3A_385 = tpu.memref_squeeze %dma_wait3A_384 : memref<1x!tpu.dma_semaphore, #tpu.memory_space<semaphore_mem>> -> memref<!tpu.dma_semaphore, #tpu.memory_space<semaphore_mem>>
    tpu.wait_indirect_dma semaphore(%dma_wait3A_385 : memref<!tpu.dma_semaphore, #tpu.memory_space<semaphore_mem>>) src(%dma_wait3A_377 : memref<256x16xf32, #tpu.memory_space<vmem>>) dst(%dma_wait3A_383 : memref<10240x16xf32, #tpu.memory_space<vmem_shared>>)
    %dma_wait3A_386 = arith.constant 2 : i32
    %dma_wait3A_387 = arith.constant 0 : i32
    %dma_wait3A_388 = arith.constant 2 : i32
    %dma_wait3A_389 = arith.constant 0 : i32
    %dma_wait3A_390 = arith.constant 0 : i32
    %dma_wait3A_391 = tpu.memref_slice %arg14[%dma_wait3A_386, %dma_wait3A_389, %dma_wait3A_390] : memref<8x256x16xf32, #tpu.memory_space<vmem>> -> memref<1x256x16xf32, #tpu.memory_space<vmem>>
    %dma_wait3A_392 = tpu.memref_squeeze %dma_wait3A_391 : memref<1x256x16xf32, #tpu.memory_space<vmem>> -> memref<256x16xf32, #tpu.memory_space<vmem>>
    %dma_wait3A_393 = arith.constant 0 : i32
    %dma_wait3A_394 = tpu.memref_slice %arg13[%dma_wait3A_387, %dma_wait3A_393] : memref<80x256xi32, #tpu.memory_space<vmem>> -> memref<1x256xi32, #tpu.memory_space<vmem>>
    %dma_wait3A_395 = tpu.memref_squeeze %dma_wait3A_394 : memref<1x256xi32, #tpu.memory_space<vmem>> -> memref<256xi32, #tpu.memory_space<vmem>>
    %dma_wait3A_396 = arith.constant 0 : i32
    %dma_wait3A_397 = arith.constant 0 : i32
    %dma_wait3A_398 = tpu.memref_slice %arg9[%dma_wait3A_396, %dma_wait3A_397] : memref<10240x16xf32, #tpu.memory_space<vmem_shared>> -> memref<10240x16xf32, #tpu.memory_space<vmem_shared>>
    %dma_wait3A_399 = tpu.memref_slice %arg21[%dma_wait3A_388] : memref<8x!tpu.dma_semaphore, #tpu.memory_space<semaphore_mem>> -> memref<1x!tpu.dma_semaphore, #tpu.memory_space<semaphore_mem>>
    %dma_wait3A_400 = tpu.memref_squeeze %dma_wait3A_399 : memref<1x!tpu.dma_semaphore, #tpu.memory_space<semaphore_mem>> -> memref<!tpu.dma_semaphore, #tpu.memory_space<semaphore_mem>>
    tpu.wait_indirect_dma semaphore(%dma_wait3A_400 : memref<!tpu.dma_semaphore, #tpu.memory_space<semaphore_mem>>) src(%dma_wait3A_392 : memref<256x16xf32, #tpu.memory_space<vmem>>) dst(%dma_wait3A_398 : memref<10240x16xf32, #tpu.memory_space<vmem_shared>>)
    %dma_wait3A_401 = arith.constant 3 : i32
    %dma_wait3A_402 = arith.constant 0 : i32
    %dma_wait3A_403 = arith.constant 3 : i32
    %dma_wait3A_404 = arith.constant 0 : i32
    %dma_wait3A_405 = arith.constant 0 : i32
    %dma_wait3A_406 = tpu.memref_slice %arg14[%dma_wait3A_401, %dma_wait3A_404, %dma_wait3A_405] : memref<8x256x16xf32, #tpu.memory_space<vmem>> -> memref<1x256x16xf32, #tpu.memory_space<vmem>>
    %dma_wait3A_407 = tpu.memref_squeeze %dma_wait3A_406 : memref<1x256x16xf32, #tpu.memory_space<vmem>> -> memref<256x16xf32, #tpu.memory_space<vmem>>
    %dma_wait3A_408 = arith.constant 0 : i32
    %dma_wait3A_409 = tpu.memref_slice %arg13[%dma_wait3A_402, %dma_wait3A_408] : memref<80x256xi32, #tpu.memory_space<vmem>> -> memref<1x256xi32, #tpu.memory_space<vmem>>
    %dma_wait3A_410 = tpu.memref_squeeze %dma_wait3A_409 : memref<1x256xi32, #tpu.memory_space<vmem>> -> memref<256xi32, #tpu.memory_space<vmem>>
    %dma_wait3A_411 = arith.constant 0 : i32
    %dma_wait3A_412 = arith.constant 0 : i32
    %dma_wait3A_413 = tpu.memref_slice %arg9[%dma_wait3A_411, %dma_wait3A_412] : memref<10240x16xf32, #tpu.memory_space<vmem_shared>> -> memref<10240x16xf32, #tpu.memory_space<vmem_shared>>
    %dma_wait3A_414 = tpu.memref_slice %arg21[%dma_wait3A_403] : memref<8x!tpu.dma_semaphore, #tpu.memory_space<semaphore_mem>> -> memref<1x!tpu.dma_semaphore, #tpu.memory_space<semaphore_mem>>
    %dma_wait3A_415 = tpu.memref_squeeze %dma_wait3A_414 : memref<1x!tpu.dma_semaphore, #tpu.memory_space<semaphore_mem>> -> memref<!tpu.dma_semaphore, #tpu.memory_space<semaphore_mem>>
    tpu.wait_indirect_dma semaphore(%dma_wait3A_415 : memref<!tpu.dma_semaphore, #tpu.memory_space<semaphore_mem>>) src(%dma_wait3A_407 : memref<256x16xf32, #tpu.memory_space<vmem>>) dst(%dma_wait3A_413 : memref<10240x16xf32, #tpu.memory_space<vmem_shared>>)
    %dma_wait3A_416 = arith.constant 4 : i32
    %dma_wait3A_417 = arith.constant 0 : i32
    %dma_wait3A_418 = arith.constant 4 : i32
    %dma_wait3A_419 = arith.constant 0 : i32
    %dma_wait3A_420 = arith.constant 0 : i32
    %dma_wait3A_421 = tpu.memref_slice %arg14[%dma_wait3A_416, %dma_wait3A_419, %dma_wait3A_420] : memref<8x256x16xf32, #tpu.memory_space<vmem>> -> memref<1x256x16xf32, #tpu.memory_space<vmem>>
    %dma_wait3A_422 = tpu.memref_squeeze %dma_wait3A_421 : memref<1x256x16xf32, #tpu.memory_space<vmem>> -> memref<256x16xf32, #tpu.memory_space<vmem>>
    %dma_wait3A_423 = arith.constant 0 : i32
    %dma_wait3A_424 = tpu.memref_slice %arg13[%dma_wait3A_417, %dma_wait3A_423] : memref<80x256xi32, #tpu.memory_space<vmem>> -> memref<1x256xi32, #tpu.memory_space<vmem>>
    %dma_wait3A_425 = tpu.memref_squeeze %dma_wait3A_424 : memref<1x256xi32, #tpu.memory_space<vmem>> -> memref<256xi32, #tpu.memory_space<vmem>>
    %dma_wait3A_426 = arith.constant 0 : i32
    %dma_wait3A_427 = arith.constant 0 : i32
    %dma_wait3A_428 = tpu.memref_slice %arg9[%dma_wait3A_426, %dma_wait3A_427] : memref<10240x16xf32, #tpu.memory_space<vmem_shared>> -> memref<10240x16xf32, #tpu.memory_space<vmem_shared>>
    %dma_wait3A_429 = tpu.memref_slice %arg21[%dma_wait3A_418] : memref<8x!tpu.dma_semaphore, #tpu.memory_space<semaphore_mem>> -> memref<1x!tpu.dma_semaphore, #tpu.memory_space<semaphore_mem>>
    %dma_wait3A_430 = tpu.memref_squeeze %dma_wait3A_429 : memref<1x!tpu.dma_semaphore, #tpu.memory_space<semaphore_mem>> -> memref<!tpu.dma_semaphore, #tpu.memory_space<semaphore_mem>>
    tpu.wait_indirect_dma semaphore(%dma_wait3A_430 : memref<!tpu.dma_semaphore, #tpu.memory_space<semaphore_mem>>) src(%dma_wait3A_422 : memref<256x16xf32, #tpu.memory_space<vmem>>) dst(%dma_wait3A_428 : memref<10240x16xf32, #tpu.memory_space<vmem_shared>>)
    %dma_wait3A_431 = arith.constant 5 : i32
    %dma_wait3A_432 = arith.constant 0 : i32
    %dma_wait3A_433 = arith.constant 5 : i32
    %dma_wait3A_434 = arith.constant 0 : i32
    %dma_wait3A_435 = arith.constant 0 : i32
    %dma_wait3A_436 = tpu.memref_slice %arg14[%dma_wait3A_431, %dma_wait3A_434, %dma_wait3A_435] : memref<8x256x16xf32, #tpu.memory_space<vmem>> -> memref<1x256x16xf32, #tpu.memory_space<vmem>>
    %dma_wait3A_437 = tpu.memref_squeeze %dma_wait3A_436 : memref<1x256x16xf32, #tpu.memory_space<vmem>> -> memref<256x16xf32, #tpu.memory_space<vmem>>
    %dma_wait3A_438 = arith.constant 0 : i32
    %dma_wait3A_439 = tpu.memref_slice %arg13[%dma_wait3A_432, %dma_wait3A_438] : memref<80x256xi32, #tpu.memory_space<vmem>> -> memref<1x256xi32, #tpu.memory_space<vmem>>
    %dma_wait3A_440 = tpu.memref_squeeze %dma_wait3A_439 : memref<1x256xi32, #tpu.memory_space<vmem>> -> memref<256xi32, #tpu.memory_space<vmem>>
    %dma_wait3A_441 = arith.constant 0 : i32
    %dma_wait3A_442 = arith.constant 0 : i32
    %dma_wait3A_443 = tpu.memref_slice %arg9[%dma_wait3A_441, %dma_wait3A_442] : memref<10240x16xf32, #tpu.memory_space<vmem_shared>> -> memref<10240x16xf32, #tpu.memory_space<vmem_shared>>
    %dma_wait3A_444 = tpu.memref_slice %arg21[%dma_wait3A_433] : memref<8x!tpu.dma_semaphore, #tpu.memory_space<semaphore_mem>> -> memref<1x!tpu.dma_semaphore, #tpu.memory_space<semaphore_mem>>
    %dma_wait3A_445 = tpu.memref_squeeze %dma_wait3A_444 : memref<1x!tpu.dma_semaphore, #tpu.memory_space<semaphore_mem>> -> memref<!tpu.dma_semaphore, #tpu.memory_space<semaphore_mem>>
    tpu.wait_indirect_dma semaphore(%dma_wait3A_445 : memref<!tpu.dma_semaphore, #tpu.memory_space<semaphore_mem>>) src(%dma_wait3A_437 : memref<256x16xf32, #tpu.memory_space<vmem>>) dst(%dma_wait3A_443 : memref<10240x16xf32, #tpu.memory_space<vmem_shared>>)
    %dma_wait3A_446 = arith.constant 6 : i32
    %dma_wait3A_447 = arith.constant 0 : i32
    %dma_wait3A_448 = arith.constant 6 : i32
    %dma_wait3A_449 = arith.constant 0 : i32
    %dma_wait3A_450 = arith.constant 0 : i32
    %dma_wait3A_451 = tpu.memref_slice %arg14[%dma_wait3A_446, %dma_wait3A_449, %dma_wait3A_450] : memref<8x256x16xf32, #tpu.memory_space<vmem>> -> memref<1x256x16xf32, #tpu.memory_space<vmem>>
    %dma_wait3A_452 = tpu.memref_squeeze %dma_wait3A_451 : memref<1x256x16xf32, #tpu.memory_space<vmem>> -> memref<256x16xf32, #tpu.memory_space<vmem>>
    %dma_wait3A_453 = arith.constant 0 : i32
    %dma_wait3A_454 = tpu.memref_slice %arg13[%dma_wait3A_447, %dma_wait3A_453] : memref<80x256xi32, #tpu.memory_space<vmem>> -> memref<1x256xi32, #tpu.memory_space<vmem>>
    %dma_wait3A_455 = tpu.memref_squeeze %dma_wait3A_454 : memref<1x256xi32, #tpu.memory_space<vmem>> -> memref<256xi32, #tpu.memory_space<vmem>>
    %dma_wait3A_456 = arith.constant 0 : i32
    %dma_wait3A_457 = arith.constant 0 : i32
    %dma_wait3A_458 = tpu.memref_slice %arg9[%dma_wait3A_456, %dma_wait3A_457] : memref<10240x16xf32, #tpu.memory_space<vmem_shared>> -> memref<10240x16xf32, #tpu.memory_space<vmem_shared>>
    %dma_wait3A_459 = tpu.memref_slice %arg21[%dma_wait3A_448] : memref<8x!tpu.dma_semaphore, #tpu.memory_space<semaphore_mem>> -> memref<1x!tpu.dma_semaphore, #tpu.memory_space<semaphore_mem>>
    %dma_wait3A_460 = tpu.memref_squeeze %dma_wait3A_459 : memref<1x!tpu.dma_semaphore, #tpu.memory_space<semaphore_mem>> -> memref<!tpu.dma_semaphore, #tpu.memory_space<semaphore_mem>>
    tpu.wait_indirect_dma semaphore(%dma_wait3A_460 : memref<!tpu.dma_semaphore, #tpu.memory_space<semaphore_mem>>) src(%dma_wait3A_452 : memref<256x16xf32, #tpu.memory_space<vmem>>) dst(%dma_wait3A_458 : memref<10240x16xf32, #tpu.memory_space<vmem_shared>>)
    %dma_wait3A_461 = arith.constant 7 : i32
    %dma_wait3A_462 = arith.constant 0 : i32
    %dma_wait3A_463 = arith.constant 7 : i32
    %dma_wait3A_464 = arith.constant 0 : i32
    %dma_wait3A_465 = arith.constant 0 : i32
    %dma_wait3A_466 = tpu.memref_slice %arg14[%dma_wait3A_461, %dma_wait3A_464, %dma_wait3A_465] : memref<8x256x16xf32, #tpu.memory_space<vmem>> -> memref<1x256x16xf32, #tpu.memory_space<vmem>>
    %dma_wait3A_467 = tpu.memref_squeeze %dma_wait3A_466 : memref<1x256x16xf32, #tpu.memory_space<vmem>> -> memref<256x16xf32, #tpu.memory_space<vmem>>
    %dma_wait3A_468 = arith.constant 0 : i32
    %dma_wait3A_469 = tpu.memref_slice %arg13[%dma_wait3A_462, %dma_wait3A_468] : memref<80x256xi32, #tpu.memory_space<vmem>> -> memref<1x256xi32, #tpu.memory_space<vmem>>
    %dma_wait3A_470 = tpu.memref_squeeze %dma_wait3A_469 : memref<1x256xi32, #tpu.memory_space<vmem>> -> memref<256xi32, #tpu.memory_space<vmem>>
    %dma_wait3A_471 = arith.constant 0 : i32
    %dma_wait3A_472 = arith.constant 0 : i32
    %dma_wait3A_473 = tpu.memref_slice %arg9[%dma_wait3A_471, %dma_wait3A_472] : memref<10240x16xf32, #tpu.memory_space<vmem_shared>> -> memref<10240x16xf32, #tpu.memory_space<vmem_shared>>
    %dma_wait3A_474 = tpu.memref_slice %arg21[%dma_wait3A_463] : memref<8x!tpu.dma_semaphore, #tpu.memory_space<semaphore_mem>> -> memref<1x!tpu.dma_semaphore, #tpu.memory_space<semaphore_mem>>
    %dma_wait3A_475 = tpu.memref_squeeze %dma_wait3A_474 : memref<1x!tpu.dma_semaphore, #tpu.memory_space<semaphore_mem>> -> memref<!tpu.dma_semaphore, #tpu.memory_space<semaphore_mem>>
    tpu.wait_indirect_dma semaphore(%dma_wait3A_475 : memref<!tpu.dma_semaphore, #tpu.memory_space<semaphore_mem>>) src(%dma_wait3A_467 : memref<256x16xf32, #tpu.memory_space<vmem>>) dst(%dma_wait3A_473 : memref<10240x16xf32, #tpu.memory_space<vmem_shared>>)
    %barrier3A_476 = arith.constant 0 : index
    tpu.barrier barrier_id(%barrier3A_476)
    "tpu.region"() ({
      %run_scoped3A = tpu.sem_alloc : memref<!tpu.dma_semaphore, #tpu.memory_space<semaphore_mem>>
      %dma_start3A_484 = arith.constant 0 : i32
      %dma_start3A_485 = tpu.memref_slice %arg9[%mul3A_0, %dma_start3A_484] : memref<10240x16xf32, #tpu.memory_space<vmem_shared>> -> memref<640x16xf32, #tpu.memory_space<vmem_shared>>
      %dma_start3A_486 = arith.constant 0 : i32
      %dma_start3A_487 = tpu.memref_slice %arg9[%mul3A_0, %dma_start3A_486] : memref<10240x16xf32, #tpu.memory_space<vmem_shared>> -> memref<640x16xf32, #tpu.memory_space<vmem_shared>>
      tpu.enqueue_dma source(%dma_start3A_487 : memref<640x16xf32, #tpu.memory_space<vmem_shared>>) target(%arg15 : memref<640x16xf32, #tpu.memory_space<vmem>>) target_semaphore(%run_scoped3A : memref<!tpu.dma_semaphore, #tpu.memory_space<semaphore_mem>>)
      %dma_wait3A_488 = arith.constant 0 : i32
      %dma_wait3A_489 = tpu.memref_slice %arg9[%mul3A_0, %dma_wait3A_488] : memref<10240x16xf32, #tpu.memory_space<vmem_shared>> -> memref<640x16xf32, #tpu.memory_space<vmem_shared>>
      %dma_wait3A_490 = arith.constant 0 : i32
      %dma_wait3A_491 = tpu.memref_slice %arg9[%mul3A_0, %dma_wait3A_490] : memref<10240x16xf32, #tpu.memory_space<vmem_shared>> -> memref<640x16xf32, #tpu.memory_space<vmem_shared>>
      tpu.wait_dma2 semaphore(%run_scoped3A : memref<!tpu.dma_semaphore, #tpu.memory_space<semaphore_mem>>) src(%dma_wait3A_491 : memref<640x16xf32, #tpu.memory_space<vmem_shared>>) dst(%arg15 : memref<640x16xf32, #tpu.memory_space<vmem>>)
      tpu.yield
    }) : () -> ()
    %scan3A_477 = arith.constant 0 : i32
    %scan3A_478 = arith.constant 0 : i32
    %scan3A_479 = arith.constant 40 : i32
    %scan3A_480 = arith.addi %scan3A_478, %scan3A_479 : i32
    %scan3A_481 = arith.constant 1 : i32
    %scan3A_482 = scf.for %scan3A_484 = %scan3A_478 to %scan3A_480 step %scan3A_481 iter_args(%scan3A_485 = %scan3A_477) -> (i32)  : i32 {
      %mul3A_486 = arith.constant 16 : i32
      %mul3A_487 = arith.muli %scan3A_484, %mul3A_486 : i32
      %get3A_488 = arith.index_cast %mul3A_487 : i32 to index
      %get3A_489 = tpu.vector_load %arg16[%get3A_488] {strides = array<i32>} : memref<640xf32, #tpu.memory_space<vmem>>, vector<16xf32>,
      %get3A_490 = vector.shape_cast %get3A_489 : vector<16xf32> to vector<16xf32>
      %mul3A_491 = arith.constant 16 : i32
      %mul3A_492 = arith.muli %scan3A_484, %mul3A_491 : i32
      %add3A = arith.constant 0 : i32
      %add3A_493 = arith.addi %mul3A_492, %add3A : i32
      %slice3A = vector.extract_strided_slice %get3A_490 {offsets = [0], sizes = [1], strides = [1]} : vector<16xf32> to vector<1xf32>
      %squeeze3A = vector.extract %slice3A[0] : f32 from vector<1xf32>
      %get3A_494 = arith.index_cast %add3A_493 : i32 to index
      %get3A_495 = arith.constant 0 : index
      %get3A_496 = tpu.vector_load %arg15[%get3A_494, %get3A_495] {strides = array<i32>} : memref<640x16xf32, #tpu.memory_space<vmem>>, vector<1x16xf32>,
      %get3A_497 = vector.shape_cast %get3A_496 : vector<1x16xf32> to vector<16xf32>
      %mul3A_498 = vector.broadcast %squeeze3A : f32 to vector<16xf32>
      %mul3A_499 = arith.mulf %get3A_497, %mul3A_498 : vector<16xf32>
      %swap3A = arith.index_cast %add3A_493 : i32 to index
      %swap3A_500 = arith.constant 0 : index
      %swap3A_501 = tpu.vector_load %arg15[%swap3A, %swap3A_500] {strides = array<i32>} : memref<640x16xf32, #tpu.memory_space<vmem>>, vector<1x16xf32>,
      %swap3A_502 = vector.shape_cast %swap3A_501 : vector<1x16xf32> to vector<16xf32>
      %swap3A_503 = vector.shape_cast %mul3A_499 : vector<16xf32> to vector<1x16xf32>
      tpu.vector_store %arg15[%swap3A, %swap3A_500], %swap3A_503 {strides = array<i32>} : memref<640x16xf32, #tpu.memory_space<vmem>>, vector<1x16xf32>,
      %mul3A_504 = arith.constant 16 : i32
      %mul3A_505 = arith.muli %scan3A_484, %mul3A_504 : i32
      %add3A_506 = arith.constant 1 : i32
      %add3A_507 = arith.addi %mul3A_505, %add3A_506 : i32
      %slice3A_508 = vector.extract_strided_slice %get3A_490 {offsets = [1], sizes = [1], strides = [1]} : vector<16xf32> to vector<1xf32>
      %squeeze3A_509 = vector.extract %slice3A_508[0] : f32 from vector<1xf32>
      %get3A_510 = arith.index_cast %add3A_507 : i32 to index
      %get3A_511 = arith.constant 0 : index
      %get3A_512 = tpu.vector_load %arg15[%get3A_510, %get3A_511] {strides = array<i32>} : memref<640x16xf32, #tpu.memory_space<vmem>>, vector<1x16xf32>,
      %get3A_513 = vector.shape_cast %get3A_512 : vector<1x16xf32> to vector<16xf32>
      %mul3A_514 = vector.broadcast %squeeze3A_509 : f32 to vector<16xf32>
      %mul3A_515 = arith.mulf %get3A_513, %mul3A_514 : vector<16xf32>
      %swap3A_516 = arith.index_cast %add3A_507 : i32 to index
      %swap3A_517 = arith.constant 0 : index
      %swap3A_518 = tpu.vector_load %arg15[%swap3A_516, %swap3A_517] {strides = array<i32>} : memref<640x16xf32, #tpu.memory_space<vmem>>, vector<1x16xf32>,
      %swap3A_519 = vector.shape_cast %swap3A_518 : vector<1x16xf32> to vector<16xf32>
      %swap3A_520 = vector.shape_cast %mul3A_515 : vector<16xf32> to vector<1x16xf32>
      tpu.vector_store %arg15[%swap3A_516, %swap3A_517], %swap3A_520 {strides = array<i32>} : memref<640x16xf32, #tpu.memory_space<vmem>>, vector<1x16xf32>,
      %mul3A_521 = arith.constant 16 : i32
      %mul3A_522 = arith.muli %scan3A_484, %mul3A_521 : i32
      %add3A_523 = arith.constant 2 : i32
      %add3A_524 = arith.addi %mul3A_522, %add3A_523 : i32
      %slice3A_525 = vector.extract_strided_slice %get3A_490 {offsets = [2], sizes = [1], strides = [1]} : vector<16xf32> to vector<1xf32>
      %squeeze3A_526 = vector.extract %slice3A_525[0] : f32 from vector<1xf32>
      %get3A_527 = arith.index_cast %add3A_524 : i32 to index
      %get3A_528 = arith.constant 0 : index
      %get3A_529 = tpu.vector_load %arg15[%get3A_527, %get3A_528] {strides = array<i32>} : memref<640x16xf32, #tpu.memory_space<vmem>>, vector<1x16xf32>,
      %get3A_530 = vector.shape_cast %get3A_529 : vector<1x16xf32> to vector<16xf32>
      %mul3A_531 = vector.broadcast %squeeze3A_526 : f32 to vector<16xf32>
      %mul3A_532 = arith.mulf %get3A_530, %mul3A_531 : vector<16xf32>
      %swap3A_533 = arith.index_cast %add3A_524 : i32 to index
      %swap3A_534 = arith.constant 0 : index
      %swap3A_535 = tpu.vector_load %arg15[%swap3A_533, %swap3A_534] {strides = array<i32>} : memref<640x16xf32, #tpu.memory_space<vmem>>, vector<1x16xf32>,
      %swap3A_536 = vector.shape_cast %swap3A_535 : vector<1x16xf32> to vector<16xf32>
      %swap3A_537 = vector.shape_cast %mul3A_532 : vector<16xf32> to vector<1x16xf32>
      tpu.vector_store %arg15[%swap3A_533, %swap3A_534], %swap3A_537 {strides = array<i32>} : memref<640x16xf32, #tpu.memory_space<vmem>>, vector<1x16xf32>,
      %mul3A_538 = arith.constant 16 : i32
      %mul3A_539 = arith.muli %scan3A_484, %mul3A_538 : i32
      %add3A_540 = arith.constant 3 : i32
      %add3A_541 = arith.addi %mul3A_539, %add3A_540 : i32
      %slice3A_542 = vector.extract_strided_slice %get3A_490 {offsets = [3], sizes = [1], strides = [1]} : vector<16xf32> to vector<1xf32>
      %squeeze3A_543 = vector.extract %slice3A_542[0] : f32 from vector<1xf32>
      %get3A_544 = arith.index_cast %add3A_541 : i32 to index
      %get3A_545 = arith.constant 0 : index
      %get3A_546 = tpu.vector_load %arg15[%get3A_544, %get3A_545] {strides = array<i32>} : memref<640x16xf32, #tpu.memory_space<vmem>>, vector<1x16xf32>,
      %get3A_547 = vector.shape_cast %get3A_546 : vector<1x16xf32> to vector<16xf32>
      %mul3A_548 = vector.broadcast %squeeze3A_543 : f32 to vector<16xf32>
      %mul3A_549 = arith.mulf %get3A_547, %mul3A_548 : vector<16xf32>
      %swap3A_550 = arith.index_cast %add3A_541 : i32 to index
      %swap3A_551 = arith.constant 0 : index
      %swap3A_552 = tpu.vector_load %arg15[%swap3A_550, %swap3A_551] {strides = array<i32>} : memref<640x16xf32, #tpu.memory_space<vmem>>, vector<1x16xf32>,
      %swap3A_553 = vector.shape_cast %swap3A_552 : vector<1x16xf32> to vector<16xf32>
      %swap3A_554 = vector.shape_cast %mul3A_549 : vector<16xf32> to vector<1x16xf32>
      tpu.vector_store %arg15[%swap3A_550, %swap3A_551], %swap3A_554 {strides = array<i32>} : memref<640x16xf32, #tpu.memory_space<vmem>>, vector<1x16xf32>,
      %mul3A_555 = arith.constant 16 : i32
      %mul3A_556 = arith.muli %scan3A_484, %mul3A_555 : i32
      %add3A_557 = arith.constant 4 : i32
      %add3A_558 = arith.addi %mul3A_556, %add3A_557 : i32
      %slice3A_559 = vector.extract_strided_slice %get3A_490 {offsets = [4], sizes = [1], strides = [1]} : vector<16xf32> to vector<1xf32>
      %squeeze3A_560 = vector.extract %slice3A_559[0] : f32 from vector<1xf32>
      %get3A_561 = arith.index_cast %add3A_558 : i32 to index
      %get3A_562 = arith.constant 0 : index
      %get3A_563 = tpu.vector_load %arg15[%get3A_561, %get3A_562] {strides = array<i32>} : memref<640x16xf32, #tpu.memory_space<vmem>>, vector<1x16xf32>,
      %get3A_564 = vector.shape_cast %get3A_563 : vector<1x16xf32> to vector<16xf32>
      %mul3A_565 = vector.broadcast %squeeze3A_560 : f32 to vector<16xf32>
      %mul3A_566 = arith.mulf %get3A_564, %mul3A_565 : vector<16xf32>
      %swap3A_567 = arith.index_cast %add3A_558 : i32 to index
      %swap3A_568 = arith.constant 0 : index
      %swap3A_569 = tpu.vector_load %arg15[%swap3A_567, %swap3A_568] {strides = array<i32>} : memref<640x16xf32, #tpu.memory_space<vmem>>, vector<1x16xf32>,
      %swap3A_570 = vector.shape_cast %swap3A_569 : vector<1x16xf32> to vector<16xf32>
      %swap3A_571 = vector.shape_cast %mul3A_566 : vector<16xf32> to vector<1x16xf32>
      tpu.vector_store %arg15[%swap3A_567, %swap3A_568], %swap3A_571 {strides = array<i32>} : memref<640x16xf32, #tpu.memory_space<vmem>>, vector<1x16xf32>,
      %mul3A_572 = arith.constant 16 : i32
      %mul3A_573 = arith.muli %scan3A_484, %mul3A_572 : i32
      %add3A_574 = arith.constant 5 : i32
      %add3A_575 = arith.addi %mul3A_573, %add3A_574 : i32
      %slice3A_576 = vector.extract_strided_slice %get3A_490 {offsets = [5], sizes = [1], strides = [1]} : vector<16xf32> to vector<1xf32>
      %squeeze3A_577 = vector.extract %slice3A_576[0] : f32 from vector<1xf32>
      %get3A_578 = arith.index_cast %add3A_575 : i32 to index
      %get3A_579 = arith.constant 0 : index
      %get3A_580 = tpu.vector_load %arg15[%get3A_578, %get3A_579] {strides = array<i32>} : memref<640x16xf32, #tpu.memory_space<vmem>>, vector<1x16xf32>,
      %get3A_581 = vector.shape_cast %get3A_580 : vector<1x16xf32> to vector<16xf32>
      %mul3A_582 = vector.broadcast %squeeze3A_577 : f32 to vector<16xf32>
      %mul3A_583 = arith.mulf %get3A_581, %mul3A_582 : vector<16xf32>
      %swap3A_584 = arith.index_cast %add3A_575 : i32 to index
      %swap3A_585 = arith.constant 0 : index
      %swap3A_586 = tpu.vector_load %arg15[%swap3A_584, %swap3A_585] {strides = array<i32>} : memref<640x16xf32, #tpu.memory_space<vmem>>, vector<1x16xf32>,
      %swap3A_587 = vector.shape_cast %swap3A_586 : vector<1x16xf32> to vector<16xf32>
      %swap3A_588 = vector.shape_cast %mul3A_583 : vector<16xf32> to vector<1x16xf32>
      tpu.vector_store %arg15[%swap3A_584, %swap3A_585], %swap3A_588 {strides = array<i32>} : memref<640x16xf32, #tpu.memory_space<vmem>>, vector<1x16xf32>,
      %mul3A_589 = arith.constant 16 : i32
      %mul3A_590 = arith.muli %scan3A_484, %mul3A_589 : i32
      %add3A_591 = arith.constant 6 : i32
      %add3A_592 = arith.addi %mul3A_590, %add3A_591 : i32
      %slice3A_593 = vector.extract_strided_slice %get3A_490 {offsets = [6], sizes = [1], strides = [1]} : vector<16xf32> to vector<1xf32>
      %squeeze3A_594 = vector.extract %slice3A_593[0] : f32 from vector<1xf32>
      %get3A_595 = arith.index_cast %add3A_592 : i32 to index
      %get3A_596 = arith.constant 0 : index
      %get3A_597 = tpu.vector_load %arg15[%get3A_595, %get3A_596] {strides = array<i32>} : memref<640x16xf32, #tpu.memory_space<vmem>>, vector<1x16xf32>,
      %get3A_598 = vector.shape_cast %get3A_597 : vector<1x16xf32> to vector<16xf32>
      %mul3A_599 = vector.broadcast %squeeze3A_594 : f32 to vector<16xf32>
      %mul3A_600 = arith.mulf %get3A_598, %mul3A_599 : vector<16xf32>
      %swap3A_601 = arith.index_cast %add3A_592 : i32 to index
      %swap3A_602 = arith.constant 0 : index
      %swap3A_603 = tpu.vector_load %arg15[%swap3A_601, %swap3A_602] {strides = array<i32>} : memref<640x16xf32, #tpu.memory_space<vmem>>, vector<1x16xf32>,
      %swap3A_604 = vector.shape_cast %swap3A_603 : vector<1x16xf32> to vector<16xf32>
      %swap3A_605 = vector.shape_cast %mul3A_600 : vector<16xf32> to vector<1x16xf32>
      tpu.vector_store %arg15[%swap3A_601, %swap3A_602], %swap3A_605 {strides = array<i32>} : memref<640x16xf32, #tpu.memory_space<vmem>>, vector<1x16xf32>,
      %mul3A_606 = arith.constant 16 : i32
      %mul3A_607 = arith.muli %scan3A_484, %mul3A_606 : i32
      %add3A_608 = arith.constant 7 : i32
      %add3A_609 = arith.addi %mul3A_607, %add3A_608 : i32
      %slice3A_610 = vector.extract_strided_slice %get3A_490 {offsets = [7], sizes = [1], strides = [1]} : vector<16xf32> to vector<1xf32>
      %squeeze3A_611 = vector.extract %slice3A_610[0] : f32 from vector<1xf32>
      %get3A_612 = arith.index_cast %add3A_609 : i32 to index
      %get3A_613 = arith.constant 0 : index
      %get3A_614 = tpu.vector_load %arg15[%get3A_612, %get3A_613] {strides = array<i32>} : memref<640x16xf32, #tpu.memory_space<vmem>>, vector<1x16xf32>,
      %get3A_615 = vector.shape_cast %get3A_614 : vector<1x16xf32> to vector<16xf32>
      %mul3A_616 = vector.broadcast %squeeze3A_611 : f32 to vector<16xf32>
      %mul3A_617 = arith.mulf %get3A_615, %mul3A_616 : vector<16xf32>
      %swap3A_618 = arith.index_cast %add3A_609 : i32 to index
      %swap3A_619 = arith.constant 0 : index
      %swap3A_620 = tpu.vector_load %arg15[%swap3A_618, %swap3A_619] {strides = array<i32>} : memref<640x16xf32, #tpu.memory_space<vmem>>, vector<1x16xf32>,
      %swap3A_621 = vector.shape_cast %swap3A_620 : vector<1x16xf32> to vector<16xf32>
      %swap3A_622 = vector.shape_cast %mul3A_617 : vector<16xf32> to vector<1x16xf32>
      tpu.vector_store %arg15[%swap3A_618, %swap3A_619], %swap3A_622 {strides = array<i32>} : memref<640x16xf32, #tpu.memory_space<vmem>>, vector<1x16xf32>,
      %mul3A_623 = arith.constant 16 : i32
      %mul3A_624 = arith.muli %scan3A_484, %mul3A_623 : i32
      %add3A_625 = arith.constant 8 : i32
      %add3A_626 = arith.addi %mul3A_624, %add3A_625 : i32
      %slice3A_627 = vector.extract_strided_slice %get3A_490 {offsets = [8], sizes = [1], strides = [1]} : vector<16xf32> to vector<1xf32>
      %squeeze3A_628 = vector.extract %slice3A_627[0] : f32 from vector<1xf32>
      %get3A_629 = arith.index_cast %add3A_626 : i32 to index
      %get3A_630 = arith.constant 0 : index
      %get3A_631 = tpu.vector_load %arg15[%get3A_629, %get3A_630] {strides = array<i32>} : memref<640x16xf32, #tpu.memory_space<vmem>>, vector<1x16xf32>,
      %get3A_632 = vector.shape_cast %get3A_631 : vector<1x16xf32> to vector<16xf32>
      %mul3A_633 = vector.broadcast %squeeze3A_628 : f32 to vector<16xf32>
      %mul3A_634 = arith.mulf %get3A_632, %mul3A_633 : vector<16xf32>
      %swap3A_635 = arith.index_cast %add3A_626 : i32 to index
      %swap3A_636 = arith.constant 0 : index
      %swap3A_637 = tpu.vector_load %arg15[%swap3A_635, %swap3A_636] {strides = array<i32>} : memref<640x16xf32, #tpu.memory_space<vmem>>, vector<1x16xf32>,
      %swap3A_638 = vector.shape_cast %swap3A_637 : vector<1x16xf32> to vector<16xf32>
      %swap3A_639 = vector.shape_cast %mul3A_634 : vector<16xf32> to vector<1x16xf32>
      tpu.vector_store %arg15[%swap3A_635, %swap3A_636], %swap3A_639 {strides = array<i32>} : memref<640x16xf32, #tpu.memory_space<vmem>>, vector<1x16xf32>,
      %mul3A_640 = arith.constant 16 : i32
      %mul3A_641 = arith.muli %scan3A_484, %mul3A_640 : i32
      %add3A_642 = arith.constant 9 : i32
      %add3A_643 = arith.addi %mul3A_641, %add3A_642 : i32
      %slice3A_644 = vector.extract_strided_slice %get3A_490 {offsets = [9], sizes = [1], strides = [1]} : vector<16xf32> to vector<1xf32>
      %squeeze3A_645 = vector.extract %slice3A_644[0] : f32 from vector<1xf32>
      %get3A_646 = arith.index_cast %add3A_643 : i32 to index
      %get3A_647 = arith.constant 0 : index
      %get3A_648 = tpu.vector_load %arg15[%get3A_646, %get3A_647] {strides = array<i32>} : memref<640x16xf32, #tpu.memory_space<vmem>>, vector<1x16xf32>,
      %get3A_649 = vector.shape_cast %get3A_648 : vector<1x16xf32> to vector<16xf32>
      %mul3A_650 = vector.broadcast %squeeze3A_645 : f32 to vector<16xf32>
      %mul3A_651 = arith.mulf %get3A_649, %mul3A_650 : vector<16xf32>
      %swap3A_652 = arith.index_cast %add3A_643 : i32 to index
      %swap3A_653 = arith.constant 0 : index
      %swap3A_654 = tpu.vector_load %arg15[%swap3A_652, %swap3A_653] {strides = array<i32>} : memref<640x16xf32, #tpu.memory_space<vmem>>, vector<1x16xf32>,
      %swap3A_655 = vector.shape_cast %swap3A_654 : vector<1x16xf32> to vector<16xf32>
      %swap3A_656 = vector.shape_cast %mul3A_651 : vector<16xf32> to vector<1x16xf32>
      tpu.vector_store %arg15[%swap3A_652, %swap3A_653], %swap3A_656 {strides = array<i32>} : memref<640x16xf32, #tpu.memory_space<vmem>>, vector<1x16xf32>,
      %mul3A_657 = arith.constant 16 : i32
      %mul3A_658 = arith.muli %scan3A_484, %mul3A_657 : i32
      %add3A_659 = arith.constant 10 : i32
      %add3A_660 = arith.addi %mul3A_658, %add3A_659 : i32
      %slice3A_661 = vector.extract_strided_slice %get3A_490 {offsets = [10], sizes = [1], strides = [1]} : vector<16xf32> to vector<1xf32>
      %squeeze3A_662 = vector.extract %slice3A_661[0] : f32 from vector<1xf32>
      %get3A_663 = arith.index_cast %add3A_660 : i32 to index
      %get3A_664 = arith.constant 0 : index
      %get3A_665 = tpu.vector_load %arg15[%get3A_663, %get3A_664] {strides = array<i32>} : memref<640x16xf32, #tpu.memory_space<vmem>>, vector<1x16xf32>,
      %get3A_666 = vector.shape_cast %get3A_665 : vector<1x16xf32> to vector<16xf32>
      %mul3A_667 = vector.broadcast %squeeze3A_662 : f32 to vector<16xf32>
      %mul3A_668 = arith.mulf %get3A_666, %mul3A_667 : vector<16xf32>
      %swap3A_669 = arith.index_cast %add3A_660 : i32 to index
      %swap3A_670 = arith.constant 0 : index
      %swap3A_671 = tpu.vector_load %arg15[%swap3A_669, %swap3A_670] {strides = array<i32>} : memref<640x16xf32, #tpu.memory_space<vmem>>, vector<1x16xf32>,
      %swap3A_672 = vector.shape_cast %swap3A_671 : vector<1x16xf32> to vector<16xf32>
      %swap3A_673 = vector.shape_cast %mul3A_668 : vector<16xf32> to vector<1x16xf32>
      tpu.vector_store %arg15[%swap3A_669, %swap3A_670], %swap3A_673 {strides = array<i32>} : memref<640x16xf32, #tpu.memory_space<vmem>>, vector<1x16xf32>,
      %mul3A_674 = arith.constant 16 : i32
      %mul3A_675 = arith.muli %scan3A_484, %mul3A_674 : i32
      %add3A_676 = arith.constant 11 : i32
      %add3A_677 = arith.addi %mul3A_675, %add3A_676 : i32
      %slice3A_678 = vector.extract_strided_slice %get3A_490 {offsets = [11], sizes = [1], strides = [1]} : vector<16xf32> to vector<1xf32>
      %squeeze3A_679 = vector.extract %slice3A_678[0] : f32 from vector<1xf32>
      %get3A_680 = arith.index_cast %add3A_677 : i32 to index
      %get3A_681 = arith.constant 0 : index
      %get3A_682 = tpu.vector_load %arg15[%get3A_680, %get3A_681] {strides = array<i32>} : memref<640x16xf32, #tpu.memory_space<vmem>>, vector<1x16xf32>,
      %get3A_683 = vector.shape_cast %get3A_682 : vector<1x16xf32> to vector<16xf32>
      %mul3A_684 = vector.broadcast %squeeze3A_679 : f32 to vector<16xf32>
      %mul3A_685 = arith.mulf %get3A_683, %mul3A_684 : vector<16xf32>
      %swap3A_686 = arith.index_cast %add3A_677 : i32 to index
      %swap3A_687 = arith.constant 0 : index
      %swap3A_688 = tpu.vector_load %arg15[%swap3A_686, %swap3A_687] {strides = array<i32>} : memref<640x16xf32, #tpu.memory_space<vmem>>, vector<1x16xf32>,
      %swap3A_689 = vector.shape_cast %swap3A_688 : vector<1x16xf32> to vector<16xf32>
      %swap3A_690 = vector.shape_cast %mul3A_685 : vector<16xf32> to vector<1x16xf32>
      tpu.vector_store %arg15[%swap3A_686, %swap3A_687], %swap3A_690 {strides = array<i32>} : memref<640x16xf32, #tpu.memory_space<vmem>>, vector<1x16xf32>,
      %mul3A_691 = arith.constant 16 : i32
      %mul3A_692 = arith.muli %scan3A_484, %mul3A_691 : i32
      %add3A_693 = arith.constant 12 : i32
      %add3A_694 = arith.addi %mul3A_692, %add3A_693 : i32
      %slice3A_695 = vector.extract_strided_slice %get3A_490 {offsets = [12], sizes = [1], strides = [1]} : vector<16xf32> to vector<1xf32>
      %squeeze3A_696 = vector.extract %slice3A_695[0] : f32 from vector<1xf32>
      %get3A_697 = arith.index_cast %add3A_694 : i32 to index
      %get3A_698 = arith.constant 0 : index
      %get3A_699 = tpu.vector_load %arg15[%get3A_697, %get3A_698] {strides = array<i32>} : memref<640x16xf32, #tpu.memory_space<vmem>>, vector<1x16xf32>,
      %get3A_700 = vector.shape_cast %get3A_699 : vector<1x16xf32> to vector<16xf32>
      %mul3A_701 = vector.broadcast %squeeze3A_696 : f32 to vector<16xf32>
      %mul3A_702 = arith.mulf %get3A_700, %mul3A_701 : vector<16xf32>
      %swap3A_703 = arith.index_cast %add3A_694 : i32 to index
      %swap3A_704 = arith.constant 0 : index
      %swap3A_705 = tpu.vector_load %arg15[%swap3A_703, %swap3A_704] {strides = array<i32>} : memref<640x16xf32, #tpu.memory_space<vmem>>, vector<1x16xf32>,
      %swap3A_706 = vector.shape_cast %swap3A_705 : vector<1x16xf32> to vector<16xf32>
      %swap3A_707 = vector.shape_cast %mul3A_702 : vector<16xf32> to vector<1x16xf32>
      tpu.vector_store %arg15[%swap3A_703, %swap3A_704], %swap3A_707 {strides = array<i32>} : memref<640x16xf32, #tpu.memory_space<vmem>>, vector<1x16xf32>,
      %mul3A_708 = arith.constant 16 : i32
      %mul3A_709 = arith.muli %scan3A_484, %mul3A_708 : i32
      %add3A_710 = arith.constant 13 : i32
      %add3A_711 = arith.addi %mul3A_709, %add3A_710 : i32
      %slice3A_712 = vector.extract_strided_slice %get3A_490 {offsets = [13], sizes = [1], strides = [1]} : vector<16xf32> to vector<1xf32>
      %squeeze3A_713 = vector.extract %slice3A_712[0] : f32 from vector<1xf32>
      %get3A_714 = arith.index_cast %add3A_711 : i32 to index
      %get3A_715 = arith.constant 0 : index
      %get3A_716 = tpu.vector_load %arg15[%get3A_714, %get3A_715] {strides = array<i32>} : memref<640x16xf32, #tpu.memory_space<vmem>>, vector<1x16xf32>,
      %get3A_717 = vector.shape_cast %get3A_716 : vector<1x16xf32> to vector<16xf32>
      %mul3A_718 = vector.broadcast %squeeze3A_713 : f32 to vector<16xf32>
      %mul3A_719 = arith.mulf %get3A_717, %mul3A_718 : vector<16xf32>
      %swap3A_720 = arith.index_cast %add3A_711 : i32 to index
      %swap3A_721 = arith.constant 0 : index
      %swap3A_722 = tpu.vector_load %arg15[%swap3A_720, %swap3A_721] {strides = array<i32>} : memref<640x16xf32, #tpu.memory_space<vmem>>, vector<1x16xf32>,
      %swap3A_723 = vector.shape_cast %swap3A_722 : vector<1x16xf32> to vector<16xf32>
      %swap3A_724 = vector.shape_cast %mul3A_719 : vector<16xf32> to vector<1x16xf32>
      tpu.vector_store %arg15[%swap3A_720, %swap3A_721], %swap3A_724 {strides = array<i32>} : memref<640x16xf32, #tpu.memory_space<vmem>>, vector<1x16xf32>,
      %mul3A_725 = arith.constant 16 : i32
      %mul3A_726 = arith.muli %scan3A_484, %mul3A_725 : i32
      %add3A_727 = arith.constant 14 : i32
      %add3A_728 = arith.addi %mul3A_726, %add3A_727 : i32
      %slice3A_729 = vector.extract_strided_slice %get3A_490 {offsets = [14], sizes = [1], strides = [1]} : vector<16xf32> to vector<1xf32>
      %squeeze3A_730 = vector.extract %slice3A_729[0] : f32 from vector<1xf32>
      %get3A_731 = arith.index_cast %add3A_728 : i32 to index
      %get3A_732 = arith.constant 0 : index
      %get3A_733 = tpu.vector_load %arg15[%get3A_731, %get3A_732] {strides = array<i32>} : memref<640x16xf32, #tpu.memory_space<vmem>>, vector<1x16xf32>,
      %get3A_734 = vector.shape_cast %get3A_733 : vector<1x16xf32> to vector<16xf32>
      %mul3A_735 = vector.broadcast %squeeze3A_730 : f32 to vector<16xf32>
      %mul3A_736 = arith.mulf %get3A_734, %mul3A_735 : vector<16xf32>
      %swap3A_737 = arith.index_cast %add3A_728 : i32 to index
      %swap3A_738 = arith.constant 0 : index
      %swap3A_739 = tpu.vector_load %arg15[%swap3A_737, %swap3A_738] {strides = array<i32>} : memref<640x16xf32, #tpu.memory_space<vmem>>, vector<1x16xf32>,
      %swap3A_740 = vector.shape_cast %swap3A_739 : vector<1x16xf32> to vector<16xf32>
      %swap3A_741 = vector.shape_cast %mul3A_736 : vector<16xf32> to vector<1x16xf32>
      tpu.vector_store %arg15[%swap3A_737, %swap3A_738], %swap3A_741 {strides = array<i32>} : memref<640x16xf32, #tpu.memory_space<vmem>>, vector<1x16xf32>,
      %mul3A_742 = arith.constant 16 : i32
      %mul3A_743 = arith.muli %scan3A_484, %mul3A_742 : i32
      %add3A_744 = arith.constant 15 : i32
      %add3A_745 = arith.addi %mul3A_743, %add3A_744 : i32
      %slice3A_746 = vector.extract_strided_slice %get3A_490 {offsets = [15], sizes = [1], strides = [1]} : vector<16xf32> to vector<1xf32>
      %squeeze3A_747 = vector.extract %slice3A_746[0] : f32 from vector<1xf32>
      %get3A_748 = arith.index_cast %add3A_745 : i32 to index
      %get3A_749 = arith.constant 0 : index
      %get3A_750 = tpu.vector_load %arg15[%get3A_748, %get3A_749] {strides = array<i32>} : memref<640x16xf32, #tpu.memory_space<vmem>>, vector<1x16xf32>,
      %get3A_751 = vector.shape_cast %get3A_750 : vector<1x16xf32> to vector<16xf32>
      %mul3A_752 = vector.broadcast %squeeze3A_747 : f32 to vector<16xf32>
      %mul3A_753 = arith.mulf %get3A_751, %mul3A_752 : vector<16xf32>
      %swap3A_754 = arith.index_cast %add3A_745 : i32 to index
      %swap3A_755 = arith.constant 0 : index
      %swap3A_756 = tpu.vector_load %arg15[%swap3A_754, %swap3A_755] {strides = array<i32>} : memref<640x16xf32, #tpu.memory_space<vmem>>, vector<1x16xf32>,
      %swap3A_757 = vector.shape_cast %swap3A_756 : vector<1x16xf32> to vector<16xf32>
      %swap3A_758 = vector.shape_cast %mul3A_753 : vector<16xf32> to vector<1x16xf32>
      tpu.vector_store %arg15[%swap3A_754, %swap3A_755], %swap3A_758 {strides = array<i32>} : memref<640x16xf32, #tpu.memory_space<vmem>>, vector<1x16xf32>,
      %scan3A_759 = arith.constant 0 : i32
      scf.yield %scan3A_759 : i32
    }
    %scan3A_483 = arith.constant 40 : i32
    "tpu.region"() ({
      %run_scoped3A = tpu.sem_alloc : memref<!tpu.dma_semaphore, #tpu.memory_space<semaphore_mem>>
      %dma_start3A_484 = arith.constant 0 : i32
      %dma_start3A_485 = tpu.memref_slice %arg6[%mul3A_0, %dma_start3A_484] : memref<10240x16xf32, #tpu.memory_space<hbm>> -> memref<640x16xf32, #tpu.memory_space<hbm>>
      %dma_start3A_486 = arith.constant 0 : i32
      %dma_start3A_487 = tpu.memref_slice %arg6[%mul3A_0, %dma_start3A_486] : memref<10240x16xf32, #tpu.memory_space<hbm>> -> memref<640x16xf32, #tpu.memory_space<hbm>>
      tpu.enqueue_dma source(%arg15 : memref<640x16xf32, #tpu.memory_space<vmem>>) target(%dma_start3A_487 : memref<640x16xf32, #tpu.memory_space<hbm>>) target_semaphore(%run_scoped3A : memref<!tpu.dma_semaphore, #tpu.memory_space<semaphore_mem>>)
      %dma_wait3A_488 = arith.constant 0 : i32
      %dma_wait3A_489 = tpu.memref_slice %arg6[%mul3A_0, %dma_wait3A_488] : memref<10240x16xf32, #tpu.memory_space<hbm>> -> memref<640x16xf32, #tpu.memory_space<hbm>>
      %dma_wait3A_490 = arith.constant 0 : i32
      %dma_wait3A_491 = tpu.memref_slice %arg6[%mul3A_0, %dma_wait3A_490] : memref<10240x16xf32, #tpu.memory_space<hbm>> -> memref<640x16xf32, #tpu.memory_space<hbm>>
      tpu.wait_dma2 semaphore(%run_scoped3A : memref<!tpu.dma_semaphore, #tpu.memory_space<semaphore_mem>>) src(%arg15 : memref<640x16xf32, #tpu.memory_space<vmem>>) dst(%dma_wait3A_491 : memref<640x16xf32, #tpu.memory_space<hbm>>)
      tpu.yield
    }) : () -> ()
    return
  }
}

module attributes {stable_mosaic.version = 14 : i64} {
  func.func @_mm1_body(%arg0: i32, %arg1: memref<2000x128xf32, #tpu.memory_space<vmem>>, %arg2: memref<128x16xf32, #tpu.memory_space<vmem>>, %arg3: memref<2000x16xf32, #tpu.memory_space<vmem>>) attributes {dimension_semantics = [#tpu.dimension_semantics<arbitrary>], iteration_bounds = array<i64: 5>, scalar_prefetch = 0 : i64, scratch_operands = 0 : i64, tpu.core_type = #tpu.core_type<tc>, window_params = [{transform_indices = @transform_0, window_bounds = array<i64: 2000, 128>}, {pipeline_mode = #tpu.pipeline_mode<synchronous>, transform_indices = @transform_1, window_bounds = array<i64: 128, 16>}, {transform_indices = @transform_2, window_bounds = array<i64: 2000, 16>}]} {
    %get3A = arith.constant 0 : index
    %get3A_0 = arith.constant 0 : index
    %get3A_1 = vector.load %arg1[%get3A, %get3A_0] : memref<2000x128xf32, #tpu.memory_space<vmem>>, vector<2000x128xf32>
    %get3A_2 = arith.constant 0 : index
    %get3A_3 = arith.constant 0 : index
    %get3A_4 = vector.load %arg2[%get3A_2, %get3A_3] : memref<128x16xf32, #tpu.memory_space<vmem>>, vector<128x16xf32>
    %dot_general3A = arith.constant dense<0.000000e+00> : vector<2000x16xf32>
    %dot_general3A_5 = tpu.matmul %get3A_1, %get3A_4, %dot_general3A {dimension_numbers = #tpu.dot_dimension_numbers<[1], [0], [0], [1], [0, 0, 1, 1], [], []>, transpose_lhs_hint = false} : vector<2000x128xf32>, vector<128x16xf32>, vector<2000x16xf32> -> vector<2000x16xf32>
    %swap3A = arith.constant 0 : index
    %swap3A_6 = arith.constant 0 : index
    %swap3A_7 = vector.load %arg3[%swap3A, %swap3A_6] : memref<2000x16xf32, #tpu.memory_space<vmem>>, vector<2000x16xf32>
    tpu.vector_store %arg3[%swap3A, %swap3A_6], %dot_general3A_5 {strides = array<i32>} : memref<2000x16xf32, #tpu.memory_space<vmem>>, vector<2000x16xf32>,
    return
  }
  func.func @transform_0(%arg0: i32) -> (i32, i32) {
    %c0_i32 = arith.constant 0 : i32
    %c0_i32_0 = arith.constant 0 : i32
    return %arg0, %c0_i32 : i32, i32
  }
  func.func @transform_1(%arg0: i32) -> (i32, i32) {
    %c0_i32 = arith.constant 0 : i32
    %c0_i32_0 = arith.constant 0 : i32
    %c0_i32_1 = arith.constant 0 : i32
    return %c0_i32, %c0_i32_0 : i32, i32
  }
  func.func @transform_2(%arg0: i32) -> (i32, i32) {
    %c0_i32 = arith.constant 0 : i32
    %c0_i32_0 = arith.constant 0 : i32
    return %arg0, %c0_i32 : i32, i32
  }
}

module attributes {stable_mosaic.version = 14 : i64} {
  func.func @_head_body(%arg0: i32, %arg1: memref<2000x16xf32, #tpu.memory_space<vmem>>, %arg2: memref<16x40xf32, #tpu.memory_space<vmem>>, %arg3: memref<1x40xf32, #tpu.memory_space<vmem>>, %arg4: memref<2000x40xf32, #tpu.memory_space<vmem>>) attributes {dimension_semantics = [#tpu.dimension_semantics<arbitrary>], iteration_bounds = array<i64: 5>, scalar_prefetch = 0 : i64, scratch_operands = 0 : i64, tpu.core_type = #tpu.core_type<tc>, window_params = [{transform_indices = @transform_0, window_bounds = array<i64: 2000, 16>}, {pipeline_mode = #tpu.pipeline_mode<synchronous>, transform_indices = @transform_1, window_bounds = array<i64: 16, 40>}, {pipeline_mode = #tpu.pipeline_mode<synchronous>, transform_indices = @transform_2, window_bounds = array<i64: 1, 40>}, {transform_indices = @transform_3, window_bounds = array<i64: 2000, 40>}]} {
    %get3A = arith.constant 0 : index
    %get3A_0 = arith.constant 0 : index
    %get3A_1 = vector.load %arg1[%get3A, %get3A_0] : memref<2000x16xf32, #tpu.memory_space<vmem>>, vector<2000x16xf32>
    %get3A_2 = arith.constant 0 : index
    %get3A_3 = arith.constant 0 : index
    %get3A_4 = vector.load %arg2[%get3A_2, %get3A_3] : memref<16x40xf32, #tpu.memory_space<vmem>>, vector<16x40xf32>
    %dot_general3A = arith.constant dense<0.000000e+00> : vector<2000x40xf32>
    %dot_general3A_5 = tpu.matmul %get3A_1, %get3A_4, %dot_general3A {dimension_numbers = #tpu.dot_dimension_numbers<[1], [0], [0], [1], [0, 0, 1, 1], [], []>, transpose_lhs_hint = false} : vector<2000x16xf32>, vector<16x40xf32>, vector<2000x40xf32> -> vector<2000x40xf32>
    %get3A_6 = arith.constant 0 : index
    %get3A_7 = arith.constant 0 : index
    %get3A_8 = vector.load %arg3[%get3A_6, %get3A_7] : memref<1x40xf32, #tpu.memory_space<vmem>>, vector<1x40xf32>
    %add3A = vector.broadcast %get3A_8 : vector<1x40xf32> to vector<2000x40xf32>
    %add3A_9 = arith.addf %dot_general3A_5, %add3A : vector<2000x40xf32>
    %reduce_max3A = arith.constant dense<0xFF800000> : vector<2000xf32>
    %reduce_max3A_10 = vector.multi_reduction <maximumf>, %add3A_9, %reduce_max3A [1] : vector<2000x40xf32> to vector<2000xf32>
    %broadcast_in_dim3A = vector.shape_cast %reduce_max3A_10 : vector<2000xf32> to vector<2000x1xf32>
    %sub3A = vector.broadcast %broadcast_in_dim3A : vector<2000x1xf32> to vector<2000x40xf32>
    %sub3A_11 = arith.subf %add3A_9, %sub3A : vector<2000x40xf32>
    %exp3A = math.exp %sub3A_11 : vector<2000x40xf32>
    %reduce_sum3A = arith.constant dense<0.000000e+00> : vector<2000xf32>
    %reduce_sum3A_12 = vector.multi_reduction <add>, %exp3A, %reduce_sum3A [1] : vector<2000x40xf32> to vector<2000xf32>
    %broadcast_in_dim3A_13 = vector.shape_cast %reduce_sum3A_12 : vector<2000xf32> to vector<2000x1xf32>
    %sub3A_14 = vector.broadcast %broadcast_in_dim3A : vector<2000x1xf32> to vector<2000x40xf32>
    %sub3A_15 = arith.subf %add3A_9, %sub3A_14 : vector<2000x40xf32>
    %log3A = math.log %broadcast_in_dim3A_13 : vector<2000x1xf32>
    %sub3A_16 = vector.broadcast %log3A : vector<2000x1xf32> to vector<2000x40xf32>
    %sub3A_17 = arith.subf %sub3A_15, %sub3A_16 : vector<2000x40xf32>
    %swap3A = arith.constant 0 : index
    %swap3A_18 = arith.constant 0 : index
    %swap3A_19 = vector.load %arg4[%swap3A, %swap3A_18] : memref<2000x40xf32, #tpu.memory_space<vmem>>, vector<2000x40xf32>
    tpu.vector_store %arg4[%swap3A, %swap3A_18], %sub3A_17 {strides = array<i32>} : memref<2000x40xf32, #tpu.memory_space<vmem>>, vector<2000x40xf32>,
    return
  }
  func.func @transform_0(%arg0: i32) -> (i32, i32) {
    %c0_i32 = arith.constant 0 : i32
    %c0_i32_0 = arith.constant 0 : i32
    return %arg0, %c0_i32 : i32, i32
  }
  func.func @transform_1(%arg0: i32) -> (i32, i32) {
    %c0_i32 = arith.constant 0 : i32
    %c0_i32_0 = arith.constant 0 : i32
    %c0_i32_1 = arith.constant 0 : i32
    return %c0_i32, %c0_i32_0 : i32, i32
  }
  func.func @transform_2(%arg0: i32) -> (i32, i32) {
    %c0_i32 = arith.constant 0 : i32
    %c0_i32_0 = arith.constant 0 : i32
    %c0_i32_1 = arith.constant 0 : i32
    return %c0_i32, %c0_i32_0 : i32, i32
  }
  func.func @transform_3(%arg0: i32) -> (i32, i32) {
    %c0_i32 = arith.constant 0 : i32
    %c0_i32_0 = arith.constant 0 : i32
    return %arg0, %c0_i32 : i32, i32
  }
}

</mosaic_0001>

<sc_bundles>
// kernel: kernel.5.cloned.1.call-start
scs
__scs_entry_jumppad:
0x0: {  	(pc) =	sbr.rel $0x88, $3  }
0x1: {  	(tag) =	ssettag $0x0;
	lr =	simm.s32 $0x1  }
0x2: {  	[smem:$0x3F9B] =	sst lr;
	_ =	strace $0xD0000000  }
0x3: {  	_ = 	snop  }
0x4: {  	_ = 	snop  }
0x5: {  	_ = 	snop  }
0x6: {  	_ = 	snop  }
0x7: {  	_ = 	snop  }
__scs_overlays_trampoline_lowered:
0x8: {  	[smem:$0x3FAA] =	sst s0  }
0x9: {  	[smem:$0x3FAB] =	sst s1  }
0xa: {  	[smem:$0x3FAC] =	sst s2  }
0xb: {  	[smem:$0x3FAD] =	sst s3  }
0xc: {  	[smem:$0x3FAE] =	sst s4  }
0xd: {  	[smem:$0x3FAF] =	sst s5  }
0xe: {  	[smem:$0x3FB0] =	sst s6  }
0xf: {  	[smem:$0x3FB1] =	sst s7  }
0x10: {  	[smem:$0x3FB2] =	sst s8  }
0x11: {  	[smem:$0x3FB3] =	sst s9;
	s0 =	simm.s32 @!p0 $0x0  }
0x12: {  	s1 =	sld [smem:$0x3F99];
	s0 =	simm.s32 @p0 $0x1  }
0x13: {  	[smem:$0x3FB4] =	sst s0;
	s0 =	simm.s32 @!p1 $0x0  }
0x14: {  	s2 =	sld [smem:$0x3F98];
	s0 =	simm.s32 @p1 $0x1  }
0x15: {  	[smem:$0x3FB5] =	sst s0;
	s0 =	simm.s32 @!p2 $0x0  }
0x16: {  	s3 =	sld [smem:$0x3FDB];
	s0 =	simm.s32 @p2 $0x1  }
0x17: {  	s4 =	simm.s32 $0x1BF5;
	[smem:$0x3FB7] =	sst s0  }
0x18: {  	s0 =	sld [smem:$0x3F9A];
	_ =	swait.ge [sflag:s4], $0x0  }
0x19: {  	s7 =	sld [smem:$0x3F9B]  }
0x1a: {  	s8 =	sadd.s32 $0xFFFFE003, lr  }
0x1b: {  	s9 =	sadd.s32 $0xFFFFFEF7, lr;
	s5 =	simm.s32 $0xFFFFFFFF;
	p2 =	slt.u32 s8, $0xFFFFF086  }
0x1c: {  	p1 =	slt.u32 s9, $0xF7A;
	s5 =	simm.s32 @!p2 $0x0  }
0x1d: {  	s5 =	simm.s32 @p1 $0x1;
	p0 =	seq.s32 s7, s2  }
0x1e: {  	s7 =	smul.u32 @!p0 $0xF7A, s2;
	p2 =	seq.s32 @!p0 s5, $0x0  }
0x1f: {  	s9 =	smul.u32 $0xF7A, s1;
	s8 =	simm.s32 @!p0 $0x1BF5;
	p2 =	por !p2, p0  }
0x20: {  	[sflag:s8] =	ssyncset.s32 @!p0 $0xFFFFF086;
	s6 =	sadd.s32 @!p0 s3, s7;
	s7 =	simm.s32 @!p0 $0x108  }
0x21: {  	s3 =	sadd.s32 s3, s9;
	s6 =	sadd.s32 @!p0 $0x88, s6;
	s7 =	simm.s32 @p2 $0x1082  }
0x22: {  	[simem:s7], [sflag:s8] =	dma.local @!p0 [hbm:s6], $0xF7A  }
0x23: {  	s9 =	sor.u32 $0xD0000000, s2;
	s6 =	simm.s32 $0x108;
	_ =	swait.ge @!p0 [sflag:s8], $0x0  }
0x24: {  	s3 =	sadd.s32 $0x88, s3;
	s6 =	simm.s32 @!p1 $0x1082;
	[sflag:s4] =	ssyncset.s32 $0xFFFFF086  }
0x25: {  	[simem:s6], [sflag:s4] =	dma.local [hbm:s3], $0xF7A  }
0x26: {  	[smem:$0x3F9B] =	sst s1;
	(tag) =	ssettag s2;
	_ =	strace s9  }
0x27: {  	s1 =	sld [smem:$0x3FAB]  }
0x28: {  	s2 =	sld [smem:$0x3FAC]  }
0x29: {  	s4 =	sld [smem:$0x3FAE]  }
0x2a: {  	p0 =	seq.s32 s5, $0x0;
	s5 =	sld [smem:$0x3FAF]  }
0x2b: {  	s6 =	sld [smem:$0x3FB0]  }
0x2c: {  	s7 =	sld [smem:$0x3FB1]  }
0x2d: {  	s3 =	simm.s32 $0x108;
	s8 =	sld [smem:$0x3FB2]  }
0x2e: {  	s3 =	simm.s32 @!p0 $0x1082;
	s9 =	sld [smem:$0x3FB3]  }
0x2f: {  	lr =	sadd.s32 s0, s3;
	s0 =	sld [smem:$0x3FAA]  }
0x30: {  	s3 =	sld [smem:$0x3FAD]  }
0x31: {  	[smem:$0x3FB6] =	sst s10  }
0x32: {  	s10 =	sld [smem:$0x3FB4];
	_ =	sdelay $0x3  }
0x33: {  	p0 =	seq.s32 s10, $0x1;
	s10 =	sld [smem:$0x3FB6];
	_ =	sdelay $0x3  }
0x34: {  	[smem:$0x3FB6] =	sst s10  }
0x35: {  	s10 =	sld [smem:$0x3FB5];
	_ =	sdelay $0x3  }
0x36: {  	p1 =	seq.s32 s10, $0x1;
	s10 =	sld [smem:$0x3FB6];
	_ =	sdelay $0x3  }
0x37: {  	[smem:$0x3FB6] =	sst s10  }
0x38: {  	s10 =	sld [smem:$0x3FB7]  }
0x39: {  	_ = 	snop;
	(pc) =	sbr.ind lr, $3  }
0x3a: {  	_ = 	snop  }
0x3b: {  	_ = 	snop  }
0x3c: {  	p2 =	seq.s32 s10, $0x1;
	s10 =	sld [smem:$0x3FB6]  }
0x3d: {  	_ =	shalt  }
0x3e: {  	_ =	shalt  }
0x3f: {  	_ =	shalt  }
0x40: {  	_ =	shalt  }
0x41: {  	_ =	shalt  }
0x42: {  	_ =	shalt  }
0x43: {  	_ =	shalt  }
0x44: {  	_ =	shalt  }
0x45: {  	_ =	shalt  }
0x46: {  	_ =	shalt  }
0x47: {  	_ =	shalt  }
0x48: {  	_ =	shalt  }
0x49: {  	_ =	shalt  }
0x4a: {  	_ =	shalt  }
0x4b: {  	_ =	shalt  }
0x4c: {  	_ =	shalt  }
0x4d: {  	_ =	shalt  }
0x4e: {  	_ =	shalt  }
0x4f: {  	_ =	shalt  }
0x50: {  	_ =	shalt  }
0x51: {  	_ =	shalt  }
0x52: {  	_ =	shalt  }
0x53: {  	_ =	shalt  }
0x54: {  	_ =	shalt  }
0x55: {  	_ =	shalt  }
0x56: {  	_ =	shalt  }
0x57: {  	_ =	shalt  }
0x58: {  	_ =	shalt  }
0x59: {  	_ =	shalt  }
0x5a: {  	_ =	shalt  }
0x5b: {  	_ =	shalt  }
0x5c: {  	_ =	shalt  }
0x5d: {  	_ =	shalt  }
0x5e: {  	_ =	shalt  }
0x5f: {  	_ =	shalt  }
0x60: {  	_ =	shalt  }
0x61: {  	_ =	shalt  }
0x62: {  	_ =	shalt  }
0x63: {  	_ =	shalt  }
0x64: {  	_ =	shalt  }
0x65: {  	_ =	shalt  }
0x66: {  	_ =	shalt  }
0x67: {  	_ =	shalt  }
0x68: {  	_ =	shalt  }
0x69: {  	_ =	shalt  }
0x6a: {  	_ =	shalt  }
0x6b: {  	_ =	shalt  }
0x6c: {  	_ =	shalt  }
0x6d: {  	_ =	shalt  }
0x6e: {  	_ =	shalt  }
0x6f: {  	_ =	shalt  }
0x70: {  	_ =	shalt  }
0x71: {  	_ =	shalt  }
0x72: {  	_ =	shalt  }
0x73: {  	_ =	shalt  }
0x74: {  	_ =	shalt  }
0x75: {  	_ =	shalt  }
0x76: {  	_ =	shalt  }
0x77: {  	_ =	shalt  }
0x78: {  	_ =	shalt  }
0x79: {  	_ =	shalt  }
0x7a: {  	_ =	shalt  }
0x7b: {  	_ =	shalt  }
0x7c: {  	_ =	shalt  }
0x7d: {  	_ =	shalt  }
0x7e: {  	_ =	shalt  }
0x7f: {  	_ =	shalt  }
0x80: {  	_ =	shalt  }
0x81: {  	_ =	shalt  }
0x82: {  	_ =	shalt  }
0x83: {  	_ =	shalt  }
0x84: {  	_ =	shalt  }
0x85: {  	_ =	shalt  }
0x86: {  	_ =	shalt  }
0x87: {  	_ =	shalt  }
.Lfunc_end0:
.L_simem_size_0:
called_computation_lowered:
.L_overlay_start_0:
0x88: {  	s0 =	sld [smem:$0x3FD9]  }
0x89: {  	s1 =	sld [smem:$0x3FFE];
	_ =	sdelay $0x3  }
0x8a: {  	s0 =	sadd.s32 s1, s0  }
0x8b: {  	[smem:$0x3FC2] =	sst s0  }
0x8c: {  	_ = 	snop  }
0x8d: {  	s0 =	sld [smem:$0x3FC6]  }
0x8e: {  	s16 =	sld [smem:$0x3FD0];
	(tm) =	ssettm $0x1  }
0x8f: {  	s2 =	sld [smem:$0x3FFB];
	_ =	sdelay $0x3  }
0x90: {  	_ =	strace s2  }
0x91: {  	s2 =	sld [smem:$0x3FFC];
	_ =	sdelay $0x3  }
0x92: {  	_ =	strace s2  }
0x93: {  	s2 =	sld [smem:$0x3FFD];
	_ =	sdelay $0x3  }
0x94: {  	_ =	strace s2  }
0x95: {  	_ =	strace $0x8FFFFFFF  }
0x96: {  	s17 =	sld [smem:$0x3FDB];
	_ =	sdelay $0x1  }
0x97: {  	s3 =	simm.s32 $_scs_section_size  }
0x98: {  	s4 =	simm.s32 $_size__tile_overlayer_lowered;
	s5 =	simm.s32 $_tile_overlayer_lowered  }
0x99: {  	s20 =	simm.s32 $0x1BFF;
	s19 =	sshll.u32 s5, $0x1;
	s2 =	sadd.s32 s3, s17  }
0x9a: {  	s6 =	simm.s32 $0x0;
	s18 =	sshll.u32 s4, $0x1;
	s4 =	sadd.s32 s19, s2  }
0x9b: {  	[timem:s6], [sflag:s20] =	dma.local [hbm:s4], s18  }
0x9c: {  	_ =	swait.ge [sflag:s20], s18  }
0x9d: {  	s3 =	ssub.s32 $0x0, s18;
	[sflag:s20] =	ssyncset.done $0x0  }
0x9e: {  	[sflag:s20] =	ssyncadd.s32 s3;
	_ =	sdelay $0x1  }
0x9f: {  	s21 =	simm.s32 $0x1B8B  }
0xa0: {  	_ =	swait.ge [sflag:s21], $0x1  }
0xa1: {  	[sflag:s21] =	ssyncset.done $0x0  }
0xa2: {  	s23 =	simm.s32 $0x1B8E;
	s22 =	sld [smem:$0x3FFE];
	[sflag:s21] =	ssyncadd.s32 $0xFFFFFFFF  }
0xa3: {  	s24 =	simm.s32 $execute0_lowered;
	[smem:$0x3FD2] =	sst s23  }
0xa4: {  	s4 =	sshll.u32 s24, $0x1;
	_ =	strace $0x80000046;
	[dreg:$0x1] =	wrdreg $0xFFFFFFFF  }
0xa5: {  	s25 =	simm.s32 $_size_execute0_lowered;
	s2 =	sadd.s32 s2, s4;
	[dreg:$0x0] =	wrdreg $0x0  }
0xa6: {  	s4 =	sshll.u32 s25, $0x1;
	[dreg:$0x2] =	wrdreg s2  }
0xa7: {  	[dreg:$0x3] =	wrdreg s4  }
0xa8: {  	[dreg:$0x4] =	wrdreg $0xC0  }
0xa9: {  	_ =	task [dreg:s6], $0x5FFFF  }
0xaa: {  	[dreg:$0x1] =	wrdreg $0xFFFFFFFF  }
0xab: {  	[dreg:$0x0] =	wrdreg $0x60  }
0xac: {  	[dreg:$0x2] =	wrdreg s22  }
0xad: {  	[dreg:$0x3] =	wrdreg s16  }
0xae: {  	[dreg:$0x4] =	wrdreg s0  }
0xaf: {  	[dreg:$0x5] =	wrdreg $0x0  }
0xb0: {  	[dreg:$0x6] =	wrdreg $0x52800  }
0xb1: {  	[dreg:$0x7] =	wrdreg $0x2800  }
0xb2: {  	[dreg:$0x8] =	wrdreg $0x7A800  }
0xb3: {  	[dreg:$0x9] =	wrdreg $0x2A800  }
0xb4: {  	[dreg:$0xa] =	wrdreg $0x9  }
0xb5: {  	_ =	task.clear_ibuf [dreg:s6], $0xBFFFF;
	_ =	strace $0x90000046  }
0xb6: {  	s26 =	simm.s32 $0x9;
	_ =	strace $0x80000048  }
0xb7: {  	_ =	swait.ge [sflag:s26], $0x1  }
0xb8: {  	[sflag:s26] =	ssyncadd.s32 $0xFFFFFFFF  }
0xb9: {  	_ =	strace $0x90000048  }
0xba: {  	_ =	sfence  }
0xbb: {  	s28 =	sld [smem:$0x0];
	_ =	sdelay $0x1  }
0xbc: {  	s29 =	srdreg.scid  }
0xbd: {  	s30 =	sshll.u32 s29, $0xD;
	s31 =	sshrl.u32 s29, $0x2  }
0xbe: {  	s1 =	sand.u32 $0x1, s29;
	s2 =	sand.u32 $0x4000, s30;
	s0 =	sadd.s32 s31, s28  }
0xbf: {  	s1 =	sor.u32 s2, s1;
	s0 =	sshll.u32 s0, $0x11  }
0xc0: {  	s0 =	sor.u32 s0, s1  }
0xc1: {  	s0 =	sadd.s32 $0x8F2B, s0  }
0xc2: {  	[sflag:s0] =	ssyncadd.remote.s32 $0x1  }
0xc3: {  	_ =	sfence.sel $0xFFFF  }
0xc4: {  	[dreg:$0x0] =	wrdreg $0xFFFFFFFF;
	(pc) =	sbr.abs _section_cstart, $3  }
0xc5: {  	[dreg:$0x1] =	wrdreg $0xFFFFFFFF  }
0xc6: {  	_ =	task.clear_ibuf [dreg:s6], $0x2FFFF;
	_ =	strace $0x9FFFFFFF  }
0xc7: {  	(tm) =	ssettm $0x7FFFFFFF  }
tec
execute0_lowered:
.L_overlay_start_1:
0x0: {  	(tag) =	ssettag $0x1  }
0x1: {  	s3 =	rddreg [dreg:$0x0]  }
0x2: {  	s2 =	rddreg [dreg:$0x1]  }
0x3: {  	s13 =	rddreg [dreg:$0x2]  }
0x4: {  	s9 =	rddreg [dreg:$0x3]  }
0x5: {  	s8 =	rddreg [dreg:$0x4]  }
0x6: {  	s7 =	rddreg [dreg:$0x5]  }
0x7: {  	s5 =	rddreg [dreg:$0x6];
	s0 =	stileid.u32  }
0x8: {  	s4 =	rddreg [dreg:$0x7];
	s14 =	simm.s32 $0x0;
	s12 =	smul.u32 $0xA00, s0  }
0x9: {  	s6 =	simm.s32 $0xA280;
	[smem:$0x7FF] =	sst s14  }
0xa: {  	s11 =	simm.s32 $0x13;
	_ =	strace $0x80000047;
	s2 =	sadd.s32 s2, s12  }
0xb: {  	[tilespmem:s6], [sflag:$0x13] =	stream.linear.gather [hbm4b:s2+s14], $0x5000, $0x38;
	[tilespmem:$0x1F090] =	vst v63  }
0xc: {  	_ =	swait.ge [sflag:s11], $0x5000  }
0xd: {  	s26 =	sadd.s32 s12, s3;
	[sflag:s11] =	ssyncset.done $0x0  }
0xe: {  	s10 =	simm.s32 $0xF280;
	s2 =	sadd.s32 $0x200, s26;
	[sflag:s11] =	ssyncadd.s32 $0xFFFFB000  }
0xf: {  	[tilespmem:s10], [sflag:$0x13] =	stream.linear.gather [hbm4b:s2+s14], $0x5000, $0x38;
	[tilespmem:$0x1F090] =	vst v63  }
0x10: {  	_ =	swait.ge [sflag:s11], $0x5000  }
0x11: {  	[sflag:s11] =	ssyncset.done $0x0  }
0x12: {  	s28 =	simm.s32 $0x1F080;
	s6 =	smul.u32 $0x2800, s0;
	[sflag:s11] =	ssyncadd.s32 $0xFFFFB000  }
0x13: {  	[tilespmem:s28], [sflag:$0x13] =	stream.linear.gather [hbm4b:s13+s14], $0x10, $0x38;
	[tilespmem:$0x1F090] =	vst v63  }
0x14: {  	s2 =	sshrl.u32 s6, $0x3;
	_ =	swait.ge [sflag:s11], $0x10  }
0x15: {  	s29 =	sadd.s32 s2, s3;
	[sflag:s11] =	ssyncset.done $0x0  }
0x16: {  	s15 =	simm.s32 $0x1C280;
	s13 =	sadd.s32 $0xA200, s29;
	[sflag:s11] =	ssyncadd.s32 $0xFFFFFFF0  }
0x17: {  	v0 =	vimm.f32 $1.000000000e+00;
	[tilespmem:s15], [sflag:$0x12] =	stream.linear.gather [hbm4b:s13+s14], $0x2800, $0x38;
	[tilespmem:$0x1F090] =	vst v63  }
0x18: {  	[tilespmem:$0x1EF80] =	vst v0  }
0x19: {  	[tilespmem:$0x1EF90] =	vst v0  }
0x1a: {  	[tilespmem:$0x1EFA0] =	vst v0  }
0x1b: {  	[tilespmem:$0x1EFB0] =	vst v0  }
0x1c: {  	[tilespmem:$0x1EFC0] =	vst v0  }
0x1d: {  	[tilespmem:$0x1EFD0] =	vst v0  }
0x1e: {  	[tilespmem:$0x1EFE0] =	vst v0  }
0x1f: {  	[tilespmem:$0x1EFF0] =	vst v0  }
0x20: {  	[tilespmem:$0x1F000] =	vst v0  }
0x21: {  	[tilespmem:$0x1F010] =	vst v0  }
0x22: {  	[tilespmem:$0x1F020] =	vst v0  }
0x23: {  	[tilespmem:$0x1F030] =	vst v0  }
0x24: {  	[tilespmem:$0x1F040] =	vst v0  }
0x25: {  	[tilespmem:$0x1F050] =	vst v0  }
0x26: {  	[tilespmem:$0x1F060] =	vst v0  }
0x27: {  	[tilespmem:$0x1F070] =	vst v0  }
0x28: {  	[tilespmem:$0x1ED00] =	vst v0  }
0x29: {  	[tilespmem:$0x1ED10] =	vst v0  }
0x2a: {  	[tilespmem:$0x1ED20] =	vst v0  }
0x2b: {  	[tilespmem:$0x1ED30] =	vst v0  }
0x2c: {  	[tilespmem:$0x1ED40] =	vst v0  }
0x2d: {  	[tilespmem:$0x1ED50] =	vst v0  }
0x2e: {  	[tilespmem:$0x1ED60] =	vst v0  }
0x2f: {  	[tilespmem:$0x1ED70] =	vst v0  }
0x30: {  	[tilespmem:$0x1ED80] =	vst v0  }
0x31: {  	[tilespmem:$0x1ED90] =	vst v0  }
0x32: {  	[tilespmem:$0x1EDA0] =	vst v0  }
0x33: {  	[tilespmem:$0x1EDB0] =	vst v0  }
0x34: {  	[tilespmem:$0x1EDC0] =	vst v0  }
0x35: {  	[tilespmem:$0x1EDD0] =	vst v0  }
0x36: {  	[tilespmem:$0x1EDE0] =	vst v0  }
0x37: {  	[tilespmem:$0x1EDF0] =	vst v0  }
0x38: {  	[tilespmem:$0x1EE00] =	vst v0  }
0x39: {  	[tilespmem:$0x1EE10] =	vst v0  }
0x3a: {  	[tilespmem:$0x1EE20] =	vst v0  }
0x3b: {  	[tilespmem:$0x1EE30] =	vst v0  }
0x3c: {  	[tilespmem:$0x1EE40] =	vst v0  }
0x3d: {  	[tilespmem:$0x1EE50] =	vst v0  }
0x3e: {  	[tilespmem:$0x1EE60] =	vst v0  }
0x3f: {  	[tilespmem:$0x1EE70] =	vst v0  }
0x40: {  	[tilespmem:$0x1EE80] =	vst v0  }
0x41: {  	[tilespmem:$0x1EE90] =	vst v0  }
0x42: {  	[tilespmem:$0x1EEA0] =	vst v0  }
0x43: {  	[tilespmem:$0x1EEB0] =	vst v0  }
0x44: {  	[tilespmem:$0x1EEC0] =	vst v0  }
0x45: {  	[tilespmem:$0x1EED0] =	vst v0  }
0x46: {  	[tilespmem:$0x1EEE0] =	vst v0  }
0x47: {  	[tilespmem:$0x1EEF0] =	vst v0  }
0x48: {  	[tilespmem:$0x1EF00] =	vst v0  }
0x49: {  	[tilespmem:$0x1EF10] =	vst v0  }
0x4a: {  	[tilespmem:$0x1EF20] =	vst v0  }
0x4b: {  	[tilespmem:$0x1EF30] =	vst v0  }
0x4c: {  	[tilespmem:$0x1EF40] =	vst v0  }
0x4d: {  	[tilespmem:$0x1EF50] =	vst v0  }
0x4e: {  	s12 =	sshrl.u32 s12, $0x2;
	[tilespmem:$0x1EF60] =	vst v0  }
0x4f: {  	s30 =	simm.s32 $0x1ED00;
	s12 =	sadd.s32 s12, s9;
	[tilespmem:$0x1EF70] =	vst v0  }
0x50: {  	[spmem:s12] =	stream.linear.scatter [tilespmem:s30], [sflag:$0x13], $0x280, $0x38;
	[tilespmem:$0x1F090] =	vst v63  }
0x51: {  	_ =	swait.ge [sflag:s11], $0x280  }
0x52: {  	[sflag:s11] =	ssyncset.done $0x0  }
0x53: {  	p0 =	por $0x1, $0x1;
	s13 =	simm.s32 $0x1EF80;
	[sflag:s11] =	ssyncadd.s32 $0xFFFFFD80  }
0x54: {  	s15 =	simm.s32 @!p0 $0x11;
	s11 =	simm.s32 $0x100;
	[bflag:$0x0] =	sbarrier.arrive $0xFFFF  }
0x55: {  	[spmem:s9] =	stream.indirect.scatter.add.f32 [tilespmem:s13], [sflag:$0x11], $0x1, s10, s11, $0xb8;
	[tilespmem:$0x1F090] =	vst v63  }
0x56: {  	s31 =	sadd.s32 $0xF200, s3;
	_ =	swait.ge @!p0 [sflag:s15], $0x100  }
0x57: {  	s14 =	simm.s32 $0x1;
	[dreg:$0x9] =	wrdreg s31;
	[sflag:s15] =	ssyncset.done @!p0 $0x0  }
.LBB2_1:
0x58: {  	[sflag:s15] =	ssyncadd.s32 @!p0 $0xFFFFFF00  }
0x59: {  	s10 =	sadd.s32 $0x100, s10;
	s15 =	smov.u32 s14;
	s14 =	sadd.s32 $0x1, s14  }
0x5a: {  	p1 =	sne.s32 s14, $0x50  }
0x5b: {  	[spmem:s9] =	stream.indirect.scatter.add.f32 [tilespmem:s13], [sflag:$0x11], $0x1, s10, s11, $0xb8;
	[tilespmem:$0x1F090] =	vst v63  }
.Ltmp0:
0x5c: {  	_ = 	snop;
	(pc) =	sbr.rel @p1 .LBB2_1-.Ltmp0, $4  }
0x5d: {  	p0 =	slt.u32 s15, $0x8  }
0x5e: {  	s15 =	simm.s32 @!p0 $0x11  }
0x5f: {  	_ =	swait.ge @!p0 [sflag:s15], $0x100  }
0x60: {  	[sflag:s15] =	ssyncset.done @!p0 $0x0  }
0x61: {  	[sflag:s15] =	ssyncadd.s32 @!p0 $0xFFFFFF00;
	s9 =	simm.s32 $0x11  }
0x62: {  	_ =	swait.ge [sflag:s9], $0x100  }
0x63: {  	[sflag:s9] =	ssyncset.done $0x0  }
0x64: {  	[sflag:s9] =	ssyncadd.s32 $0xFFFFFF00  }
0x65: {  	_ =	swait.ge [sflag:s9], $0x100  }
0x66: {  	[sflag:s9] =	ssyncset.done $0x0  }
0x67: {  	[sflag:s9] =	ssyncadd.s32 $0xFFFFFF00  }
0x68: {  	_ =	swait.ge [sflag:s9], $0x100  }
0x69: {  	[sflag:s9] =	ssyncset.done $0x0  }
0x6a: {  	[sflag:s9] =	ssyncadd.s32 $0xFFFFFF00  }
0x6b: {  	_ =	swait.ge [sflag:s9], $0x100  }
0x6c: {  	[sflag:s9] =	ssyncset.done $0x0  }
0x6d: {  	[sflag:s9] =	ssyncadd.s32 $0xFFFFFF00  }
0x6e: {  	_ =	swait.ge [sflag:s9], $0x100  }
0x6f: {  	[sflag:s9] =	ssyncset.done $0x0  }
0x70: {  	[sflag:s9] =	ssyncadd.s32 $0xFFFFFF00  }
0x71: {  	_ =	swait.ge [sflag:s9], $0x100  }
0x72: {  	[sflag:s9] =	ssyncset.done $0x0  }
0x73: {  	[sflag:s9] =	ssyncadd.s32 $0xFFFFFF00  }
0x74: {  	_ =	swait.ge [sflag:s9], $0x100  }
0x75: {  	[sflag:s9] =	ssyncset.done $0x0  }
0x76: {  	[sflag:s9] =	ssyncadd.s32 $0xFFFFFF00  }
0x77: {  	_ =	swait.ge [sflag:s9], $0x100  }
0x78: {  	[sflag:s9] =	ssyncset.done $0x0  }
0x79: {  	[sflag:s9] =	ssyncadd.s32 $0xFFFFFF00  }
0x7a: {  	s30 =	simm.s32 $0x1ED00;
	s31 =	simm.s32 $0x13;
	[bflag:$0x0] =	sbarrier.arrive $0xFFFF  }
0x7b: {  	[tilespmem:s30], [sflag:$0x13] =	stream.linear.gather [spmem:s12], $0x280, $0x38;
	[tilespmem:$0x1F090] =	vst v63  }
0x7c: {  	_ =	swait.ge [sflag:s31], $0x280  }
0x7d: {  	[sflag:s31] =	ssyncset.done $0x0  }
0x7e: {  	s10 =	simm.s32 $0x0;
	[sflag:s31] =	ssyncadd.s32 $0xFFFFFD80  }
0x7f: {  	v0 =	vld [tilespmem:s10+$0x1ED00];
	_ =	sdelay $0x4  }
0x80: {  	v5 =	vmul.f32 $5.000000000e-01, v0;
	v0 =	vshrl.u32 v0, $0x1  }
0x81: {  	s9 =	simm.s32 $0x10;
	v1 =	vsub.s32 $0x5F3759DF, v0  }
0x82: {  	v2 =	vld [tilespmem:s9+$0x1ED00];
	v0 =	vmul.f32 v1, v5;
	_ =	sdelay $0x1  }
0x83: {  	v0 =	vmul.f32 v1, v0;
	_ =	sdelay $0x1  }
0x84: {  	v3 =	vsub.f32 $1.500000000e+00, v0  }
0x85: {  	v0 =	vmul.f32 $5.000000000e-01, v2;
	v2 =	vshrl.u32 v2, $0x1  }
0x86: {  	s11 =	simm.s32 $0x20;
	v2 =	vsub.s32 $0x5F3759DF, v2;
	v3 =	vmul.f32 v1, v3  }
0x87: {  	v4 =	vld [tilespmem:s11+$0x1ED00];
	v1 =	vmul.f32 v2, v0  }
0x88: {  	v6 =	vmul.f32 v3, v5  }
0x89: {  	v1 =	vmul.f32 v2, v1  }
0x8a: {  	v6 =	vmul.f32 v6, v3  }
0x8b: {  	s12 =	simm.s32 $0x30;
	v7 =	vsub.f32 $1.500000000e+00, v1  }
0x8c: {  	v8 =	vld [tilespmem:s12+$0x1ED00];
	v1 =	vmul.f32 $5.000000000e-01, v4;
	v4 =	vshrl.u32 v4, $0x1;
	v6 =	vsub.f32 $1.500000000e+00, v6  }
0x8d: {  	v4 =	vsub.s32 $0x5F3759DF, v4;
	v7 =	vmul.f32 v2, v7  }
0x8e: {  	v2 =	vmul.f32 v4, v1;
	v3 =	vmul.f32 v6, v3  }
0x8f: {  	s13 =	simm.s32 $0x40;
	v6 =	vmul.f32 v7, v0  }
0x90: {  	v10 =	vld [tilespmem:s13+$0x1ED00];
	v9 =	vmul.f32 v4, v2;
	v11 =	vmul.f32 v3, v5  }
0x91: {  	v2 =	vmul.f32 $5.000000000e-01, v8;
	v6 =	vmul.f32 v6, v7  }
0x92: {  	v8 =	vshrl.u32 v8, $0x1;
	v9 =	vsub.f32 $1.500000000e+00, v9;
	v11 =	vmul.f32 v11, v3  }
0x93: {  	v12 =	vsub.s32 $0x5F3759DF, v8;
	v8 =	vsub.f32 $1.500000000e+00, v6  }
0x94: {  	v13 =	vmul.f32 v12, v2;
	v6 =	vmul.f32 v4, v9;
	v9 =	vsub.f32 $1.500000000e+00, v11  }
0x95: {  	s14 =	simm.s32 $0x50;
	v4 =	vmul.f32 $5.000000000e-01, v10;
	v7 =	vmul.f32 v8, v7  }
0x96: {  	v11 =	vld [tilespmem:s14+$0x1ED00];
	v8 =	vmul.f32 v6, v1;
	v3 =	vmul.f32 v9, v3  }
0x97: {  	v13 =	vmul.f32 v12, v13;
	v14 =	vmul.f32 v7, v0  }
0x98: {  	v9 =	vshrl.u32 v10, $0x1;
	v8 =	vmul.f32 v8, v6;
	v5 =	vmul.f32 v3, v5  }
0x99: {  	v13 =	vsub.f32 $1.500000000e+00, v13;
	v9 =	vsub.s32 $0x5F3759DF, v9;
	v15 =	vmul.f32 v14, v7  }
0x9a: {  	v14 =	vmul.f32 v9, v4;
	v10 =	vsub.f32 $1.500000000e+00, v8;
	v8 =	vmul.f32 v5, v3  }
0x9b: {  	s15 =	simm.s32 $0x180;
	v12 =	vmul.f32 v12, v13;
	v5 =	vmul.f32 $5.000000000e-01, v11;
	v13 =	vsub.f32 $1.500000000e+00, v15  }
.LBB2_3:
0x9c: {  	s16 =	sshra.s32 s15, $0x2;
	p0 =	sne.s32 s15, $0x9C0;
	v14 =	vmul.f32 v9, v14;
	v10 =	vmul.f32 v10, v6;
	v8 =	vsub.f32 $1.500000000e+00, v8  }
0x9d: {  	v15 =	vld [tilespmem:s16+$0x1ED00];
	v16 =	vmul.f32 v12, v2;
	v13 =	vmul.f32 v13, v7;
	v6 =	vmov v12  }
.Ltmp1:
0x9e: {  	v12 =	vmul.f32 v10, v1;
	v8 =	vmul.f32 v8, v3;
	v7 =	vmov v10;
	(pc) =	sbr.rel @p0 .LBB2_3-.Ltmp1, $4  }
0x9f: {  	v10 =	vshrl.u32 v11, $0x1;
	v19 =	vmul.f32 v16, v6;
	v16 =	vmul.f32 v13, v0;
	v3 =	vmovc v13;
	v0 =	vmovc v1  }
0xa0: {  	v17 =	vsub.s32 $0x5F3759DF, v10;
	v13 =	vsub.f32 $1.500000000e+00, v14;
	v1 =	vmovc v2;
	v2 =	vmovc v4;
	v18 =	vmul.f32 v12, v7;
	[tilespmem:s10+$0x1EA80] =	vst v8;
	s10 =	smov.u32 s9;
	s9 =	smov.u32 s11;
	s11 =	smov.u32 s12  }
0xa1: {  	v4 =	vmovc v5;
	v14 =	vmul.f32 v17, v5;
	s12 =	smov.u32 s13;
	s13 =	smov.u32 s14;
	s14 =	smov.u32 s16;
	v10 =	vsub.f32 $1.500000000e+00, v19;
	v8 =	vmul.f32 v16, v3  }
0xa2: {  	s15 =	sadd.s32 $0x40, s15;
	v12 =	vmul.f32 v9, v13;
	v9 =	vmovc v17;
	v5 =	vmul.f32 $5.000000000e-01, v15;
	v13 =	vsub.f32 $1.500000000e+00, v18;
	v11 =	vmovc v15  }
0xa3: {  	v11 =	vshrl.u32 v11, $0x1  }
0xa4: {  	v11 =	vsub.s32 $0x5F3759DF, v11  }
0xa5: {  	v15 =	vmul.f32 v11, v5  }
0xa6: {  	v14 =	vmul.f32 v9, v14  }
0xa7: {  	v15 =	vmul.f32 v11, v15  }
0xa8: {  	v14 =	vsub.f32 $1.500000000e+00, v14  }
0xa9: {  	v15 =	vsub.f32 $1.500000000e+00, v15  }
0xaa: {  	v49 =	vmul.f32 v9, v14  }
0xab: {  	v50 =	vmul.f32 v12, v2;
	v11 =	vmul.f32 v11, v15  }
0xac: {  	v51 =	vmul.f32 v49, v4  }
0xad: {  	v14 =	vmul.f32 v50, v12;
	v16 =	vmul.f32 v11, v5  }
0xae: {  	v15 =	vmul.f32 v51, v49  }
0xaf: {  	v14 =	vsub.f32 $1.500000000e+00, v14;
	v16 =	vmul.f32 v16, v11  }
0xb0: {  	v6 =	vmul.f32 v10, v6;
	v52 =	vsub.f32 $1.500000000e+00, v15  }
0xb1: {  	v7 =	vmul.f32 v13, v7;
	v53 =	vmul.f32 v14, v12;
	v54 =	vsub.f32 $1.500000000e+00, v16  }
0xb2: {  	v55 =	vmul.f32 v6, v1;
	v9 =	vmul.f32 v52, v49  }
0xb3: {  	v56 =	vmul.f32 v53, v2;
	v11 =	vmul.f32 v54, v11  }
0xb4: {  	v57 =	vmul.f32 v55, v6;
	v58 =	vmul.f32 v9, v4  }
0xb5: {  	v10 =	vmul.f32 v56, v53;
	v59 =	vmul.f32 v11, v5  }
0xb6: {  	v13 =	vsub.f32 $1.500000000e+00, v57;
	v14 =	vmul.f32 v58, v9  }
0xb7: {  	v0 =	vmul.f32 v7, v0;
	v10 =	vsub.f32 $1.500000000e+00, v10;
	v15 =	vmul.f32 v59, v11  }
0xb8: {  	v6 =	vmul.f32 v13, v6;
	v60 =	vsub.f32 $1.500000000e+00, v14  }
0xb9: {  	v0 =	vmul.f32 v0, v7;
	v10 =	vmul.f32 v10, v53;
	v61 =	vsub.f32 $1.500000000e+00, v15  }
0xba: {  	v1 =	vmul.f32 v6, v1;
	v9 =	vmul.f32 v60, v9  }
0xbb: {  	v2 =	vmul.f32 v10, v2;
	v11 =	vmul.f32 v61, v11  }
0xbc: {  	v8 =	vsub.f32 $1.500000000e+00, v8;
	v1 =	vmul.f32 v1, v6;
	v62 =	vmul.f32 v9, v4  }
0xbd: {  	v0 =	vsub.f32 $1.500000000e+00, v0;
	v2 =	vmul.f32 v2, v10;
	v63 =	vmul.f32 v11, v5  }
0xbe: {  	v3 =	vmul.f32 v8, v3;
	v1 =	vsub.f32 $1.500000000e+00, v1;
	v4 =	vmul.f32 v62, v9  }
0xbf: {  	v0 =	vmul.f32 v0, v7;
	v2 =	vsub.f32 $1.500000000e+00, v2;
	v5 =	vmul.f32 v63, v11  }
0xc0: {  	[tilespmem:s10+$0x1EA80] =	vst v3;
	v1 =	vmul.f32 v1, v6;
	v3 =	vsub.f32 $1.500000000e+00, v4  }
0xc1: {  	[tilespmem:s9+$0x1EA80] =	vst v0;
	v0 =	vmul.f32 v2, v10;
	v2 =	vsub.f32 $1.500000000e+00, v5  }
0xc2: {  	[tilespmem:s11+$0x1EA80] =	vst v1;
	v1 =	vmul.f32 v3, v9  }
0xc3: {  	[tilespmem:s12+$0x1EA80] =	vst v0;
	v0 =	vmul.f32 v2, v11  }
0xc4: {  	[tilespmem:s13+$0x1EA80] =	vst v1  }
0xc5: {  	s31 =	simm.s32 $0x12;
	[tilespmem:s14+$0x1EA80] =	vst v0  }
0xc6: {  	_ =	swait.ge [sflag:s31], $0x2800  }
0xc7: {  	[sflag:s31] =	ssyncset.done $0x0  }
0xc8: {  	s9 =	simm.s32 $0x1C300;
	[sflag:s31] =	ssyncadd.s32 $0xFFFFD800  }
0xc9: {  	s10 =	simm.s32 $0x1C300;
	s11 =	simm.s32 $0x40;
	s12 =	simm.s32 $0x0;
	v0 =	vld [tilespmem:s9+$0xFFFFFFB0]  }
.LBB2_5:
0xca: {  	p0 =	sne.s32 s11, $0x9C0;
	v1 =	vld [tilespmem:s12+$0x1EA80]  }
0xcb: {  	v2 =	vld [tilespmem:s9+$0xFFFFFF90]  }
0xcc: {  	v3 =	vld [tilespmem:s9+$0xFFFFFF80]  }
0xcd: {  	v4 =	vld [tilespmem:s9+$0xFFFFFFA0]  }
0xce: {  	v5 =	vld [tilespmem:s9+$0xFFFFFFF0]  }
0xcf: {  	v6 =	vbroadcast v1, $0x0;
	v7 =	vbroadcast v1, $0x1;
	v8 =	vld [tilespmem:s9+$0xFFFFFFD0]  }
0xd0: {  	v9 =	vbroadcast v1, $0x2;
	v10 =	vbroadcast v1, $0x3;
	v11 =	vld [tilespmem:s9+$0xFFFFFFC0]  }
0xd1: {  	v3 =	vmul.f32 v6, v3;
	v2 =	vmul.f32 v2, v7;
	v6 =	vld [tilespmem:s9+$0xFFFFFFE0]  }
0xd2: {  	v0 =	vmul.f32 v0, v10;
	v4 =	vmul.f32 v4, v9;
	v7 =	vld [tilespmem:s9+$0x30]  }
0xd3: {  	v9 =	vbroadcast v1, $0x5;
	[tilespmem:s9+$0xFFFFFF80] =	vst v3;
	v3 =	vbroadcast v1, $0x4;
	v10 =	vld [tilespmem:s9+$0x10]  }
0xd4: {  	v12 =	vbroadcast v1, $0x7;
	[tilespmem:s9+$0xFFFFFF90] =	vst v2;
	v2 =	vbroadcast v1, $0x6;
	v13 =	vld [tilespmem:s9+$0x0]  }
0xd5: {  	[tilespmem:s9+$0xFFFFFFA0] =	vst v4;
	v3 =	vmul.f32 v11, v3;
	v4 =	vmul.f32 v8, v9;
	v8 =	vld [tilespmem:s9+$0x20]  }
0xd6: {  	[tilespmem:s9+$0xFFFFFFB0] =	vst v0;
	v0 =	vmul.f32 v6, v2;
	v2 =	vmul.f32 v5, v12;
	v5 =	vld [tilespmem:s9+$0x70]  }
0xd7: {  	v6 =	vbroadcast v1, $0x9;
	[tilespmem:s9+$0xFFFFFFC0] =	vst v3;
	v3 =	vbroadcast v1, $0x8;
	v9 =	vld [tilespmem:s9+$0x50]  }
0xd8: {  	v11 =	vbroadcast v1, $0xB;
	[tilespmem:s9+$0xFFFFFFD0] =	vst v4;
	v4 =	vbroadcast v1, $0xA;
	v12 =	vld [tilespmem:s9+$0x40]  }
0xd9: {  	[tilespmem:s9+$0xFFFFFFE0] =	vst v0;
	v0 =	vmul.f32 v13, v3;
	v3 =	vmul.f32 v10, v6;
	v6 =	vld [tilespmem:s9+$0x60]  }
0xda: {  	[tilespmem:s9+$0xFFFFFFF0] =	vst v2;
	v2 =	vmul.f32 v8, v4;
	v4 =	vmul.f32 v7, v11  }
0xdb: {  	v7 =	vbroadcast v1, $0xD;
	[tilespmem:s9+$0x0] =	vst v0;
	v0 =	vbroadcast v1, $0xC  }
0xdc: {  	[tilespmem:s9+$0x10] =	vst v3;
	v3 =	vbroadcast v1, $0xE;
	v1 =	vbroadcast v1, $0xF  }
0xdd: {  	[tilespmem:s9+$0x20] =	vst v2;
	v0 =	vmul.f32 v12, v0;
	v2 =	vmul.f32 v9, v7  }
.Ltmp2:
0xde: {  	[tilespmem:s9+$0x30] =	vst v4;
	v3 =	vmul.f32 v6, v3;
	v1 =	vmul.f32 v5, v1;
	(pc) =	sbr.rel @p0 .LBB2_5-.Ltmp2, $4  }
0xdf: {  	[tilespmem:s9+$0x40] =	vst v0  }
0xe0: {  	[tilespmem:s9+$0x50] =	vst v2  }
0xe1: {  	s9 =	sadd.s32 $0x100, s9;
	[tilespmem:s10+$0x60] =	vst v3  }
0xe2: {  	s12 =	sshra.s32 s11, $0x2;
	s11 =	sadd.s32 $0x40, s11;
	v0 =	vld [tilespmem:s9+$0xFFFFFFB0];
	[tilespmem:s10+$0x70] =	vst v1;
	s10 =	smov.u32 s9  }
0xe3: {  	v1 =	vld [tilespmem:s12+$0x1EA80];
	_ =	sdelay $0x1  }
0xe4: {  	v2 =	vld [tilespmem:s9+$0xFFFFFF80]  }
0xe5: {  	v3 =	vld [tilespmem:s9+$0xFFFFFF90]  }
0xe6: {  	v4 =	vld [tilespmem:s9+$0xFFFFFFA0]  }
0xe7: {  	v5 =	vbroadcast v1, $0x0  }
0xe8: {  	v8 =	vld [tilespmem:s9+$0xFFFFFFD0];
	v6 =	vbroadcast v1, $0x1  }
0xe9: {  	v43 =	vld [tilespmem:s9+$0xFFFFFFE0];
	v9 =	vbroadcast v1, $0x2;
	v2 =	vmul.f32 v5, v2  }
0xea: {  	v47 =	vld [tilespmem:s9+$0x10];
	v42 =	vbroadcast v1, $0x3;
	v3 =	vmul.f32 v3, v6  }
0xeb: {  	v7 =	vld [tilespmem:s9+$0xFFFFFFC0];
	v45 =	vbroadcast v1, $0x5;
	v4 =	vmul.f32 v4, v9;
	[tilespmem:s9+$0xFFFFFF80] =	vst v2  }
0xec: {  	v10 =	vld [tilespmem:s9+$0xFFFFFFF0];
	v11 =	vbroadcast v1, $0x6;
	v0 =	vmul.f32 v0, v42;
	[tilespmem:s9+$0xFFFFFF90] =	vst v3  }
0xed: {  	v49 =	vld [tilespmem:s9+$0x20];
	v52 =	vbroadcast v1, $0x9;
	v5 =	vmul.f32 v8, v45;
	[tilespmem:s9+$0xFFFFFFA0] =	vst v4  }
0xee: {  	v50 =	vld [tilespmem:s9+$0x30];
	v44 =	vbroadcast v1, $0x4;
	v6 =	vmul.f32 v43, v11;
	[tilespmem:s9+$0xFFFFFFB0] =	vst v0  }
0xef: {  	v46 =	vld [tilespmem:s9+$0x0];
	v48 =	vbroadcast v1, $0x7;
	v57 =	vmul.f32 v47, v52;
	[tilespmem:s9+$0xFFFFFFD0] =	vst v5  }
0xf0: {  	v54 =	vld [tilespmem:s9+$0x50];
	v55 =	vbroadcast v1, $0xA;
	v2 =	vmul.f32 v7, v44;
	[tilespmem:s9+$0xFFFFFFE0] =	vst v6  }
0xf1: {  	v53 =	vld [tilespmem:s9+$0x40];
	v56 =	vbroadcast v1, $0xB;
	v4 =	vmul.f32 v10, v48;
	[tilespmem:s9+$0x10] =	vst v57  }
0xf2: {  	v58 =	vld [tilespmem:s9+$0x60];
	v51 =	vbroadcast v1, $0x8;
	v7 =	vmul.f32 v49, v55;
	[tilespmem:s9+$0xFFFFFFC0] =	vst v2  }
0xf3: {  	v59 =	vld [tilespmem:s9+$0x70];
	v61 =	vbroadcast v1, $0xD;
	v0 =	vmul.f32 v50, v56;
	[tilespmem:s9+$0xFFFFFFF0] =	vst v4  }
0xf4: {  	v60 =	vbroadcast v1, $0xC;
	v2 =	vmul.f32 v46, v51;
	[tilespmem:s9+$0x20] =	vst v7  }
0xf5: {  	v62 =	vbroadcast v1, $0xE;
	v3 =	vmul.f32 v54, v61;
	[tilespmem:s9+$0x30] =	vst v0  }
0xf6: {  	v1 =	vbroadcast v1, $0xF;
	[tilespmem:s9+$0x0] =	vst v2;
	v2 =	vmul.f32 v53, v60  }
0xf7: {  	v63 =	vmul.f32 v58, v62;
	[tilespmem:s9+$0x50] =	vst v3  }
0xf8: {  	v1 =	vmul.f32 v59, v1;
	[tilespmem:s9+$0x40] =	vst v2  }
0xf9: {  	[tilespmem:s10+$0x60] =	vst v63  }
0xfa: {  	s26 =	sadd.s32 s6, s8;
	s30 =	simm.s32 $0x1C280;
	s11 =	simm.s32 $0x13;
	[tilespmem:s10+$0x70] =	vst v1  }
0xfb: {  	[spmem:s26] =	stream.linear.scatter [tilespmem:s30], [sflag:$0x13], $0x2800, $0x38;
	[tilespmem:$0x1F090] =	vst v63  }
0xfc: {  	_ =	swait.ge [sflag:s11], $0x2800  }
0xfd: {  	s31 =	simm.s32 $0xA280;
	s13 =	simm.s32 $0xA380;
	[sflag:s11] =	ssyncset.done $0x0  }
0xfe: {  	s12 =	simm.s32 $0x15280;
	s9 =	sadd.s32 s6, s7;
	[sflag:s11] =	ssyncadd.s32 $0xFFFFD800  }
0xff: {  	[spmem:s9] =	stream.linear.scatter [tilespmem:s30], [sflag:$0x13], $0x2800, $0x38;
	[tilespmem:$0x1F090] =	vst v63  }
0x100: {  	s14 =	simm.s32 $0xA480;
	s15 =	simm.s32 $0xA580;
	_ =	swait.ge [sflag:s11], $0x2800  }
0x101: {  	s16 =	simm.s32 $0x1;
	s17 =	simm.s32 $0x18280;
	[sflag:s11] =	ssyncset.done $0x0  }
0x102: {  	s18 =	simm.s32 $0x2;
	s19 =	simm.s32 $0x19280;
	[sflag:s11] =	ssyncadd.s32 $0xFFFFD800  }
0x103: {  	s10 =	simm.s32 $0x100;
	s11 =	simm.s32 $0x14280;
	[bflag:$0x0] =	sbarrier.arrive $0xFFFF  }
0x104: {  	[tilespmem:s11], [sflag:$0x1] =	stream.indirect.gather [spmem:s8], $0x10, s31, s10, $0xb8;
	[tilespmem:$0x1F090] =	vst v63  }
0x105: {  	s20 =	simm.s32 $0x3;
	s21 =	simm.s32 $0x1A280;
	s22 =	simm.s32 $0x4  }
0x106: {  	[tilespmem:s12], [sflag:$0x2] =	stream.indirect.gather [spmem:s8], $0x10, s13, s10, $0xb8;
	[tilespmem:$0x1F090] =	vst v63  }
0x107: {  	s23 =	simm.s32 $0x1B280;
	s24 =	simm.s32 $0x5;
	s13 =	simm.s32 $0x16280  }
0x108: {  	[tilespmem:s13], [sflag:$0x3] =	stream.indirect.gather [spmem:s8], $0x10, s14, s10, $0xb8;
	[tilespmem:$0x1F090] =	vst v63  }
0x109: {  	s25 =	simm.s32 $0x7;
	s28 =	simm.s32 $0x8;
	s14 =	simm.s32 $0x17280  }
0x10a: {  	[tilespmem:s14], [sflag:$0x4] =	stream.indirect.gather [spmem:s8], $0x10, s15, s10, $0xb8;
	[tilespmem:$0x1F090] =	vst v63  }
0x10b: {  	s29 =	simm.s32 $0xC;
	s26 =	simm.s32 $0xB;
	s15 =	simm.s32 $0x0  }
.LBB2_7:
0x10c: {  	_ =	swait.ge [sflag:s16], $0x1000  }
0x10d: {  	s30 =	sshra.s32 s15, $0x2;
	[sflag:s16] =	ssyncset.done $0x0  }
0x10e: {  	p0 =	seq.s32 s15, $0x0;
	s31 =	sadd.s32 $0xF280, s30;
	[sflag:s16] =	ssyncadd.s32 $0xFFFFF000  }
0x10f: {  	[spmem:s7] =	stream.indirect.scatter.add.f32 [tilespmem:s11], [sflag:$0x9], $0x10, s31, s10, $0xb8;
	[tilespmem:$0x1F090] =	vst v63  }
0x110: {  	s31 =	simm.s32 @!p0 $0xD  }
0x111: {  	_ =	swait.ge @!p0 [sflag:s31], $0x1000  }
0x112: {  	[sflag:s31] =	ssyncset.done @!p0 $0x0  }
0x113: {  	s1 =	sadd.s32 $0xA680, s30;
	[sflag:s31] =	ssyncadd.s32 @!p0 $0xFFFFF000  }
0x114: {  	[tilespmem:s17], [sflag:$0x5] =	stream.indirect.gather [spmem:s8], $0x10, s1, s10, $0xb8;
	[tilespmem:$0x1F090] =	vst v63  }
0x115: {  	_ =	swait.ge [sflag:s18], $0x1000  }
0x116: {  	[sflag:s18] =	ssyncset.done $0x0  }
0x117: {  	s3 =	sadd.s32 $0xF380, s30;
	s31 =	simm.s32 @!p0 $0xE;
	[sflag:s18] =	ssyncadd.s32 $0xFFFFF000  }
0x118: {  	[spmem:s7] =	stream.indirect.scatter.add.f32 [tilespmem:s12], [sflag:$0xA], $0x10, s3, s10, $0xb8;
	[tilespmem:$0x1F090] =	vst v63  }
0x119: {  	_ =	swait.ge @!p0 [sflag:s31], $0x1000  }
0x11a: {  	[sflag:s31] =	ssyncset.done @!p0 $0x0  }
0x11b: {  	s0 =	sadd.s32 $0xA780, s30;
	[sflag:s31] =	ssyncadd.s32 @!p0 $0xFFFFF000  }
0x11c: {  	[tilespmem:s19], [sflag:$0x6] =	stream.indirect.gather [spmem:s8], $0x10, s0, s10, $0xb8;
	[tilespmem:$0x1F090] =	vst v63  }
0x11d: {  	_ =	swait.ge [sflag:s20], $0x1000  }
0x11e: {  	[sflag:s20] =	ssyncset.done $0x0  }
0x11f: {  	s1 =	sadd.s32 $0xF480, s30;
	s31 =	simm.s32 @!p0 $0xF;
	[sflag:s20] =	ssyncadd.s32 $0xFFFFF000  }
0x120: {  	[spmem:s7] =	stream.indirect.scatter.add.f32 [tilespmem:s13], [sflag:$0xB], $0x10, s1, s10, $0xb8;
	[tilespmem:$0x1F090] =	vst v63  }
0x121: {  	_ =	swait.ge @!p0 [sflag:s31], $0x1000  }
0x122: {  	[sflag:s31] =	ssyncset.done @!p0 $0x0  }
0x123: {  	s3 =	sadd.s32 $0xA880, s30;
	[sflag:s31] =	ssyncadd.s32 @!p0 $0xFFFFF000  }
0x124: {  	[tilespmem:s21], [sflag:$0x7] =	stream.indirect.gather [spmem:s8], $0x10, s3, s10, $0xb8;
	[tilespmem:$0x1F090] =	vst v63  }
0x125: {  	_ =	swait.ge [sflag:s22], $0x1000  }
0x126: {  	[sflag:s22] =	ssyncset.done $0x0  }
0x127: {  	s0 =	sadd.s32 $0xF580, s30;
	s31 =	simm.s32 @!p0 $0x10;
	[sflag:s22] =	ssyncadd.s32 $0xFFFFF000  }
0x128: {  	[spmem:s7] =	stream.indirect.scatter.add.f32 [tilespmem:s14], [sflag:$0xC], $0x10, s0, s10, $0xb8;
	[tilespmem:$0x1F090] =	vst v63  }
0x129: {  	_ =	swait.ge @!p0 [sflag:s31], $0x1000  }
0x12a: {  	[sflag:s31] =	ssyncset.done @!p0 $0x0  }
0x12b: {  	s1 =	sadd.s32 $0xA980, s30;
	[sflag:s31] =	ssyncadd.s32 @!p0 $0xFFFFF000  }
0x12c: {  	[tilespmem:s23], [sflag:$0x8] =	stream.indirect.gather [spmem:s8], $0x10, s1, s10, $0xb8;
	[tilespmem:$0x1F090] =	vst v63  }
0x12d: {  	_ =	swait.ge [sflag:s24], $0x1000  }
0x12e: {  	p0 =	seq.s32 s15, $0x12000;
	[sflag:s24] =	ssyncset.done $0x0  }
0x12f: {  	s3 =	sadd.s32 $0xF680, s30;
	s31 =	simm.s32 @p0 $0x6;
	[sflag:s24] =	ssyncadd.s32 $0xFFFFF000  }
0x130: {  	[spmem:s7] =	stream.indirect.scatter.add.f32 [tilespmem:s17], [sflag:$0xD], $0x10, s3, s10, $0xb8;
	[tilespmem:$0x1F090] =	vst v63  }
0x131: {  	_ =	swait.ge @p0 [sflag:s31], $0x1000  }
0x132: {  	[sflag:s31] =	ssyncset.done @p0 $0x0  }
0x133: {  	[sflag:s31] =	ssyncadd.s32 @p0 $0xFFFFF000;
	s31 =	sshra.s32 @p0 s15, $0x2  }
0x134: {  	s0 =	simm.s32 @p0 $0x100;
	s1 =	simm.s32 @p0 $0x19280;
	s31 =	sadd.s32 @p0 $0xF780, s31  }
0x135: {  	[spmem:s7] =	stream.indirect.scatter.add.f32 @p0 [tilespmem:s1], [sflag:$0xE], $0x10, s31, s0, $0xb8;
	[tilespmem:$0x1F090] =	vst v63  }
0x136: {  	s0 =	simm.s32 @!p0 $0x9  }
0x137: {  	_ =	swait.ge @!p0 [sflag:s0], $0x1000  }
0x138: {  	[sflag:s0] =	ssyncset.done @!p0 $0x0  }
0x139: {  	[sflag:s0] =	ssyncadd.s32 @!p0 $0xFFFFF000;
	s0 =	sshra.s32 @!p0 s15, $0x2  }
0x13a: {  	s3 =	simm.s32 @!p0 $0x14280;
	s31 =	simm.s32 @!p0 $0x100;
	s1 =	sadd.s32 @!p0 $0xAA80, s0  }
0x13b: {  	[tilespmem:s3], [sflag:$0x1] =	stream.indirect.gather @!p0 [spmem:s8], $0x10, s1, s31, $0xb8;
	[tilespmem:$0x1F090] =	vst v63  }
0x13c: {  	s1 =	simm.s32 @!p0 $0x6  }
0x13d: {  	_ =	swait.ge @!p0 [sflag:s1], $0x1000  }
0x13e: {  	[sflag:s1] =	ssyncset.done @!p0 $0x0  }
0x13f: {  	s3 =	simm.s32 @!p0 $0x19280;
	[sflag:s1] =	ssyncadd.s32 @!p0 $0xFFFFF000;
	s1 =	sadd.s32 @!p0 $0xF780, s0  }
0x140: {  	[spmem:s7] =	stream.indirect.scatter.add.f32 @!p0 [tilespmem:s3], [sflag:$0xE], $0x10, s1, s31, $0xb8;
	[tilespmem:$0x1F090] =	vst v63  }
0x141: {  	s1 =	simm.s32 @!p0 $0xA  }
0x142: {  	_ =	swait.ge @!p0 [sflag:s1], $0x1000  }
0x143: {  	[sflag:s1] =	ssyncset.done @!p0 $0x0  }
0x144: {  	s0 =	sadd.s32 @!p0 $0xAB80, s0;
	[sflag:s1] =	ssyncadd.s32 @!p0 $0xFFFFF000;
	s1 =	simm.s32 @!p0 $0x15280  }
0x145: {  	[tilespmem:s1], [sflag:$0x2] =	stream.indirect.gather @!p0 [spmem:s8], $0x10, s0, s31, $0xb8;
	[tilespmem:$0x1F090] =	vst v63  }
.Ltmp3:
0x146: {  	_ = 	snop;
	(pc) =	sbr.rel @p0 .LBB2_9-.Ltmp3, $4  }
0x147: {  	_ =	swait.ge [sflag:s25], $0x1000  }
0x148: {  	[sflag:s25] =	ssyncset.done $0x0  }
0x149: {  	s31 =	sadd.s32 $0xF880, s30;
	[sflag:s25] =	ssyncadd.s32 $0xFFFFF000  }
0x14a: {  	[spmem:s7] =	stream.indirect.scatter.add.f32 [tilespmem:s21], [sflag:$0xF], $0x10, s31, s10, $0xb8;
	[tilespmem:$0x1F090] =	vst v63  }
0x14b: {  	_ =	swait.ge [sflag:s26], $0x1000  }
0x14c: {  	[sflag:s26] =	ssyncset.done $0x0  }
0x14d: {  	s0 =	sadd.s32 $0xAC80, s30;
	[sflag:s26] =	ssyncadd.s32 $0xFFFFF000  }
0x14e: {  	[tilespmem:s13], [sflag:$0x3] =	stream.indirect.gather [spmem:s8], $0x10, s0, s10, $0xb8;
	[tilespmem:$0x1F090] =	vst v63  }
0x14f: {  	_ =	swait.ge [sflag:s28], $0x1000  }
0x150: {  	[sflag:s28] =	ssyncset.done $0x0  }
0x151: {  	s3 =	sadd.s32 $0xF980, s30;
	[sflag:s28] =	ssyncadd.s32 $0xFFFFF000  }
0x152: {  	[spmem:s7] =	stream.indirect.scatter.add.f32 [tilespmem:s23], [sflag:$0x10], $0x10, s3, s10, $0xb8;
	[tilespmem:$0x1F090] =	vst v63  }
.Ltmp4:
0x153: {  	_ = 	snop;
	(pc) =	sbr.rel .LBB2_7-.Ltmp4, $4  }
0x154: {  	_ =	swait.ge [sflag:s29], $0x1000  }
0x155: {  	[sflag:s29] =	ssyncset.done $0x0  }
0x156: {  	s31 =	sadd.s32 $0xAD80, s30;
	s15 =	sadd.s32 $0x2000, s15;
	[sflag:s29] =	ssyncadd.s32 $0xFFFFF000  }
0x157: {  	[tilespmem:s14], [sflag:$0x4] =	stream.indirect.gather [spmem:s8], $0x10, s31, s10, $0xb8;
	[tilespmem:$0x1F090] =	vst v63  }
.LBB2_9:
0x158: {  	s0 =	simm.s32 $0x8  }
0x159: {  	_ =	swait.ge [sflag:s0], $0x1000  }
0x15a: {  	s19 =	sadd.s32 $0xF980, s30;
	s1 =	simm.s32 $0x100;
	[sflag:s0] =	ssyncset.done $0x0  }
0x15b: {  	s3 =	simm.s32 $0x1B280;
	s20 =	simm.s32 $0x9;
	[sflag:s0] =	ssyncadd.s32 $0xFFFFF000  }
0x15c: {  	[spmem:s7] =	stream.indirect.scatter.add.f32 [tilespmem:s3], [sflag:$0x10], $0x10, s19, s1, $0xb8;
	[tilespmem:$0x1F090] =	vst v63  }
0x15d: {  	_ =	swait.ge [sflag:s20], $0x1000  }
0x15e: {  	[sflag:s20] =	ssyncset.done $0x0  }
0x15f: {  	s21 =	simm.s32 $0xA;
	[sflag:s20] =	ssyncadd.s32 $0xFFFFF000  }
0x160: {  	_ =	swait.ge [sflag:s21], $0x1000  }
0x161: {  	[sflag:s21] =	ssyncset.done $0x0  }
0x162: {  	s22 =	simm.s32 $0xB;
	[sflag:s21] =	ssyncadd.s32 $0xFFFFF000  }
0x163: {  	_ =	swait.ge [sflag:s22], $0x1000  }
0x164: {  	[sflag:s22] =	ssyncset.done $0x0  }
0x165: {  	s23 =	simm.s32 $0xC;
	[sflag:s22] =	ssyncadd.s32 $0xFFFFF000  }
0x166: {  	_ =	swait.ge [sflag:s23], $0x1000  }
0x167: {  	[sflag:s23] =	ssyncset.done $0x0  }
0x168: {  	s24 =	simm.s32 $0xD;
	[sflag:s23] =	ssyncadd.s32 $0xFFFFF000  }
0x169: {  	_ =	swait.ge [sflag:s24], $0x1000  }
0x16a: {  	[sflag:s24] =	ssyncset.done $0x0  }
0x16b: {  	s25 =	simm.s32 $0xE;
	[sflag:s24] =	ssyncadd.s32 $0xFFFFF000  }
0x16c: {  	_ =	swait.ge [sflag:s25], $0x1000  }
0x16d: {  	[sflag:s25] =	ssyncset.done $0x0  }
0x16e: {  	s26 =	simm.s32 $0xF;
	[sflag:s25] =	ssyncadd.s32 $0xFFFFF000  }
0x16f: {  	_ =	swait.ge [sflag:s26], $0x1000  }
0x170: {  	[sflag:s26] =	ssyncset.done $0x0  }
0x171: {  	s28 =	simm.s32 $0x10;
	[sflag:s26] =	ssyncadd.s32 $0xFFFFF000  }
0x172: {  	_ =	swait.ge [sflag:s28], $0x1000  }
0x173: {  	[sflag:s28] =	ssyncset.done $0x0  }
0x174: {  	[sflag:s28] =	ssyncadd.s32 $0xFFFFF000  }
0x175: {  	s29 =	simm.s32 $0x1C280;
	s30 =	simm.s32 $0x13;
	[bflag:$0x0] =	sbarrier.arrive $0xFFFF  }
0x176: {  	[tilespmem:s29], [sflag:$0x13] =	stream.linear.gather [spmem:s9], $0x2800, $0x38;
	[tilespmem:$0x1F090] =	vst v63  }
0x177: {  	_ =	swait.ge [sflag:s30], $0x2800  }
0x178: {  	[sflag:s30] =	ssyncset.done $0x0  }
0x179: {  	[sflag:s30] =	ssyncadd.s32 $0xFFFFD800  }
0x17a: {  	s7 =	simm.s32 $0x1C300;
	v0 =	vld [tilespmem:$0x1F080]  }
0x17b: {  	v6 =	vld [tilespmem:s7+$0x70]  }
0x17c: {  	v11 =	vld [tilespmem:s7+$0xFFFFFFE0]  }
0x17d: {  	s31 =	simm.s32 $0x0;
	v1 =	vld [tilespmem:s7+$0xFFFFFFA0]  }
0x17e: {  	v2 =	vld [tilespmem:s31+$0x1EA80]  }
0x17f: {  	v4 =	vld [tilespmem:s7+$0x0]  }
0x180: {  	v8 =	vld [tilespmem:s7+$0x60]  }
0x181: {  	v3 =	vld [tilespmem:s7+$0xFFFFFF90]  }
0x182: {  	v10 =	vld [tilespmem:s7+$0x40]  }
0x183: {  	s8 =	simm.s32 $0x40;
	s9 =	simm.s32 $0x1C300;
	v7 =	vld [tilespmem:s7+$0xFFFFFFD0];
	v5 =	vbroadcast v2, $0x6;
	v9 =	vbroadcast v2, $0xF  }
.LBB2_10:
0x184: {  	p0 =	sne.s32 s8, $0x9C0  }
0x185: {  	v12 =	vbroadcast v2, $0x7;
	v13 =	vld [tilespmem:s7+$0x20];
	v14 =	vbroadcast v2, $0xC;
	s9 =	sadd.s32 $0x100, s9;
	s10 =	smov.u32 s8;
	s8 =	sadd.s32 $0x40, s8  }
0x186: {  	v11 =	vmul.f32 v11, v5;
	v15 =	vld [tilespmem:s7+$0x30];
	v6 =	vmul.f32 v6, v9  }
0x187: {  	v16 =	vbroadcast v2, $0x9;
	v17 =	vbroadcast v2, $0xB;
	v18 =	vld [tilespmem:s7+$0x50]  }
0x188: {  	v19 =	vbroadcast v2, $0x2;
	v21 =	vbroadcast v2, $0xA;
	v20 =	vld [tilespmem:s7+$0xFFFFFFB0];
	v6 =	vadd.f32 v6, v0  }
0x189: {  	v22 =	vbroadcast v2, $0x1;
	v11 =	vadd.f32 v11, v0;
	v10 =	vmul.f32 v10, v14;
	v23 =	vld [tilespmem:s7+$0xFFFFFFC0]  }
0x18a: {  	v24 =	vbroadcast v2, $0xE;
	v13 =	vmul.f32 v13, v21;
	v6 =	vmax.f32 v6, $0.0e+00  }
0x18b: {  	v25 =	vbroadcast v2, $0xD;
	v6 =	vmul.f32 v6, v9  }
0x18c: {  	v26 =	vbroadcast v2, $0x4;
	v9 =	vbroadcast v2, $0x3;
	v13 =	vadd.f32 v13, v0  }
0x18d: {  	v27 =	vbroadcast v2, $0x5;
	v11 =	vmax.f32 v11, $0.0e+00;
	v15 =	vmul.f32 v15, v17;
	[tilespmem:s7+$0x70] =	vst v6  }
0x18e: {  	v8 =	vmul.f32 v8, v24;
	v6 =	vmul.f32 v23, v26;
	v13 =	vmax.f32 v13, $0.0e+00  }
0x18f: {  	v20 =	vmul.f32 v20, v9;
	v15 =	vadd.f32 v15, v0;
	v13 =	vmul.f32 v13, v21  }
0x190: {  	v7 =	vmul.f32 v7, v27;
	v18 =	vmul.f32 v18, v25;
	v6 =	vadd.f32 v6, v0  }
0x191: {  	v23 =	vbroadcast v2, $0x8;
	v20 =	vadd.f32 v20, v0;
	v21 =	vld [tilespmem:s7+$0xFFFFFF80];
	[tilespmem:s7+$0x20] =	vst v13;
	v13 =	vmax.f32 v15, $0.0e+00  }
0x192: {  	v6 =	vmax.f32 v6, $0.0e+00;
	v13 =	vmul.f32 v13, v17  }
0x193: {  	v10 =	vadd.f32 v10, v0;
	v4 =	vmul.f32 v4, v23;
	v6 =	vmul.f32 v6, v26  }
0x194: {  	v7 =	vadd.f32 v7, v0;
	v5 =	vmul.f32 v11, v5;
	v2 =	vbroadcast v2, $0x0;
	v11 =	vld [tilespmem:s7+$0xFFFFFFF0]  }
0x195: {  	v3 =	vmul.f32 v3, v22;
	v4 =	vadd.f32 v4, v0;
	[tilespmem:s7+$0xFFFFFFC0] =	vst v6;
	v15 =	vld [tilespmem:s7+$0x10];
	v6 =	vmax.f32 v10, $0.0e+00  }
0x196: {  	v10 =	vmul.f32 v2, v21;
	[tilespmem:s7+$0x30] =	vst v13;
	v13 =	vmul.f32 v6, v14;
	v14 =	vadd.f32 v18, v0  }
0x197: {  	v1 =	vmul.f32 v1, v19;
	v7 =	vmax.f32 v7, $0.0e+00;
	v4 =	vmax.f32 v4, $0.0e+00;
	[tilespmem:s7+$0xFFFFFFE0] =	vst v5  }
0x198: {  	v7 =	vmul.f32 v7, v27;
	v6 =	vld [tilespmem:s9+$0x70];
	v5 =	vadd.f32 v10, v0;
	[tilespmem:s7+$0x40] =	vst v13;
	v10 =	vmax.f32 v14, $0.0e+00  }
0x199: {  	v1 =	vadd.f32 v1, v0;
	v11 =	vmul.f32 v11, v12;
	v10 =	vmul.f32 v10, v25  }
0x19a: {  	v4 =	vmul.f32 v4, v23;
	v5 =	vmax.f32 v5, $0.0e+00;
	[tilespmem:s7+$0xFFFFFFD0] =	vst v7;
	v7 =	vmul.f32 v15, v16  }
0x19b: {  	v1 =	vmax.f32 v1, $0.0e+00;
	v2 =	vmul.f32 v5, v2;
	v5 =	vadd.f32 v11, v0;
	[tilespmem:s7+$0x50] =	vst v10  }
0x19c: {  	s0 =	sshra.s32 s10, $0x2;
	v3 =	vadd.f32 v3, v0;
	v1 =	vmul.f32 v1, v19;
	[tilespmem:s7+$0x0] =	vst v4;
	v4 =	vadd.f32 v7, v0  }
0x19d: {  	v7 =	vadd.f32 v8, v0;
	[tilespmem:s7+$0xFFFFFF80] =	vst v2;
	v2 =	vmax.f32 v20, $0.0e+00;
	v5 =	vmax.f32 v5, $0.0e+00  }
0x19e: {  	v3 =	vmax.f32 v3, $0.0e+00;
	[tilespmem:s7+$0xFFFFFFA0] =	vst v1;
	v1 =	vmul.f32 v5, v12;
	v4 =	vmax.f32 v4, $0.0e+00  }
0x19f: {  	v3 =	vmul.f32 v3, v22;
	v5 =	vmax.f32 v7, $0.0e+00;
	v4 =	vmul.f32 v4, v16  }
0x1a0: {  	v2 =	vmul.f32 v2, v9;
	[tilespmem:s7+$0xFFFFFFF0] =	vst v1;
	v1 =	vmul.f32 v5, v24  }
0x1a1: {  	[tilespmem:s7+$0x10] =	vst v4  }
0x1a2: {  	[tilespmem:s7+$0x60] =	vst v1  }
0x1a3: {  	v11 =	vld [tilespmem:s9+$0xFFFFFFE0];
	[tilespmem:s7+$0xFFFFFF90] =	vst v3  }
0x1a4: {  	v1 =	vld [tilespmem:s9+$0xFFFFFFA0];
	[tilespmem:s7+$0xFFFFFFB0] =	vst v2;
	s7 =	smov.u32 s9  }
0x1a5: {  	v2 =	vld [tilespmem:s0+$0x1EA80]  }
.Ltmp5:
0x1a6: {  	v4 =	vld [tilespmem:s9+$0x0];
	(pc) =	sbr.rel @p0 .LBB2_10-.Ltmp5, $4  }
0x1a7: {  	v8 =	vld [tilespmem:s9+$0x60]  }
0x1a8: {  	v3 =	vld [tilespmem:s9+$0xFFFFFF90]  }
0x1a9: {  	v10 =	vld [tilespmem:s9+$0x40]  }
0x1aa: {  	v7 =	vld [tilespmem:s9+$0xFFFFFFD0];
	v5 =	vbroadcast v2, $0x6;
	v9 =	vbroadcast v2, $0xF  }
0x1ab: {  	v12 =	vbroadcast v2, $0x7  }
0x1ac: {  	v14 =	vbroadcast v2, $0xC;
	v15 =	vbroadcast v2, $0x9  }
0x1ad: {  	v17 =	vbroadcast v2, $0xB;
	v18 =	vbroadcast v2, $0xA  }
0x1ae: {  	v19 =	vbroadcast v2, $0x2;
	v20 =	vbroadcast v2, $0x1  }
0x1af: {  	v23 =	vbroadcast v2, $0xE;
	v24 =	vbroadcast v2, $0xD  }
0x1b0: {  	v13 =	vld [tilespmem:s7+$0x20];
	v37 =	vbroadcast v2, $0x4;
	v26 =	vbroadcast v2, $0x3  }
0x1b1: {  	v16 =	vld [tilespmem:s7+$0x30];
	v27 =	vbroadcast v2, $0x5;
	v28 =	vbroadcast v2, $0x8  }
0x1b2: {  	v21 =	vld [tilespmem:s7+$0xFFFFFFC0];
	v42 =	vbroadcast v2, $0x0;
	v11 =	vmul.f32 v11, v5  }
0x1b3: {  	v22 =	vld [tilespmem:s7+$0xFFFFFFB0];
	v6 =	vmul.f32 v6, v9;
	v8 =	vmul.f32 v8, v23  }
0x1b4: {  	v25 =	vld [tilespmem:s7+$0x50];
	v4 =	vmul.f32 v4, v28;
	v3 =	vmul.f32 v3, v20  }
0x1b5: {  	v1 =	vmul.f32 v1, v19;
	v6 =	vadd.f32 v6, v0;
	v10 =	vmul.f32 v10, v14  }
0x1b6: {  	v40 =	vld [tilespmem:s7+$0xFFFFFF80];
	v11 =	vadd.f32 v11, v0;
	v7 =	vmul.f32 v7, v27;
	v4 =	vadd.f32 v4, v0  }
0x1b7: {  	v43 =	vld [tilespmem:s7+$0xFFFFFFF0];
	v1 =	vadd.f32 v1, v0;
	v57 =	vadd.f32 v8, v0;
	v13 =	vmul.f32 v13, v18  }
0x1b8: {  	v45 =	vld [tilespmem:s7+$0x10];
	v3 =	vadd.f32 v3, v0;
	v16 =	vmul.f32 v16, v17;
	v21 =	vmul.f32 v21, v37  }
0x1b9: {  	v6 =	vmax.f32 v6, $0.0e+00;
	v22 =	vmul.f32 v22, v26;
	v39 =	vmul.f32 v25, v24  }
0x1ba: {  	v11 =	vmax.f32 v11, $0.0e+00;
	v10 =	vadd.f32 v10, v0;
	v6 =	vmul.f32 v6, v9  }
0x1bb: {  	v47 =	vmul.f32 v42, v40;
	v44 =	vmul.f32 v11, v5;
	v4 =	vmax.f32 v4, $0.0e+00  }
0x1bc: {  	v51 =	vmul.f32 v43, v12;
	v1 =	vmax.f32 v1, $0.0e+00;
	v4 =	vmul.f32 v4, v28;
	[tilespmem:s7+$0x70] =	vst v6  }
0x1bd: {  	v53 =	vmul.f32 v45, v15;
	v62 =	vmax.f32 v57, $0.0e+00;
	v1 =	vmul.f32 v1, v19;
	[tilespmem:s7+$0xFFFFFFE0] =	vst v44  }
0x1be: {  	v7 =	vadd.f32 v7, v0;
	v3 =	vmax.f32 v3, $0.0e+00;
	v63 =	vmul.f32 v62, v23;
	[tilespmem:s7+$0x0] =	vst v4  }
0x1bf: {  	v13 =	vadd.f32 v13, v0;
	v46 =	vmax.f32 v10, $0.0e+00;
	v3 =	vmul.f32 v3, v20;
	[tilespmem:s7+$0xFFFFFFA0] =	vst v1  }
0x1c0: {  	v16 =	vadd.f32 v16, v0;
	v6 =	vmul.f32 v46, v14;
	v7 =	vmax.f32 v7, $0.0e+00;
	[tilespmem:s7+$0x60] =	vst v63  }
0x1c1: {  	v48 =	vadd.f32 v39, v0;
	v13 =	vmax.f32 v13, $0.0e+00;
	v49 =	vmul.f32 v7, v27;
	[tilespmem:s7+$0xFFFFFF90] =	vst v3  }
0x1c2: {  	v10 =	vadd.f32 v47, v0;
	v16 =	vmax.f32 v16, $0.0e+00;
	v13 =	vmul.f32 v13, v18;
	[tilespmem:s7+$0x40] =	vst v6  }
0x1c3: {  	v54 =	vadd.f32 v51, v0;
	v50 =	vmax.f32 v48, $0.0e+00;
	v41 =	vmul.f32 v16, v17;
	[tilespmem:s7+$0xFFFFFFD0] =	vst v49  }
0x1c4: {  	v55 =	vadd.f32 v53, v0;
	v10 =	vmax.f32 v10, $0.0e+00;
	v52 =	vmul.f32 v50, v24;
	[tilespmem:s7+$0x20] =	vst v13  }
0x1c5: {  	v60 =	vadd.f32 v22, v0;
	v56 =	vmax.f32 v54, $0.0e+00;
	v2 =	vmul.f32 v10, v42;
	[tilespmem:s7+$0x30] =	vst v41  }
0x1c6: {  	v38 =	vadd.f32 v21, v0;
	v59 =	vmax.f32 v55, $0.0e+00;
	v58 =	vmul.f32 v56, v12;
	[tilespmem:s7+$0x50] =	vst v52  }
0x1c7: {  	v0 =	vmax.f32 v60, $0.0e+00;
	v61 =	vmul.f32 v59, v15;
	[tilespmem:s7+$0xFFFFFF80] =	vst v2  }
0x1c8: {  	v18 =	vmax.f32 v38, $0.0e+00;
	v0 =	vmul.f32 v0, v26;
	[tilespmem:s7+$0xFFFFFFF0] =	vst v58  }
0x1c9: {  	v9 =	vmul.f32 v18, v37;
	[tilespmem:s7+$0x10] =	vst v61  }
0x1ca: {  	s0 =	sadd.s32 s6, s5;
	[tilespmem:s7+$0xFFFFFFB0] =	vst v0  }
0x1cb: {  	s1 =	simm.s32 $0x1C280;
	s26 =	simm.s32 $0x13;
	s6 =	sadd.s32 s6, s4;
	[tilespmem:s7+$0xFFFFFFC0] =	vst v9  }
0x1cc: {  	[spmem:s0] =	stream.linear.scatter [tilespmem:s1], [sflag:$0x13], $0x2800, $0x38;
	[tilespmem:$0x1F090] =	vst v63  }
0x1cd: {  	s28 =	simm.s32 $0xA280;
	s8 =	simm.s32 $0x14280;
	_ =	swait.ge [sflag:s26], $0x2800  }
0x1ce: {  	s29 =	simm.s32 $0xA380;
	s9 =	simm.s32 $0x15280;
	[sflag:s26] =	ssyncset.done $0x0  }
0x1cf: {  	s30 =	simm.s32 $0xA480;
	s10 =	simm.s32 $0x16280;
	[sflag:s26] =	ssyncadd.s32 $0xFFFFD800  }
0x1d0: {  	[spmem:s6] =	stream.linear.scatter [tilespmem:s1], [sflag:$0x13], $0x2800, $0x38;
	[tilespmem:$0x1F090] =	vst v63  }
0x1d1: {  	s31 =	simm.s32 $0xA580;
	s11 =	simm.s32 $0x17280;
	_ =	swait.ge [sflag:s26], $0x2800  }
0x1d2: {  	s12 =	simm.s32 $0x0;
	s13 =	simm.s32 $0x1;
	[sflag:s26] =	ssyncset.done $0x0  }
0x1d3: {  	s14 =	simm.s32 $0x18280;
	s15 =	simm.s32 $0x2;
	[sflag:s26] =	ssyncadd.s32 $0xFFFFD800  }
0x1d4: {  	s16 =	simm.s32 $0x19280;
	s7 =	simm.s32 $0x100;
	[bflag:$0x0] =	sbarrier.arrive $0xFFFF  }
0x1d5: {  	[tilespmem:s8], [sflag:$0x1] =	stream.indirect.gather [spmem:s5], $0x10, s28, s7, $0xb8;
	[tilespmem:$0x1F090] =	vst v63  }
0x1d6: {  	s17 =	simm.s32 $0x3;
	s18 =	simm.s32 $0x1A280;
	s19 =	simm.s32 $0x4  }
0x1d7: {  	[tilespmem:s9], [sflag:$0x2] =	stream.indirect.gather [spmem:s5], $0x10, s29, s7, $0xb8;
	[tilespmem:$0x1F090] =	vst v63  }
0x1d8: {  	s20 =	simm.s32 $0x1B280;
	s21 =	simm.s32 $0x5;
	s22 =	simm.s32 $0x7  }
0x1d9: {  	[tilespmem:s10], [sflag:$0x3] =	stream.indirect.gather [spmem:s5], $0x10, s30, s7, $0xb8;
	[tilespmem:$0x1F090] =	vst v63  }
0x1da: {  	s23 =	simm.s32 $0xB;
	s24 =	simm.s32 $0x8;
	s25 =	simm.s32 $0xC  }
0x1db: {  	[tilespmem:s11], [sflag:$0x4] =	stream.indirect.gather [spmem:s5], $0x10, s31, s7, $0xb8;
	[tilespmem:$0x1F090] =	vst v63  }
.LBB2_12:
0x1dc: {  	_ =	swait.ge [sflag:s13], $0x1000  }
0x1dd: {  	s26 =	sshra.s32 s12, $0x2;
	[sflag:s13] =	ssyncset.done $0x0  }
0x1de: {  	p0 =	seq.s32 s12, $0x0;
	s0 =	sadd.s32 $0xF280, s26;
	[sflag:s13] =	ssyncadd.s32 $0xFFFFF000  }
0x1df: {  	[spmem:s4] =	stream.indirect.scatter.add.f32 [tilespmem:s8], [sflag:$0x9], $0x10, s0, s7, $0xb8;
	[tilespmem:$0x1F090] =	vst v63  }
0x1e0: {  	s0 =	simm.s32 @!p0 $0xD  }
0x1e1: {  	_ =	swait.ge @!p0 [sflag:s0], $0x1000  }
0x1e2: {  	[sflag:s0] =	ssyncset.done @!p0 $0x0  }
0x1e3: {  	s29 =	sadd.s32 $0xA680, s26;
	[sflag:s0] =	ssyncadd.s32 @!p0 $0xFFFFF000  }
0x1e4: {  	[tilespmem:s14], [sflag:$0x5] =	stream.indirect.gather [spmem:s5], $0x10, s29, s7, $0xb8;
	[tilespmem:$0x1F090] =	vst v63  }
0x1e5: {  	_ =	swait.ge [sflag:s15], $0x1000  }
0x1e6: {  	[sflag:s15] =	ssyncset.done $0x0  }
0x1e7: {  	s30 =	sadd.s32 $0xF380, s26;
	s0 =	simm.s32 @!p0 $0xE;
	[sflag:s15] =	ssyncadd.s32 $0xFFFFF000  }
0x1e8: {  	[spmem:s4] =	stream.indirect.scatter.add.f32 [tilespmem:s9], [sflag:$0xA], $0x10, s30, s7, $0xb8;
	[tilespmem:$0x1F090] =	vst v63  }
0x1e9: {  	_ =	swait.ge @!p0 [sflag:s0], $0x1000  }
0x1ea: {  	[sflag:s0] =	ssyncset.done @!p0 $0x0  }
0x1eb: {  	s31 =	sadd.s32 $0xA780, s26;
	[sflag:s0] =	ssyncadd.s32 @!p0 $0xFFFFF000  }
0x1ec: {  	[tilespmem:s16], [sflag:$0x6] =	stream.indirect.gather [spmem:s5], $0x10, s31, s7, $0xb8;
	[tilespmem:$0x1F090] =	vst v63  }
0x1ed: {  	_ =	swait.ge [sflag:s17], $0x1000  }
0x1ee: {  	[sflag:s17] =	ssyncset.done $0x0  }
0x1ef: {  	s1 =	sadd.s32 $0xF480, s26;
	s0 =	simm.s32 @!p0 $0xF;
	[sflag:s17] =	ssyncadd.s32 $0xFFFFF000  }
0x1f0: {  	[spmem:s4] =	stream.indirect.scatter.add.f32 [tilespmem:s10], [sflag:$0xB], $0x10, s1, s7, $0xb8;
	[tilespmem:$0x1F090] =	vst v63  }
0x1f1: {  	_ =	swait.ge @!p0 [sflag:s0], $0x1000  }
0x1f2: {  	[sflag:s0] =	ssyncset.done @!p0 $0x0  }
0x1f3: {  	s3 =	sadd.s32 $0xA880, s26;
	[sflag:s0] =	ssyncadd.s32 @!p0 $0xFFFFF000  }
0x1f4: {  	[tilespmem:s18], [sflag:$0x7] =	stream.indirect.gather [spmem:s5], $0x10, s3, s7, $0xb8;
	[tilespmem:$0x1F090] =	vst v63  }
0x1f5: {  	_ =	swait.ge [sflag:s19], $0x1000  }
0x1f6: {  	[sflag:s19] =	ssyncset.done $0x0  }
0x1f7: {  	s28 =	sadd.s32 $0xF580, s26;
	s0 =	simm.s32 @!p0 $0x10;
	[sflag:s19] =	ssyncadd.s32 $0xFFFFF000  }
0x1f8: {  	[spmem:s4] =	stream.indirect.scatter.add.f32 [tilespmem:s11], [sflag:$0xC], $0x10, s28, s7, $0xb8;
	[tilespmem:$0x1F090] =	vst v63  }
0x1f9: {  	_ =	swait.ge @!p0 [sflag:s0], $0x1000  }
0x1fa: {  	[sflag:s0] =	ssyncset.done @!p0 $0x0  }
0x1fb: {  	s29 =	sadd.s32 $0xA980, s26;
	[sflag:s0] =	ssyncadd.s32 @!p0 $0xFFFFF000  }
0x1fc: {  	[tilespmem:s20], [sflag:$0x8] =	stream.indirect.gather [spmem:s5], $0x10, s29, s7, $0xb8;
	[tilespmem:$0x1F090] =	vst v63  }
0x1fd: {  	_ =	swait.ge [sflag:s21], $0x1000  }
0x1fe: {  	p0 =	seq.s32 s12, $0x12000;
	[sflag:s21] =	ssyncset.done $0x0  }
0x1ff: {  	s30 =	sadd.s32 $0xF680, s26;
	s0 =	simm.s32 @p0 $0x6;
	[sflag:s21] =	ssyncadd.s32 $0xFFFFF000  }
0x200: {  	[spmem:s4] =	stream.indirect.scatter.add.f32 [tilespmem:s14], [sflag:$0xD], $0x10, s30, s7, $0xb8;
	[tilespmem:$0x1F090] =	vst v63  }
0x201: {  	_ =	swait.ge @p0 [sflag:s0], $0x1000  }
0x202: {  	[sflag:s0] =	ssyncset.done @p0 $0x0  }
0x203: {  	[sflag:s0] =	ssyncadd.s32 @p0 $0xFFFFF000;
	s0 =	sshra.s32 @p0 s12, $0x2  }
0x204: {  	s1 =	simm.s32 @p0 $0x100;
	s3 =	simm.s32 @p0 $0x19280;
	s0 =	sadd.s32 @p0 $0xF780, s0  }
0x205: {  	[spmem:s4] =	stream.indirect.scatter.add.f32 @p0 [tilespmem:s3], [sflag:$0xE], $0x10, s0, s1, $0xb8;
	[tilespmem:$0x1F090] =	vst v63  }
0x206: {  	s0 =	simm.s32 @!p0 $0x9  }
0x207: {  	_ =	swait.ge @!p0 [sflag:s0], $0x1000  }
0x208: {  	[sflag:s0] =	ssyncset.done @!p0 $0x0  }
0x209: {  	[sflag:s0] =	ssyncadd.s32 @!p0 $0xFFFFF000;
	s0 =	sshra.s32 @!p0 s12, $0x2  }
0x20a: {  	s28 =	simm.s32 @!p0 $0x14280;
	s3 =	simm.s32 @!p0 $0x100;
	s1 =	sadd.s32 @!p0 $0xAA80, s0  }
0x20b: {  	[tilespmem:s28], [sflag:$0x1] =	stream.indirect.gather @!p0 [spmem:s5], $0x10, s1, s3, $0xb8;
	[tilespmem:$0x1F090] =	vst v63  }
0x20c: {  	s1 =	simm.s32 @!p0 $0x6  }
0x20d: {  	_ =	swait.ge @!p0 [sflag:s1], $0x1000  }
0x20e: {  	[sflag:s1] =	ssyncset.done @!p0 $0x0  }
0x20f: {  	s28 =	simm.s32 @!p0 $0x19280;
	[sflag:s1] =	ssyncadd.s32 @!p0 $0xFFFFF000;
	s1 =	sadd.s32 @!p0 $0xF780, s0  }
0x210: {  	[spmem:s4] =	stream.indirect.scatter.add.f32 @!p0 [tilespmem:s28], [sflag:$0xE], $0x10, s1, s3, $0xb8;
	[tilespmem:$0x1F090] =	vst v63  }
0x211: {  	s1 =	simm.s32 @!p0 $0xA  }
0x212: {  	_ =	swait.ge @!p0 [sflag:s1], $0x1000  }
0x213: {  	[sflag:s1] =	ssyncset.done @!p0 $0x0  }
0x214: {  	s0 =	sadd.s32 @!p0 $0xAB80, s0;
	[sflag:s1] =	ssyncadd.s32 @!p0 $0xFFFFF000;
	s1 =	simm.s32 @!p0 $0x15280  }
0x215: {  	[tilespmem:s1], [sflag:$0x2] =	stream.indirect.gather @!p0 [spmem:s5], $0x10, s0, s3, $0xb8;
	[tilespmem:$0x1F090] =	vst v63  }
.Ltmp6:
0x216: {  	_ = 	snop;
	(pc) =	sbr.rel @p0 .LBB2_14-.Ltmp6, $4  }
0x217: {  	_ =	swait.ge [sflag:s22], $0x1000  }
0x218: {  	[sflag:s22] =	ssyncset.done $0x0  }
0x219: {  	s31 =	sadd.s32 $0xF880, s26;
	[sflag:s22] =	ssyncadd.s32 $0xFFFFF000  }
0x21a: {  	[spmem:s4] =	stream.indirect.scatter.add.f32 [tilespmem:s18], [sflag:$0xF], $0x10, s31, s7, $0xb8;
	[tilespmem:$0x1F090] =	vst v63  }
0x21b: {  	_ =	swait.ge [sflag:s23], $0x1000  }
0x21c: {  	[sflag:s23] =	ssyncset.done $0x0  }
0x21d: {  	s0 =	sadd.s32 $0xAC80, s26;
	[sflag:s23] =	ssyncadd.s32 $0xFFFFF000  }
0x21e: {  	[tilespmem:s10], [sflag:$0x3] =	stream.indirect.gather [spmem:s5], $0x10, s0, s7, $0xb8;
	[tilespmem:$0x1F090] =	vst v63  }
0x21f: {  	_ =	swait.ge [sflag:s24], $0x1000  }
0x220: {  	[sflag:s24] =	ssyncset.done $0x0  }
0x221: {  	s30 =	sadd.s32 $0xF980, s26;
	[sflag:s24] =	ssyncadd.s32 $0xFFFFF000  }
0x222: {  	[spmem:s4] =	stream.indirect.scatter.add.f32 [tilespmem:s20], [sflag:$0x10], $0x10, s30, s7, $0xb8;
	[tilespmem:$0x1F090] =	vst v63  }
.Ltmp7:
0x223: {  	_ = 	snop;
	(pc) =	sbr.rel .LBB2_12-.Ltmp7, $4  }
0x224: {  	_ =	swait.ge [sflag:s25], $0x1000  }
0x225: {  	[sflag:s25] =	ssyncset.done $0x0  }
0x226: {  	s31 =	sadd.s32 $0xAD80, s26;
	s12 =	sadd.s32 $0x2000, s12;
	[sflag:s25] =	ssyncadd.s32 $0xFFFFF000  }
0x227: {  	[tilespmem:s11], [sflag:$0x4] =	stream.indirect.gather [spmem:s5], $0x10, s31, s7, $0xb8;
	[tilespmem:$0x1F090] =	vst v63  }
.LBB2_14:
0x228: {  	s0 =	simm.s32 $0x8  }
0x229: {  	_ =	swait.ge [sflag:s0], $0x1000  }
0x22a: {  	s20 =	sadd.s32 $0xF980, s26;
	s1 =	simm.s32 $0x100;
	[sflag:s0] =	ssyncset.done $0x0  }
0x22b: {  	s3 =	simm.s32 $0x1B280;
	s21 =	simm.s32 $0x9;
	[sflag:s0] =	ssyncadd.s32 $0xFFFFF000  }
0x22c: {  	[spmem:s4] =	stream.indirect.scatter.add.f32 [tilespmem:s3], [sflag:$0x10], $0x10, s20, s1, $0xb8;
	[tilespmem:$0x1F090] =	vst v63  }
0x22d: {  	_ =	swait.ge [sflag:s21], $0x1000  }
0x22e: {  	[sflag:s21] =	ssyncset.done $0x0  }
0x22f: {  	s22 =	simm.s32 $0xA;
	[sflag:s21] =	ssyncadd.s32 $0xFFFFF000  }
0x230: {  	_ =	swait.ge [sflag:s22], $0x1000  }
0x231: {  	[sflag:s22] =	ssyncset.done $0x0  }
0x232: {  	s23 =	simm.s32 $0xB;
	[sflag:s22] =	ssyncadd.s32 $0xFFFFF000  }
0x233: {  	_ =	swait.ge [sflag:s23], $0x1000  }
0x234: {  	[sflag:s23] =	ssyncset.done $0x0  }
0x235: {  	s24 =	simm.s32 $0xC;
	[sflag:s23] =	ssyncadd.s32 $0xFFFFF000  }
0x236: {  	_ =	swait.ge [sflag:s24], $0x1000  }
0x237: {  	[sflag:s24] =	ssyncset.done $0x0  }
0x238: {  	s25 =	simm.s32 $0xD;
	[sflag:s24] =	ssyncadd.s32 $0xFFFFF000  }
0x239: {  	_ =	swait.ge [sflag:s25], $0x1000  }
0x23a: {  	[sflag:s25] =	ssyncset.done $0x0  }
0x23b: {  	s26 =	simm.s32 $0xE;
	[sflag:s25] =	ssyncadd.s32 $0xFFFFF000  }
0x23c: {  	_ =	swait.ge [sflag:s26], $0x1000  }
0x23d: {  	[sflag:s26] =	ssyncset.done $0x0  }
0x23e: {  	s28 =	simm.s32 $0xF;
	[sflag:s26] =	ssyncadd.s32 $0xFFFFF000  }
0x23f: {  	_ =	swait.ge [sflag:s28], $0x1000  }
0x240: {  	[sflag:s28] =	ssyncset.done $0x0  }
0x241: {  	s29 =	simm.s32 $0x10;
	[sflag:s28] =	ssyncadd.s32 $0xFFFFF000  }
0x242: {  	_ =	swait.ge [sflag:s29], $0x1000  }
0x243: {  	[sflag:s29] =	ssyncset.done $0x0  }
0x244: {  	[sflag:s29] =	ssyncadd.s32 $0xFFFFF000  }
0x245: {  	s30 =	simm.s32 $0x1C280;
	s31 =	simm.s32 $0x13;
	[bflag:$0x0] =	sbarrier.arrive $0xFFFF  }
0x246: {  	[tilespmem:s30], [sflag:$0x13] =	stream.linear.gather [spmem:s6], $0x2800, $0x38;
	[tilespmem:$0x1F090] =	vst v63  }
0x247: {  	_ =	swait.ge [sflag:s31], $0x2800  }
0x248: {  	[sflag:s31] =	ssyncset.done $0x0  }
0x249: {  	s4 =	simm.s32 $0x1C300;
	[sflag:s31] =	ssyncadd.s32 $0xFFFFD800  }
0x24a: {  	s7 =	simm.s32 $0x0;
	s5 =	simm.s32 $0x1C300;
	s6 =	simm.s32 $0x40;
	v0 =	vld [tilespmem:s4+$0xFFFFFFB0]  }
.LBB2_15:
0x24b: {  	p0 =	sne.s32 s6, $0x9C0;
	v1 =	vld [tilespmem:s7+$0x1EA80]  }
0x24c: {  	v2 =	vld [tilespmem:s4+$0xFFFFFF90]  }
0x24d: {  	v3 =	vld [tilespmem:s4+$0xFFFFFF80]  }
0x24e: {  	v4 =	vld [tilespmem:s4+$0xFFFFFFA0]  }
0x24f: {  	v5 =	vld [tilespmem:s4+$0xFFFFFFF0]  }
0x250: {  	v6 =	vbroadcast v1, $0x0;
	v7 =	vbroadcast v1, $0x1;
	v8 =	vld [tilespmem:s4+$0xFFFFFFD0]  }
0x251: {  	v9 =	vbroadcast v1, $0x2;
	v10 =	vbroadcast v1, $0x3;
	v11 =	vld [tilespmem:s4+$0xFFFFFFC0]  }
0x252: {  	v3 =	vmul.f32 v6, v3;
	v2 =	vmul.f32 v2, v7;
	v6 =	vld [tilespmem:s4+$0xFFFFFFE0]  }
0x253: {  	v0 =	vmul.f32 v0, v10;
	v4 =	vmul.f32 v4, v9;
	v7 =	vld [tilespmem:s4+$0x30]  }
0x254: {  	v9 =	vbroadcast v1, $0x5;
	[tilespmem:s4+$0xFFFFFF80] =	vst v3;
	v3 =	vbroadcast v1, $0x4;
	v10 =	vld [tilespmem:s4+$0x10]  }
0x255: {  	v12 =	vbroadcast v1, $0x7;
	[tilespmem:s4+$0xFFFFFF90] =	vst v2;
	v2 =	vbroadcast v1, $0x6;
	v13 =	vld [tilespmem:s4+$0x0]  }
0x256: {  	[tilespmem:s4+$0xFFFFFFA0] =	vst v4;
	v3 =	vmul.f32 v11, v3;
	v4 =	vmul.f32 v8, v9;
	v8 =	vld [tilespmem:s4+$0x20]  }
0x257: {  	[tilespmem:s4+$0xFFFFFFB0] =	vst v0;
	v0 =	vmul.f32 v6, v2;
	v2 =	vmul.f32 v5, v12;
	v5 =	vld [tilespmem:s4+$0x70]  }
0x258: {  	v6 =	vbroadcast v1, $0x9;
	[tilespmem:s4+$0xFFFFFFC0] =	vst v3;
	v3 =	vbroadcast v1, $0x8;
	v9 =	vld [tilespmem:s4+$0x50]  }
0x259: {  	v11 =	vbroadcast v1, $0xB;
	[tilespmem:s4+$0xFFFFFFD0] =	vst v4;
	v4 =	vbroadcast v1, $0xA;
	v12 =	vld [tilespmem:s4+$0x40]  }
0x25a: {  	[tilespmem:s4+$0xFFFFFFE0] =	vst v0;
	v0 =	vmul.f32 v13, v3;
	v3 =	vmul.f32 v10, v6;
	v6 =	vld [tilespmem:s4+$0x60]  }
0x25b: {  	[tilespmem:s4+$0xFFFFFFF0] =	vst v2;
	v2 =	vmul.f32 v8, v4;
	v4 =	vmul.f32 v7, v11  }
0x25c: {  	v7 =	vbroadcast v1, $0xD;
	[tilespmem:s4+$0x0] =	vst v0;
	v0 =	vbroadcast v1, $0xC  }
0x25d: {  	[tilespmem:s4+$0x10] =	vst v3;
	v3 =	vbroadcast v1, $0xE;
	v1 =	vbroadcast v1, $0xF  }
0x25e: {  	[tilespmem:s4+$0x20] =	vst v2;
	v0 =	vmul.f32 v12, v0;
	v2 =	vmul.f32 v9, v7  }
.Ltmp8:
0x25f: {  	[tilespmem:s4+$0x30] =	vst v4;
	v3 =	vmul.f32 v6, v3;
	v1 =	vmul.f32 v5, v1;
	(pc) =	sbr.rel @p0 .LBB2_15-.Ltmp8, $4  }
0x260: {  	[tilespmem:s4+$0x40] =	vst v0  }
0x261: {  	[tilespmem:s4+$0x50] =	vst v2  }
0x262: {  	s4 =	sadd.s32 $0x100, s4;
	[tilespmem:s5+$0x60] =	vst v3  }
0x263: {  	s7 =	sshra.s32 s6, $0x2;
	s6 =	sadd.s32 $0x40, s6;
	v0 =	vld [tilespmem:s4+$0xFFFFFFB0];
	[tilespmem:s5+$0x70] =	vst v1;
	s5 =	smov.u32 s4  }
0x264: {  	v1 =	vld [tilespmem:s7+$0x1EA80];
	_ =	sdelay $0x1  }
0x265: {  	v2 =	vld [tilespmem:s4+$0xFFFFFF80]  }
0x266: {  	v3 =	vld [tilespmem:s4+$0xFFFFFF90]  }
0x267: {  	v4 =	vld [tilespmem:s4+$0xFFFFFFA0]  }
0x268: {  	v5 =	vbroadcast v1, $0x0  }
0x269: {  	v8 =	vld [tilespmem:s4+$0xFFFFFFD0];
	v6 =	vbroadcast v1, $0x1  }
0x26a: {  	v43 =	vld [tilespmem:s4+$0xFFFFFFE0];
	v9 =	vbroadcast v1, $0x2;
	v2 =	vmul.f32 v5, v2  }
0x26b: {  	v47 =	vld [tilespmem:s4+$0x10];
	v42 =	vbroadcast v1, $0x3;
	v3 =	vmul.f32 v3, v6  }
0x26c: {  	v7 =	vld [tilespmem:s4+$0xFFFFFFC0];
	v45 =	vbroadcast v1, $0x5;
	v4 =	vmul.f32 v4, v9;
	[tilespmem:s4+$0xFFFFFF80] =	vst v2  }
0x26d: {  	v10 =	vld [tilespmem:s4+$0xFFFFFFF0];
	v11 =	vbroadcast v1, $0x6;
	v0 =	vmul.f32 v0, v42;
	[tilespmem:s4+$0xFFFFFF90] =	vst v3  }
0x26e: {  	v49 =	vld [tilespmem:s4+$0x20];
	v52 =	vbroadcast v1, $0x9;
	v5 =	vmul.f32 v8, v45;
	[tilespmem:s4+$0xFFFFFFA0] =	vst v4  }
0x26f: {  	v50 =	vld [tilespmem:s4+$0x30];
	v44 =	vbroadcast v1, $0x4;
	v6 =	vmul.f32 v43, v11;
	[tilespmem:s4+$0xFFFFFFB0] =	vst v0  }
0x270: {  	v46 =	vld [tilespmem:s4+$0x0];
	v48 =	vbroadcast v1, $0x7;
	v57 =	vmul.f32 v47, v52;
	[tilespmem:s4+$0xFFFFFFD0] =	vst v5  }
0x271: {  	v54 =	vld [tilespmem:s4+$0x50];
	v55 =	vbroadcast v1, $0xA;
	v2 =	vmul.f32 v7, v44;
	[tilespmem:s4+$0xFFFFFFE0] =	vst v6  }
0x272: {  	v53 =	vld [tilespmem:s4+$0x40];
	v56 =	vbroadcast v1, $0xB;
	v4 =	vmul.f32 v10, v48;
	[tilespmem:s4+$0x10] =	vst v57  }
0x273: {  	v58 =	vld [tilespmem:s4+$0x60];
	v51 =	vbroadcast v1, $0x8;
	v7 =	vmul.f32 v49, v55;
	[tilespmem:s4+$0xFFFFFFC0] =	vst v2  }
0x274: {  	v59 =	vld [tilespmem:s4+$0x70];
	v61 =	vbroadcast v1, $0xD;
	v0 =	vmul.f32 v50, v56;
	[tilespmem:s4+$0xFFFFFFF0] =	vst v4  }
0x275: {  	v60 =	vbroadcast v1, $0xC;
	v2 =	vmul.f32 v46, v51;
	[tilespmem:s4+$0x20] =	vst v7  }
0x276: {  	v62 =	vbroadcast v1, $0xE;
	v3 =	vmul.f32 v54, v61;
	[tilespmem:s4+$0x30] =	vst v0  }
0x277: {  	v1 =	vbroadcast v1, $0xF;
	[tilespmem:s4+$0x0] =	vst v2;
	v2 =	vmul.f32 v53, v60  }
0x278: {  	v63 =	vmul.f32 v58, v62;
	[tilespmem:s4+$0x50] =	vst v3  }
0x279: {  	v1 =	vmul.f32 v59, v1;
	[tilespmem:s4+$0x40] =	vst v2  }
0x27a: {  	s0 =	rddreg [dreg:$0x9];
	s1 =	simm.s32 $0x0;
	[tilespmem:s5+$0x60] =	vst v63  }
0x27b: {  	s29 =	simm.s32 $0x1C280;
	s30 =	simm.s32 $0x13;
	s0 =	sadd.s32 s0, s2;
	[tilespmem:s5+$0x70] =	vst v1  }
0x27c: {  	[hbm4b:s0+s1] =	stream.linear.scatter [tilespmem:s29], [sflag:$0x13], $0x2800, $0x38;
	[tilespmem:$0x1F090] =	vst v63  }
0x27d: {  	_ =	swait.ge [sflag:s30], $0x2800  }
0x27e: {  	[sflag:s30] =	ssyncset.done $0x0  }
0x27f: {  	[sflag:s30] =	ssyncadd.s32 $0xFFFFD800  }
0x280: {  	_ =	sfence.sel $0x180000  }
0x281: {  	[bflag:$0x0] =	sbarrier.arrive $0xFFFF  }
0x282: {  	_ =	strace $0x90000047  }
0x283: {  	s31 =	stileid.u32;
	[bflag:$0x2] =	sbarrier.arrive $0xFFFF  }
0x284: {  	p0 =	sne.s32 s31, $0x0;
	s0 =	rddreg [dreg:$0x8]  }
0x285: {  	s0 =	sadd.s32 @!p0 $0x100000, s0  }
0x286: {  	[sflag:s0] =	ssyncadd.tile.s32 @!p0 $0x1;
	_ =	shalt  }
.Lfunc_end2:
_tile_overlayer_lowered:
.L_overlay_start_2:
0x287: {  	(tag) =	ssettag $0x2  }
0x288: {  	s0 =	rddreg [dreg:$0x0];
	s2 =	stileid.u32  }
0x289: {  	s1 =	rddreg [dreg:$0x1];
	p0 =	sne.s32 s2, $0x0  }
0x28a: {  	s3 =	rddreg [dreg:$0x2];
	[bflag:$0x3] =	sbarrier.arrive $0xFFFF;
	s2 =	simm.s32 @!p0 $0x1C13  }
0x28b: {  	[timem:s3], [sflag:s2] =	dma.local @!p0 [hbm:s0], s1  }
0x28c: {  	s0 =	simm.s32 @!p0 $0x13  }
0x28d: {  	_ =	swait.ge @!p0 [sflag:s0], s1  }
0x28e: {  	s1 =	ssub.s32 @!p0 $0x0, s1;
	[sflag:s0] =	ssyncset.done @!p0 $0x0  }
0x28f: {  	[sflag:s0] =	ssyncadd.s32 @!p0 s1  }
0x290: {  	[bflag:$0x3] =	sbarrier.arrive $0xFFFF  }
0x291: {  	_ =	shalt  }

</sc_bundles>
